<compile_context>
chip_gen: v7x
topology: tpu7x:2x2x1
jax: 0.10.2.dev20260603
libtpu: 0.0.44.dev20260713+nightly
codegen_flags: <defaults>
</compile_context>

<pallas_src>
import functools

import jax
import jax.numpy as jnp
from jax import lax
from jax.experimental import pallas as pl
from jax.experimental.pallas import tpu as pltpu
from jax.experimental.pallas import tpu_sc as plsc

E = 8
K = 2
T = 2048
D = 768
F = 768
LANES = 128
NEG = -1e30

B = 256
C = T * K + E * B
NB = C // B
P = T * K

NW = 32
PPW = P // NW
VPW = PPW // 16
TPW = T // NW


def _gating_body(x_ref, gwp_ref, gbp_ref, smask_ref, expand_ref, tri_ref,
                 tle_ref, topv_ref, slot_ref, be_ref):
    logits = jnp.dot(x_ref[...], gwp_ref[...], preferred_element_type=jnp.float32)
    logits = logits + gbp_ref[...]
    m = jnp.max(logits, axis=-1, keepdims=True)
    p = jnp.exp(logits - m)
    gates = p / jnp.sum(p, axis=-1, keepdims=True)
    iota = lax.broadcasted_iota(jnp.int32, (T, LANES), 1)
    v1 = jnp.max(gates, axis=-1, keepdims=True)
    i1 = jnp.min(jnp.where(gates == v1, iota, LANES), axis=-1, keepdims=True)
    g2 = jnp.where(iota == i1, NEG, gates)
    v2 = jnp.max(g2, axis=-1, keepdims=True)
    i2 = jnp.min(jnp.where(g2 == v2, iota, LANES), axis=-1, keepdims=True)
    s = v1 + v2
    topv_ref[...] = jnp.concatenate([v1 / s, v2 / s], axis=1)

    io16 = lax.broadcasted_iota(jnp.int32, (T, 16), 1)
    oh = (jnp.where(io16 == i1, 1.0, 0.0) + jnp.where(io16 == i2, 1.0, 0.0))

    pref = jnp.dot(smask_ref[...], oh, precision=lax.Precision.HIGHEST,
                   preferred_element_type=jnp.float32)
    tot = pref[NW:NW + 1, :]
    padded = jnp.ceil(tot * (1.0 / B)) * B
    off = jnp.dot(padded, tle_ref[...], precision=lax.Precision.HIGHEST,
                  preferred_element_type=jnp.float32)
    prefw = jnp.dot(expand_ref[...], pref, precision=lax.Precision.HIGHEST,
                    preferred_element_type=jnp.float32)

    blks = [jnp.dot(tri_ref[...], oh[b * TPW:(b + 1) * TPW, :],
                    precision=lax.Precision.HIGHEST,
                    preferred_element_type=jnp.float32) for b in range(NW)]
    within = jnp.concatenate(blks, axis=0)

    slotv = off + prefw + within
    s1 = jnp.sum(jnp.where(io16 == i1, slotv, 0.0), axis=-1, keepdims=True)
    s2 = jnp.sum(jnp.where(io16 == i2, slotv, 0.0), axis=-1, keepdims=True)
    slot_ref[...] = jnp.concatenate([s1, s2], axis=1).astype(jnp.int32)

    end = off + padded
    blkrow = lax.broadcasted_iota(jnp.int32, (32, 1), 0).astype(jnp.float32) * B
    lanemask = jnp.where(lax.broadcasted_iota(jnp.int32, (32, 16), 1) < E,
                         1.0, 0.0)
    eb = jnp.sum(jnp.where(blkrow >= end, lanemask, 0.0), axis=-1,
                 keepdims=True)
    be_ref[...] = jnp.minimum(eb, E - 1).astype(jnp.int32)


def _gating(x, gate_w, gate_b):
    gwp = jnp.zeros((D, LANES), jnp.float32).at[:, :E].set(gate_w)
    gbp = jnp.full((LANES,), NEG, jnp.float32).at[:E].set(gate_b)
    row = jnp.arange(40, dtype=jnp.int32)[:, None]
    col = jnp.arange(T, dtype=jnp.int32)[None, :]
    smask = jnp.where((col < row * TPW) | (row == NW), 1.0, 0.0)
    tok = jnp.arange(T, dtype=jnp.int32)[:, None]
    wcol = jnp.arange(40, dtype=jnp.int32)[None, :]
    expand = jnp.where(wcol == tok // TPW, 1.0, 0.0)
    q = jnp.arange(TPW, dtype=jnp.int32)
    tri = jnp.where(q[None, :] < q[:, None], 1.0, 0.0)
    e16 = jnp.arange(16, dtype=jnp.int32)
    tle = jnp.where(e16[:, None] < e16[None, :], 1.0, 0.0)
    return pl.pallas_call(
        _gating_body,
        out_shape=(jax.ShapeDtypeStruct((T, K), jnp.float32),
                   jax.ShapeDtypeStruct((T, K), jnp.int32),
                   jax.ShapeDtypeStruct((32, 1), jnp.int32)),
    )(x, gwp, gbp, smask, expand, tri, tle)


def _dispatch_body(gv_hbm, x_hbm, slot_hbm,
                   gatev_hbm, xs_hbm,
                   slotbuf, tokbuf, gvbuf, rowsA, rowsB, sem, semb, sem2):
    wid = lax.axis_index("s") * 2 + lax.axis_index("c")
    base = wid * PPW
    H = PPW // 2
    lanes = lax.broadcasted_iota(jnp.int32, (16,), 0)

    pltpu.sync_copy(slot_hbm.at[pl.ds(base, H)], slotbuf.at[0])
    pltpu.sync_copy(slot_hbm.at[pl.ds(base + H, H)], slotbuf.at[1])
    pltpu.sync_copy(gv_hbm.at[pl.ds(base, PPW)], gvbuf)
    for j in range(VPW):
        tokbuf[pl.ds(j * 16, 16)] = lax.shift_right_logical(
            base + j * 16 + lanes, 1)

    H2 = PPW // 2
    gv_dma = pltpu.async_copy(gvbuf.at[pl.ds(0, H2)],
                              gatev_hbm.at[slotbuf.at[0]], sem2)
    gv_dmb = pltpu.async_copy(gvbuf.at[pl.ds(H2, H2)],
                              gatev_hbm.at[slotbuf.at[1]], sem2)
    ga = pltpu.async_copy(x_hbm.at[tokbuf.at[pl.ds(0, H)]], rowsA, sem)
    gb = pltpu.async_copy(x_hbm.at[tokbuf.at[pl.ds(H, H)]], rowsB, semb)
    ga.wait()
    pltpu.async_copy(rowsA, xs_hbm.at[slotbuf.at[0]], sem).wait()
    gb.wait()
    pltpu.async_copy(rowsB, xs_hbm.at[slotbuf.at[1]], semb).wait()
    gv_dma.wait()
    gv_dmb.wait()


def _dispatch(gv_flat, x, slot_flat):
    mesh = plsc.VectorSubcoreMesh(core_axis_name="c", subcore_axis_name="s")
    f = functools.partial(
        pl.kernel,
        mesh=mesh,
        out_type=(jax.ShapeDtypeStruct((C,), jnp.float32),
                  jax.ShapeDtypeStruct((C, D), jnp.float32)),
        scratch_types=[
            pltpu.VMEM((2, PPW // 2), jnp.int32),
            pltpu.VMEM((PPW,), jnp.int32),
            pltpu.VMEM((PPW,), jnp.float32),
            pltpu.VMEM((PPW // 2, D), jnp.float32),
            pltpu.VMEM((PPW // 2, D), jnp.float32),
            pltpu.SemaphoreType.DMA,
            pltpu.SemaphoreType.DMA,
            pltpu.SemaphoreType.DMA,
        ],
    )(_dispatch_body)
    return f(gv_flat, x, slot_flat)


def _ffn_body(be_ref, xs_ref, w1_ref, b1_ref, w2_ref, b2_ref, gv_ref, y_ref):
    h = jnp.dot(xs_ref[...], w1_ref[0], preferred_element_type=jnp.float32) + b1_ref[0]
    h = jnp.maximum(h, 0.0)
    y = jnp.dot(h, w2_ref[0], preferred_element_type=jnp.float32) + b2_ref[0]
    y_ref[...] = y * gv_ref[...]


def _ffn(xs, gatev, block_e, w1, b1, b2, w2):
    grid_spec = pltpu.PrefetchScalarGridSpec(
        num_scalar_prefetch=1,
        grid=(NB,),
        in_specs=[
            pl.BlockSpec((B, D), lambda i, be: (i, 0)),
            pl.BlockSpec((1, D, F), lambda i, be: (be[i], 0, 0)),
            pl.BlockSpec((1, 1, F), lambda i, be: (be[i], 0, 0)),
            pl.BlockSpec((1, F, D), lambda i, be: (be[i], 0, 0)),
            pl.BlockSpec((1, 1, D), lambda i, be: (be[i], 0, 0)),
            pl.BlockSpec((B, 1), lambda i, be: (i, 0)),
        ],
        out_specs=pl.BlockSpec((B, D), lambda i, be: (i, 0)),
    )
    return pl.pallas_call(
        _ffn_body,
        grid_spec=grid_spec,
        out_shape=jax.ShapeDtypeStruct((C, D), jnp.float32),
    )(block_e, xs, w1, b1.reshape(E, 1, F), w2, b2.reshape(E, 1, D),
      gatev.reshape(C, 1))


HALF = TPW // 2


def _combine_body(slotmap_hbm, y_hbm, out_hbm, slotA, slotB, rowsA, rowsB,
                  obuf, semA, semB):
    wid = lax.axis_index("s") * 2 + lax.axis_index("c")
    tbase = wid * TPW
    pltpu.sync_copy(slotmap_hbm.at[pl.ds(tbase * K, HALF * K)], slotA)
    pltpu.sync_copy(slotmap_hbm.at[pl.ds((tbase + HALF) * K, HALF * K)], slotB)
    dA = pltpu.async_copy(y_hbm.at[slotA], rowsA, semA)
    dB = pltpu.async_copy(y_hbm.at[slotB], rowsB, semB)
    for half, rows, dma in ((0, rowsA, dA), (1, rowsB, dB)):
        dma.wait()

        def tok(i, _):
            for c in range(D // 16):
                sl = pl.ds(c * 16, 16)
            return 0

        def tok2(i, _):
            for c in range(D // 16):
                sl = pl.ds(c * 16, 16)
                obuf[i, sl] = rows[2 * i, sl] + rows[2 * i + 1, sl]
            return 0

        lax.fori_loop(0, HALF, tok2, 0)
        pltpu.sync_copy(obuf, out_hbm.at[pl.ds(tbase + half * HALF, HALF)])


def _combine(slotmap, y):
    mesh = plsc.VectorSubcoreMesh(core_axis_name="c", subcore_axis_name="s")
    f = functools.partial(
        pl.kernel,
        mesh=mesh,
        out_type=jax.ShapeDtypeStruct((T, D), jnp.float32),
        scratch_types=[
            pltpu.VMEM((HALF * K,), jnp.int32),
            pltpu.VMEM((HALF * K,), jnp.int32),
            pltpu.VMEM((HALF * K, D), jnp.float32),
            pltpu.VMEM((HALF * K, D), jnp.float32),
            pltpu.VMEM((HALF, D), jnp.float32),
            pltpu.SemaphoreType.DMA,
            pltpu.SemaphoreType.DMA,
        ],
    )(_combine_body)
    return f(slotmap, y)


@jax.jit
def kernel(x, gate_w, gate_b, w1, b1, w2, b2):
    topv, slot2, be = _gating(x, gate_w, gate_b)
    gv_flat = topv.reshape(P)
    slot_flat = slot2.reshape(P)
    gatev, xs = _dispatch(gv_flat, x, slot_flat)
    y = _ffn(xs, gatev, be.reshape(32), w1, b1, b2, w2)
    return _combine(slot_flat, y)

# --- scband reference (transcript-rebuilt; emitter-appended) ---
"""Pipeline reference for scband-mo-ekgc-21328807592497 (READ-ONLY COPY).

The authoritative reference and input builder live on the scoring server;
editing this copy changes nothing except your own understanding.
"""

import jax, jax.numpy as jnp
import numpy as np

E = 8       # num_experts
K = 2       # top_k
T = 2048    # tokens = batch(1) * seq_len(2048)
D = 768     # d_model / expert_hidden_dim
F = 768     # expert ffn dim
TEMP = 1.0  # gating temperature


def setup_inputs(seed: int = 0) -> dict:
    key = jax.random.key(seed)
    ks = jax.random.split(key, 8)
    x = jax.random.normal(ks[0], (T, D), dtype=jnp.float32)
    gate_w = jax.random.normal(ks[1], (D, E), dtype=jnp.float32) * 0.02
    gate_b = jnp.zeros((E,), dtype=jnp.float32)
    w1 = jax.random.normal(ks[2], (E, D, F), dtype=jnp.float32) * 0.02
    b1 = jnp.zeros((E, F), dtype=jnp.float32)
    w2 = jax.random.normal(ks[3], (E, F, D), dtype=jnp.float32) * 0.02
    b2 = jnp.zeros((E, D), dtype=jnp.float32)
    return {"x": x, "gate_w": gate_w, "gate_b": gate_b,
            "w1": w1, "b1": b1, "w2": w2, "b2": b2}


def reference(x, gate_w, gate_b, w1, b1, w2, b2):
    # Adaptive gating: softmax(logits / temperature), top-k selection,
    # renormalized gate weights (matches AdaptiveGating top_k routing).
    logits = x @ gate_w + gate_b                       # [T, E]
    gates = jax.nn.softmax(logits / TEMP, axis=-1)     # [T, E]
    topv, topi = jax.lax.top_k(gates, K)               # [T, K], [T, K]
    topv = topv / jnp.sum(topv, axis=-1, keepdims=True)
    # Scatter top-k gate values into a dense combine tensor [T, E]
    tok_ids = jnp.arange(x.shape[0])[:, None]          # [T, 1]
    combine = jnp.zeros((x.shape[0], E), dtype=x.dtype)
    combine = combine.at[tok_ids, topi].add(topv)      # scatter-add
    # Expert FFNs (each expert: Linear -> ReLU -> Linear)
    h = jnp.einsum('td,edf->tef', x, w1) + b1[None]    # [T, E, F]
    h = jax.nn.relu(h)
    y = jnp.einsum('tef,efo->teo', h, w2) + b2[None]   # [T, E, D]
    # Weighted combination of selected experts per token
    out = jnp.einsum('te,teo->to', combine, y)          # [T, D]
    return out

if __name__ == "__main__":
    import jax
    _d = setup_inputs()
    print(jax.jit(kernel)(*tuple(_d.values())))

</pallas_src>

<mosaic_0001>
#map = affine_map<(d0, d1) -> (0)>
#map1 = affine_map<(d0, d1) -> (0, 0)>
module attributes {stable_mosaic.version = 14 : i64} {
  func.func @_combine_body(%arg0: i32, %arg1: i32, %arg2: memref<4096xi32, #tpu.memory_space<hbm>>, %arg3: memref<6144x768xf32, #tpu.memory_space<hbm>>, %arg4: memref<2048x768xf32, #tpu.memory_space<hbm>>, %arg5: memref<64xi32, #tpu.memory_space<vmem>>, %arg6: memref<64xi32, #tpu.memory_space<vmem>>, %arg7: memref<64x768xf32, #tpu.memory_space<vmem>>, %arg8: memref<64x768xf32, #tpu.memory_space<vmem>>, %arg9: memref<32x768xf32, #tpu.memory_space<vmem>>, %arg10: memref<!tpu.dma_semaphore, #tpu.memory_space<semaphore_mem>>, %arg11: memref<!tpu.dma_semaphore, #tpu.memory_space<semaphore_mem>>) attributes {dimension_semantics = [#tpu.dimension_semantics<core_parallel>, #tpu.dimension_semantics<subcore_parallel>], iteration_bounds = array<i64: 2, 16>, scalar_prefetch = 0 : i64, scratch_operands = 7 : i64, tpu.core_type = #tpu.core_type<sc_vector_subcore>, window_params = [{transform_indices = #map}, {transform_indices = #map1}, {transform_indices = #map1}]} {
    %mul3A = arith.constant 2 : i32
    %mul3A_0 = arith.muli %arg1, %mul3A : i32
    %add3A = arith.addi %mul3A_0, %arg0 : i32
    %mul3A_1 = arith.constant 64 : i32
    %mul3A_2 = arith.muli %add3A, %mul3A_1 : i32
    %mul3A_3 = arith.constant 2 : i32
    %mul3A_4 = arith.muli %mul3A_2, %mul3A_3 : i32
    "tpu.region"() ({
      %run_scoped3A = tpu.sem_alloc : memref<!tpu.dma_semaphore, #tpu.memory_space<semaphore_mem>>
      %dma_start3A_36 = tpu.memref_slice %arg2[%mul3A_4] : memref<4096xi32, #tpu.memory_space<hbm>> -> memref<64xi32, #tpu.memory_space<hbm>>
      %dma_start3A_37 = tpu.memref_slice %arg2[%mul3A_4] : memref<4096xi32, #tpu.memory_space<hbm>> -> memref<64xi32, #tpu.memory_space<hbm>>
      tpu.enqueue_dma source(%dma_start3A_37 : memref<64xi32, #tpu.memory_space<hbm>>) target(%arg5 : memref<64xi32, #tpu.memory_space<vmem>>) target_semaphore(%run_scoped3A : memref<!tpu.dma_semaphore, #tpu.memory_space<semaphore_mem>>)
      %dma_wait3A_38 = tpu.memref_slice %arg2[%mul3A_4] : memref<4096xi32, #tpu.memory_space<hbm>> -> memref<64xi32, #tpu.memory_space<hbm>>
      %dma_wait3A_39 = tpu.memref_slice %arg2[%mul3A_4] : memref<4096xi32, #tpu.memory_space<hbm>> -> memref<64xi32, #tpu.memory_space<hbm>>
      tpu.wait_dma2 semaphore(%run_scoped3A : memref<!tpu.dma_semaphore, #tpu.memory_space<semaphore_mem>>) src(%dma_wait3A_39 : memref<64xi32, #tpu.memory_space<hbm>>) dst(%arg5 : memref<64xi32, #tpu.memory_space<vmem>>)
      tpu.yield
    }) : () -> ()
    %add3A_5 = arith.constant 32 : i32
    %add3A_6 = arith.addi %mul3A_2, %add3A_5 : i32
    %mul3A_7 = arith.constant 2 : i32
    %mul3A_8 = arith.muli %add3A_6, %mul3A_7 : i32
    "tpu.region"() ({
      %run_scoped3A = tpu.sem_alloc : memref<!tpu.dma_semaphore, #tpu.memory_space<semaphore_mem>>
      %dma_start3A_36 = tpu.memref_slice %arg2[%mul3A_8] : memref<4096xi32, #tpu.memory_space<hbm>> -> memref<64xi32, #tpu.memory_space<hbm>>
      %dma_start3A_37 = tpu.memref_slice %arg2[%mul3A_8] : memref<4096xi32, #tpu.memory_space<hbm>> -> memref<64xi32, #tpu.memory_space<hbm>>
      tpu.enqueue_dma source(%dma_start3A_37 : memref<64xi32, #tpu.memory_space<hbm>>) target(%arg6 : memref<64xi32, #tpu.memory_space<vmem>>) target_semaphore(%run_scoped3A : memref<!tpu.dma_semaphore, #tpu.memory_space<semaphore_mem>>)
      %dma_wait3A_38 = tpu.memref_slice %arg2[%mul3A_8] : memref<4096xi32, #tpu.memory_space<hbm>> -> memref<64xi32, #tpu.memory_space<hbm>>
      %dma_wait3A_39 = tpu.memref_slice %arg2[%mul3A_8] : memref<4096xi32, #tpu.memory_space<hbm>> -> memref<64xi32, #tpu.memory_space<hbm>>
      tpu.wait_dma2 semaphore(%run_scoped3A : memref<!tpu.dma_semaphore, #tpu.memory_space<semaphore_mem>>) src(%dma_wait3A_39 : memref<64xi32, #tpu.memory_space<hbm>>) dst(%arg6 : memref<64xi32, #tpu.memory_space<vmem>>)
      tpu.yield
    }) : () -> ()
    %dma_start3A = arith.constant 0 : i32
    %dma_start3A_9 = arith.constant 0 : i32
    %dma_start3A_10 = tpu.memref_slice %arg3[%dma_start3A, %dma_start3A_9] : memref<6144x768xf32, #tpu.memory_space<hbm>> -> memref<6144x768xf32, #tpu.memory_space<hbm>>
    tpu.enqueue_indirect_dma source(%dma_start3A_10 : memref<6144x768xf32, #tpu.memory_space<hbm>>) target(%arg7 : memref<64x768xf32, #tpu.memory_space<vmem>>) offsets(%arg5 : memref<64xi32, #tpu.memory_space<vmem>>) semaphore(%arg10 : memref<!tpu.dma_semaphore, #tpu.memory_space<semaphore_mem>>)
    %dma_start3A_11 = arith.constant 0 : i32
    %dma_start3A_12 = arith.constant 0 : i32
    %dma_start3A_13 = tpu.memref_slice %arg3[%dma_start3A_11, %dma_start3A_12] : memref<6144x768xf32, #tpu.memory_space<hbm>> -> memref<6144x768xf32, #tpu.memory_space<hbm>>
    tpu.enqueue_indirect_dma source(%dma_start3A_13 : memref<6144x768xf32, #tpu.memory_space<hbm>>) target(%arg8 : memref<64x768xf32, #tpu.memory_space<vmem>>) offsets(%arg6 : memref<64xi32, #tpu.memory_space<vmem>>) semaphore(%arg11 : memref<!tpu.dma_semaphore, #tpu.memory_space<semaphore_mem>>)
    %dma_wait3A = arith.constant 0 : i32
    %dma_wait3A_14 = arith.constant 0 : i32
    %dma_wait3A_15 = tpu.memref_slice %arg3[%dma_wait3A, %dma_wait3A_14] : memref<6144x768xf32, #tpu.memory_space<hbm>> -> memref<6144x768xf32, #tpu.memory_space<hbm>>
    tpu.wait_indirect_dma semaphore(%arg10 : memref<!tpu.dma_semaphore, #tpu.memory_space<semaphore_mem>>) src(%dma_wait3A_15 : memref<6144x768xf32, #tpu.memory_space<hbm>>) dst(%arg7 : memref<64x768xf32, #tpu.memory_space<vmem>>)
    %scan3A = arith.constant 0 : i32
    %scan3A_16 = arith.constant 0 : i32
    %scan3A_17 = arith.constant 32 : i32
    %scan3A_18 = arith.addi %scan3A_16, %scan3A_17 : i32
    %scan3A_19 = arith.constant 1 : i32
    %scan3A_20 = scf.for %scan3A_36 = %scan3A_16 to %scan3A_18 step %scan3A_19 iter_args(%scan3A_37 = %scan3A) -> (i32)  : i32 {
      %mul3A_38 = arith.constant 2 : i32
      %mul3A_39 = arith.muli %mul3A_38, %scan3A_36 : i32
      %get3A = arith.index_cast %mul3A_39 : i32 to index
      %get3A_40 = arith.constant 0 : index
      %get3A_41 = tpu.vector_load %arg7[%get3A, %get3A_40] {strides = array<i32>} : memref<64x768xf32, #tpu.memory_space<vmem>>, vector<1x16xf32>,
      %get3A_42 = vector.shape_cast %get3A_41 : vector<1x16xf32> to vector<16xf32>
      %mul3A_43 = arith.constant 2 : i32
      %mul3A_44 = arith.muli %mul3A_43, %scan3A_36 : i32
      %add3A_45 = arith.constant 1 : i32
      %add3A_46 = arith.addi %mul3A_44, %add3A_45 : i32
      %get3A_47 = arith.index_cast %add3A_46 : i32 to index
      %get3A_48 = arith.constant 0 : index
      %get3A_49 = tpu.vector_load %arg7[%get3A_47, %get3A_48] {strides = array<i32>} : memref<64x768xf32, #tpu.memory_space<vmem>>, vector<1x16xf32>,
      %get3A_50 = vector.shape_cast %get3A_49 : vector<1x16xf32> to vector<16xf32>
      %add3A_51 = arith.addf %get3A_42, %get3A_50 : vector<16xf32>
      %swap3A = arith.index_cast %scan3A_36 : i32 to index
      %swap3A_52 = arith.constant 0 : index
      %swap3A_53 = tpu.vector_load %arg9[%swap3A, %swap3A_52] {strides = array<i32>} : memref<32x768xf32, #tpu.memory_space<vmem>>, vector<1x16xf32>,
      %swap3A_54 = vector.shape_cast %swap3A_53 : vector<1x16xf32> to vector<16xf32>
      %swap3A_55 = vector.shape_cast %add3A_51 : vector<16xf32> to vector<1x16xf32>
      tpu.vector_store %arg9[%swap3A, %swap3A_52], %swap3A_55 {strides = array<i32>} : memref<32x768xf32, #tpu.memory_space<vmem>>, vector<1x16xf32>,
      %mul3A_56 = arith.constant 2 : i32
      %mul3A_57 = arith.muli %mul3A_56, %scan3A_36 : i32
      %get3A_58 = arith.index_cast %mul3A_57 : i32 to index
      %get3A_59 = arith.constant 16 : index
      %get3A_60 = tpu.vector_load %arg7[%get3A_58, %get3A_59] {strides = array<i32>} : memref<64x768xf32, #tpu.memory_space<vmem>>, vector<1x16xf32>,
      %get3A_61 = vector.shape_cast %get3A_60 : vector<1x16xf32> to vector<16xf32>
      %mul3A_62 = arith.constant 2 : i32
      %mul3A_63 = arith.muli %mul3A_62, %scan3A_36 : i32
      %add3A_64 = arith.constant 1 : i32
      %add3A_65 = arith.addi %mul3A_63, %add3A_64 : i32
      %get3A_66 = arith.index_cast %add3A_65 : i32 to index
      %get3A_67 = arith.constant 16 : index
      %get3A_68 = tpu.vector_load %arg7[%get3A_66, %get3A_67] {strides = array<i32>} : memref<64x768xf32, #tpu.memory_space<vmem>>, vector<1x16xf32>,
      %get3A_69 = vector.shape_cast %get3A_68 : vector<1x16xf32> to vector<16xf32>
      %add3A_70 = arith.addf %get3A_61, %get3A_69 : vector<16xf32>
      %swap3A_71 = arith.index_cast %scan3A_36 : i32 to index
      %swap3A_72 = arith.constant 16 : index
      %swap3A_73 = tpu.vector_load %arg9[%swap3A_71, %swap3A_72] {strides = array<i32>} : memref<32x768xf32, #tpu.memory_space<vmem>>, vector<1x16xf32>,
      %swap3A_74 = vector.shape_cast %swap3A_73 : vector<1x16xf32> to vector<16xf32>
      %swap3A_75 = vector.shape_cast %add3A_70 : vector<16xf32> to vector<1x16xf32>
      tpu.vector_store %arg9[%swap3A_71, %swap3A_72], %swap3A_75 {strides = array<i32>} : memref<32x768xf32, #tpu.memory_space<vmem>>, vector<1x16xf32>,
      %mul3A_76 = arith.constant 2 : i32
      %mul3A_77 = arith.muli %mul3A_76, %scan3A_36 : i32
      %get3A_78 = arith.index_cast %mul3A_77 : i32 to index
      %get3A_79 = arith.constant 32 : index
      %get3A_80 = tpu.vector_load %arg7[%get3A_78, %get3A_79] {strides = array<i32>} : memref<64x768xf32, #tpu.memory_space<vmem>>, vector<1x16xf32>,
      %get3A_81 = vector.shape_cast %get3A_80 : vector<1x16xf32> to vector<16xf32>
      %mul3A_82 = arith.constant 2 : i32
      %mul3A_83 = arith.muli %mul3A_82, %scan3A_36 : i32
      %add3A_84 = arith.constant 1 : i32
      %add3A_85 = arith.addi %mul3A_83, %add3A_84 : i32
      %get3A_86 = arith.index_cast %add3A_85 : i32 to index
      %get3A_87 = arith.constant 32 : index
      %get3A_88 = tpu.vector_load %arg7[%get3A_86, %get3A_87] {strides = array<i32>} : memref<64x768xf32, #tpu.memory_space<vmem>>, vector<1x16xf32>,
      %get3A_89 = vector.shape_cast %get3A_88 : vector<1x16xf32> to vector<16xf32>
      %add3A_90 = arith.addf %get3A_81, %get3A_89 : vector<16xf32>
      %swap3A_91 = arith.index_cast %scan3A_36 : i32 to index
      %swap3A_92 = arith.constant 32 : index
      %swap3A_93 = tpu.vector_load %arg9[%swap3A_91, %swap3A_92] {strides = array<i32>} : memref<32x768xf32, #tpu.memory_space<vmem>>, vector<1x16xf32>,
      %swap3A_94 = vector.shape_cast %swap3A_93 : vector<1x16xf32> to vector<16xf32>
      %swap3A_95 = vector.shape_cast %add3A_90 : vector<16xf32> to vector<1x16xf32>
      tpu.vector_store %arg9[%swap3A_91, %swap3A_92], %swap3A_95 {strides = array<i32>} : memref<32x768xf32, #tpu.memory_space<vmem>>, vector<1x16xf32>,
      %mul3A_96 = arith.constant 2 : i32
      %mul3A_97 = arith.muli %mul3A_96, %scan3A_36 : i32
      %get3A_98 = arith.index_cast %mul3A_97 : i32 to index
      %get3A_99 = arith.constant 48 : index
      %get3A_100 = tpu.vector_load %arg7[%get3A_98, %get3A_99] {strides = array<i32>} : memref<64x768xf32, #tpu.memory_space<vmem>>, vector<1x16xf32>,
      %get3A_101 = vector.shape_cast %get3A_100 : vector<1x16xf32> to vector<16xf32>
      %mul3A_102 = arith.constant 2 : i32
      %mul3A_103 = arith.muli %mul3A_102, %scan3A_36 : i32
      %add3A_104 = arith.constant 1 : i32
      %add3A_105 = arith.addi %mul3A_103, %add3A_104 : i32
      %get3A_106 = arith.index_cast %add3A_105 : i32 to index
      %get3A_107 = arith.constant 48 : index
      %get3A_108 = tpu.vector_load %arg7[%get3A_106, %get3A_107] {strides = array<i32>} : memref<64x768xf32, #tpu.memory_space<vmem>>, vector<1x16xf32>,
      %get3A_109 = vector.shape_cast %get3A_108 : vector<1x16xf32> to vector<16xf32>
      %add3A_110 = arith.addf %get3A_101, %get3A_109 : vector<16xf32>
      %swap3A_111 = arith.index_cast %scan3A_36 : i32 to index
      %swap3A_112 = arith.constant 48 : index
      %swap3A_113 = tpu.vector_load %arg9[%swap3A_111, %swap3A_112] {strides = array<i32>} : memref<32x768xf32, #tpu.memory_space<vmem>>, vector<1x16xf32>,
      %swap3A_114 = vector.shape_cast %swap3A_113 : vector<1x16xf32> to vector<16xf32>
      %swap3A_115 = vector.shape_cast %add3A_110 : vector<16xf32> to vector<1x16xf32>
      tpu.vector_store %arg9[%swap3A_111, %swap3A_112], %swap3A_115 {strides = array<i32>} : memref<32x768xf32, #tpu.memory_space<vmem>>, vector<1x16xf32>,
      %mul3A_116 = arith.constant 2 : i32
      %mul3A_117 = arith.muli %mul3A_116, %scan3A_36 : i32
      %get3A_118 = arith.index_cast %mul3A_117 : i32 to index
      %get3A_119 = arith.constant 64 : index
      %get3A_120 = tpu.vector_load %arg7[%get3A_118, %get3A_119] {strides = array<i32>} : memref<64x768xf32, #tpu.memory_space<vmem>>, vector<1x16xf32>,
      %get3A_121 = vector.shape_cast %get3A_120 : vector<1x16xf32> to vector<16xf32>
      %mul3A_122 = arith.constant 2 : i32
      %mul3A_123 = arith.muli %mul3A_122, %scan3A_36 : i32
      %add3A_124 = arith.constant 1 : i32
      %add3A_125 = arith.addi %mul3A_123, %add3A_124 : i32
      %get3A_126 = arith.index_cast %add3A_125 : i32 to index
      %get3A_127 = arith.constant 64 : index
      %get3A_128 = tpu.vector_load %arg7[%get3A_126, %get3A_127] {strides = array<i32>} : memref<64x768xf32, #tpu.memory_space<vmem>>, vector<1x16xf32>,
      %get3A_129 = vector.shape_cast %get3A_128 : vector<1x16xf32> to vector<16xf32>
      %add3A_130 = arith.addf %get3A_121, %get3A_129 : vector<16xf32>
      %swap3A_131 = arith.index_cast %scan3A_36 : i32 to index
      %swap3A_132 = arith.constant 64 : index
      %swap3A_133 = tpu.vector_load %arg9[%swap3A_131, %swap3A_132] {strides = array<i32>} : memref<32x768xf32, #tpu.memory_space<vmem>>, vector<1x16xf32>,
      %swap3A_134 = vector.shape_cast %swap3A_133 : vector<1x16xf32> to vector<16xf32>
      %swap3A_135 = vector.shape_cast %add3A_130 : vector<16xf32> to vector<1x16xf32>
      tpu.vector_store %arg9[%swap3A_131, %swap3A_132], %swap3A_135 {strides = array<i32>} : memref<32x768xf32, #tpu.memory_space<vmem>>, vector<1x16xf32>,
      %mul3A_136 = arith.constant 2 : i32
      %mul3A_137 = arith.muli %mul3A_136, %scan3A_36 : i32
      %get3A_138 = arith.index_cast %mul3A_137 : i32 to index
      %get3A_139 = arith.constant 80 : index
      %get3A_140 = tpu.vector_load %arg7[%get3A_138, %get3A_139] {strides = array<i32>} : memref<64x768xf32, #tpu.memory_space<vmem>>, vector<1x16xf32>,
      %get3A_141 = vector.shape_cast %get3A_140 : vector<1x16xf32> to vector<16xf32>
      %mul3A_142 = arith.constant 2 : i32
      %mul3A_143 = arith.muli %mul3A_142, %scan3A_36 : i32
      %add3A_144 = arith.constant 1 : i32
      %add3A_145 = arith.addi %mul3A_143, %add3A_144 : i32
      %get3A_146 = arith.index_cast %add3A_145 : i32 to index
      %get3A_147 = arith.constant 80 : index
      %get3A_148 = tpu.vector_load %arg7[%get3A_146, %get3A_147] {strides = array<i32>} : memref<64x768xf32, #tpu.memory_space<vmem>>, vector<1x16xf32>,
      %get3A_149 = vector.shape_cast %get3A_148 : vector<1x16xf32> to vector<16xf32>
      %add3A_150 = arith.addf %get3A_141, %get3A_149 : vector<16xf32>
      %swap3A_151 = arith.index_cast %scan3A_36 : i32 to index
      %swap3A_152 = arith.constant 80 : index
      %swap3A_153 = tpu.vector_load %arg9[%swap3A_151, %swap3A_152] {strides = array<i32>} : memref<32x768xf32, #tpu.memory_space<vmem>>, vector<1x16xf32>,
      %swap3A_154 = vector.shape_cast %swap3A_153 : vector<1x16xf32> to vector<16xf32>
      %swap3A_155 = vector.shape_cast %add3A_150 : vector<16xf32> to vector<1x16xf32>
      tpu.vector_store %arg9[%swap3A_151, %swap3A_152], %swap3A_155 {strides = array<i32>} : memref<32x768xf32, #tpu.memory_space<vmem>>, vector<1x16xf32>,
      %mul3A_156 = arith.constant 2 : i32
      %mul3A_157 = arith.muli %mul3A_156, %scan3A_36 : i32
      %get3A_158 = arith.index_cast %mul3A_157 : i32 to index
      %get3A_159 = arith.constant 96 : index
      %get3A_160 = tpu.vector_load %arg7[%get3A_158, %get3A_159] {strides = array<i32>} : memref<64x768xf32, #tpu.memory_space<vmem>>, vector<1x16xf32>,
      %get3A_161 = vector.shape_cast %get3A_160 : vector<1x16xf32> to vector<16xf32>
      %mul3A_162 = arith.constant 2 : i32
      %mul3A_163 = arith.muli %mul3A_162, %scan3A_36 : i32
      %add3A_164 = arith.constant 1 : i32
      %add3A_165 = arith.addi %mul3A_163, %add3A_164 : i32
      %get3A_166 = arith.index_cast %add3A_165 : i32 to index
      %get3A_167 = arith.constant 96 : index
      %get3A_168 = tpu.vector_load %arg7[%get3A_166, %get3A_167] {strides = array<i32>} : memref<64x768xf32, #tpu.memory_space<vmem>>, vector<1x16xf32>,
      %get3A_169 = vector.shape_cast %get3A_168 : vector<1x16xf32> to vector<16xf32>
      %add3A_170 = arith.addf %get3A_161, %get3A_169 : vector<16xf32>
      %swap3A_171 = arith.index_cast %scan3A_36 : i32 to index
      %swap3A_172 = arith.constant 96 : index
      %swap3A_173 = tpu.vector_load %arg9[%swap3A_171, %swap3A_172] {strides = array<i32>} : memref<32x768xf32, #tpu.memory_space<vmem>>, vector<1x16xf32>,
      %swap3A_174 = vector.shape_cast %swap3A_173 : vector<1x16xf32> to vector<16xf32>
      %swap3A_175 = vector.shape_cast %add3A_170 : vector<16xf32> to vector<1x16xf32>
      tpu.vector_store %arg9[%swap3A_171, %swap3A_172], %swap3A_175 {strides = array<i32>} : memref<32x768xf32, #tpu.memory_space<vmem>>, vector<1x16xf32>,
      %mul3A_176 = arith.constant 2 : i32
      %mul3A_177 = arith.muli %mul3A_176, %scan3A_36 : i32
      %get3A_178 = arith.index_cast %mul3A_177 : i32 to index
      %get3A_179 = arith.constant 112 : index
      %get3A_180 = tpu.vector_load %arg7[%get3A_178, %get3A_179] {strides = array<i32>} : memref<64x768xf32, #tpu.memory_space<vmem>>, vector<1x16xf32>,
      %get3A_181 = vector.shape_cast %get3A_180 : vector<1x16xf32> to vector<16xf32>
      %mul3A_182 = arith.constant 2 : i32
      %mul3A_183 = arith.muli %mul3A_182, %scan3A_36 : i32
      %add3A_184 = arith.constant 1 : i32
      %add3A_185 = arith.addi %mul3A_183, %add3A_184 : i32
      %get3A_186 = arith.index_cast %add3A_185 : i32 to index
      %get3A_187 = arith.constant 112 : index
      %get3A_188 = tpu.vector_load %arg7[%get3A_186, %get3A_187] {strides = array<i32>} : memref<64x768xf32, #tpu.memory_space<vmem>>, vector<1x16xf32>,
      %get3A_189 = vector.shape_cast %get3A_188 : vector<1x16xf32> to vector<16xf32>
      %add3A_190 = arith.addf %get3A_181, %get3A_189 : vector<16xf32>
      %swap3A_191 = arith.index_cast %scan3A_36 : i32 to index
      %swap3A_192 = arith.constant 112 : index
      %swap3A_193 = tpu.vector_load %arg9[%swap3A_191, %swap3A_192] {strides = array<i32>} : memref<32x768xf32, #tpu.memory_space<vmem>>, vector<1x16xf32>,
      %swap3A_194 = vector.shape_cast %swap3A_193 : vector<1x16xf32> to vector<16xf32>
      %swap3A_195 = vector.shape_cast %add3A_190 : vector<16xf32> to vector<1x16xf32>
      tpu.vector_store %arg9[%swap3A_191, %swap3A_192], %swap3A_195 {strides = array<i32>} : memref<32x768xf32, #tpu.memory_space<vmem>>, vector<1x16xf32>,
      %mul3A_196 = arith.constant 2 : i32
      %mul3A_197 = arith.muli %mul3A_196, %scan3A_36 : i32
      %get3A_198 = arith.index_cast %mul3A_197 : i32 to index
      %get3A_199 = arith.constant 128 : index
      %get3A_200 = tpu.vector_load %arg7[%get3A_198, %get3A_199] {strides = array<i32>} : memref<64x768xf32, #tpu.memory_space<vmem>>, vector<1x16xf32>,
      %get3A_201 = vector.shape_cast %get3A_200 : vector<1x16xf32> to vector<16xf32>
      %mul3A_202 = arith.constant 2 : i32
      %mul3A_203 = arith.muli %mul3A_202, %scan3A_36 : i32
      %add3A_204 = arith.constant 1 : i32
      %add3A_205 = arith.addi %mul3A_203, %add3A_204 : i32
      %get3A_206 = arith.index_cast %add3A_205 : i32 to index
      %get3A_207 = arith.constant 128 : index
      %get3A_208 = tpu.vector_load %arg7[%get3A_206, %get3A_207] {strides = array<i32>} : memref<64x768xf32, #tpu.memory_space<vmem>>, vector<1x16xf32>,
      %get3A_209 = vector.shape_cast %get3A_208 : vector<1x16xf32> to vector<16xf32>
      %add3A_210 = arith.addf %get3A_201, %get3A_209 : vector<16xf32>
      %swap3A_211 = arith.index_cast %scan3A_36 : i32 to index
      %swap3A_212 = arith.constant 128 : index
      %swap3A_213 = tpu.vector_load %arg9[%swap3A_211, %swap3A_212] {strides = array<i32>} : memref<32x768xf32, #tpu.memory_space<vmem>>, vector<1x16xf32>,
      %swap3A_214 = vector.shape_cast %swap3A_213 : vector<1x16xf32> to vector<16xf32>
      %swap3A_215 = vector.shape_cast %add3A_210 : vector<16xf32> to vector<1x16xf32>
      tpu.vector_store %arg9[%swap3A_211, %swap3A_212], %swap3A_215 {strides = array<i32>} : memref<32x768xf32, #tpu.memory_space<vmem>>, vector<1x16xf32>,
      %mul3A_216 = arith.constant 2 : i32
      %mul3A_217 = arith.muli %mul3A_216, %scan3A_36 : i32
      %get3A_218 = arith.index_cast %mul3A_217 : i32 to index
      %get3A_219 = arith.constant 144 : index
      %get3A_220 = tpu.vector_load %arg7[%get3A_218, %get3A_219] {strides = array<i32>} : memref<64x768xf32, #tpu.memory_space<vmem>>, vector<1x16xf32>,
      %get3A_221 = vector.shape_cast %get3A_220 : vector<1x16xf32> to vector<16xf32>
      %mul3A_222 = arith.constant 2 : i32
      %mul3A_223 = arith.muli %mul3A_222, %scan3A_36 : i32
      %add3A_224 = arith.constant 1 : i32
      %add3A_225 = arith.addi %mul3A_223, %add3A_224 : i32
      %get3A_226 = arith.index_cast %add3A_225 : i32 to index
      %get3A_227 = arith.constant 144 : index
      %get3A_228 = tpu.vector_load %arg7[%get3A_226, %get3A_227] {strides = array<i32>} : memref<64x768xf32, #tpu.memory_space<vmem>>, vector<1x16xf32>,
      %get3A_229 = vector.shape_cast %get3A_228 : vector<1x16xf32> to vector<16xf32>
      %add3A_230 = arith.addf %get3A_221, %get3A_229 : vector<16xf32>
      %swap3A_231 = arith.index_cast %scan3A_36 : i32 to index
      %swap3A_232 = arith.constant 144 : index
      %swap3A_233 = tpu.vector_load %arg9[%swap3A_231, %swap3A_232] {strides = array<i32>} : memref<32x768xf32, #tpu.memory_space<vmem>>, vector<1x16xf32>,
      %swap3A_234 = vector.shape_cast %swap3A_233 : vector<1x16xf32> to vector<16xf32>
      %swap3A_235 = vector.shape_cast %add3A_230 : vector<16xf32> to vector<1x16xf32>
      tpu.vector_store %arg9[%swap3A_231, %swap3A_232], %swap3A_235 {strides = array<i32>} : memref<32x768xf32, #tpu.memory_space<vmem>>, vector<1x16xf32>,
      %mul3A_236 = arith.constant 2 : i32
      %mul3A_237 = arith.muli %mul3A_236, %scan3A_36 : i32
      %get3A_238 = arith.index_cast %mul3A_237 : i32 to index
      %get3A_239 = arith.constant 160 : index
      %get3A_240 = tpu.vector_load %arg7[%get3A_238, %get3A_239] {strides = array<i32>} : memref<64x768xf32, #tpu.memory_space<vmem>>, vector<1x16xf32>,
      %get3A_241 = vector.shape_cast %get3A_240 : vector<1x16xf32> to vector<16xf32>
      %mul3A_242 = arith.constant 2 : i32
      %mul3A_243 = arith.muli %mul3A_242, %scan3A_36 : i32
      %add3A_244 = arith.constant 1 : i32
      %add3A_245 = arith.addi %mul3A_243, %add3A_244 : i32
      %get3A_246 = arith.index_cast %add3A_245 : i32 to index
      %get3A_247 = arith.constant 160 : index
      %get3A_248 = tpu.vector_load %arg7[%get3A_246, %get3A_247] {strides = array<i32>} : memref<64x768xf32, #tpu.memory_space<vmem>>, vector<1x16xf32>,
      %get3A_249 = vector.shape_cast %get3A_248 : vector<1x16xf32> to vector<16xf32>
      %add3A_250 = arith.addf %get3A_241, %get3A_249 : vector<16xf32>
      %swap3A_251 = arith.index_cast %scan3A_36 : i32 to index
      %swap3A_252 = arith.constant 160 : index
      %swap3A_253 = tpu.vector_load %arg9[%swap3A_251, %swap3A_252] {strides = array<i32>} : memref<32x768xf32, #tpu.memory_space<vmem>>, vector<1x16xf32>,
      %swap3A_254 = vector.shape_cast %swap3A_253 : vector<1x16xf32> to vector<16xf32>
      %swap3A_255 = vector.shape_cast %add3A_250 : vector<16xf32> to vector<1x16xf32>
      tpu.vector_store %arg9[%swap3A_251, %swap3A_252], %swap3A_255 {strides = array<i32>} : memref<32x768xf32, #tpu.memory_space<vmem>>, vector<1x16xf32>,
      %mul3A_256 = arith.constant 2 : i32
      %mul3A_257 = arith.muli %mul3A_256, %scan3A_36 : i32
      %get3A_258 = arith.index_cast %mul3A_257 : i32 to index
      %get3A_259 = arith.constant 176 : index
      %get3A_260 = tpu.vector_load %arg7[%get3A_258, %get3A_259] {strides = array<i32>} : memref<64x768xf32, #tpu.memory_space<vmem>>, vector<1x16xf32>,
      %get3A_261 = vector.shape_cast %get3A_260 : vector<1x16xf32> to vector<16xf32>
      %mul3A_262 = arith.constant 2 : i32
      %mul3A_263 = arith.muli %mul3A_262, %scan3A_36 : i32
      %add3A_264 = arith.constant 1 : i32
      %add3A_265 = arith.addi %mul3A_263, %add3A_264 : i32
      %get3A_266 = arith.index_cast %add3A_265 : i32 to index
      %get3A_267 = arith.constant 176 : index
      %get3A_268 = tpu.vector_load %arg7[%get3A_266, %get3A_267] {strides = array<i32>} : memref<64x768xf32, #tpu.memory_space<vmem>>, vector<1x16xf32>,
      %get3A_269 = vector.shape_cast %get3A_268 : vector<1x16xf32> to vector<16xf32>
      %add3A_270 = arith.addf %get3A_261, %get3A_269 : vector<16xf32>
      %swap3A_271 = arith.index_cast %scan3A_36 : i32 to index
      %swap3A_272 = arith.constant 176 : index
      %swap3A_273 = tpu.vector_load %arg9[%swap3A_271, %swap3A_272] {strides = array<i32>} : memref<32x768xf32, #tpu.memory_space<vmem>>, vector<1x16xf32>,
      %swap3A_274 = vector.shape_cast %swap3A_273 : vector<1x16xf32> to vector<16xf32>
      %swap3A_275 = vector.shape_cast %add3A_270 : vector<16xf32> to vector<1x16xf32>
      tpu.vector_store %arg9[%swap3A_271, %swap3A_272], %swap3A_275 {strides = array<i32>} : memref<32x768xf32, #tpu.memory_space<vmem>>, vector<1x16xf32>,
      %mul3A_276 = arith.constant 2 : i32
      %mul3A_277 = arith.muli %mul3A_276, %scan3A_36 : i32
      %get3A_278 = arith.index_cast %mul3A_277 : i32 to index
      %get3A_279 = arith.constant 192 : index
      %get3A_280 = tpu.vector_load %arg7[%get3A_278, %get3A_279] {strides = array<i32>} : memref<64x768xf32, #tpu.memory_space<vmem>>, vector<1x16xf32>,
      %get3A_281 = vector.shape_cast %get3A_280 : vector<1x16xf32> to vector<16xf32>
      %mul3A_282 = arith.constant 2 : i32
      %mul3A_283 = arith.muli %mul3A_282, %scan3A_36 : i32
      %add3A_284 = arith.constant 1 : i32
      %add3A_285 = arith.addi %mul3A_283, %add3A_284 : i32
      %get3A_286 = arith.index_cast %add3A_285 : i32 to index
      %get3A_287 = arith.constant 192 : index
      %get3A_288 = tpu.vector_load %arg7[%get3A_286, %get3A_287] {strides = array<i32>} : memref<64x768xf32, #tpu.memory_space<vmem>>, vector<1x16xf32>,
      %get3A_289 = vector.shape_cast %get3A_288 : vector<1x16xf32> to vector<16xf32>
      %add3A_290 = arith.addf %get3A_281, %get3A_289 : vector<16xf32>
      %swap3A_291 = arith.index_cast %scan3A_36 : i32 to index
      %swap3A_292 = arith.constant 192 : index
      %swap3A_293 = tpu.vector_load %arg9[%swap3A_291, %swap3A_292] {strides = array<i32>} : memref<32x768xf32, #tpu.memory_space<vmem>>, vector<1x16xf32>,
      %swap3A_294 = vector.shape_cast %swap3A_293 : vector<1x16xf32> to vector<16xf32>
      %swap3A_295 = vector.shape_cast %add3A_290 : vector<16xf32> to vector<1x16xf32>
      tpu.vector_store %arg9[%swap3A_291, %swap3A_292], %swap3A_295 {strides = array<i32>} : memref<32x768xf32, #tpu.memory_space<vmem>>, vector<1x16xf32>,
      %mul3A_296 = arith.constant 2 : i32
      %mul3A_297 = arith.muli %mul3A_296, %scan3A_36 : i32
      %get3A_298 = arith.index_cast %mul3A_297 : i32 to index
      %get3A_299 = arith.constant 208 : index
      %get3A_300 = tpu.vector_load %arg7[%get3A_298, %get3A_299] {strides = array<i32>} : memref<64x768xf32, #tpu.memory_space<vmem>>, vector<1x16xf32>,
      %get3A_301 = vector.shape_cast %get3A_300 : vector<1x16xf32> to vector<16xf32>
      %mul3A_302 = arith.constant 2 : i32
      %mul3A_303 = arith.muli %mul3A_302, %scan3A_36 : i32
      %add3A_304 = arith.constant 1 : i32
      %add3A_305 = arith.addi %mul3A_303, %add3A_304 : i32
      %get3A_306 = arith.index_cast %add3A_305 : i32 to index
      %get3A_307 = arith.constant 208 : index
      %get3A_308 = tpu.vector_load %arg7[%get3A_306, %get3A_307] {strides = array<i32>} : memref<64x768xf32, #tpu.memory_space<vmem>>, vector<1x16xf32>,
      %get3A_309 = vector.shape_cast %get3A_308 : vector<1x16xf32> to vector<16xf32>
      %add3A_310 = arith.addf %get3A_301, %get3A_309 : vector<16xf32>
      %swap3A_311 = arith.index_cast %scan3A_36 : i32 to index
      %swap3A_312 = arith.constant 208 : index
      %swap3A_313 = tpu.vector_load %arg9[%swap3A_311, %swap3A_312] {strides = array<i32>} : memref<32x768xf32, #tpu.memory_space<vmem>>, vector<1x16xf32>,
      %swap3A_314 = vector.shape_cast %swap3A_313 : vector<1x16xf32> to vector<16xf32>
      %swap3A_315 = vector.shape_cast %add3A_310 : vector<16xf32> to vector<1x16xf32>
      tpu.vector_store %arg9[%swap3A_311, %swap3A_312], %swap3A_315 {strides = array<i32>} : memref<32x768xf32, #tpu.memory_space<vmem>>, vector<1x16xf32>,
      %mul3A_316 = arith.constant 2 : i32
      %mul3A_317 = arith.muli %mul3A_316, %scan3A_36 : i32
      %get3A_318 = arith.index_cast %mul3A_317 : i32 to index
      %get3A_319 = arith.constant 224 : index
      %get3A_320 = tpu.vector_load %arg7[%get3A_318, %get3A_319] {strides = array<i32>} : memref<64x768xf32, #tpu.memory_space<vmem>>, vector<1x16xf32>,
      %get3A_321 = vector.shape_cast %get3A_320 : vector<1x16xf32> to vector<16xf32>
      %mul3A_322 = arith.constant 2 : i32
      %mul3A_323 = arith.muli %mul3A_322, %scan3A_36 : i32
      %add3A_324 = arith.constant 1 : i32
      %add3A_325 = arith.addi %mul3A_323, %add3A_324 : i32
      %get3A_326 = arith.index_cast %add3A_325 : i32 to index
      %get3A_327 = arith.constant 224 : index
      %get3A_328 = tpu.vector_load %arg7[%get3A_326, %get3A_327] {strides = array<i32>} : memref<64x768xf32, #tpu.memory_space<vmem>>, vector<1x16xf32>,
      %get3A_329 = vector.shape_cast %get3A_328 : vector<1x16xf32> to vector<16xf32>
      %add3A_330 = arith.addf %get3A_321, %get3A_329 : vector<16xf32>
      %swap3A_331 = arith.index_cast %scan3A_36 : i32 to index
      %swap3A_332 = arith.constant 224 : index
      %swap3A_333 = tpu.vector_load %arg9[%swap3A_331, %swap3A_332] {strides = array<i32>} : memref<32x768xf32, #tpu.memory_space<vmem>>, vector<1x16xf32>,
      %swap3A_334 = vector.shape_cast %swap3A_333 : vector<1x16xf32> to vector<16xf32>
      %swap3A_335 = vector.shape_cast %add3A_330 : vector<16xf32> to vector<1x16xf32>
      tpu.vector_store %arg9[%swap3A_331, %swap3A_332], %swap3A_335 {strides = array<i32>} : memref<32x768xf32, #tpu.memory_space<vmem>>, vector<1x16xf32>,
      %mul3A_336 = arith.constant 2 : i32
      %mul3A_337 = arith.muli %mul3A_336, %scan3A_36 : i32
      %get3A_338 = arith.index_cast %mul3A_337 : i32 to index
      %get3A_339 = arith.constant 240 : index
      %get3A_340 = tpu.vector_load %arg7[%get3A_338, %get3A_339] {strides = array<i32>} : memref<64x768xf32, #tpu.memory_space<vmem>>, vector<1x16xf32>,
      %get3A_341 = vector.shape_cast %get3A_340 : vector<1x16xf32> to vector<16xf32>
      %mul3A_342 = arith.constant 2 : i32
      %mul3A_343 = arith.muli %mul3A_342, %scan3A_36 : i32
      %add3A_344 = arith.constant 1 : i32
      %add3A_345 = arith.addi %mul3A_343, %add3A_344 : i32
      %get3A_346 = arith.index_cast %add3A_345 : i32 to index
      %get3A_347 = arith.constant 240 : index
      %get3A_348 = tpu.vector_load %arg7[%get3A_346, %get3A_347] {strides = array<i32>} : memref<64x768xf32, #tpu.memory_space<vmem>>, vector<1x16xf32>,
      %get3A_349 = vector.shape_cast %get3A_348 : vector<1x16xf32> to vector<16xf32>
      %add3A_350 = arith.addf %get3A_341, %get3A_349 : vector<16xf32>
      %swap3A_351 = arith.index_cast %scan3A_36 : i32 to index
      %swap3A_352 = arith.constant 240 : index
      %swap3A_353 = tpu.vector_load %arg9[%swap3A_351, %swap3A_352] {strides = array<i32>} : memref<32x768xf32, #tpu.memory_space<vmem>>, vector<1x16xf32>,
      %swap3A_354 = vector.shape_cast %swap3A_353 : vector<1x16xf32> to vector<16xf32>
      %swap3A_355 = vector.shape_cast %add3A_350 : vector<16xf32> to vector<1x16xf32>
      tpu.vector_store %arg9[%swap3A_351, %swap3A_352], %swap3A_355 {strides = array<i32>} : memref<32x768xf32, #tpu.memory_space<vmem>>, vector<1x16xf32>,
      %mul3A_356 = arith.constant 2 : i32
      %mul3A_357 = arith.muli %mul3A_356, %scan3A_36 : i32
      %get3A_358 = arith.index_cast %mul3A_357 : i32 to index
      %get3A_359 = arith.constant 256 : index
      %get3A_360 = tpu.vector_load %arg7[%get3A_358, %get3A_359] {strides = array<i32>} : memref<64x768xf32, #tpu.memory_space<vmem>>, vector<1x16xf32>,
      %get3A_361 = vector.shape_cast %get3A_360 : vector<1x16xf32> to vector<16xf32>
      %mul3A_362 = arith.constant 2 : i32
      %mul3A_363 = arith.muli %mul3A_362, %scan3A_36 : i32
      %add3A_364 = arith.constant 1 : i32
      %add3A_365 = arith.addi %mul3A_363, %add3A_364 : i32
      %get3A_366 = arith.index_cast %add3A_365 : i32 to index
      %get3A_367 = arith.constant 256 : index
      %get3A_368 = tpu.vector_load %arg7[%get3A_366, %get3A_367] {strides = array<i32>} : memref<64x768xf32, #tpu.memory_space<vmem>>, vector<1x16xf32>,
      %get3A_369 = vector.shape_cast %get3A_368 : vector<1x16xf32> to vector<16xf32>
      %add3A_370 = arith.addf %get3A_361, %get3A_369 : vector<16xf32>
      %swap3A_371 = arith.index_cast %scan3A_36 : i32 to index
      %swap3A_372 = arith.constant 256 : index
      %swap3A_373 = tpu.vector_load %arg9[%swap3A_371, %swap3A_372] {strides = array<i32>} : memref<32x768xf32, #tpu.memory_space<vmem>>, vector<1x16xf32>,
      %swap3A_374 = vector.shape_cast %swap3A_373 : vector<1x16xf32> to vector<16xf32>
      %swap3A_375 = vector.shape_cast %add3A_370 : vector<16xf32> to vector<1x16xf32>
      tpu.vector_store %arg9[%swap3A_371, %swap3A_372], %swap3A_375 {strides = array<i32>} : memref<32x768xf32, #tpu.memory_space<vmem>>, vector<1x16xf32>,
      %mul3A_376 = arith.constant 2 : i32
      %mul3A_377 = arith.muli %mul3A_376, %scan3A_36 : i32
      %get3A_378 = arith.index_cast %mul3A_377 : i32 to index
      %get3A_379 = arith.constant 272 : index
      %get3A_380 = tpu.vector_load %arg7[%get3A_378, %get3A_379] {strides = array<i32>} : memref<64x768xf32, #tpu.memory_space<vmem>>, vector<1x16xf32>,
      %get3A_381 = vector.shape_cast %get3A_380 : vector<1x16xf32> to vector<16xf32>
      %mul3A_382 = arith.constant 2 : i32
      %mul3A_383 = arith.muli %mul3A_382, %scan3A_36 : i32
      %add3A_384 = arith.constant 1 : i32
      %add3A_385 = arith.addi %mul3A_383, %add3A_384 : i32
      %get3A_386 = arith.index_cast %add3A_385 : i32 to index
      %get3A_387 = arith.constant 272 : index
      %get3A_388 = tpu.vector_load %arg7[%get3A_386, %get3A_387] {strides = array<i32>} : memref<64x768xf32, #tpu.memory_space<vmem>>, vector<1x16xf32>,
      %get3A_389 = vector.shape_cast %get3A_388 : vector<1x16xf32> to vector<16xf32>
      %add3A_390 = arith.addf %get3A_381, %get3A_389 : vector<16xf32>
      %swap3A_391 = arith.index_cast %scan3A_36 : i32 to index
      %swap3A_392 = arith.constant 272 : index
      %swap3A_393 = tpu.vector_load %arg9[%swap3A_391, %swap3A_392] {strides = array<i32>} : memref<32x768xf32, #tpu.memory_space<vmem>>, vector<1x16xf32>,
      %swap3A_394 = vector.shape_cast %swap3A_393 : vector<1x16xf32> to vector<16xf32>
      %swap3A_395 = vector.shape_cast %add3A_390 : vector<16xf32> to vector<1x16xf32>
      tpu.vector_store %arg9[%swap3A_391, %swap3A_392], %swap3A_395 {strides = array<i32>} : memref<32x768xf32, #tpu.memory_space<vmem>>, vector<1x16xf32>,
      %mul3A_396 = arith.constant 2 : i32
      %mul3A_397 = arith.muli %mul3A_396, %scan3A_36 : i32
      %get3A_398 = arith.index_cast %mul3A_397 : i32 to index
      %get3A_399 = arith.constant 288 : index
      %get3A_400 = tpu.vector_load %arg7[%get3A_398, %get3A_399] {strides = array<i32>} : memref<64x768xf32, #tpu.memory_space<vmem>>, vector<1x16xf32>,
      %get3A_401 = vector.shape_cast %get3A_400 : vector<1x16xf32> to vector<16xf32>
      %mul3A_402 = arith.constant 2 : i32
      %mul3A_403 = arith.muli %mul3A_402, %scan3A_36 : i32
      %add3A_404 = arith.constant 1 : i32
      %add3A_405 = arith.addi %mul3A_403, %add3A_404 : i32
      %get3A_406 = arith.index_cast %add3A_405 : i32 to index
      %get3A_407 = arith.constant 288 : index
      %get3A_408 = tpu.vector_load %arg7[%get3A_406, %get3A_407] {strides = array<i32>} : memref<64x768xf32, #tpu.memory_space<vmem>>, vector<1x16xf32>,
      %get3A_409 = vector.shape_cast %get3A_408 : vector<1x16xf32> to vector<16xf32>
      %add3A_410 = arith.addf %get3A_401, %get3A_409 : vector<16xf32>
      %swap3A_411 = arith.index_cast %scan3A_36 : i32 to index
      %swap3A_412 = arith.constant 288 : index
      %swap3A_413 = tpu.vector_load %arg9[%swap3A_411, %swap3A_412] {strides = array<i32>} : memref<32x768xf32, #tpu.memory_space<vmem>>, vector<1x16xf32>,
      %swap3A_414 = vector.shape_cast %swap3A_413 : vector<1x16xf32> to vector<16xf32>
      %swap3A_415 = vector.shape_cast %add3A_410 : vector<16xf32> to vector<1x16xf32>
      tpu.vector_store %arg9[%swap3A_411, %swap3A_412], %swap3A_415 {strides = array<i32>} : memref<32x768xf32, #tpu.memory_space<vmem>>, vector<1x16xf32>,
      %mul3A_416 = arith.constant 2 : i32
      %mul3A_417 = arith.muli %mul3A_416, %scan3A_36 : i32
      %get3A_418 = arith.index_cast %mul3A_417 : i32 to index
      %get3A_419 = arith.constant 304 : index
      %get3A_420 = tpu.vector_load %arg7[%get3A_418, %get3A_419] {strides = array<i32>} : memref<64x768xf32, #tpu.memory_space<vmem>>, vector<1x16xf32>,
      %get3A_421 = vector.shape_cast %get3A_420 : vector<1x16xf32> to vector<16xf32>
      %mul3A_422 = arith.constant 2 : i32
      %mul3A_423 = arith.muli %mul3A_422, %scan3A_36 : i32
      %add3A_424 = arith.constant 1 : i32
      %add3A_425 = arith.addi %mul3A_423, %add3A_424 : i32
      %get3A_426 = arith.index_cast %add3A_425 : i32 to index
      %get3A_427 = arith.constant 304 : index
      %get3A_428 = tpu.vector_load %arg7[%get3A_426, %get3A_427] {strides = array<i32>} : memref<64x768xf32, #tpu.memory_space<vmem>>, vector<1x16xf32>,
      %get3A_429 = vector.shape_cast %get3A_428 : vector<1x16xf32> to vector<16xf32>
      %add3A_430 = arith.addf %get3A_421, %get3A_429 : vector<16xf32>
      %swap3A_431 = arith.index_cast %scan3A_36 : i32 to index
      %swap3A_432 = arith.constant 304 : index
      %swap3A_433 = tpu.vector_load %arg9[%swap3A_431, %swap3A_432] {strides = array<i32>} : memref<32x768xf32, #tpu.memory_space<vmem>>, vector<1x16xf32>,
      %swap3A_434 = vector.shape_cast %swap3A_433 : vector<1x16xf32> to vector<16xf32>
      %swap3A_435 = vector.shape_cast %add3A_430 : vector<16xf32> to vector<1x16xf32>
      tpu.vector_store %arg9[%swap3A_431, %swap3A_432], %swap3A_435 {strides = array<i32>} : memref<32x768xf32, #tpu.memory_space<vmem>>, vector<1x16xf32>,
      %mul3A_436 = arith.constant 2 : i32
      %mul3A_437 = arith.muli %mul3A_436, %scan3A_36 : i32
      %get3A_438 = arith.index_cast %mul3A_437 : i32 to index
      %get3A_439 = arith.constant 320 : index
      %get3A_440 = tpu.vector_load %arg7[%get3A_438, %get3A_439] {strides = array<i32>} : memref<64x768xf32, #tpu.memory_space<vmem>>, vector<1x16xf32>,
      %get3A_441 = vector.shape_cast %get3A_440 : vector<1x16xf32> to vector<16xf32>
      %mul3A_442 = arith.constant 2 : i32
      %mul3A_443 = arith.muli %mul3A_442, %scan3A_36 : i32
      %add3A_444 = arith.constant 1 : i32
      %add3A_445 = arith.addi %mul3A_443, %add3A_444 : i32
      %get3A_446 = arith.index_cast %add3A_445 : i32 to index
      %get3A_447 = arith.constant 320 : index
      %get3A_448 = tpu.vector_load %arg7[%get3A_446, %get3A_447] {strides = array<i32>} : memref<64x768xf32, #tpu.memory_space<vmem>>, vector<1x16xf32>,
      %get3A_449 = vector.shape_cast %get3A_448 : vector<1x16xf32> to vector<16xf32>
      %add3A_450 = arith.addf %get3A_441, %get3A_449 : vector<16xf32>
      %swap3A_451 = arith.index_cast %scan3A_36 : i32 to index
      %swap3A_452 = arith.constant 320 : index
      %swap3A_453 = tpu.vector_load %arg9[%swap3A_451, %swap3A_452] {strides = array<i32>} : memref<32x768xf32, #tpu.memory_space<vmem>>, vector<1x16xf32>,
      %swap3A_454 = vector.shape_cast %swap3A_453 : vector<1x16xf32> to vector<16xf32>
      %swap3A_455 = vector.shape_cast %add3A_450 : vector<16xf32> to vector<1x16xf32>
      tpu.vector_store %arg9[%swap3A_451, %swap3A_452], %swap3A_455 {strides = array<i32>} : memref<32x768xf32, #tpu.memory_space<vmem>>, vector<1x16xf32>,
      %mul3A_456 = arith.constant 2 : i32
      %mul3A_457 = arith.muli %mul3A_456, %scan3A_36 : i32
      %get3A_458 = arith.index_cast %mul3A_457 : i32 to index
      %get3A_459 = arith.constant 336 : index
      %get3A_460 = tpu.vector_load %arg7[%get3A_458, %get3A_459] {strides = array<i32>} : memref<64x768xf32, #tpu.memory_space<vmem>>, vector<1x16xf32>,
      %get3A_461 = vector.shape_cast %get3A_460 : vector<1x16xf32> to vector<16xf32>
      %mul3A_462 = arith.constant 2 : i32
      %mul3A_463 = arith.muli %mul3A_462, %scan3A_36 : i32
      %add3A_464 = arith.constant 1 : i32
      %add3A_465 = arith.addi %mul3A_463, %add3A_464 : i32
      %get3A_466 = arith.index_cast %add3A_465 : i32 to index
      %get3A_467 = arith.constant 336 : index
      %get3A_468 = tpu.vector_load %arg7[%get3A_466, %get3A_467] {strides = array<i32>} : memref<64x768xf32, #tpu.memory_space<vmem>>, vector<1x16xf32>,
      %get3A_469 = vector.shape_cast %get3A_468 : vector<1x16xf32> to vector<16xf32>
      %add3A_470 = arith.addf %get3A_461, %get3A_469 : vector<16xf32>
      %swap3A_471 = arith.index_cast %scan3A_36 : i32 to index
      %swap3A_472 = arith.constant 336 : index
      %swap3A_473 = tpu.vector_load %arg9[%swap3A_471, %swap3A_472] {strides = array<i32>} : memref<32x768xf32, #tpu.memory_space<vmem>>, vector<1x16xf32>,
      %swap3A_474 = vector.shape_cast %swap3A_473 : vector<1x16xf32> to vector<16xf32>
      %swap3A_475 = vector.shape_cast %add3A_470 : vector<16xf32> to vector<1x16xf32>
      tpu.vector_store %arg9[%swap3A_471, %swap3A_472], %swap3A_475 {strides = array<i32>} : memref<32x768xf32, #tpu.memory_space<vmem>>, vector<1x16xf32>,
      %mul3A_476 = arith.constant 2 : i32
      %mul3A_477 = arith.muli %mul3A_476, %scan3A_36 : i32
      %get3A_478 = arith.index_cast %mul3A_477 : i32 to index
      %get3A_479 = arith.constant 352 : index
      %get3A_480 = tpu.vector_load %arg7[%get3A_478, %get3A_479] {strides = array<i32>} : memref<64x768xf32, #tpu.memory_space<vmem>>, vector<1x16xf32>,
      %get3A_481 = vector.shape_cast %get3A_480 : vector<1x16xf32> to vector<16xf32>
      %mul3A_482 = arith.constant 2 : i32
      %mul3A_483 = arith.muli %mul3A_482, %scan3A_36 : i32
      %add3A_484 = arith.constant 1 : i32
      %add3A_485 = arith.addi %mul3A_483, %add3A_484 : i32
      %get3A_486 = arith.index_cast %add3A_485 : i32 to index
      %get3A_487 = arith.constant 352 : index
      %get3A_488 = tpu.vector_load %arg7[%get3A_486, %get3A_487] {strides = array<i32>} : memref<64x768xf32, #tpu.memory_space<vmem>>, vector<1x16xf32>,
      %get3A_489 = vector.shape_cast %get3A_488 : vector<1x16xf32> to vector<16xf32>
      %add3A_490 = arith.addf %get3A_481, %get3A_489 : vector<16xf32>
      %swap3A_491 = arith.index_cast %scan3A_36 : i32 to index
      %swap3A_492 = arith.constant 352 : index
      %swap3A_493 = tpu.vector_load %arg9[%swap3A_491, %swap3A_492] {strides = array<i32>} : memref<32x768xf32, #tpu.memory_space<vmem>>, vector<1x16xf32>,
      %swap3A_494 = vector.shape_cast %swap3A_493 : vector<1x16xf32> to vector<16xf32>
      %swap3A_495 = vector.shape_cast %add3A_490 : vector<16xf32> to vector<1x16xf32>
      tpu.vector_store %arg9[%swap3A_491, %swap3A_492], %swap3A_495 {strides = array<i32>} : memref<32x768xf32, #tpu.memory_space<vmem>>, vector<1x16xf32>,
      %mul3A_496 = arith.constant 2 : i32
      %mul3A_497 = arith.muli %mul3A_496, %scan3A_36 : i32
      %get3A_498 = arith.index_cast %mul3A_497 : i32 to index
      %get3A_499 = arith.constant 368 : index
      %get3A_500 = tpu.vector_load %arg7[%get3A_498, %get3A_499] {strides = array<i32>} : memref<64x768xf32, #tpu.memory_space<vmem>>, vector<1x16xf32>,
      %get3A_501 = vector.shape_cast %get3A_500 : vector<1x16xf32> to vector<16xf32>
      %mul3A_502 = arith.constant 2 : i32
      %mul3A_503 = arith.muli %mul3A_502, %scan3A_36 : i32
      %add3A_504 = arith.constant 1 : i32
      %add3A_505 = arith.addi %mul3A_503, %add3A_504 : i32
      %get3A_506 = arith.index_cast %add3A_505 : i32 to index
      %get3A_507 = arith.constant 368 : index
      %get3A_508 = tpu.vector_load %arg7[%get3A_506, %get3A_507] {strides = array<i32>} : memref<64x768xf32, #tpu.memory_space<vmem>>, vector<1x16xf32>,
      %get3A_509 = vector.shape_cast %get3A_508 : vector<1x16xf32> to vector<16xf32>
      %add3A_510 = arith.addf %get3A_501, %get3A_509 : vector<16xf32>
      %swap3A_511 = arith.index_cast %scan3A_36 : i32 to index
      %swap3A_512 = arith.constant 368 : index
      %swap3A_513 = tpu.vector_load %arg9[%swap3A_511, %swap3A_512] {strides = array<i32>} : memref<32x768xf32, #tpu.memory_space<vmem>>, vector<1x16xf32>,
      %swap3A_514 = vector.shape_cast %swap3A_513 : vector<1x16xf32> to vector<16xf32>
      %swap3A_515 = vector.shape_cast %add3A_510 : vector<16xf32> to vector<1x16xf32>
      tpu.vector_store %arg9[%swap3A_511, %swap3A_512], %swap3A_515 {strides = array<i32>} : memref<32x768xf32, #tpu.memory_space<vmem>>, vector<1x16xf32>,
      %mul3A_516 = arith.constant 2 : i32
      %mul3A_517 = arith.muli %mul3A_516, %scan3A_36 : i32
      %get3A_518 = arith.index_cast %mul3A_517 : i32 to index
      %get3A_519 = arith.constant 384 : index
      %get3A_520 = tpu.vector_load %arg7[%get3A_518, %get3A_519] {strides = array<i32>} : memref<64x768xf32, #tpu.memory_space<vmem>>, vector<1x16xf32>,
      %get3A_521 = vector.shape_cast %get3A_520 : vector<1x16xf32> to vector<16xf32>
      %mul3A_522 = arith.constant 2 : i32
      %mul3A_523 = arith.muli %mul3A_522, %scan3A_36 : i32
      %add3A_524 = arith.constant 1 : i32
      %add3A_525 = arith.addi %mul3A_523, %add3A_524 : i32
      %get3A_526 = arith.index_cast %add3A_525 : i32 to index
      %get3A_527 = arith.constant 384 : index
      %get3A_528 = tpu.vector_load %arg7[%get3A_526, %get3A_527] {strides = array<i32>} : memref<64x768xf32, #tpu.memory_space<vmem>>, vector<1x16xf32>,
      %get3A_529 = vector.shape_cast %get3A_528 : vector<1x16xf32> to vector<16xf32>
      %add3A_530 = arith.addf %get3A_521, %get3A_529 : vector<16xf32>
      %swap3A_531 = arith.index_cast %scan3A_36 : i32 to index
      %swap3A_532 = arith.constant 384 : index
      %swap3A_533 = tpu.vector_load %arg9[%swap3A_531, %swap3A_532] {strides = array<i32>} : memref<32x768xf32, #tpu.memory_space<vmem>>, vector<1x16xf32>,
      %swap3A_534 = vector.shape_cast %swap3A_533 : vector<1x16xf32> to vector<16xf32>
      %swap3A_535 = vector.shape_cast %add3A_530 : vector<16xf32> to vector<1x16xf32>
      tpu.vector_store %arg9[%swap3A_531, %swap3A_532], %swap3A_535 {strides = array<i32>} : memref<32x768xf32, #tpu.memory_space<vmem>>, vector<1x16xf32>,
      %mul3A_536 = arith.constant 2 : i32
      %mul3A_537 = arith.muli %mul3A_536, %scan3A_36 : i32
      %get3A_538 = arith.index_cast %mul3A_537 : i32 to index
      %get3A_539 = arith.constant 400 : index
      %get3A_540 = tpu.vector_load %arg7[%get3A_538, %get3A_539] {strides = array<i32>} : memref<64x768xf32, #tpu.memory_space<vmem>>, vector<1x16xf32>,
      %get3A_541 = vector.shape_cast %get3A_540 : vector<1x16xf32> to vector<16xf32>
      %mul3A_542 = arith.constant 2 : i32
      %mul3A_543 = arith.muli %mul3A_542, %scan3A_36 : i32
      %add3A_544 = arith.constant 1 : i32
      %add3A_545 = arith.addi %mul3A_543, %add3A_544 : i32
      %get3A_546 = arith.index_cast %add3A_545 : i32 to index
      %get3A_547 = arith.constant 400 : index
      %get3A_548 = tpu.vector_load %arg7[%get3A_546, %get3A_547] {strides = array<i32>} : memref<64x768xf32, #tpu.memory_space<vmem>>, vector<1x16xf32>,
      %get3A_549 = vector.shape_cast %get3A_548 : vector<1x16xf32> to vector<16xf32>
      %add3A_550 = arith.addf %get3A_541, %get3A_549 : vector<16xf32>
      %swap3A_551 = arith.index_cast %scan3A_36 : i32 to index
      %swap3A_552 = arith.constant 400 : index
      %swap3A_553 = tpu.vector_load %arg9[%swap3A_551, %swap3A_552] {strides = array<i32>} : memref<32x768xf32, #tpu.memory_space<vmem>>, vector<1x16xf32>,
      %swap3A_554 = vector.shape_cast %swap3A_553 : vector<1x16xf32> to vector<16xf32>
      %swap3A_555 = vector.shape_cast %add3A_550 : vector<16xf32> to vector<1x16xf32>
      tpu.vector_store %arg9[%swap3A_551, %swap3A_552], %swap3A_555 {strides = array<i32>} : memref<32x768xf32, #tpu.memory_space<vmem>>, vector<1x16xf32>,
      %mul3A_556 = arith.constant 2 : i32
      %mul3A_557 = arith.muli %mul3A_556, %scan3A_36 : i32
      %get3A_558 = arith.index_cast %mul3A_557 : i32 to index
      %get3A_559 = arith.constant 416 : index
      %get3A_560 = tpu.vector_load %arg7[%get3A_558, %get3A_559] {strides = array<i32>} : memref<64x768xf32, #tpu.memory_space<vmem>>, vector<1x16xf32>,
      %get3A_561 = vector.shape_cast %get3A_560 : vector<1x16xf32> to vector<16xf32>
      %mul3A_562 = arith.constant 2 : i32
      %mul3A_563 = arith.muli %mul3A_562, %scan3A_36 : i32
      %add3A_564 = arith.constant 1 : i32
      %add3A_565 = arith.addi %mul3A_563, %add3A_564 : i32
      %get3A_566 = arith.index_cast %add3A_565 : i32 to index
      %get3A_567 = arith.constant 416 : index
      %get3A_568 = tpu.vector_load %arg7[%get3A_566, %get3A_567] {strides = array<i32>} : memref<64x768xf32, #tpu.memory_space<vmem>>, vector<1x16xf32>,
      %get3A_569 = vector.shape_cast %get3A_568 : vector<1x16xf32> to vector<16xf32>
      %add3A_570 = arith.addf %get3A_561, %get3A_569 : vector<16xf32>
      %swap3A_571 = arith.index_cast %scan3A_36 : i32 to index
      %swap3A_572 = arith.constant 416 : index
      %swap3A_573 = tpu.vector_load %arg9[%swap3A_571, %swap3A_572] {strides = array<i32>} : memref<32x768xf32, #tpu.memory_space<vmem>>, vector<1x16xf32>,
      %swap3A_574 = vector.shape_cast %swap3A_573 : vector<1x16xf32> to vector<16xf32>
      %swap3A_575 = vector.shape_cast %add3A_570 : vector<16xf32> to vector<1x16xf32>
      tpu.vector_store %arg9[%swap3A_571, %swap3A_572], %swap3A_575 {strides = array<i32>} : memref<32x768xf32, #tpu.memory_space<vmem>>, vector<1x16xf32>,
      %mul3A_576 = arith.constant 2 : i32
      %mul3A_577 = arith.muli %mul3A_576, %scan3A_36 : i32
      %get3A_578 = arith.index_cast %mul3A_577 : i32 to index
      %get3A_579 = arith.constant 432 : index
      %get3A_580 = tpu.vector_load %arg7[%get3A_578, %get3A_579] {strides = array<i32>} : memref<64x768xf32, #tpu.memory_space<vmem>>, vector<1x16xf32>,
      %get3A_581 = vector.shape_cast %get3A_580 : vector<1x16xf32> to vector<16xf32>
      %mul3A_582 = arith.constant 2 : i32
      %mul3A_583 = arith.muli %mul3A_582, %scan3A_36 : i32
      %add3A_584 = arith.constant 1 : i32
      %add3A_585 = arith.addi %mul3A_583, %add3A_584 : i32
      %get3A_586 = arith.index_cast %add3A_585 : i32 to index
      %get3A_587 = arith.constant 432 : index
      %get3A_588 = tpu.vector_load %arg7[%get3A_586, %get3A_587] {strides = array<i32>} : memref<64x768xf32, #tpu.memory_space<vmem>>, vector<1x16xf32>,
      %get3A_589 = vector.shape_cast %get3A_588 : vector<1x16xf32> to vector<16xf32>
      %add3A_590 = arith.addf %get3A_581, %get3A_589 : vector<16xf32>
      %swap3A_591 = arith.index_cast %scan3A_36 : i32 to index
      %swap3A_592 = arith.constant 432 : index
      %swap3A_593 = tpu.vector_load %arg9[%swap3A_591, %swap3A_592] {strides = array<i32>} : memref<32x768xf32, #tpu.memory_space<vmem>>, vector<1x16xf32>,
      %swap3A_594 = vector.shape_cast %swap3A_593 : vector<1x16xf32> to vector<16xf32>
      %swap3A_595 = vector.shape_cast %add3A_590 : vector<16xf32> to vector<1x16xf32>
      tpu.vector_store %arg9[%swap3A_591, %swap3A_592], %swap3A_595 {strides = array<i32>} : memref<32x768xf32, #tpu.memory_space<vmem>>, vector<1x16xf32>,
      %mul3A_596 = arith.constant 2 : i32
      %mul3A_597 = arith.muli %mul3A_596, %scan3A_36 : i32
      %get3A_598 = arith.index_cast %mul3A_597 : i32 to index
      %get3A_599 = arith.constant 448 : index
      %get3A_600 = tpu.vector_load %arg7[%get3A_598, %get3A_599] {strides = array<i32>} : memref<64x768xf32, #tpu.memory_space<vmem>>, vector<1x16xf32>,
      %get3A_601 = vector.shape_cast %get3A_600 : vector<1x16xf32> to vector<16xf32>
      %mul3A_602 = arith.constant 2 : i32
      %mul3A_603 = arith.muli %mul3A_602, %scan3A_36 : i32
      %add3A_604 = arith.constant 1 : i32
      %add3A_605 = arith.addi %mul3A_603, %add3A_604 : i32
      %get3A_606 = arith.index_cast %add3A_605 : i32 to index
      %get3A_607 = arith.constant 448 : index
      %get3A_608 = tpu.vector_load %arg7[%get3A_606, %get3A_607] {strides = array<i32>} : memref<64x768xf32, #tpu.memory_space<vmem>>, vector<1x16xf32>,
      %get3A_609 = vector.shape_cast %get3A_608 : vector<1x16xf32> to vector<16xf32>
      %add3A_610 = arith.addf %get3A_601, %get3A_609 : vector<16xf32>
      %swap3A_611 = arith.index_cast %scan3A_36 : i32 to index
      %swap3A_612 = arith.constant 448 : index
      %swap3A_613 = tpu.vector_load %arg9[%swap3A_611, %swap3A_612] {strides = array<i32>} : memref<32x768xf32, #tpu.memory_space<vmem>>, vector<1x16xf32>,
      %swap3A_614 = vector.shape_cast %swap3A_613 : vector<1x16xf32> to vector<16xf32>
      %swap3A_615 = vector.shape_cast %add3A_610 : vector<16xf32> to vector<1x16xf32>
      tpu.vector_store %arg9[%swap3A_611, %swap3A_612], %swap3A_615 {strides = array<i32>} : memref<32x768xf32, #tpu.memory_space<vmem>>, vector<1x16xf32>,
      %mul3A_616 = arith.constant 2 : i32
      %mul3A_617 = arith.muli %mul3A_616, %scan3A_36 : i32
      %get3A_618 = arith.index_cast %mul3A_617 : i32 to index
      %get3A_619 = arith.constant 464 : index
      %get3A_620 = tpu.vector_load %arg7[%get3A_618, %get3A_619] {strides = array<i32>} : memref<64x768xf32, #tpu.memory_space<vmem>>, vector<1x16xf32>,
      %get3A_621 = vector.shape_cast %get3A_620 : vector<1x16xf32> to vector<16xf32>
      %mul3A_622 = arith.constant 2 : i32
      %mul3A_623 = arith.muli %mul3A_622, %scan3A_36 : i32
      %add3A_624 = arith.constant 1 : i32
      %add3A_625 = arith.addi %mul3A_623, %add3A_624 : i32
      %get3A_626 = arith.index_cast %add3A_625 : i32 to index
      %get3A_627 = arith.constant 464 : index
      %get3A_628 = tpu.vector_load %arg7[%get3A_626, %get3A_627] {strides = array<i32>} : memref<64x768xf32, #tpu.memory_space<vmem>>, vector<1x16xf32>,
      %get3A_629 = vector.shape_cast %get3A_628 : vector<1x16xf32> to vector<16xf32>
      %add3A_630 = arith.addf %get3A_621, %get3A_629 : vector<16xf32>
      %swap3A_631 = arith.index_cast %scan3A_36 : i32 to index
      %swap3A_632 = arith.constant 464 : index
      %swap3A_633 = tpu.vector_load %arg9[%swap3A_631, %swap3A_632] {strides = array<i32>} : memref<32x768xf32, #tpu.memory_space<vmem>>, vector<1x16xf32>,
      %swap3A_634 = vector.shape_cast %swap3A_633 : vector<1x16xf32> to vector<16xf32>
      %swap3A_635 = vector.shape_cast %add3A_630 : vector<16xf32> to vector<1x16xf32>
      tpu.vector_store %arg9[%swap3A_631, %swap3A_632], %swap3A_635 {strides = array<i32>} : memref<32x768xf32, #tpu.memory_space<vmem>>, vector<1x16xf32>,
      %mul3A_636 = arith.constant 2 : i32
      %mul3A_637 = arith.muli %mul3A_636, %scan3A_36 : i32
      %get3A_638 = arith.index_cast %mul3A_637 : i32 to index
      %get3A_639 = arith.constant 480 : index
      %get3A_640 = tpu.vector_load %arg7[%get3A_638, %get3A_639] {strides = array<i32>} : memref<64x768xf32, #tpu.memory_space<vmem>>, vector<1x16xf32>,
      %get3A_641 = vector.shape_cast %get3A_640 : vector<1x16xf32> to vector<16xf32>
      %mul3A_642 = arith.constant 2 : i32
      %mul3A_643 = arith.muli %mul3A_642, %scan3A_36 : i32
      %add3A_644 = arith.constant 1 : i32
      %add3A_645 = arith.addi %mul3A_643, %add3A_644 : i32
      %get3A_646 = arith.index_cast %add3A_645 : i32 to index
      %get3A_647 = arith.constant 480 : index
      %get3A_648 = tpu.vector_load %arg7[%get3A_646, %get3A_647] {strides = array<i32>} : memref<64x768xf32, #tpu.memory_space<vmem>>, vector<1x16xf32>,
      %get3A_649 = vector.shape_cast %get3A_648 : vector<1x16xf32> to vector<16xf32>
      %add3A_650 = arith.addf %get3A_641, %get3A_649 : vector<16xf32>
      %swap3A_651 = arith.index_cast %scan3A_36 : i32 to index
      %swap3A_652 = arith.constant 480 : index
      %swap3A_653 = tpu.vector_load %arg9[%swap3A_651, %swap3A_652] {strides = array<i32>} : memref<32x768xf32, #tpu.memory_space<vmem>>, vector<1x16xf32>,
      %swap3A_654 = vector.shape_cast %swap3A_653 : vector<1x16xf32> to vector<16xf32>
      %swap3A_655 = vector.shape_cast %add3A_650 : vector<16xf32> to vector<1x16xf32>
      tpu.vector_store %arg9[%swap3A_651, %swap3A_652], %swap3A_655 {strides = array<i32>} : memref<32x768xf32, #tpu.memory_space<vmem>>, vector<1x16xf32>,
      %mul3A_656 = arith.constant 2 : i32
      %mul3A_657 = arith.muli %mul3A_656, %scan3A_36 : i32
      %get3A_658 = arith.index_cast %mul3A_657 : i32 to index
      %get3A_659 = arith.constant 496 : index
      %get3A_660 = tpu.vector_load %arg7[%get3A_658, %get3A_659] {strides = array<i32>} : memref<64x768xf32, #tpu.memory_space<vmem>>, vector<1x16xf32>,
      %get3A_661 = vector.shape_cast %get3A_660 : vector<1x16xf32> to vector<16xf32>
      %mul3A_662 = arith.constant 2 : i32
      %mul3A_663 = arith.muli %mul3A_662, %scan3A_36 : i32
      %add3A_664 = arith.constant 1 : i32
      %add3A_665 = arith.addi %mul3A_663, %add3A_664 : i32
      %get3A_666 = arith.index_cast %add3A_665 : i32 to index
      %get3A_667 = arith.constant 496 : index
      %get3A_668 = tpu.vector_load %arg7[%get3A_666, %get3A_667] {strides = array<i32>} : memref<64x768xf32, #tpu.memory_space<vmem>>, vector<1x16xf32>,
      %get3A_669 = vector.shape_cast %get3A_668 : vector<1x16xf32> to vector<16xf32>
      %add3A_670 = arith.addf %get3A_661, %get3A_669 : vector<16xf32>
      %swap3A_671 = arith.index_cast %scan3A_36 : i32 to index
      %swap3A_672 = arith.constant 496 : index
      %swap3A_673 = tpu.vector_load %arg9[%swap3A_671, %swap3A_672] {strides = array<i32>} : memref<32x768xf32, #tpu.memory_space<vmem>>, vector<1x16xf32>,
      %swap3A_674 = vector.shape_cast %swap3A_673 : vector<1x16xf32> to vector<16xf32>
      %swap3A_675 = vector.shape_cast %add3A_670 : vector<16xf32> to vector<1x16xf32>
      tpu.vector_store %arg9[%swap3A_671, %swap3A_672], %swap3A_675 {strides = array<i32>} : memref<32x768xf32, #tpu.memory_space<vmem>>, vector<1x16xf32>,
      %mul3A_676 = arith.constant 2 : i32
      %mul3A_677 = arith.muli %mul3A_676, %scan3A_36 : i32
      %get3A_678 = arith.index_cast %mul3A_677 : i32 to index
      %get3A_679 = arith.constant 512 : index
      %get3A_680 = tpu.vector_load %arg7[%get3A_678, %get3A_679] {strides = array<i32>} : memref<64x768xf32, #tpu.memory_space<vmem>>, vector<1x16xf32>,
      %get3A_681 = vector.shape_cast %get3A_680 : vector<1x16xf32> to vector<16xf32>
      %mul3A_682 = arith.constant 2 : i32
      %mul3A_683 = arith.muli %mul3A_682, %scan3A_36 : i32
      %add3A_684 = arith.constant 1 : i32
      %add3A_685 = arith.addi %mul3A_683, %add3A_684 : i32
      %get3A_686 = arith.index_cast %add3A_685 : i32 to index
      %get3A_687 = arith.constant 512 : index
      %get3A_688 = tpu.vector_load %arg7[%get3A_686, %get3A_687] {strides = array<i32>} : memref<64x768xf32, #tpu.memory_space<vmem>>, vector<1x16xf32>,
      %get3A_689 = vector.shape_cast %get3A_688 : vector<1x16xf32> to vector<16xf32>
      %add3A_690 = arith.addf %get3A_681, %get3A_689 : vector<16xf32>
      %swap3A_691 = arith.index_cast %scan3A_36 : i32 to index
      %swap3A_692 = arith.constant 512 : index
      %swap3A_693 = tpu.vector_load %arg9[%swap3A_691, %swap3A_692] {strides = array<i32>} : memref<32x768xf32, #tpu.memory_space<vmem>>, vector<1x16xf32>,
      %swap3A_694 = vector.shape_cast %swap3A_693 : vector<1x16xf32> to vector<16xf32>
      %swap3A_695 = vector.shape_cast %add3A_690 : vector<16xf32> to vector<1x16xf32>
      tpu.vector_store %arg9[%swap3A_691, %swap3A_692], %swap3A_695 {strides = array<i32>} : memref<32x768xf32, #tpu.memory_space<vmem>>, vector<1x16xf32>,
      %mul3A_696 = arith.constant 2 : i32
      %mul3A_697 = arith.muli %mul3A_696, %scan3A_36 : i32
      %get3A_698 = arith.index_cast %mul3A_697 : i32 to index
      %get3A_699 = arith.constant 528 : index
      %get3A_700 = tpu.vector_load %arg7[%get3A_698, %get3A_699] {strides = array<i32>} : memref<64x768xf32, #tpu.memory_space<vmem>>, vector<1x16xf32>,
      %get3A_701 = vector.shape_cast %get3A_700 : vector<1x16xf32> to vector<16xf32>
      %mul3A_702 = arith.constant 2 : i32
      %mul3A_703 = arith.muli %mul3A_702, %scan3A_36 : i32
      %add3A_704 = arith.constant 1 : i32
      %add3A_705 = arith.addi %mul3A_703, %add3A_704 : i32
      %get3A_706 = arith.index_cast %add3A_705 : i32 to index
      %get3A_707 = arith.constant 528 : index
      %get3A_708 = tpu.vector_load %arg7[%get3A_706, %get3A_707] {strides = array<i32>} : memref<64x768xf32, #tpu.memory_space<vmem>>, vector<1x16xf32>,
      %get3A_709 = vector.shape_cast %get3A_708 : vector<1x16xf32> to vector<16xf32>
      %add3A_710 = arith.addf %get3A_701, %get3A_709 : vector<16xf32>
      %swap3A_711 = arith.index_cast %scan3A_36 : i32 to index
      %swap3A_712 = arith.constant 528 : index
      %swap3A_713 = tpu.vector_load %arg9[%swap3A_711, %swap3A_712] {strides = array<i32>} : memref<32x768xf32, #tpu.memory_space<vmem>>, vector<1x16xf32>,
      %swap3A_714 = vector.shape_cast %swap3A_713 : vector<1x16xf32> to vector<16xf32>
      %swap3A_715 = vector.shape_cast %add3A_710 : vector<16xf32> to vector<1x16xf32>
      tpu.vector_store %arg9[%swap3A_711, %swap3A_712], %swap3A_715 {strides = array<i32>} : memref<32x768xf32, #tpu.memory_space<vmem>>, vector<1x16xf32>,
      %mul3A_716 = arith.constant 2 : i32
      %mul3A_717 = arith.muli %mul3A_716, %scan3A_36 : i32
      %get3A_718 = arith.index_cast %mul3A_717 : i32 to index
      %get3A_719 = arith.constant 544 : index
      %get3A_720 = tpu.vector_load %arg7[%get3A_718, %get3A_719] {strides = array<i32>} : memref<64x768xf32, #tpu.memory_space<vmem>>, vector<1x16xf32>,
      %get3A_721 = vector.shape_cast %get3A_720 : vector<1x16xf32> to vector<16xf32>
      %mul3A_722 = arith.constant 2 : i32
      %mul3A_723 = arith.muli %mul3A_722, %scan3A_36 : i32
      %add3A_724 = arith.constant 1 : i32
      %add3A_725 = arith.addi %mul3A_723, %add3A_724 : i32
      %get3A_726 = arith.index_cast %add3A_725 : i32 to index
      %get3A_727 = arith.constant 544 : index
      %get3A_728 = tpu.vector_load %arg7[%get3A_726, %get3A_727] {strides = array<i32>} : memref<64x768xf32, #tpu.memory_space<vmem>>, vector<1x16xf32>,
      %get3A_729 = vector.shape_cast %get3A_728 : vector<1x16xf32> to vector<16xf32>
      %add3A_730 = arith.addf %get3A_721, %get3A_729 : vector<16xf32>
      %swap3A_731 = arith.index_cast %scan3A_36 : i32 to index
      %swap3A_732 = arith.constant 544 : index
      %swap3A_733 = tpu.vector_load %arg9[%swap3A_731, %swap3A_732] {strides = array<i32>} : memref<32x768xf32, #tpu.memory_space<vmem>>, vector<1x16xf32>,
      %swap3A_734 = vector.shape_cast %swap3A_733 : vector<1x16xf32> to vector<16xf32>
      %swap3A_735 = vector.shape_cast %add3A_730 : vector<16xf32> to vector<1x16xf32>
      tpu.vector_store %arg9[%swap3A_731, %swap3A_732], %swap3A_735 {strides = array<i32>} : memref<32x768xf32, #tpu.memory_space<vmem>>, vector<1x16xf32>,
      %mul3A_736 = arith.constant 2 : i32
      %mul3A_737 = arith.muli %mul3A_736, %scan3A_36 : i32
      %get3A_738 = arith.index_cast %mul3A_737 : i32 to index
      %get3A_739 = arith.constant 560 : index
      %get3A_740 = tpu.vector_load %arg7[%get3A_738, %get3A_739] {strides = array<i32>} : memref<64x768xf32, #tpu.memory_space<vmem>>, vector<1x16xf32>,
      %get3A_741 = vector.shape_cast %get3A_740 : vector<1x16xf32> to vector<16xf32>
      %mul3A_742 = arith.constant 2 : i32
      %mul3A_743 = arith.muli %mul3A_742, %scan3A_36 : i32
      %add3A_744 = arith.constant 1 : i32
      %add3A_745 = arith.addi %mul3A_743, %add3A_744 : i32
      %get3A_746 = arith.index_cast %add3A_745 : i32 to index
      %get3A_747 = arith.constant 560 : index
      %get3A_748 = tpu.vector_load %arg7[%get3A_746, %get3A_747] {strides = array<i32>} : memref<64x768xf32, #tpu.memory_space<vmem>>, vector<1x16xf32>,
      %get3A_749 = vector.shape_cast %get3A_748 : vector<1x16xf32> to vector<16xf32>
      %add3A_750 = arith.addf %get3A_741, %get3A_749 : vector<16xf32>
      %swap3A_751 = arith.index_cast %scan3A_36 : i32 to index
      %swap3A_752 = arith.constant 560 : index
      %swap3A_753 = tpu.vector_load %arg9[%swap3A_751, %swap3A_752] {strides = array<i32>} : memref<32x768xf32, #tpu.memory_space<vmem>>, vector<1x16xf32>,
      %swap3A_754 = vector.shape_cast %swap3A_753 : vector<1x16xf32> to vector<16xf32>
      %swap3A_755 = vector.shape_cast %add3A_750 : vector<16xf32> to vector<1x16xf32>
      tpu.vector_store %arg9[%swap3A_751, %swap3A_752], %swap3A_755 {strides = array<i32>} : memref<32x768xf32, #tpu.memory_space<vmem>>, vector<1x16xf32>,
      %mul3A_756 = arith.constant 2 : i32
      %mul3A_757 = arith.muli %mul3A_756, %scan3A_36 : i32
      %get3A_758 = arith.index_cast %mul3A_757 : i32 to index
      %get3A_759 = arith.constant 576 : index
      %get3A_760 = tpu.vector_load %arg7[%get3A_758, %get3A_759] {strides = array<i32>} : memref<64x768xf32, #tpu.memory_space<vmem>>, vector<1x16xf32>,
      %get3A_761 = vector.shape_cast %get3A_760 : vector<1x16xf32> to vector<16xf32>
      %mul3A_762 = arith.constant 2 : i32
      %mul3A_763 = arith.muli %mul3A_762, %scan3A_36 : i32
      %add3A_764 = arith.constant 1 : i32
      %add3A_765 = arith.addi %mul3A_763, %add3A_764 : i32
      %get3A_766 = arith.index_cast %add3A_765 : i32 to index
      %get3A_767 = arith.constant 576 : index
      %get3A_768 = tpu.vector_load %arg7[%get3A_766, %get3A_767] {strides = array<i32>} : memref<64x768xf32, #tpu.memory_space<vmem>>, vector<1x16xf32>,
      %get3A_769 = vector.shape_cast %get3A_768 : vector<1x16xf32> to vector<16xf32>
      %add3A_770 = arith.addf %get3A_761, %get3A_769 : vector<16xf32>
      %swap3A_771 = arith.index_cast %scan3A_36 : i32 to index
      %swap3A_772 = arith.constant 576 : index
      %swap3A_773 = tpu.vector_load %arg9[%swap3A_771, %swap3A_772] {strides = array<i32>} : memref<32x768xf32, #tpu.memory_space<vmem>>, vector<1x16xf32>,
      %swap3A_774 = vector.shape_cast %swap3A_773 : vector<1x16xf32> to vector<16xf32>
      %swap3A_775 = vector.shape_cast %add3A_770 : vector<16xf32> to vector<1x16xf32>
      tpu.vector_store %arg9[%swap3A_771, %swap3A_772], %swap3A_775 {strides = array<i32>} : memref<32x768xf32, #tpu.memory_space<vmem>>, vector<1x16xf32>,
      %mul3A_776 = arith.constant 2 : i32
      %mul3A_777 = arith.muli %mul3A_776, %scan3A_36 : i32
      %get3A_778 = arith.index_cast %mul3A_777 : i32 to index
      %get3A_779 = arith.constant 592 : index
      %get3A_780 = tpu.vector_load %arg7[%get3A_778, %get3A_779] {strides = array<i32>} : memref<64x768xf32, #tpu.memory_space<vmem>>, vector<1x16xf32>,
      %get3A_781 = vector.shape_cast %get3A_780 : vector<1x16xf32> to vector<16xf32>
      %mul3A_782 = arith.constant 2 : i32
      %mul3A_783 = arith.muli %mul3A_782, %scan3A_36 : i32
      %add3A_784 = arith.constant 1 : i32
      %add3A_785 = arith.addi %mul3A_783, %add3A_784 : i32
      %get3A_786 = arith.index_cast %add3A_785 : i32 to index
      %get3A_787 = arith.constant 592 : index
      %get3A_788 = tpu.vector_load %arg7[%get3A_786, %get3A_787] {strides = array<i32>} : memref<64x768xf32, #tpu.memory_space<vmem>>, vector<1x16xf32>,
      %get3A_789 = vector.shape_cast %get3A_788 : vector<1x16xf32> to vector<16xf32>
      %add3A_790 = arith.addf %get3A_781, %get3A_789 : vector<16xf32>
      %swap3A_791 = arith.index_cast %scan3A_36 : i32 to index
      %swap3A_792 = arith.constant 592 : index
      %swap3A_793 = tpu.vector_load %arg9[%swap3A_791, %swap3A_792] {strides = array<i32>} : memref<32x768xf32, #tpu.memory_space<vmem>>, vector<1x16xf32>,
      %swap3A_794 = vector.shape_cast %swap3A_793 : vector<1x16xf32> to vector<16xf32>
      %swap3A_795 = vector.shape_cast %add3A_790 : vector<16xf32> to vector<1x16xf32>
      tpu.vector_store %arg9[%swap3A_791, %swap3A_792], %swap3A_795 {strides = array<i32>} : memref<32x768xf32, #tpu.memory_space<vmem>>, vector<1x16xf32>,
      %mul3A_796 = arith.constant 2 : i32
      %mul3A_797 = arith.muli %mul3A_796, %scan3A_36 : i32
      %get3A_798 = arith.index_cast %mul3A_797 : i32 to index
      %get3A_799 = arith.constant 608 : index
      %get3A_800 = tpu.vector_load %arg7[%get3A_798, %get3A_799] {strides = array<i32>} : memref<64x768xf32, #tpu.memory_space<vmem>>, vector<1x16xf32>,
      %get3A_801 = vector.shape_cast %get3A_800 : vector<1x16xf32> to vector<16xf32>
      %mul3A_802 = arith.constant 2 : i32
      %mul3A_803 = arith.muli %mul3A_802, %scan3A_36 : i32
      %add3A_804 = arith.constant 1 : i32
      %add3A_805 = arith.addi %mul3A_803, %add3A_804 : i32
      %get3A_806 = arith.index_cast %add3A_805 : i32 to index
      %get3A_807 = arith.constant 608 : index
      %get3A_808 = tpu.vector_load %arg7[%get3A_806, %get3A_807] {strides = array<i32>} : memref<64x768xf32, #tpu.memory_space<vmem>>, vector<1x16xf32>,
      %get3A_809 = vector.shape_cast %get3A_808 : vector<1x16xf32> to vector<16xf32>
      %add3A_810 = arith.addf %get3A_801, %get3A_809 : vector<16xf32>
      %swap3A_811 = arith.index_cast %scan3A_36 : i32 to index
      %swap3A_812 = arith.constant 608 : index
      %swap3A_813 = tpu.vector_load %arg9[%swap3A_811, %swap3A_812] {strides = array<i32>} : memref<32x768xf32, #tpu.memory_space<vmem>>, vector<1x16xf32>,
      %swap3A_814 = vector.shape_cast %swap3A_813 : vector<1x16xf32> to vector<16xf32>
      %swap3A_815 = vector.shape_cast %add3A_810 : vector<16xf32> to vector<1x16xf32>
      tpu.vector_store %arg9[%swap3A_811, %swap3A_812], %swap3A_815 {strides = array<i32>} : memref<32x768xf32, #tpu.memory_space<vmem>>, vector<1x16xf32>,
      %mul3A_816 = arith.constant 2 : i32
      %mul3A_817 = arith.muli %mul3A_816, %scan3A_36 : i32
      %get3A_818 = arith.index_cast %mul3A_817 : i32 to index
      %get3A_819 = arith.constant 624 : index
      %get3A_820 = tpu.vector_load %arg7[%get3A_818, %get3A_819] {strides = array<i32>} : memref<64x768xf32, #tpu.memory_space<vmem>>, vector<1x16xf32>,
      %get3A_821 = vector.shape_cast %get3A_820 : vector<1x16xf32> to vector<16xf32>
      %mul3A_822 = arith.constant 2 : i32
      %mul3A_823 = arith.muli %mul3A_822, %scan3A_36 : i32
      %add3A_824 = arith.constant 1 : i32
      %add3A_825 = arith.addi %mul3A_823, %add3A_824 : i32
      %get3A_826 = arith.index_cast %add3A_825 : i32 to index
      %get3A_827 = arith.constant 624 : index
      %get3A_828 = tpu.vector_load %arg7[%get3A_826, %get3A_827] {strides = array<i32>} : memref<64x768xf32, #tpu.memory_space<vmem>>, vector<1x16xf32>,
      %get3A_829 = vector.shape_cast %get3A_828 : vector<1x16xf32> to vector<16xf32>
      %add3A_830 = arith.addf %get3A_821, %get3A_829 : vector<16xf32>
      %swap3A_831 = arith.index_cast %scan3A_36 : i32 to index
      %swap3A_832 = arith.constant 624 : index
      %swap3A_833 = tpu.vector_load %arg9[%swap3A_831, %swap3A_832] {strides = array<i32>} : memref<32x768xf32, #tpu.memory_space<vmem>>, vector<1x16xf32>,
      %swap3A_834 = vector.shape_cast %swap3A_833 : vector<1x16xf32> to vector<16xf32>
      %swap3A_835 = vector.shape_cast %add3A_830 : vector<16xf32> to vector<1x16xf32>
      tpu.vector_store %arg9[%swap3A_831, %swap3A_832], %swap3A_835 {strides = array<i32>} : memref<32x768xf32, #tpu.memory_space<vmem>>, vector<1x16xf32>,
      %mul3A_836 = arith.constant 2 : i32
      %mul3A_837 = arith.muli %mul3A_836, %scan3A_36 : i32
      %get3A_838 = arith.index_cast %mul3A_837 : i32 to index
      %get3A_839 = arith.constant 640 : index
      %get3A_840 = tpu.vector_load %arg7[%get3A_838, %get3A_839] {strides = array<i32>} : memref<64x768xf32, #tpu.memory_space<vmem>>, vector<1x16xf32>,
      %get3A_841 = vector.shape_cast %get3A_840 : vector<1x16xf32> to vector<16xf32>
      %mul3A_842 = arith.constant 2 : i32
      %mul3A_843 = arith.muli %mul3A_842, %scan3A_36 : i32
      %add3A_844 = arith.constant 1 : i32
      %add3A_845 = arith.addi %mul3A_843, %add3A_844 : i32
      %get3A_846 = arith.index_cast %add3A_845 : i32 to index
      %get3A_847 = arith.constant 640 : index
      %get3A_848 = tpu.vector_load %arg7[%get3A_846, %get3A_847] {strides = array<i32>} : memref<64x768xf32, #tpu.memory_space<vmem>>, vector<1x16xf32>,
      %get3A_849 = vector.shape_cast %get3A_848 : vector<1x16xf32> to vector<16xf32>
      %add3A_850 = arith.addf %get3A_841, %get3A_849 : vector<16xf32>
      %swap3A_851 = arith.index_cast %scan3A_36 : i32 to index
      %swap3A_852 = arith.constant 640 : index
      %swap3A_853 = tpu.vector_load %arg9[%swap3A_851, %swap3A_852] {strides = array<i32>} : memref<32x768xf32, #tpu.memory_space<vmem>>, vector<1x16xf32>,
      %swap3A_854 = vector.shape_cast %swap3A_853 : vector<1x16xf32> to vector<16xf32>
      %swap3A_855 = vector.shape_cast %add3A_850 : vector<16xf32> to vector<1x16xf32>
      tpu.vector_store %arg9[%swap3A_851, %swap3A_852], %swap3A_855 {strides = array<i32>} : memref<32x768xf32, #tpu.memory_space<vmem>>, vector<1x16xf32>,
      %mul3A_856 = arith.constant 2 : i32
      %mul3A_857 = arith.muli %mul3A_856, %scan3A_36 : i32
      %get3A_858 = arith.index_cast %mul3A_857 : i32 to index
      %get3A_859 = arith.constant 656 : index
      %get3A_860 = tpu.vector_load %arg7[%get3A_858, %get3A_859] {strides = array<i32>} : memref<64x768xf32, #tpu.memory_space<vmem>>, vector<1x16xf32>,
      %get3A_861 = vector.shape_cast %get3A_860 : vector<1x16xf32> to vector<16xf32>
      %mul3A_862 = arith.constant 2 : i32
      %mul3A_863 = arith.muli %mul3A_862, %scan3A_36 : i32
      %add3A_864 = arith.constant 1 : i32
      %add3A_865 = arith.addi %mul3A_863, %add3A_864 : i32
      %get3A_866 = arith.index_cast %add3A_865 : i32 to index
      %get3A_867 = arith.constant 656 : index
      %get3A_868 = tpu.vector_load %arg7[%get3A_866, %get3A_867] {strides = array<i32>} : memref<64x768xf32, #tpu.memory_space<vmem>>, vector<1x16xf32>,
      %get3A_869 = vector.shape_cast %get3A_868 : vector<1x16xf32> to vector<16xf32>
      %add3A_870 = arith.addf %get3A_861, %get3A_869 : vector<16xf32>
      %swap3A_871 = arith.index_cast %scan3A_36 : i32 to index
      %swap3A_872 = arith.constant 656 : index
      %swap3A_873 = tpu.vector_load %arg9[%swap3A_871, %swap3A_872] {strides = array<i32>} : memref<32x768xf32, #tpu.memory_space<vmem>>, vector<1x16xf32>,
      %swap3A_874 = vector.shape_cast %swap3A_873 : vector<1x16xf32> to vector<16xf32>
      %swap3A_875 = vector.shape_cast %add3A_870 : vector<16xf32> to vector<1x16xf32>
      tpu.vector_store %arg9[%swap3A_871, %swap3A_872], %swap3A_875 {strides = array<i32>} : memref<32x768xf32, #tpu.memory_space<vmem>>, vector<1x16xf32>,
      %mul3A_876 = arith.constant 2 : i32
      %mul3A_877 = arith.muli %mul3A_876, %scan3A_36 : i32
      %get3A_878 = arith.index_cast %mul3A_877 : i32 to index
      %get3A_879 = arith.constant 672 : index
      %get3A_880 = tpu.vector_load %arg7[%get3A_878, %get3A_879] {strides = array<i32>} : memref<64x768xf32, #tpu.memory_space<vmem>>, vector<1x16xf32>,
      %get3A_881 = vector.shape_cast %get3A_880 : vector<1x16xf32> to vector<16xf32>
      %mul3A_882 = arith.constant 2 : i32
      %mul3A_883 = arith.muli %mul3A_882, %scan3A_36 : i32
      %add3A_884 = arith.constant 1 : i32
      %add3A_885 = arith.addi %mul3A_883, %add3A_884 : i32
      %get3A_886 = arith.index_cast %add3A_885 : i32 to index
      %get3A_887 = arith.constant 672 : index
      %get3A_888 = tpu.vector_load %arg7[%get3A_886, %get3A_887] {strides = array<i32>} : memref<64x768xf32, #tpu.memory_space<vmem>>, vector<1x16xf32>,
      %get3A_889 = vector.shape_cast %get3A_888 : vector<1x16xf32> to vector<16xf32>
      %add3A_890 = arith.addf %get3A_881, %get3A_889 : vector<16xf32>
      %swap3A_891 = arith.index_cast %scan3A_36 : i32 to index
      %swap3A_892 = arith.constant 672 : index
      %swap3A_893 = tpu.vector_load %arg9[%swap3A_891, %swap3A_892] {strides = array<i32>} : memref<32x768xf32, #tpu.memory_space<vmem>>, vector<1x16xf32>,
      %swap3A_894 = vector.shape_cast %swap3A_893 : vector<1x16xf32> to vector<16xf32>
      %swap3A_895 = vector.shape_cast %add3A_890 : vector<16xf32> to vector<1x16xf32>
      tpu.vector_store %arg9[%swap3A_891, %swap3A_892], %swap3A_895 {strides = array<i32>} : memref<32x768xf32, #tpu.memory_space<vmem>>, vector<1x16xf32>,
      %mul3A_896 = arith.constant 2 : i32
      %mul3A_897 = arith.muli %mul3A_896, %scan3A_36 : i32
      %get3A_898 = arith.index_cast %mul3A_897 : i32 to index
      %get3A_899 = arith.constant 688 : index
      %get3A_900 = tpu.vector_load %arg7[%get3A_898, %get3A_899] {strides = array<i32>} : memref<64x768xf32, #tpu.memory_space<vmem>>, vector<1x16xf32>,
      %get3A_901 = vector.shape_cast %get3A_900 : vector<1x16xf32> to vector<16xf32>
      %mul3A_902 = arith.constant 2 : i32
      %mul3A_903 = arith.muli %mul3A_902, %scan3A_36 : i32
      %add3A_904 = arith.constant 1 : i32
      %add3A_905 = arith.addi %mul3A_903, %add3A_904 : i32
      %get3A_906 = arith.index_cast %add3A_905 : i32 to index
      %get3A_907 = arith.constant 688 : index
      %get3A_908 = tpu.vector_load %arg7[%get3A_906, %get3A_907] {strides = array<i32>} : memref<64x768xf32, #tpu.memory_space<vmem>>, vector<1x16xf32>,
      %get3A_909 = vector.shape_cast %get3A_908 : vector<1x16xf32> to vector<16xf32>
      %add3A_910 = arith.addf %get3A_901, %get3A_909 : vector<16xf32>
      %swap3A_911 = arith.index_cast %scan3A_36 : i32 to index
      %swap3A_912 = arith.constant 688 : index
      %swap3A_913 = tpu.vector_load %arg9[%swap3A_911, %swap3A_912] {strides = array<i32>} : memref<32x768xf32, #tpu.memory_space<vmem>>, vector<1x16xf32>,
      %swap3A_914 = vector.shape_cast %swap3A_913 : vector<1x16xf32> to vector<16xf32>
      %swap3A_915 = vector.shape_cast %add3A_910 : vector<16xf32> to vector<1x16xf32>
      tpu.vector_store %arg9[%swap3A_911, %swap3A_912], %swap3A_915 {strides = array<i32>} : memref<32x768xf32, #tpu.memory_space<vmem>>, vector<1x16xf32>,
      %mul3A_916 = arith.constant 2 : i32
      %mul3A_917 = arith.muli %mul3A_916, %scan3A_36 : i32
      %get3A_918 = arith.index_cast %mul3A_917 : i32 to index
      %get3A_919 = arith.constant 704 : index
      %get3A_920 = tpu.vector_load %arg7[%get3A_918, %get3A_919] {strides = array<i32>} : memref<64x768xf32, #tpu.memory_space<vmem>>, vector<1x16xf32>,
      %get3A_921 = vector.shape_cast %get3A_920 : vector<1x16xf32> to vector<16xf32>
      %mul3A_922 = arith.constant 2 : i32
      %mul3A_923 = arith.muli %mul3A_922, %scan3A_36 : i32
      %add3A_924 = arith.constant 1 : i32
      %add3A_925 = arith.addi %mul3A_923, %add3A_924 : i32
      %get3A_926 = arith.index_cast %add3A_925 : i32 to index
      %get3A_927 = arith.constant 704 : index
      %get3A_928 = tpu.vector_load %arg7[%get3A_926, %get3A_927] {strides = array<i32>} : memref<64x768xf32, #tpu.memory_space<vmem>>, vector<1x16xf32>,
      %get3A_929 = vector.shape_cast %get3A_928 : vector<1x16xf32> to vector<16xf32>
      %add3A_930 = arith.addf %get3A_921, %get3A_929 : vector<16xf32>
      %swap3A_931 = arith.index_cast %scan3A_36 : i32 to index
      %swap3A_932 = arith.constant 704 : index
      %swap3A_933 = tpu.vector_load %arg9[%swap3A_931, %swap3A_932] {strides = array<i32>} : memref<32x768xf32, #tpu.memory_space<vmem>>, vector<1x16xf32>,
      %swap3A_934 = vector.shape_cast %swap3A_933 : vector<1x16xf32> to vector<16xf32>
      %swap3A_935 = vector.shape_cast %add3A_930 : vector<16xf32> to vector<1x16xf32>
      tpu.vector_store %arg9[%swap3A_931, %swap3A_932], %swap3A_935 {strides = array<i32>} : memref<32x768xf32, #tpu.memory_space<vmem>>, vector<1x16xf32>,
      %mul3A_936 = arith.constant 2 : i32
      %mul3A_937 = arith.muli %mul3A_936, %scan3A_36 : i32
      %get3A_938 = arith.index_cast %mul3A_937 : i32 to index
      %get3A_939 = arith.constant 720 : index
      %get3A_940 = tpu.vector_load %arg7[%get3A_938, %get3A_939] {strides = array<i32>} : memref<64x768xf32, #tpu.memory_space<vmem>>, vector<1x16xf32>,
      %get3A_941 = vector.shape_cast %get3A_940 : vector<1x16xf32> to vector<16xf32>
      %mul3A_942 = arith.constant 2 : i32
      %mul3A_943 = arith.muli %mul3A_942, %scan3A_36 : i32
      %add3A_944 = arith.constant 1 : i32
      %add3A_945 = arith.addi %mul3A_943, %add3A_944 : i32
      %get3A_946 = arith.index_cast %add3A_945 : i32 to index
      %get3A_947 = arith.constant 720 : index
      %get3A_948 = tpu.vector_load %arg7[%get3A_946, %get3A_947] {strides = array<i32>} : memref<64x768xf32, #tpu.memory_space<vmem>>, vector<1x16xf32>,
      %get3A_949 = vector.shape_cast %get3A_948 : vector<1x16xf32> to vector<16xf32>
      %add3A_950 = arith.addf %get3A_941, %get3A_949 : vector<16xf32>
      %swap3A_951 = arith.index_cast %scan3A_36 : i32 to index
      %swap3A_952 = arith.constant 720 : index
      %swap3A_953 = tpu.vector_load %arg9[%swap3A_951, %swap3A_952] {strides = array<i32>} : memref<32x768xf32, #tpu.memory_space<vmem>>, vector<1x16xf32>,
      %swap3A_954 = vector.shape_cast %swap3A_953 : vector<1x16xf32> to vector<16xf32>
      %swap3A_955 = vector.shape_cast %add3A_950 : vector<16xf32> to vector<1x16xf32>
      tpu.vector_store %arg9[%swap3A_951, %swap3A_952], %swap3A_955 {strides = array<i32>} : memref<32x768xf32, #tpu.memory_space<vmem>>, vector<1x16xf32>,
      %mul3A_956 = arith.constant 2 : i32
      %mul3A_957 = arith.muli %mul3A_956, %scan3A_36 : i32
      %get3A_958 = arith.index_cast %mul3A_957 : i32 to index
      %get3A_959 = arith.constant 736 : index
      %get3A_960 = tpu.vector_load %arg7[%get3A_958, %get3A_959] {strides = array<i32>} : memref<64x768xf32, #tpu.memory_space<vmem>>, vector<1x16xf32>,
      %get3A_961 = vector.shape_cast %get3A_960 : vector<1x16xf32> to vector<16xf32>
      %mul3A_962 = arith.constant 2 : i32
      %mul3A_963 = arith.muli %mul3A_962, %scan3A_36 : i32
      %add3A_964 = arith.constant 1 : i32
      %add3A_965 = arith.addi %mul3A_963, %add3A_964 : i32
      %get3A_966 = arith.index_cast %add3A_965 : i32 to index
      %get3A_967 = arith.constant 736 : index
      %get3A_968 = tpu.vector_load %arg7[%get3A_966, %get3A_967] {strides = array<i32>} : memref<64x768xf32, #tpu.memory_space<vmem>>, vector<1x16xf32>,
      %get3A_969 = vector.shape_cast %get3A_968 : vector<1x16xf32> to vector<16xf32>
      %add3A_970 = arith.addf %get3A_961, %get3A_969 : vector<16xf32>
      %swap3A_971 = arith.index_cast %scan3A_36 : i32 to index
      %swap3A_972 = arith.constant 736 : index
      %swap3A_973 = tpu.vector_load %arg9[%swap3A_971, %swap3A_972] {strides = array<i32>} : memref<32x768xf32, #tpu.memory_space<vmem>>, vector<1x16xf32>,
      %swap3A_974 = vector.shape_cast %swap3A_973 : vector<1x16xf32> to vector<16xf32>
      %swap3A_975 = vector.shape_cast %add3A_970 : vector<16xf32> to vector<1x16xf32>
      tpu.vector_store %arg9[%swap3A_971, %swap3A_972], %swap3A_975 {strides = array<i32>} : memref<32x768xf32, #tpu.memory_space<vmem>>, vector<1x16xf32>,
      %mul3A_976 = arith.constant 2 : i32
      %mul3A_977 = arith.muli %mul3A_976, %scan3A_36 : i32
      %get3A_978 = arith.index_cast %mul3A_977 : i32 to index
      %get3A_979 = arith.constant 752 : index
      %get3A_980 = tpu.vector_load %arg7[%get3A_978, %get3A_979] {strides = array<i32>} : memref<64x768xf32, #tpu.memory_space<vmem>>, vector<1x16xf32>,
      %get3A_981 = vector.shape_cast %get3A_980 : vector<1x16xf32> to vector<16xf32>
      %mul3A_982 = arith.constant 2 : i32
      %mul3A_983 = arith.muli %mul3A_982, %scan3A_36 : i32
      %add3A_984 = arith.constant 1 : i32
      %add3A_985 = arith.addi %mul3A_983, %add3A_984 : i32
      %get3A_986 = arith.index_cast %add3A_985 : i32 to index
      %get3A_987 = arith.constant 752 : index
      %get3A_988 = tpu.vector_load %arg7[%get3A_986, %get3A_987] {strides = array<i32>} : memref<64x768xf32, #tpu.memory_space<vmem>>, vector<1x16xf32>,
      %get3A_989 = vector.shape_cast %get3A_988 : vector<1x16xf32> to vector<16xf32>
      %add3A_990 = arith.addf %get3A_981, %get3A_989 : vector<16xf32>
      %swap3A_991 = arith.index_cast %scan3A_36 : i32 to index
      %swap3A_992 = arith.constant 752 : index
      %swap3A_993 = tpu.vector_load %arg9[%swap3A_991, %swap3A_992] {strides = array<i32>} : memref<32x768xf32, #tpu.memory_space<vmem>>, vector<1x16xf32>,
      %swap3A_994 = vector.shape_cast %swap3A_993 : vector<1x16xf32> to vector<16xf32>
      %swap3A_995 = vector.shape_cast %add3A_990 : vector<16xf32> to vector<1x16xf32>
      tpu.vector_store %arg9[%swap3A_991, %swap3A_992], %swap3A_995 {strides = array<i32>} : memref<32x768xf32, #tpu.memory_space<vmem>>, vector<1x16xf32>,
      %scan3A_996 = arith.constant 0 : i32
      scf.yield %scan3A_996 : i32
    }
    %scan3A_21 = arith.constant 32 : i32
    %add3A_22 = arith.constant 0 : i32
    %add3A_23 = arith.addi %mul3A_2, %add3A_22 : i32
    "tpu.region"() ({
      %run_scoped3A = tpu.sem_alloc : memref<!tpu.dma_semaphore, #tpu.memory_space<semaphore_mem>>
      %dma_start3A_36 = arith.constant 0 : i32
      %dma_start3A_37 = tpu.memref_slice %arg4[%add3A_23, %dma_start3A_36] : memref<2048x768xf32, #tpu.memory_space<hbm>> -> memref<32x768xf32, #tpu.memory_space<hbm>>
      %dma_start3A_38 = arith.constant 0 : i32
      %dma_start3A_39 = tpu.memref_slice %arg4[%add3A_23, %dma_start3A_38] : memref<2048x768xf32, #tpu.memory_space<hbm>> -> memref<32x768xf32, #tpu.memory_space<hbm>>
      tpu.enqueue_dma source(%arg9 : memref<32x768xf32, #tpu.memory_space<vmem>>) target(%dma_start3A_39 : memref<32x768xf32, #tpu.memory_space<hbm>>) target_semaphore(%run_scoped3A : memref<!tpu.dma_semaphore, #tpu.memory_space<semaphore_mem>>)
      %dma_wait3A_40 = arith.constant 0 : i32
      %dma_wait3A_41 = tpu.memref_slice %arg4[%add3A_23, %dma_wait3A_40] : memref<2048x768xf32, #tpu.memory_space<hbm>> -> memref<32x768xf32, #tpu.memory_space<hbm>>
      %dma_wait3A_42 = arith.constant 0 : i32
      %dma_wait3A_43 = tpu.memref_slice %arg4[%add3A_23, %dma_wait3A_42] : memref<2048x768xf32, #tpu.memory_space<hbm>> -> memref<32x768xf32, #tpu.memory_space<hbm>>
      tpu.wait_dma2 semaphore(%run_scoped3A : memref<!tpu.dma_semaphore, #tpu.memory_space<semaphore_mem>>) src(%arg9 : memref<32x768xf32, #tpu.memory_space<vmem>>) dst(%dma_wait3A_43 : memref<32x768xf32, #tpu.memory_space<hbm>>)
      tpu.yield
    }) : () -> ()
    %dma_wait3A_24 = arith.constant 0 : i32
    %dma_wait3A_25 = arith.constant 0 : i32
    %dma_wait3A_26 = tpu.memref_slice %arg3[%dma_wait3A_24, %dma_wait3A_25] : memref<6144x768xf32, #tpu.memory_space<hbm>> -> memref<6144x768xf32, #tpu.memory_space<hbm>>
    tpu.wait_indirect_dma semaphore(%arg11 : memref<!tpu.dma_semaphore, #tpu.memory_space<semaphore_mem>>) src(%dma_wait3A_26 : memref<6144x768xf32, #tpu.memory_space<hbm>>) dst(%arg8 : memref<64x768xf32, #tpu.memory_space<vmem>>)
    %scan3A_27 = arith.constant 0 : i32
    %scan3A_28 = arith.constant 0 : i32
    %scan3A_29 = arith.constant 32 : i32
    %scan3A_30 = arith.addi %scan3A_28, %scan3A_29 : i32
    %scan3A_31 = arith.constant 1 : i32
    %scan3A_32 = scf.for %scan3A_36 = %scan3A_28 to %scan3A_30 step %scan3A_31 iter_args(%scan3A_37 = %scan3A_27) -> (i32)  : i32 {
      %mul3A_38 = arith.constant 2 : i32
      %mul3A_39 = arith.muli %mul3A_38, %scan3A_36 : i32
      %get3A = arith.index_cast %mul3A_39 : i32 to index
      %get3A_40 = arith.constant 0 : index
      %get3A_41 = tpu.vector_load %arg8[%get3A, %get3A_40] {strides = array<i32>} : memref<64x768xf32, #tpu.memory_space<vmem>>, vector<1x16xf32>,
      %get3A_42 = vector.shape_cast %get3A_41 : vector<1x16xf32> to vector<16xf32>
      %mul3A_43 = arith.constant 2 : i32
      %mul3A_44 = arith.muli %mul3A_43, %scan3A_36 : i32
      %add3A_45 = arith.constant 1 : i32
      %add3A_46 = arith.addi %mul3A_44, %add3A_45 : i32
      %get3A_47 = arith.index_cast %add3A_46 : i32 to index
      %get3A_48 = arith.constant 0 : index
      %get3A_49 = tpu.vector_load %arg8[%get3A_47, %get3A_48] {strides = array<i32>} : memref<64x768xf32, #tpu.memory_space<vmem>>, vector<1x16xf32>,
      %get3A_50 = vector.shape_cast %get3A_49 : vector<1x16xf32> to vector<16xf32>
      %add3A_51 = arith.addf %get3A_42, %get3A_50 : vector<16xf32>
      %swap3A = arith.index_cast %scan3A_36 : i32 to index
      %swap3A_52 = arith.constant 0 : index
      %swap3A_53 = tpu.vector_load %arg9[%swap3A, %swap3A_52] {strides = array<i32>} : memref<32x768xf32, #tpu.memory_space<vmem>>, vector<1x16xf32>,
      %swap3A_54 = vector.shape_cast %swap3A_53 : vector<1x16xf32> to vector<16xf32>
      %swap3A_55 = vector.shape_cast %add3A_51 : vector<16xf32> to vector<1x16xf32>
      tpu.vector_store %arg9[%swap3A, %swap3A_52], %swap3A_55 {strides = array<i32>} : memref<32x768xf32, #tpu.memory_space<vmem>>, vector<1x16xf32>,
      %mul3A_56 = arith.constant 2 : i32
      %mul3A_57 = arith.muli %mul3A_56, %scan3A_36 : i32
      %get3A_58 = arith.index_cast %mul3A_57 : i32 to index
      %get3A_59 = arith.constant 16 : index
      %get3A_60 = tpu.vector_load %arg8[%get3A_58, %get3A_59] {strides = array<i32>} : memref<64x768xf32, #tpu.memory_space<vmem>>, vector<1x16xf32>,
      %get3A_61 = vector.shape_cast %get3A_60 : vector<1x16xf32> to vector<16xf32>
      %mul3A_62 = arith.constant 2 : i32
      %mul3A_63 = arith.muli %mul3A_62, %scan3A_36 : i32
      %add3A_64 = arith.constant 1 : i32
      %add3A_65 = arith.addi %mul3A_63, %add3A_64 : i32
      %get3A_66 = arith.index_cast %add3A_65 : i32 to index
      %get3A_67 = arith.constant 16 : index
      %get3A_68 = tpu.vector_load %arg8[%get3A_66, %get3A_67] {strides = array<i32>} : memref<64x768xf32, #tpu.memory_space<vmem>>, vector<1x16xf32>,
      %get3A_69 = vector.shape_cast %get3A_68 : vector<1x16xf32> to vector<16xf32>
      %add3A_70 = arith.addf %get3A_61, %get3A_69 : vector<16xf32>
      %swap3A_71 = arith.index_cast %scan3A_36 : i32 to index
      %swap3A_72 = arith.constant 16 : index
      %swap3A_73 = tpu.vector_load %arg9[%swap3A_71, %swap3A_72] {strides = array<i32>} : memref<32x768xf32, #tpu.memory_space<vmem>>, vector<1x16xf32>,
      %swap3A_74 = vector.shape_cast %swap3A_73 : vector<1x16xf32> to vector<16xf32>
      %swap3A_75 = vector.shape_cast %add3A_70 : vector<16xf32> to vector<1x16xf32>
      tpu.vector_store %arg9[%swap3A_71, %swap3A_72], %swap3A_75 {strides = array<i32>} : memref<32x768xf32, #tpu.memory_space<vmem>>, vector<1x16xf32>,
      %mul3A_76 = arith.constant 2 : i32
      %mul3A_77 = arith.muli %mul3A_76, %scan3A_36 : i32
      %get3A_78 = arith.index_cast %mul3A_77 : i32 to index
      %get3A_79 = arith.constant 32 : index
      %get3A_80 = tpu.vector_load %arg8[%get3A_78, %get3A_79] {strides = array<i32>} : memref<64x768xf32, #tpu.memory_space<vmem>>, vector<1x16xf32>,
      %get3A_81 = vector.shape_cast %get3A_80 : vector<1x16xf32> to vector<16xf32>
      %mul3A_82 = arith.constant 2 : i32
      %mul3A_83 = arith.muli %mul3A_82, %scan3A_36 : i32
      %add3A_84 = arith.constant 1 : i32
      %add3A_85 = arith.addi %mul3A_83, %add3A_84 : i32
      %get3A_86 = arith.index_cast %add3A_85 : i32 to index
      %get3A_87 = arith.constant 32 : index
      %get3A_88 = tpu.vector_load %arg8[%get3A_86, %get3A_87] {strides = array<i32>} : memref<64x768xf32, #tpu.memory_space<vmem>>, vector<1x16xf32>,
      %get3A_89 = vector.shape_cast %get3A_88 : vector<1x16xf32> to vector<16xf32>
      %add3A_90 = arith.addf %get3A_81, %get3A_89 : vector<16xf32>
      %swap3A_91 = arith.index_cast %scan3A_36 : i32 to index
      %swap3A_92 = arith.constant 32 : index
      %swap3A_93 = tpu.vector_load %arg9[%swap3A_91, %swap3A_92] {strides = array<i32>} : memref<32x768xf32, #tpu.memory_space<vmem>>, vector<1x16xf32>,
      %swap3A_94 = vector.shape_cast %swap3A_93 : vector<1x16xf32> to vector<16xf32>
      %swap3A_95 = vector.shape_cast %add3A_90 : vector<16xf32> to vector<1x16xf32>
      tpu.vector_store %arg9[%swap3A_91, %swap3A_92], %swap3A_95 {strides = array<i32>} : memref<32x768xf32, #tpu.memory_space<vmem>>, vector<1x16xf32>,
      %mul3A_96 = arith.constant 2 : i32
      %mul3A_97 = arith.muli %mul3A_96, %scan3A_36 : i32
      %get3A_98 = arith.index_cast %mul3A_97 : i32 to index
      %get3A_99 = arith.constant 48 : index
      %get3A_100 = tpu.vector_load %arg8[%get3A_98, %get3A_99] {strides = array<i32>} : memref<64x768xf32, #tpu.memory_space<vmem>>, vector<1x16xf32>,
      %get3A_101 = vector.shape_cast %get3A_100 : vector<1x16xf32> to vector<16xf32>
      %mul3A_102 = arith.constant 2 : i32
      %mul3A_103 = arith.muli %mul3A_102, %scan3A_36 : i32
      %add3A_104 = arith.constant 1 : i32
      %add3A_105 = arith.addi %mul3A_103, %add3A_104 : i32
      %get3A_106 = arith.index_cast %add3A_105 : i32 to index
      %get3A_107 = arith.constant 48 : index
      %get3A_108 = tpu.vector_load %arg8[%get3A_106, %get3A_107] {strides = array<i32>} : memref<64x768xf32, #tpu.memory_space<vmem>>, vector<1x16xf32>,
      %get3A_109 = vector.shape_cast %get3A_108 : vector<1x16xf32> to vector<16xf32>
      %add3A_110 = arith.addf %get3A_101, %get3A_109 : vector<16xf32>
      %swap3A_111 = arith.index_cast %scan3A_36 : i32 to index
      %swap3A_112 = arith.constant 48 : index
      %swap3A_113 = tpu.vector_load %arg9[%swap3A_111, %swap3A_112] {strides = array<i32>} : memref<32x768xf32, #tpu.memory_space<vmem>>, vector<1x16xf32>,
      %swap3A_114 = vector.shape_cast %swap3A_113 : vector<1x16xf32> to vector<16xf32>
      %swap3A_115 = vector.shape_cast %add3A_110 : vector<16xf32> to vector<1x16xf32>
      tpu.vector_store %arg9[%swap3A_111, %swap3A_112], %swap3A_115 {strides = array<i32>} : memref<32x768xf32, #tpu.memory_space<vmem>>, vector<1x16xf32>,
      %mul3A_116 = arith.constant 2 : i32
      %mul3A_117 = arith.muli %mul3A_116, %scan3A_36 : i32
      %get3A_118 = arith.index_cast %mul3A_117 : i32 to index
      %get3A_119 = arith.constant 64 : index
      %get3A_120 = tpu.vector_load %arg8[%get3A_118, %get3A_119] {strides = array<i32>} : memref<64x768xf32, #tpu.memory_space<vmem>>, vector<1x16xf32>,
      %get3A_121 = vector.shape_cast %get3A_120 : vector<1x16xf32> to vector<16xf32>
      %mul3A_122 = arith.constant 2 : i32
      %mul3A_123 = arith.muli %mul3A_122, %scan3A_36 : i32
      %add3A_124 = arith.constant 1 : i32
      %add3A_125 = arith.addi %mul3A_123, %add3A_124 : i32
      %get3A_126 = arith.index_cast %add3A_125 : i32 to index
      %get3A_127 = arith.constant 64 : index
      %get3A_128 = tpu.vector_load %arg8[%get3A_126, %get3A_127] {strides = array<i32>} : memref<64x768xf32, #tpu.memory_space<vmem>>, vector<1x16xf32>,
      %get3A_129 = vector.shape_cast %get3A_128 : vector<1x16xf32> to vector<16xf32>
      %add3A_130 = arith.addf %get3A_121, %get3A_129 : vector<16xf32>
      %swap3A_131 = arith.index_cast %scan3A_36 : i32 to index
      %swap3A_132 = arith.constant 64 : index
      %swap3A_133 = tpu.vector_load %arg9[%swap3A_131, %swap3A_132] {strides = array<i32>} : memref<32x768xf32, #tpu.memory_space<vmem>>, vector<1x16xf32>,
      %swap3A_134 = vector.shape_cast %swap3A_133 : vector<1x16xf32> to vector<16xf32>
      %swap3A_135 = vector.shape_cast %add3A_130 : vector<16xf32> to vector<1x16xf32>
      tpu.vector_store %arg9[%swap3A_131, %swap3A_132], %swap3A_135 {strides = array<i32>} : memref<32x768xf32, #tpu.memory_space<vmem>>, vector<1x16xf32>,
      %mul3A_136 = arith.constant 2 : i32
      %mul3A_137 = arith.muli %mul3A_136, %scan3A_36 : i32
      %get3A_138 = arith.index_cast %mul3A_137 : i32 to index
      %get3A_139 = arith.constant 80 : index
      %get3A_140 = tpu.vector_load %arg8[%get3A_138, %get3A_139] {strides = array<i32>} : memref<64x768xf32, #tpu.memory_space<vmem>>, vector<1x16xf32>,
      %get3A_141 = vector.shape_cast %get3A_140 : vector<1x16xf32> to vector<16xf32>
      %mul3A_142 = arith.constant 2 : i32
      %mul3A_143 = arith.muli %mul3A_142, %scan3A_36 : i32
      %add3A_144 = arith.constant 1 : i32
      %add3A_145 = arith.addi %mul3A_143, %add3A_144 : i32
      %get3A_146 = arith.index_cast %add3A_145 : i32 to index
      %get3A_147 = arith.constant 80 : index
      %get3A_148 = tpu.vector_load %arg8[%get3A_146, %get3A_147] {strides = array<i32>} : memref<64x768xf32, #tpu.memory_space<vmem>>, vector<1x16xf32>,
      %get3A_149 = vector.shape_cast %get3A_148 : vector<1x16xf32> to vector<16xf32>
      %add3A_150 = arith.addf %get3A_141, %get3A_149 : vector<16xf32>
      %swap3A_151 = arith.index_cast %scan3A_36 : i32 to index
      %swap3A_152 = arith.constant 80 : index
      %swap3A_153 = tpu.vector_load %arg9[%swap3A_151, %swap3A_152] {strides = array<i32>} : memref<32x768xf32, #tpu.memory_space<vmem>>, vector<1x16xf32>,
      %swap3A_154 = vector.shape_cast %swap3A_153 : vector<1x16xf32> to vector<16xf32>
      %swap3A_155 = vector.shape_cast %add3A_150 : vector<16xf32> to vector<1x16xf32>
      tpu.vector_store %arg9[%swap3A_151, %swap3A_152], %swap3A_155 {strides = array<i32>} : memref<32x768xf32, #tpu.memory_space<vmem>>, vector<1x16xf32>,
      %mul3A_156 = arith.constant 2 : i32
      %mul3A_157 = arith.muli %mul3A_156, %scan3A_36 : i32
      %get3A_158 = arith.index_cast %mul3A_157 : i32 to index
      %get3A_159 = arith.constant 96 : index
      %get3A_160 = tpu.vector_load %arg8[%get3A_158, %get3A_159] {strides = array<i32>} : memref<64x768xf32, #tpu.memory_space<vmem>>, vector<1x16xf32>,
      %get3A_161 = vector.shape_cast %get3A_160 : vector<1x16xf32> to vector<16xf32>
      %mul3A_162 = arith.constant 2 : i32
      %mul3A_163 = arith.muli %mul3A_162, %scan3A_36 : i32
      %add3A_164 = arith.constant 1 : i32
      %add3A_165 = arith.addi %mul3A_163, %add3A_164 : i32
      %get3A_166 = arith.index_cast %add3A_165 : i32 to index
      %get3A_167 = arith.constant 96 : index
      %get3A_168 = tpu.vector_load %arg8[%get3A_166, %get3A_167] {strides = array<i32>} : memref<64x768xf32, #tpu.memory_space<vmem>>, vector<1x16xf32>,
      %get3A_169 = vector.shape_cast %get3A_168 : vector<1x16xf32> to vector<16xf32>
      %add3A_170 = arith.addf %get3A_161, %get3A_169 : vector<16xf32>
      %swap3A_171 = arith.index_cast %scan3A_36 : i32 to index
      %swap3A_172 = arith.constant 96 : index
      %swap3A_173 = tpu.vector_load %arg9[%swap3A_171, %swap3A_172] {strides = array<i32>} : memref<32x768xf32, #tpu.memory_space<vmem>>, vector<1x16xf32>,
      %swap3A_174 = vector.shape_cast %swap3A_173 : vector<1x16xf32> to vector<16xf32>
      %swap3A_175 = vector.shape_cast %add3A_170 : vector<16xf32> to vector<1x16xf32>
      tpu.vector_store %arg9[%swap3A_171, %swap3A_172], %swap3A_175 {strides = array<i32>} : memref<32x768xf32, #tpu.memory_space<vmem>>, vector<1x16xf32>,
      %mul3A_176 = arith.constant 2 : i32
      %mul3A_177 = arith.muli %mul3A_176, %scan3A_36 : i32
      %get3A_178 = arith.index_cast %mul3A_177 : i32 to index
      %get3A_179 = arith.constant 112 : index
      %get3A_180 = tpu.vector_load %arg8[%get3A_178, %get3A_179] {strides = array<i32>} : memref<64x768xf32, #tpu.memory_space<vmem>>, vector<1x16xf32>,
      %get3A_181 = vector.shape_cast %get3A_180 : vector<1x16xf32> to vector<16xf32>
      %mul3A_182 = arith.constant 2 : i32
      %mul3A_183 = arith.muli %mul3A_182, %scan3A_36 : i32
      %add3A_184 = arith.constant 1 : i32
      %add3A_185 = arith.addi %mul3A_183, %add3A_184 : i32
      %get3A_186 = arith.index_cast %add3A_185 : i32 to index
      %get3A_187 = arith.constant 112 : index
      %get3A_188 = tpu.vector_load %arg8[%get3A_186, %get3A_187] {strides = array<i32>} : memref<64x768xf32, #tpu.memory_space<vmem>>, vector<1x16xf32>,
      %get3A_189 = vector.shape_cast %get3A_188 : vector<1x16xf32> to vector<16xf32>
      %add3A_190 = arith.addf %get3A_181, %get3A_189 : vector<16xf32>
      %swap3A_191 = arith.index_cast %scan3A_36 : i32 to index
      %swap3A_192 = arith.constant 112 : index
      %swap3A_193 = tpu.vector_load %arg9[%swap3A_191, %swap3A_192] {strides = array<i32>} : memref<32x768xf32, #tpu.memory_space<vmem>>, vector<1x16xf32>,
      %swap3A_194 = vector.shape_cast %swap3A_193 : vector<1x16xf32> to vector<16xf32>
      %swap3A_195 = vector.shape_cast %add3A_190 : vector<16xf32> to vector<1x16xf32>
      tpu.vector_store %arg9[%swap3A_191, %swap3A_192], %swap3A_195 {strides = array<i32>} : memref<32x768xf32, #tpu.memory_space<vmem>>, vector<1x16xf32>,
      %mul3A_196 = arith.constant 2 : i32
      %mul3A_197 = arith.muli %mul3A_196, %scan3A_36 : i32
      %get3A_198 = arith.index_cast %mul3A_197 : i32 to index
      %get3A_199 = arith.constant 128 : index
      %get3A_200 = tpu.vector_load %arg8[%get3A_198, %get3A_199] {strides = array<i32>} : memref<64x768xf32, #tpu.memory_space<vmem>>, vector<1x16xf32>,
      %get3A_201 = vector.shape_cast %get3A_200 : vector<1x16xf32> to vector<16xf32>
      %mul3A_202 = arith.constant 2 : i32
      %mul3A_203 = arith.muli %mul3A_202, %scan3A_36 : i32
      %add3A_204 = arith.constant 1 : i32
      %add3A_205 = arith.addi %mul3A_203, %add3A_204 : i32
      %get3A_206 = arith.index_cast %add3A_205 : i32 to index
      %get3A_207 = arith.constant 128 : index
      %get3A_208 = tpu.vector_load %arg8[%get3A_206, %get3A_207] {strides = array<i32>} : memref<64x768xf32, #tpu.memory_space<vmem>>, vector<1x16xf32>,
      %get3A_209 = vector.shape_cast %get3A_208 : vector<1x16xf32> to vector<16xf32>
      %add3A_210 = arith.addf %get3A_201, %get3A_209 : vector<16xf32>
      %swap3A_211 = arith.index_cast %scan3A_36 : i32 to index
      %swap3A_212 = arith.constant 128 : index
      %swap3A_213 = tpu.vector_load %arg9[%swap3A_211, %swap3A_212] {strides = array<i32>} : memref<32x768xf32, #tpu.memory_space<vmem>>, vector<1x16xf32>,
      %swap3A_214 = vector.shape_cast %swap3A_213 : vector<1x16xf32> to vector<16xf32>
      %swap3A_215 = vector.shape_cast %add3A_210 : vector<16xf32> to vector<1x16xf32>
      tpu.vector_store %arg9[%swap3A_211, %swap3A_212], %swap3A_215 {strides = array<i32>} : memref<32x768xf32, #tpu.memory_space<vmem>>, vector<1x16xf32>,
      %mul3A_216 = arith.constant 2 : i32
      %mul3A_217 = arith.muli %mul3A_216, %scan3A_36 : i32
      %get3A_218 = arith.index_cast %mul3A_217 : i32 to index
      %get3A_219 = arith.constant 144 : index
      %get3A_220 = tpu.vector_load %arg8[%get3A_218, %get3A_219] {strides = array<i32>} : memref<64x768xf32, #tpu.memory_space<vmem>>, vector<1x16xf32>,
      %get3A_221 = vector.shape_cast %get3A_220 : vector<1x16xf32> to vector<16xf32>
      %mul3A_222 = arith.constant 2 : i32
      %mul3A_223 = arith.muli %mul3A_222, %scan3A_36 : i32
      %add3A_224 = arith.constant 1 : i32
      %add3A_225 = arith.addi %mul3A_223, %add3A_224 : i32
      %get3A_226 = arith.index_cast %add3A_225 : i32 to index
      %get3A_227 = arith.constant 144 : index
      %get3A_228 = tpu.vector_load %arg8[%get3A_226, %get3A_227] {strides = array<i32>} : memref<64x768xf32, #tpu.memory_space<vmem>>, vector<1x16xf32>,
      %get3A_229 = vector.shape_cast %get3A_228 : vector<1x16xf32> to vector<16xf32>
      %add3A_230 = arith.addf %get3A_221, %get3A_229 : vector<16xf32>
      %swap3A_231 = arith.index_cast %scan3A_36 : i32 to index
      %swap3A_232 = arith.constant 144 : index
      %swap3A_233 = tpu.vector_load %arg9[%swap3A_231, %swap3A_232] {strides = array<i32>} : memref<32x768xf32, #tpu.memory_space<vmem>>, vector<1x16xf32>,
      %swap3A_234 = vector.shape_cast %swap3A_233 : vector<1x16xf32> to vector<16xf32>
      %swap3A_235 = vector.shape_cast %add3A_230 : vector<16xf32> to vector<1x16xf32>
      tpu.vector_store %arg9[%swap3A_231, %swap3A_232], %swap3A_235 {strides = array<i32>} : memref<32x768xf32, #tpu.memory_space<vmem>>, vector<1x16xf32>,
      %mul3A_236 = arith.constant 2 : i32
      %mul3A_237 = arith.muli %mul3A_236, %scan3A_36 : i32
      %get3A_238 = arith.index_cast %mul3A_237 : i32 to index
      %get3A_239 = arith.constant 160 : index
      %get3A_240 = tpu.vector_load %arg8[%get3A_238, %get3A_239] {strides = array<i32>} : memref<64x768xf32, #tpu.memory_space<vmem>>, vector<1x16xf32>,
      %get3A_241 = vector.shape_cast %get3A_240 : vector<1x16xf32> to vector<16xf32>
      %mul3A_242 = arith.constant 2 : i32
      %mul3A_243 = arith.muli %mul3A_242, %scan3A_36 : i32
      %add3A_244 = arith.constant 1 : i32
      %add3A_245 = arith.addi %mul3A_243, %add3A_244 : i32
      %get3A_246 = arith.index_cast %add3A_245 : i32 to index
      %get3A_247 = arith.constant 160 : index
      %get3A_248 = tpu.vector_load %arg8[%get3A_246, %get3A_247] {strides = array<i32>} : memref<64x768xf32, #tpu.memory_space<vmem>>, vector<1x16xf32>,
      %get3A_249 = vector.shape_cast %get3A_248 : vector<1x16xf32> to vector<16xf32>
      %add3A_250 = arith.addf %get3A_241, %get3A_249 : vector<16xf32>
      %swap3A_251 = arith.index_cast %scan3A_36 : i32 to index
      %swap3A_252 = arith.constant 160 : index
      %swap3A_253 = tpu.vector_load %arg9[%swap3A_251, %swap3A_252] {strides = array<i32>} : memref<32x768xf32, #tpu.memory_space<vmem>>, vector<1x16xf32>,
      %swap3A_254 = vector.shape_cast %swap3A_253 : vector<1x16xf32> to vector<16xf32>
      %swap3A_255 = vector.shape_cast %add3A_250 : vector<16xf32> to vector<1x16xf32>
      tpu.vector_store %arg9[%swap3A_251, %swap3A_252], %swap3A_255 {strides = array<i32>} : memref<32x768xf32, #tpu.memory_space<vmem>>, vector<1x16xf32>,
      %mul3A_256 = arith.constant 2 : i32
      %mul3A_257 = arith.muli %mul3A_256, %scan3A_36 : i32
      %get3A_258 = arith.index_cast %mul3A_257 : i32 to index
      %get3A_259 = arith.constant 176 : index
      %get3A_260 = tpu.vector_load %arg8[%get3A_258, %get3A_259] {strides = array<i32>} : memref<64x768xf32, #tpu.memory_space<vmem>>, vector<1x16xf32>,
      %get3A_261 = vector.shape_cast %get3A_260 : vector<1x16xf32> to vector<16xf32>
      %mul3A_262 = arith.constant 2 : i32
      %mul3A_263 = arith.muli %mul3A_262, %scan3A_36 : i32
      %add3A_264 = arith.constant 1 : i32
      %add3A_265 = arith.addi %mul3A_263, %add3A_264 : i32
      %get3A_266 = arith.index_cast %add3A_265 : i32 to index
      %get3A_267 = arith.constant 176 : index
      %get3A_268 = tpu.vector_load %arg8[%get3A_266, %get3A_267] {strides = array<i32>} : memref<64x768xf32, #tpu.memory_space<vmem>>, vector<1x16xf32>,
      %get3A_269 = vector.shape_cast %get3A_268 : vector<1x16xf32> to vector<16xf32>
      %add3A_270 = arith.addf %get3A_261, %get3A_269 : vector<16xf32>
      %swap3A_271 = arith.index_cast %scan3A_36 : i32 to index
      %swap3A_272 = arith.constant 176 : index
      %swap3A_273 = tpu.vector_load %arg9[%swap3A_271, %swap3A_272] {strides = array<i32>} : memref<32x768xf32, #tpu.memory_space<vmem>>, vector<1x16xf32>,
      %swap3A_274 = vector.shape_cast %swap3A_273 : vector<1x16xf32> to vector<16xf32>
      %swap3A_275 = vector.shape_cast %add3A_270 : vector<16xf32> to vector<1x16xf32>
      tpu.vector_store %arg9[%swap3A_271, %swap3A_272], %swap3A_275 {strides = array<i32>} : memref<32x768xf32, #tpu.memory_space<vmem>>, vector<1x16xf32>,
      %mul3A_276 = arith.constant 2 : i32
      %mul3A_277 = arith.muli %mul3A_276, %scan3A_36 : i32
      %get3A_278 = arith.index_cast %mul3A_277 : i32 to index
      %get3A_279 = arith.constant 192 : index
      %get3A_280 = tpu.vector_load %arg8[%get3A_278, %get3A_279] {strides = array<i32>} : memref<64x768xf32, #tpu.memory_space<vmem>>, vector<1x16xf32>,
      %get3A_281 = vector.shape_cast %get3A_280 : vector<1x16xf32> to vector<16xf32>
      %mul3A_282 = arith.constant 2 : i32
      %mul3A_283 = arith.muli %mul3A_282, %scan3A_36 : i32
      %add3A_284 = arith.constant 1 : i32
      %add3A_285 = arith.addi %mul3A_283, %add3A_284 : i32
      %get3A_286 = arith.index_cast %add3A_285 : i32 to index
      %get3A_287 = arith.constant 192 : index
      %get3A_288 = tpu.vector_load %arg8[%get3A_286, %get3A_287] {strides = array<i32>} : memref<64x768xf32, #tpu.memory_space<vmem>>, vector<1x16xf32>,
      %get3A_289 = vector.shape_cast %get3A_288 : vector<1x16xf32> to vector<16xf32>
      %add3A_290 = arith.addf %get3A_281, %get3A_289 : vector<16xf32>
      %swap3A_291 = arith.index_cast %scan3A_36 : i32 to index
      %swap3A_292 = arith.constant 192 : index
      %swap3A_293 = tpu.vector_load %arg9[%swap3A_291, %swap3A_292] {strides = array<i32>} : memref<32x768xf32, #tpu.memory_space<vmem>>, vector<1x16xf32>,
      %swap3A_294 = vector.shape_cast %swap3A_293 : vector<1x16xf32> to vector<16xf32>
      %swap3A_295 = vector.shape_cast %add3A_290 : vector<16xf32> to vector<1x16xf32>
      tpu.vector_store %arg9[%swap3A_291, %swap3A_292], %swap3A_295 {strides = array<i32>} : memref<32x768xf32, #tpu.memory_space<vmem>>, vector<1x16xf32>,
      %mul3A_296 = arith.constant 2 : i32
      %mul3A_297 = arith.muli %mul3A_296, %scan3A_36 : i32
      %get3A_298 = arith.index_cast %mul3A_297 : i32 to index
      %get3A_299 = arith.constant 208 : index
      %get3A_300 = tpu.vector_load %arg8[%get3A_298, %get3A_299] {strides = array<i32>} : memref<64x768xf32, #tpu.memory_space<vmem>>, vector<1x16xf32>,
      %get3A_301 = vector.shape_cast %get3A_300 : vector<1x16xf32> to vector<16xf32>
      %mul3A_302 = arith.constant 2 : i32
      %mul3A_303 = arith.muli %mul3A_302, %scan3A_36 : i32
      %add3A_304 = arith.constant 1 : i32
      %add3A_305 = arith.addi %mul3A_303, %add3A_304 : i32
      %get3A_306 = arith.index_cast %add3A_305 : i32 to index
      %get3A_307 = arith.constant 208 : index
      %get3A_308 = tpu.vector_load %arg8[%get3A_306, %get3A_307] {strides = array<i32>} : memref<64x768xf32, #tpu.memory_space<vmem>>, vector<1x16xf32>,
      %get3A_309 = vector.shape_cast %get3A_308 : vector<1x16xf32> to vector<16xf32>
      %add3A_310 = arith.addf %get3A_301, %get3A_309 : vector<16xf32>
      %swap3A_311 = arith.index_cast %scan3A_36 : i32 to index
      %swap3A_312 = arith.constant 208 : index
      %swap3A_313 = tpu.vector_load %arg9[%swap3A_311, %swap3A_312] {strides = array<i32>} : memref<32x768xf32, #tpu.memory_space<vmem>>, vector<1x16xf32>,
      %swap3A_314 = vector.shape_cast %swap3A_313 : vector<1x16xf32> to vector<16xf32>
      %swap3A_315 = vector.shape_cast %add3A_310 : vector<16xf32> to vector<1x16xf32>
      tpu.vector_store %arg9[%swap3A_311, %swap3A_312], %swap3A_315 {strides = array<i32>} : memref<32x768xf32, #tpu.memory_space<vmem>>, vector<1x16xf32>,
      %mul3A_316 = arith.constant 2 : i32
      %mul3A_317 = arith.muli %mul3A_316, %scan3A_36 : i32
      %get3A_318 = arith.index_cast %mul3A_317 : i32 to index
      %get3A_319 = arith.constant 224 : index
      %get3A_320 = tpu.vector_load %arg8[%get3A_318, %get3A_319] {strides = array<i32>} : memref<64x768xf32, #tpu.memory_space<vmem>>, vector<1x16xf32>,
      %get3A_321 = vector.shape_cast %get3A_320 : vector<1x16xf32> to vector<16xf32>
      %mul3A_322 = arith.constant 2 : i32
      %mul3A_323 = arith.muli %mul3A_322, %scan3A_36 : i32
      %add3A_324 = arith.constant 1 : i32
      %add3A_325 = arith.addi %mul3A_323, %add3A_324 : i32
      %get3A_326 = arith.index_cast %add3A_325 : i32 to index
      %get3A_327 = arith.constant 224 : index
      %get3A_328 = tpu.vector_load %arg8[%get3A_326, %get3A_327] {strides = array<i32>} : memref<64x768xf32, #tpu.memory_space<vmem>>, vector<1x16xf32>,
      %get3A_329 = vector.shape_cast %get3A_328 : vector<1x16xf32> to vector<16xf32>
      %add3A_330 = arith.addf %get3A_321, %get3A_329 : vector<16xf32>
      %swap3A_331 = arith.index_cast %scan3A_36 : i32 to index
      %swap3A_332 = arith.constant 224 : index
      %swap3A_333 = tpu.vector_load %arg9[%swap3A_331, %swap3A_332] {strides = array<i32>} : memref<32x768xf32, #tpu.memory_space<vmem>>, vector<1x16xf32>,
      %swap3A_334 = vector.shape_cast %swap3A_333 : vector<1x16xf32> to vector<16xf32>
      %swap3A_335 = vector.shape_cast %add3A_330 : vector<16xf32> to vector<1x16xf32>
      tpu.vector_store %arg9[%swap3A_331, %swap3A_332], %swap3A_335 {strides = array<i32>} : memref<32x768xf32, #tpu.memory_space<vmem>>, vector<1x16xf32>,
      %mul3A_336 = arith.constant 2 : i32
      %mul3A_337 = arith.muli %mul3A_336, %scan3A_36 : i32
      %get3A_338 = arith.index_cast %mul3A_337 : i32 to index
      %get3A_339 = arith.constant 240 : index
      %get3A_340 = tpu.vector_load %arg8[%get3A_338, %get3A_339] {strides = array<i32>} : memref<64x768xf32, #tpu.memory_space<vmem>>, vector<1x16xf32>,
      %get3A_341 = vector.shape_cast %get3A_340 : vector<1x16xf32> to vector<16xf32>
      %mul3A_342 = arith.constant 2 : i32
      %mul3A_343 = arith.muli %mul3A_342, %scan3A_36 : i32
      %add3A_344 = arith.constant 1 : i32
      %add3A_345 = arith.addi %mul3A_343, %add3A_344 : i32
      %get3A_346 = arith.index_cast %add3A_345 : i32 to index
      %get3A_347 = arith.constant 240 : index
      %get3A_348 = tpu.vector_load %arg8[%get3A_346, %get3A_347] {strides = array<i32>} : memref<64x768xf32, #tpu.memory_space<vmem>>, vector<1x16xf32>,
      %get3A_349 = vector.shape_cast %get3A_348 : vector<1x16xf32> to vector<16xf32>
      %add3A_350 = arith.addf %get3A_341, %get3A_349 : vector<16xf32>
      %swap3A_351 = arith.index_cast %scan3A_36 : i32 to index
      %swap3A_352 = arith.constant 240 : index
      %swap3A_353 = tpu.vector_load %arg9[%swap3A_351, %swap3A_352] {strides = array<i32>} : memref<32x768xf32, #tpu.memory_space<vmem>>, vector<1x16xf32>,
      %swap3A_354 = vector.shape_cast %swap3A_353 : vector<1x16xf32> to vector<16xf32>
      %swap3A_355 = vector.shape_cast %add3A_350 : vector<16xf32> to vector<1x16xf32>
      tpu.vector_store %arg9[%swap3A_351, %swap3A_352], %swap3A_355 {strides = array<i32>} : memref<32x768xf32, #tpu.memory_space<vmem>>, vector<1x16xf32>,
      %mul3A_356 = arith.constant 2 : i32
      %mul3A_357 = arith.muli %mul3A_356, %scan3A_36 : i32
      %get3A_358 = arith.index_cast %mul3A_357 : i32 to index
      %get3A_359 = arith.constant 256 : index
      %get3A_360 = tpu.vector_load %arg8[%get3A_358, %get3A_359] {strides = array<i32>} : memref<64x768xf32, #tpu.memory_space<vmem>>, vector<1x16xf32>,
      %get3A_361 = vector.shape_cast %get3A_360 : vector<1x16xf32> to vector<16xf32>
      %mul3A_362 = arith.constant 2 : i32
      %mul3A_363 = arith.muli %mul3A_362, %scan3A_36 : i32
      %add3A_364 = arith.constant 1 : i32
      %add3A_365 = arith.addi %mul3A_363, %add3A_364 : i32
      %get3A_366 = arith.index_cast %add3A_365 : i32 to index
      %get3A_367 = arith.constant 256 : index
      %get3A_368 = tpu.vector_load %arg8[%get3A_366, %get3A_367] {strides = array<i32>} : memref<64x768xf32, #tpu.memory_space<vmem>>, vector<1x16xf32>,
      %get3A_369 = vector.shape_cast %get3A_368 : vector<1x16xf32> to vector<16xf32>
      %add3A_370 = arith.addf %get3A_361, %get3A_369 : vector<16xf32>
      %swap3A_371 = arith.index_cast %scan3A_36 : i32 to index
      %swap3A_372 = arith.constant 256 : index
      %swap3A_373 = tpu.vector_load %arg9[%swap3A_371, %swap3A_372] {strides = array<i32>} : memref<32x768xf32, #tpu.memory_space<vmem>>, vector<1x16xf32>,
      %swap3A_374 = vector.shape_cast %swap3A_373 : vector<1x16xf32> to vector<16xf32>
      %swap3A_375 = vector.shape_cast %add3A_370 : vector<16xf32> to vector<1x16xf32>
      tpu.vector_store %arg9[%swap3A_371, %swap3A_372], %swap3A_375 {strides = array<i32>} : memref<32x768xf32, #tpu.memory_space<vmem>>, vector<1x16xf32>,
      %mul3A_376 = arith.constant 2 : i32
      %mul3A_377 = arith.muli %mul3A_376, %scan3A_36 : i32
      %get3A_378 = arith.index_cast %mul3A_377 : i32 to index
      %get3A_379 = arith.constant 272 : index
      %get3A_380 = tpu.vector_load %arg8[%get3A_378, %get3A_379] {strides = array<i32>} : memref<64x768xf32, #tpu.memory_space<vmem>>, vector<1x16xf32>,
      %get3A_381 = vector.shape_cast %get3A_380 : vector<1x16xf32> to vector<16xf32>
      %mul3A_382 = arith.constant 2 : i32
      %mul3A_383 = arith.muli %mul3A_382, %scan3A_36 : i32
      %add3A_384 = arith.constant 1 : i32
      %add3A_385 = arith.addi %mul3A_383, %add3A_384 : i32
      %get3A_386 = arith.index_cast %add3A_385 : i32 to index
      %get3A_387 = arith.constant 272 : index
      %get3A_388 = tpu.vector_load %arg8[%get3A_386, %get3A_387] {strides = array<i32>} : memref<64x768xf32, #tpu.memory_space<vmem>>, vector<1x16xf32>,
      %get3A_389 = vector.shape_cast %get3A_388 : vector<1x16xf32> to vector<16xf32>
      %add3A_390 = arith.addf %get3A_381, %get3A_389 : vector<16xf32>
      %swap3A_391 = arith.index_cast %scan3A_36 : i32 to index
      %swap3A_392 = arith.constant 272 : index
      %swap3A_393 = tpu.vector_load %arg9[%swap3A_391, %swap3A_392] {strides = array<i32>} : memref<32x768xf32, #tpu.memory_space<vmem>>, vector<1x16xf32>,
      %swap3A_394 = vector.shape_cast %swap3A_393 : vector<1x16xf32> to vector<16xf32>
      %swap3A_395 = vector.shape_cast %add3A_390 : vector<16xf32> to vector<1x16xf32>
      tpu.vector_store %arg9[%swap3A_391, %swap3A_392], %swap3A_395 {strides = array<i32>} : memref<32x768xf32, #tpu.memory_space<vmem>>, vector<1x16xf32>,
      %mul3A_396 = arith.constant 2 : i32
      %mul3A_397 = arith.muli %mul3A_396, %scan3A_36 : i32
      %get3A_398 = arith.index_cast %mul3A_397 : i32 to index
      %get3A_399 = arith.constant 288 : index
      %get3A_400 = tpu.vector_load %arg8[%get3A_398, %get3A_399] {strides = array<i32>} : memref<64x768xf32, #tpu.memory_space<vmem>>, vector<1x16xf32>,
      %get3A_401 = vector.shape_cast %get3A_400 : vector<1x16xf32> to vector<16xf32>
      %mul3A_402 = arith.constant 2 : i32
      %mul3A_403 = arith.muli %mul3A_402, %scan3A_36 : i32
      %add3A_404 = arith.constant 1 : i32
      %add3A_405 = arith.addi %mul3A_403, %add3A_404 : i32
      %get3A_406 = arith.index_cast %add3A_405 : i32 to index
      %get3A_407 = arith.constant 288 : index
      %get3A_408 = tpu.vector_load %arg8[%get3A_406, %get3A_407] {strides = array<i32>} : memref<64x768xf32, #tpu.memory_space<vmem>>, vector<1x16xf32>,
      %get3A_409 = vector.shape_cast %get3A_408 : vector<1x16xf32> to vector<16xf32>
      %add3A_410 = arith.addf %get3A_401, %get3A_409 : vector<16xf32>
      %swap3A_411 = arith.index_cast %scan3A_36 : i32 to index
      %swap3A_412 = arith.constant 288 : index
      %swap3A_413 = tpu.vector_load %arg9[%swap3A_411, %swap3A_412] {strides = array<i32>} : memref<32x768xf32, #tpu.memory_space<vmem>>, vector<1x16xf32>,
      %swap3A_414 = vector.shape_cast %swap3A_413 : vector<1x16xf32> to vector<16xf32>
      %swap3A_415 = vector.shape_cast %add3A_410 : vector<16xf32> to vector<1x16xf32>
      tpu.vector_store %arg9[%swap3A_411, %swap3A_412], %swap3A_415 {strides = array<i32>} : memref<32x768xf32, #tpu.memory_space<vmem>>, vector<1x16xf32>,
      %mul3A_416 = arith.constant 2 : i32
      %mul3A_417 = arith.muli %mul3A_416, %scan3A_36 : i32
      %get3A_418 = arith.index_cast %mul3A_417 : i32 to index
      %get3A_419 = arith.constant 304 : index
      %get3A_420 = tpu.vector_load %arg8[%get3A_418, %get3A_419] {strides = array<i32>} : memref<64x768xf32, #tpu.memory_space<vmem>>, vector<1x16xf32>,
      %get3A_421 = vector.shape_cast %get3A_420 : vector<1x16xf32> to vector<16xf32>
      %mul3A_422 = arith.constant 2 : i32
      %mul3A_423 = arith.muli %mul3A_422, %scan3A_36 : i32
      %add3A_424 = arith.constant 1 : i32
      %add3A_425 = arith.addi %mul3A_423, %add3A_424 : i32
      %get3A_426 = arith.index_cast %add3A_425 : i32 to index
      %get3A_427 = arith.constant 304 : index
      %get3A_428 = tpu.vector_load %arg8[%get3A_426, %get3A_427] {strides = array<i32>} : memref<64x768xf32, #tpu.memory_space<vmem>>, vector<1x16xf32>,
      %get3A_429 = vector.shape_cast %get3A_428 : vector<1x16xf32> to vector<16xf32>
      %add3A_430 = arith.addf %get3A_421, %get3A_429 : vector<16xf32>
      %swap3A_431 = arith.index_cast %scan3A_36 : i32 to index
      %swap3A_432 = arith.constant 304 : index
      %swap3A_433 = tpu.vector_load %arg9[%swap3A_431, %swap3A_432] {strides = array<i32>} : memref<32x768xf32, #tpu.memory_space<vmem>>, vector<1x16xf32>,
      %swap3A_434 = vector.shape_cast %swap3A_433 : vector<1x16xf32> to vector<16xf32>
      %swap3A_435 = vector.shape_cast %add3A_430 : vector<16xf32> to vector<1x16xf32>
      tpu.vector_store %arg9[%swap3A_431, %swap3A_432], %swap3A_435 {strides = array<i32>} : memref<32x768xf32, #tpu.memory_space<vmem>>, vector<1x16xf32>,
      %mul3A_436 = arith.constant 2 : i32
      %mul3A_437 = arith.muli %mul3A_436, %scan3A_36 : i32
      %get3A_438 = arith.index_cast %mul3A_437 : i32 to index
      %get3A_439 = arith.constant 320 : index
      %get3A_440 = tpu.vector_load %arg8[%get3A_438, %get3A_439] {strides = array<i32>} : memref<64x768xf32, #tpu.memory_space<vmem>>, vector<1x16xf32>,
      %get3A_441 = vector.shape_cast %get3A_440 : vector<1x16xf32> to vector<16xf32>
      %mul3A_442 = arith.constant 2 : i32
      %mul3A_443 = arith.muli %mul3A_442, %scan3A_36 : i32
      %add3A_444 = arith.constant 1 : i32
      %add3A_445 = arith.addi %mul3A_443, %add3A_444 : i32
      %get3A_446 = arith.index_cast %add3A_445 : i32 to index
      %get3A_447 = arith.constant 320 : index
      %get3A_448 = tpu.vector_load %arg8[%get3A_446, %get3A_447] {strides = array<i32>} : memref<64x768xf32, #tpu.memory_space<vmem>>, vector<1x16xf32>,
      %get3A_449 = vector.shape_cast %get3A_448 : vector<1x16xf32> to vector<16xf32>
      %add3A_450 = arith.addf %get3A_441, %get3A_449 : vector<16xf32>
      %swap3A_451 = arith.index_cast %scan3A_36 : i32 to index
      %swap3A_452 = arith.constant 320 : index
      %swap3A_453 = tpu.vector_load %arg9[%swap3A_451, %swap3A_452] {strides = array<i32>} : memref<32x768xf32, #tpu.memory_space<vmem>>, vector<1x16xf32>,
      %swap3A_454 = vector.shape_cast %swap3A_453 : vector<1x16xf32> to vector<16xf32>
      %swap3A_455 = vector.shape_cast %add3A_450 : vector<16xf32> to vector<1x16xf32>
      tpu.vector_store %arg9[%swap3A_451, %swap3A_452], %swap3A_455 {strides = array<i32>} : memref<32x768xf32, #tpu.memory_space<vmem>>, vector<1x16xf32>,
      %mul3A_456 = arith.constant 2 : i32
      %mul3A_457 = arith.muli %mul3A_456, %scan3A_36 : i32
      %get3A_458 = arith.index_cast %mul3A_457 : i32 to index
      %get3A_459 = arith.constant 336 : index
      %get3A_460 = tpu.vector_load %arg8[%get3A_458, %get3A_459] {strides = array<i32>} : memref<64x768xf32, #tpu.memory_space<vmem>>, vector<1x16xf32>,
      %get3A_461 = vector.shape_cast %get3A_460 : vector<1x16xf32> to vector<16xf32>
      %mul3A_462 = arith.constant 2 : i32
      %mul3A_463 = arith.muli %mul3A_462, %scan3A_36 : i32
      %add3A_464 = arith.constant 1 : i32
      %add3A_465 = arith.addi %mul3A_463, %add3A_464 : i32
      %get3A_466 = arith.index_cast %add3A_465 : i32 to index
      %get3A_467 = arith.constant 336 : index
      %get3A_468 = tpu.vector_load %arg8[%get3A_466, %get3A_467] {strides = array<i32>} : memref<64x768xf32, #tpu.memory_space<vmem>>, vector<1x16xf32>,
      %get3A_469 = vector.shape_cast %get3A_468 : vector<1x16xf32> to vector<16xf32>
      %add3A_470 = arith.addf %get3A_461, %get3A_469 : vector<16xf32>
      %swap3A_471 = arith.index_cast %scan3A_36 : i32 to index
      %swap3A_472 = arith.constant 336 : index
      %swap3A_473 = tpu.vector_load %arg9[%swap3A_471, %swap3A_472] {strides = array<i32>} : memref<32x768xf32, #tpu.memory_space<vmem>>, vector<1x16xf32>,
      %swap3A_474 = vector.shape_cast %swap3A_473 : vector<1x16xf32> to vector<16xf32>
      %swap3A_475 = vector.shape_cast %add3A_470 : vector<16xf32> to vector<1x16xf32>
      tpu.vector_store %arg9[%swap3A_471, %swap3A_472], %swap3A_475 {strides = array<i32>} : memref<32x768xf32, #tpu.memory_space<vmem>>, vector<1x16xf32>,
      %mul3A_476 = arith.constant 2 : i32
      %mul3A_477 = arith.muli %mul3A_476, %scan3A_36 : i32
      %get3A_478 = arith.index_cast %mul3A_477 : i32 to index
      %get3A_479 = arith.constant 352 : index
      %get3A_480 = tpu.vector_load %arg8[%get3A_478, %get3A_479] {strides = array<i32>} : memref<64x768xf32, #tpu.memory_space<vmem>>, vector<1x16xf32>,
      %get3A_481 = vector.shape_cast %get3A_480 : vector<1x16xf32> to vector<16xf32>
      %mul3A_482 = arith.constant 2 : i32
      %mul3A_483 = arith.muli %mul3A_482, %scan3A_36 : i32
      %add3A_484 = arith.constant 1 : i32
      %add3A_485 = arith.addi %mul3A_483, %add3A_484 : i32
      %get3A_486 = arith.index_cast %add3A_485 : i32 to index
      %get3A_487 = arith.constant 352 : index
      %get3A_488 = tpu.vector_load %arg8[%get3A_486, %get3A_487] {strides = array<i32>} : memref<64x768xf32, #tpu.memory_space<vmem>>, vector<1x16xf32>,
      %get3A_489 = vector.shape_cast %get3A_488 : vector<1x16xf32> to vector<16xf32>
      %add3A_490 = arith.addf %get3A_481, %get3A_489 : vector<16xf32>
      %swap3A_491 = arith.index_cast %scan3A_36 : i32 to index
      %swap3A_492 = arith.constant 352 : index
      %swap3A_493 = tpu.vector_load %arg9[%swap3A_491, %swap3A_492] {strides = array<i32>} : memref<32x768xf32, #tpu.memory_space<vmem>>, vector<1x16xf32>,
      %swap3A_494 = vector.shape_cast %swap3A_493 : vector<1x16xf32> to vector<16xf32>
      %swap3A_495 = vector.shape_cast %add3A_490 : vector<16xf32> to vector<1x16xf32>
      tpu.vector_store %arg9[%swap3A_491, %swap3A_492], %swap3A_495 {strides = array<i32>} : memref<32x768xf32, #tpu.memory_space<vmem>>, vector<1x16xf32>,
      %mul3A_496 = arith.constant 2 : i32
      %mul3A_497 = arith.muli %mul3A_496, %scan3A_36 : i32
      %get3A_498 = arith.index_cast %mul3A_497 : i32 to index
      %get3A_499 = arith.constant 368 : index
      %get3A_500 = tpu.vector_load %arg8[%get3A_498, %get3A_499] {strides = array<i32>} : memref<64x768xf32, #tpu.memory_space<vmem>>, vector<1x16xf32>,
      %get3A_501 = vector.shape_cast %get3A_500 : vector<1x16xf32> to vector<16xf32>
      %mul3A_502 = arith.constant 2 : i32
      %mul3A_503 = arith.muli %mul3A_502, %scan3A_36 : i32
      %add3A_504 = arith.constant 1 : i32
      %add3A_505 = arith.addi %mul3A_503, %add3A_504 : i32
      %get3A_506 = arith.index_cast %add3A_505 : i32 to index
      %get3A_507 = arith.constant 368 : index
      %get3A_508 = tpu.vector_load %arg8[%get3A_506, %get3A_507] {strides = array<i32>} : memref<64x768xf32, #tpu.memory_space<vmem>>, vector<1x16xf32>,
      %get3A_509 = vector.shape_cast %get3A_508 : vector<1x16xf32> to vector<16xf32>
      %add3A_510 = arith.addf %get3A_501, %get3A_509 : vector<16xf32>
      %swap3A_511 = arith.index_cast %scan3A_36 : i32 to index
      %swap3A_512 = arith.constant 368 : index
      %swap3A_513 = tpu.vector_load %arg9[%swap3A_511, %swap3A_512] {strides = array<i32>} : memref<32x768xf32, #tpu.memory_space<vmem>>, vector<1x16xf32>,
      %swap3A_514 = vector.shape_cast %swap3A_513 : vector<1x16xf32> to vector<16xf32>
      %swap3A_515 = vector.shape_cast %add3A_510 : vector<16xf32> to vector<1x16xf32>
      tpu.vector_store %arg9[%swap3A_511, %swap3A_512], %swap3A_515 {strides = array<i32>} : memref<32x768xf32, #tpu.memory_space<vmem>>, vector<1x16xf32>,
      %mul3A_516 = arith.constant 2 : i32
      %mul3A_517 = arith.muli %mul3A_516, %scan3A_36 : i32
      %get3A_518 = arith.index_cast %mul3A_517 : i32 to index
      %get3A_519 = arith.constant 384 : index
      %get3A_520 = tpu.vector_load %arg8[%get3A_518, %get3A_519] {strides = array<i32>} : memref<64x768xf32, #tpu.memory_space<vmem>>, vector<1x16xf32>,
      %get3A_521 = vector.shape_cast %get3A_520 : vector<1x16xf32> to vector<16xf32>
      %mul3A_522 = arith.constant 2 : i32
      %mul3A_523 = arith.muli %mul3A_522, %scan3A_36 : i32
      %add3A_524 = arith.constant 1 : i32
      %add3A_525 = arith.addi %mul3A_523, %add3A_524 : i32
      %get3A_526 = arith.index_cast %add3A_525 : i32 to index
      %get3A_527 = arith.constant 384 : index
      %get3A_528 = tpu.vector_load %arg8[%get3A_526, %get3A_527] {strides = array<i32>} : memref<64x768xf32, #tpu.memory_space<vmem>>, vector<1x16xf32>,
      %get3A_529 = vector.shape_cast %get3A_528 : vector<1x16xf32> to vector<16xf32>
      %add3A_530 = arith.addf %get3A_521, %get3A_529 : vector<16xf32>
      %swap3A_531 = arith.index_cast %scan3A_36 : i32 to index
      %swap3A_532 = arith.constant 384 : index
      %swap3A_533 = tpu.vector_load %arg9[%swap3A_531, %swap3A_532] {strides = array<i32>} : memref<32x768xf32, #tpu.memory_space<vmem>>, vector<1x16xf32>,
      %swap3A_534 = vector.shape_cast %swap3A_533 : vector<1x16xf32> to vector<16xf32>
      %swap3A_535 = vector.shape_cast %add3A_530 : vector<16xf32> to vector<1x16xf32>
      tpu.vector_store %arg9[%swap3A_531, %swap3A_532], %swap3A_535 {strides = array<i32>} : memref<32x768xf32, #tpu.memory_space<vmem>>, vector<1x16xf32>,
      %mul3A_536 = arith.constant 2 : i32
      %mul3A_537 = arith.muli %mul3A_536, %scan3A_36 : i32
      %get3A_538 = arith.index_cast %mul3A_537 : i32 to index
      %get3A_539 = arith.constant 400 : index
      %get3A_540 = tpu.vector_load %arg8[%get3A_538, %get3A_539] {strides = array<i32>} : memref<64x768xf32, #tpu.memory_space<vmem>>, vector<1x16xf32>,
      %get3A_541 = vector.shape_cast %get3A_540 : vector<1x16xf32> to vector<16xf32>
      %mul3A_542 = arith.constant 2 : i32
      %mul3A_543 = arith.muli %mul3A_542, %scan3A_36 : i32
      %add3A_544 = arith.constant 1 : i32
      %add3A_545 = arith.addi %mul3A_543, %add3A_544 : i32
      %get3A_546 = arith.index_cast %add3A_545 : i32 to index
      %get3A_547 = arith.constant 400 : index
      %get3A_548 = tpu.vector_load %arg8[%get3A_546, %get3A_547] {strides = array<i32>} : memref<64x768xf32, #tpu.memory_space<vmem>>, vector<1x16xf32>,
      %get3A_549 = vector.shape_cast %get3A_548 : vector<1x16xf32> to vector<16xf32>
      %add3A_550 = arith.addf %get3A_541, %get3A_549 : vector<16xf32>
      %swap3A_551 = arith.index_cast %scan3A_36 : i32 to index
      %swap3A_552 = arith.constant 400 : index
      %swap3A_553 = tpu.vector_load %arg9[%swap3A_551, %swap3A_552] {strides = array<i32>} : memref<32x768xf32, #tpu.memory_space<vmem>>, vector<1x16xf32>,
      %swap3A_554 = vector.shape_cast %swap3A_553 : vector<1x16xf32> to vector<16xf32>
      %swap3A_555 = vector.shape_cast %add3A_550 : vector<16xf32> to vector<1x16xf32>
      tpu.vector_store %arg9[%swap3A_551, %swap3A_552], %swap3A_555 {strides = array<i32>} : memref<32x768xf32, #tpu.memory_space<vmem>>, vector<1x16xf32>,
      %mul3A_556 = arith.constant 2 : i32
      %mul3A_557 = arith.muli %mul3A_556, %scan3A_36 : i32
      %get3A_558 = arith.index_cast %mul3A_557 : i32 to index
      %get3A_559 = arith.constant 416 : index
      %get3A_560 = tpu.vector_load %arg8[%get3A_558, %get3A_559] {strides = array<i32>} : memref<64x768xf32, #tpu.memory_space<vmem>>, vector<1x16xf32>,
      %get3A_561 = vector.shape_cast %get3A_560 : vector<1x16xf32> to vector<16xf32>
      %mul3A_562 = arith.constant 2 : i32
      %mul3A_563 = arith.muli %mul3A_562, %scan3A_36 : i32
      %add3A_564 = arith.constant 1 : i32
      %add3A_565 = arith.addi %mul3A_563, %add3A_564 : i32
      %get3A_566 = arith.index_cast %add3A_565 : i32 to index
      %get3A_567 = arith.constant 416 : index
      %get3A_568 = tpu.vector_load %arg8[%get3A_566, %get3A_567] {strides = array<i32>} : memref<64x768xf32, #tpu.memory_space<vmem>>, vector<1x16xf32>,
      %get3A_569 = vector.shape_cast %get3A_568 : vector<1x16xf32> to vector<16xf32>
      %add3A_570 = arith.addf %get3A_561, %get3A_569 : vector<16xf32>
      %swap3A_571 = arith.index_cast %scan3A_36 : i32 to index
      %swap3A_572 = arith.constant 416 : index
      %swap3A_573 = tpu.vector_load %arg9[%swap3A_571, %swap3A_572] {strides = array<i32>} : memref<32x768xf32, #tpu.memory_space<vmem>>, vector<1x16xf32>,
      %swap3A_574 = vector.shape_cast %swap3A_573 : vector<1x16xf32> to vector<16xf32>
      %swap3A_575 = vector.shape_cast %add3A_570 : vector<16xf32> to vector<1x16xf32>
      tpu.vector_store %arg9[%swap3A_571, %swap3A_572], %swap3A_575 {strides = array<i32>} : memref<32x768xf32, #tpu.memory_space<vmem>>, vector<1x16xf32>,
      %mul3A_576 = arith.constant 2 : i32
      %mul3A_577 = arith.muli %mul3A_576, %scan3A_36 : i32
      %get3A_578 = arith.index_cast %mul3A_577 : i32 to index
      %get3A_579 = arith.constant 432 : index
      %get3A_580 = tpu.vector_load %arg8[%get3A_578, %get3A_579] {strides = array<i32>} : memref<64x768xf32, #tpu.memory_space<vmem>>, vector<1x16xf32>,
      %get3A_581 = vector.shape_cast %get3A_580 : vector<1x16xf32> to vector<16xf32>
      %mul3A_582 = arith.constant 2 : i32
      %mul3A_583 = arith.muli %mul3A_582, %scan3A_36 : i32
      %add3A_584 = arith.constant 1 : i32
      %add3A_585 = arith.addi %mul3A_583, %add3A_584 : i32
      %get3A_586 = arith.index_cast %add3A_585 : i32 to index
      %get3A_587 = arith.constant 432 : index
      %get3A_588 = tpu.vector_load %arg8[%get3A_586, %get3A_587] {strides = array<i32>} : memref<64x768xf32, #tpu.memory_space<vmem>>, vector<1x16xf32>,
      %get3A_589 = vector.shape_cast %get3A_588 : vector<1x16xf32> to vector<16xf32>
      %add3A_590 = arith.addf %get3A_581, %get3A_589 : vector<16xf32>
      %swap3A_591 = arith.index_cast %scan3A_36 : i32 to index
      %swap3A_592 = arith.constant 432 : index
      %swap3A_593 = tpu.vector_load %arg9[%swap3A_591, %swap3A_592] {strides = array<i32>} : memref<32x768xf32, #tpu.memory_space<vmem>>, vector<1x16xf32>,
      %swap3A_594 = vector.shape_cast %swap3A_593 : vector<1x16xf32> to vector<16xf32>
      %swap3A_595 = vector.shape_cast %add3A_590 : vector<16xf32> to vector<1x16xf32>
      tpu.vector_store %arg9[%swap3A_591, %swap3A_592], %swap3A_595 {strides = array<i32>} : memref<32x768xf32, #tpu.memory_space<vmem>>, vector<1x16xf32>,
      %mul3A_596 = arith.constant 2 : i32
      %mul3A_597 = arith.muli %mul3A_596, %scan3A_36 : i32
      %get3A_598 = arith.index_cast %mul3A_597 : i32 to index
      %get3A_599 = arith.constant 448 : index
      %get3A_600 = tpu.vector_load %arg8[%get3A_598, %get3A_599] {strides = array<i32>} : memref<64x768xf32, #tpu.memory_space<vmem>>, vector<1x16xf32>,
      %get3A_601 = vector.shape_cast %get3A_600 : vector<1x16xf32> to vector<16xf32>
      %mul3A_602 = arith.constant 2 : i32
      %mul3A_603 = arith.muli %mul3A_602, %scan3A_36 : i32
      %add3A_604 = arith.constant 1 : i32
      %add3A_605 = arith.addi %mul3A_603, %add3A_604 : i32
      %get3A_606 = arith.index_cast %add3A_605 : i32 to index
      %get3A_607 = arith.constant 448 : index
      %get3A_608 = tpu.vector_load %arg8[%get3A_606, %get3A_607] {strides = array<i32>} : memref<64x768xf32, #tpu.memory_space<vmem>>, vector<1x16xf32>,
      %get3A_609 = vector.shape_cast %get3A_608 : vector<1x16xf32> to vector<16xf32>
      %add3A_610 = arith.addf %get3A_601, %get3A_609 : vector<16xf32>
      %swap3A_611 = arith.index_cast %scan3A_36 : i32 to index
      %swap3A_612 = arith.constant 448 : index
      %swap3A_613 = tpu.vector_load %arg9[%swap3A_611, %swap3A_612] {strides = array<i32>} : memref<32x768xf32, #tpu.memory_space<vmem>>, vector<1x16xf32>,
      %swap3A_614 = vector.shape_cast %swap3A_613 : vector<1x16xf32> to vector<16xf32>
      %swap3A_615 = vector.shape_cast %add3A_610 : vector<16xf32> to vector<1x16xf32>
      tpu.vector_store %arg9[%swap3A_611, %swap3A_612], %swap3A_615 {strides = array<i32>} : memref<32x768xf32, #tpu.memory_space<vmem>>, vector<1x16xf32>,
      %mul3A_616 = arith.constant 2 : i32
      %mul3A_617 = arith.muli %mul3A_616, %scan3A_36 : i32
      %get3A_618 = arith.index_cast %mul3A_617 : i32 to index
      %get3A_619 = arith.constant 464 : index
      %get3A_620 = tpu.vector_load %arg8[%get3A_618, %get3A_619] {strides = array<i32>} : memref<64x768xf32, #tpu.memory_space<vmem>>, vector<1x16xf32>,
      %get3A_621 = vector.shape_cast %get3A_620 : vector<1x16xf32> to vector<16xf32>
      %mul3A_622 = arith.constant 2 : i32
      %mul3A_623 = arith.muli %mul3A_622, %scan3A_36 : i32
      %add3A_624 = arith.constant 1 : i32
      %add3A_625 = arith.addi %mul3A_623, %add3A_624 : i32
      %get3A_626 = arith.index_cast %add3A_625 : i32 to index
      %get3A_627 = arith.constant 464 : index
      %get3A_628 = tpu.vector_load %arg8[%get3A_626, %get3A_627] {strides = array<i32>} : memref<64x768xf32, #tpu.memory_space<vmem>>, vector<1x16xf32>,
      %get3A_629 = vector.shape_cast %get3A_628 : vector<1x16xf32> to vector<16xf32>
      %add3A_630 = arith.addf %get3A_621, %get3A_629 : vector<16xf32>
      %swap3A_631 = arith.index_cast %scan3A_36 : i32 to index
      %swap3A_632 = arith.constant 464 : index
      %swap3A_633 = tpu.vector_load %arg9[%swap3A_631, %swap3A_632] {strides = array<i32>} : memref<32x768xf32, #tpu.memory_space<vmem>>, vector<1x16xf32>,
      %swap3A_634 = vector.shape_cast %swap3A_633 : vector<1x16xf32> to vector<16xf32>
      %swap3A_635 = vector.shape_cast %add3A_630 : vector<16xf32> to vector<1x16xf32>
      tpu.vector_store %arg9[%swap3A_631, %swap3A_632], %swap3A_635 {strides = array<i32>} : memref<32x768xf32, #tpu.memory_space<vmem>>, vector<1x16xf32>,
      %mul3A_636 = arith.constant 2 : i32
      %mul3A_637 = arith.muli %mul3A_636, %scan3A_36 : i32
      %get3A_638 = arith.index_cast %mul3A_637 : i32 to index
      %get3A_639 = arith.constant 480 : index
      %get3A_640 = tpu.vector_load %arg8[%get3A_638, %get3A_639] {strides = array<i32>} : memref<64x768xf32, #tpu.memory_space<vmem>>, vector<1x16xf32>,
      %get3A_641 = vector.shape_cast %get3A_640 : vector<1x16xf32> to vector<16xf32>
      %mul3A_642 = arith.constant 2 : i32
      %mul3A_643 = arith.muli %mul3A_642, %scan3A_36 : i32
      %add3A_644 = arith.constant 1 : i32
      %add3A_645 = arith.addi %mul3A_643, %add3A_644 : i32
      %get3A_646 = arith.index_cast %add3A_645 : i32 to index
      %get3A_647 = arith.constant 480 : index
      %get3A_648 = tpu.vector_load %arg8[%get3A_646, %get3A_647] {strides = array<i32>} : memref<64x768xf32, #tpu.memory_space<vmem>>, vector<1x16xf32>,
      %get3A_649 = vector.shape_cast %get3A_648 : vector<1x16xf32> to vector<16xf32>
      %add3A_650 = arith.addf %get3A_641, %get3A_649 : vector<16xf32>
      %swap3A_651 = arith.index_cast %scan3A_36 : i32 to index
      %swap3A_652 = arith.constant 480 : index
      %swap3A_653 = tpu.vector_load %arg9[%swap3A_651, %swap3A_652] {strides = array<i32>} : memref<32x768xf32, #tpu.memory_space<vmem>>, vector<1x16xf32>,
      %swap3A_654 = vector.shape_cast %swap3A_653 : vector<1x16xf32> to vector<16xf32>
      %swap3A_655 = vector.shape_cast %add3A_650 : vector<16xf32> to vector<1x16xf32>
      tpu.vector_store %arg9[%swap3A_651, %swap3A_652], %swap3A_655 {strides = array<i32>} : memref<32x768xf32, #tpu.memory_space<vmem>>, vector<1x16xf32>,
      %mul3A_656 = arith.constant 2 : i32
      %mul3A_657 = arith.muli %mul3A_656, %scan3A_36 : i32
      %get3A_658 = arith.index_cast %mul3A_657 : i32 to index
      %get3A_659 = arith.constant 496 : index
      %get3A_660 = tpu.vector_load %arg8[%get3A_658, %get3A_659] {strides = array<i32>} : memref<64x768xf32, #tpu.memory_space<vmem>>, vector<1x16xf32>,
      %get3A_661 = vector.shape_cast %get3A_660 : vector<1x16xf32> to vector<16xf32>
      %mul3A_662 = arith.constant 2 : i32
      %mul3A_663 = arith.muli %mul3A_662, %scan3A_36 : i32
      %add3A_664 = arith.constant 1 : i32
      %add3A_665 = arith.addi %mul3A_663, %add3A_664 : i32
      %get3A_666 = arith.index_cast %add3A_665 : i32 to index
      %get3A_667 = arith.constant 496 : index
      %get3A_668 = tpu.vector_load %arg8[%get3A_666, %get3A_667] {strides = array<i32>} : memref<64x768xf32, #tpu.memory_space<vmem>>, vector<1x16xf32>,
      %get3A_669 = vector.shape_cast %get3A_668 : vector<1x16xf32> to vector<16xf32>
      %add3A_670 = arith.addf %get3A_661, %get3A_669 : vector<16xf32>
      %swap3A_671 = arith.index_cast %scan3A_36 : i32 to index
      %swap3A_672 = arith.constant 496 : index
      %swap3A_673 = tpu.vector_load %arg9[%swap3A_671, %swap3A_672] {strides = array<i32>} : memref<32x768xf32, #tpu.memory_space<vmem>>, vector<1x16xf32>,
      %swap3A_674 = vector.shape_cast %swap3A_673 : vector<1x16xf32> to vector<16xf32>
      %swap3A_675 = vector.shape_cast %add3A_670 : vector<16xf32> to vector<1x16xf32>
      tpu.vector_store %arg9[%swap3A_671, %swap3A_672], %swap3A_675 {strides = array<i32>} : memref<32x768xf32, #tpu.memory_space<vmem>>, vector<1x16xf32>,
      %mul3A_676 = arith.constant 2 : i32
      %mul3A_677 = arith.muli %mul3A_676, %scan3A_36 : i32
      %get3A_678 = arith.index_cast %mul3A_677 : i32 to index
      %get3A_679 = arith.constant 512 : index
      %get3A_680 = tpu.vector_load %arg8[%get3A_678, %get3A_679] {strides = array<i32>} : memref<64x768xf32, #tpu.memory_space<vmem>>, vector<1x16xf32>,
      %get3A_681 = vector.shape_cast %get3A_680 : vector<1x16xf32> to vector<16xf32>
      %mul3A_682 = arith.constant 2 : i32
      %mul3A_683 = arith.muli %mul3A_682, %scan3A_36 : i32
      %add3A_684 = arith.constant 1 : i32
      %add3A_685 = arith.addi %mul3A_683, %add3A_684 : i32
      %get3A_686 = arith.index_cast %add3A_685 : i32 to index
      %get3A_687 = arith.constant 512 : index
      %get3A_688 = tpu.vector_load %arg8[%get3A_686, %get3A_687] {strides = array<i32>} : memref<64x768xf32, #tpu.memory_space<vmem>>, vector<1x16xf32>,
      %get3A_689 = vector.shape_cast %get3A_688 : vector<1x16xf32> to vector<16xf32>
      %add3A_690 = arith.addf %get3A_681, %get3A_689 : vector<16xf32>
      %swap3A_691 = arith.index_cast %scan3A_36 : i32 to index
      %swap3A_692 = arith.constant 512 : index
      %swap3A_693 = tpu.vector_load %arg9[%swap3A_691, %swap3A_692] {strides = array<i32>} : memref<32x768xf32, #tpu.memory_space<vmem>>, vector<1x16xf32>,
      %swap3A_694 = vector.shape_cast %swap3A_693 : vector<1x16xf32> to vector<16xf32>
      %swap3A_695 = vector.shape_cast %add3A_690 : vector<16xf32> to vector<1x16xf32>
      tpu.vector_store %arg9[%swap3A_691, %swap3A_692], %swap3A_695 {strides = array<i32>} : memref<32x768xf32, #tpu.memory_space<vmem>>, vector<1x16xf32>,
      %mul3A_696 = arith.constant 2 : i32
      %mul3A_697 = arith.muli %mul3A_696, %scan3A_36 : i32
      %get3A_698 = arith.index_cast %mul3A_697 : i32 to index
      %get3A_699 = arith.constant 528 : index
      %get3A_700 = tpu.vector_load %arg8[%get3A_698, %get3A_699] {strides = array<i32>} : memref<64x768xf32, #tpu.memory_space<vmem>>, vector<1x16xf32>,
      %get3A_701 = vector.shape_cast %get3A_700 : vector<1x16xf32> to vector<16xf32>
      %mul3A_702 = arith.constant 2 : i32
      %mul3A_703 = arith.muli %mul3A_702, %scan3A_36 : i32
      %add3A_704 = arith.constant 1 : i32
      %add3A_705 = arith.addi %mul3A_703, %add3A_704 : i32
      %get3A_706 = arith.index_cast %add3A_705 : i32 to index
      %get3A_707 = arith.constant 528 : index
      %get3A_708 = tpu.vector_load %arg8[%get3A_706, %get3A_707] {strides = array<i32>} : memref<64x768xf32, #tpu.memory_space<vmem>>, vector<1x16xf32>,
      %get3A_709 = vector.shape_cast %get3A_708 : vector<1x16xf32> to vector<16xf32>
      %add3A_710 = arith.addf %get3A_701, %get3A_709 : vector<16xf32>
      %swap3A_711 = arith.index_cast %scan3A_36 : i32 to index
      %swap3A_712 = arith.constant 528 : index
      %swap3A_713 = tpu.vector_load %arg9[%swap3A_711, %swap3A_712] {strides = array<i32>} : memref<32x768xf32, #tpu.memory_space<vmem>>, vector<1x16xf32>,
      %swap3A_714 = vector.shape_cast %swap3A_713 : vector<1x16xf32> to vector<16xf32>
      %swap3A_715 = vector.shape_cast %add3A_710 : vector<16xf32> to vector<1x16xf32>
      tpu.vector_store %arg9[%swap3A_711, %swap3A_712], %swap3A_715 {strides = array<i32>} : memref<32x768xf32, #tpu.memory_space<vmem>>, vector<1x16xf32>,
      %mul3A_716 = arith.constant 2 : i32
      %mul3A_717 = arith.muli %mul3A_716, %scan3A_36 : i32
      %get3A_718 = arith.index_cast %mul3A_717 : i32 to index
      %get3A_719 = arith.constant 544 : index
      %get3A_720 = tpu.vector_load %arg8[%get3A_718, %get3A_719] {strides = array<i32>} : memref<64x768xf32, #tpu.memory_space<vmem>>, vector<1x16xf32>,
      %get3A_721 = vector.shape_cast %get3A_720 : vector<1x16xf32> to vector<16xf32>
      %mul3A_722 = arith.constant 2 : i32
      %mul3A_723 = arith.muli %mul3A_722, %scan3A_36 : i32
      %add3A_724 = arith.constant 1 : i32
      %add3A_725 = arith.addi %mul3A_723, %add3A_724 : i32
      %get3A_726 = arith.index_cast %add3A_725 : i32 to index
      %get3A_727 = arith.constant 544 : index
      %get3A_728 = tpu.vector_load %arg8[%get3A_726, %get3A_727] {strides = array<i32>} : memref<64x768xf32, #tpu.memory_space<vmem>>, vector<1x16xf32>,
      %get3A_729 = vector.shape_cast %get3A_728 : vector<1x16xf32> to vector<16xf32>
      %add3A_730 = arith.addf %get3A_721, %get3A_729 : vector<16xf32>
      %swap3A_731 = arith.index_cast %scan3A_36 : i32 to index
      %swap3A_732 = arith.constant 544 : index
      %swap3A_733 = tpu.vector_load %arg9[%swap3A_731, %swap3A_732] {strides = array<i32>} : memref<32x768xf32, #tpu.memory_space<vmem>>, vector<1x16xf32>,
      %swap3A_734 = vector.shape_cast %swap3A_733 : vector<1x16xf32> to vector<16xf32>
      %swap3A_735 = vector.shape_cast %add3A_730 : vector<16xf32> to vector<1x16xf32>
      tpu.vector_store %arg9[%swap3A_731, %swap3A_732], %swap3A_735 {strides = array<i32>} : memref<32x768xf32, #tpu.memory_space<vmem>>, vector<1x16xf32>,
      %mul3A_736 = arith.constant 2 : i32
      %mul3A_737 = arith.muli %mul3A_736, %scan3A_36 : i32
      %get3A_738 = arith.index_cast %mul3A_737 : i32 to index
      %get3A_739 = arith.constant 560 : index
      %get3A_740 = tpu.vector_load %arg8[%get3A_738, %get3A_739] {strides = array<i32>} : memref<64x768xf32, #tpu.memory_space<vmem>>, vector<1x16xf32>,
      %get3A_741 = vector.shape_cast %get3A_740 : vector<1x16xf32> to vector<16xf32>
      %mul3A_742 = arith.constant 2 : i32
      %mul3A_743 = arith.muli %mul3A_742, %scan3A_36 : i32
      %add3A_744 = arith.constant 1 : i32
      %add3A_745 = arith.addi %mul3A_743, %add3A_744 : i32
      %get3A_746 = arith.index_cast %add3A_745 : i32 to index
      %get3A_747 = arith.constant 560 : index
      %get3A_748 = tpu.vector_load %arg8[%get3A_746, %get3A_747] {strides = array<i32>} : memref<64x768xf32, #tpu.memory_space<vmem>>, vector<1x16xf32>,
      %get3A_749 = vector.shape_cast %get3A_748 : vector<1x16xf32> to vector<16xf32>
      %add3A_750 = arith.addf %get3A_741, %get3A_749 : vector<16xf32>
      %swap3A_751 = arith.index_cast %scan3A_36 : i32 to index
      %swap3A_752 = arith.constant 560 : index
      %swap3A_753 = tpu.vector_load %arg9[%swap3A_751, %swap3A_752] {strides = array<i32>} : memref<32x768xf32, #tpu.memory_space<vmem>>, vector<1x16xf32>,
      %swap3A_754 = vector.shape_cast %swap3A_753 : vector<1x16xf32> to vector<16xf32>
      %swap3A_755 = vector.shape_cast %add3A_750 : vector<16xf32> to vector<1x16xf32>
      tpu.vector_store %arg9[%swap3A_751, %swap3A_752], %swap3A_755 {strides = array<i32>} : memref<32x768xf32, #tpu.memory_space<vmem>>, vector<1x16xf32>,
      %mul3A_756 = arith.constant 2 : i32
      %mul3A_757 = arith.muli %mul3A_756, %scan3A_36 : i32
      %get3A_758 = arith.index_cast %mul3A_757 : i32 to index
      %get3A_759 = arith.constant 576 : index
      %get3A_760 = tpu.vector_load %arg8[%get3A_758, %get3A_759] {strides = array<i32>} : memref<64x768xf32, #tpu.memory_space<vmem>>, vector<1x16xf32>,
      %get3A_761 = vector.shape_cast %get3A_760 : vector<1x16xf32> to vector<16xf32>
      %mul3A_762 = arith.constant 2 : i32
      %mul3A_763 = arith.muli %mul3A_762, %scan3A_36 : i32
      %add3A_764 = arith.constant 1 : i32
      %add3A_765 = arith.addi %mul3A_763, %add3A_764 : i32
      %get3A_766 = arith.index_cast %add3A_765 : i32 to index
      %get3A_767 = arith.constant 576 : index
      %get3A_768 = tpu.vector_load %arg8[%get3A_766, %get3A_767] {strides = array<i32>} : memref<64x768xf32, #tpu.memory_space<vmem>>, vector<1x16xf32>,
      %get3A_769 = vector.shape_cast %get3A_768 : vector<1x16xf32> to vector<16xf32>
      %add3A_770 = arith.addf %get3A_761, %get3A_769 : vector<16xf32>
      %swap3A_771 = arith.index_cast %scan3A_36 : i32 to index
      %swap3A_772 = arith.constant 576 : index
      %swap3A_773 = tpu.vector_load %arg9[%swap3A_771, %swap3A_772] {strides = array<i32>} : memref<32x768xf32, #tpu.memory_space<vmem>>, vector<1x16xf32>,
      %swap3A_774 = vector.shape_cast %swap3A_773 : vector<1x16xf32> to vector<16xf32>
      %swap3A_775 = vector.shape_cast %add3A_770 : vector<16xf32> to vector<1x16xf32>
      tpu.vector_store %arg9[%swap3A_771, %swap3A_772], %swap3A_775 {strides = array<i32>} : memref<32x768xf32, #tpu.memory_space<vmem>>, vector<1x16xf32>,
      %mul3A_776 = arith.constant 2 : i32
      %mul3A_777 = arith.muli %mul3A_776, %scan3A_36 : i32
      %get3A_778 = arith.index_cast %mul3A_777 : i32 to index
      %get3A_779 = arith.constant 592 : index
      %get3A_780 = tpu.vector_load %arg8[%get3A_778, %get3A_779] {strides = array<i32>} : memref<64x768xf32, #tpu.memory_space<vmem>>, vector<1x16xf32>,
      %get3A_781 = vector.shape_cast %get3A_780 : vector<1x16xf32> to vector<16xf32>
      %mul3A_782 = arith.constant 2 : i32
      %mul3A_783 = arith.muli %mul3A_782, %scan3A_36 : i32
      %add3A_784 = arith.constant 1 : i32
      %add3A_785 = arith.addi %mul3A_783, %add3A_784 : i32
      %get3A_786 = arith.index_cast %add3A_785 : i32 to index
      %get3A_787 = arith.constant 592 : index
      %get3A_788 = tpu.vector_load %arg8[%get3A_786, %get3A_787] {strides = array<i32>} : memref<64x768xf32, #tpu.memory_space<vmem>>, vector<1x16xf32>,
      %get3A_789 = vector.shape_cast %get3A_788 : vector<1x16xf32> to vector<16xf32>
      %add3A_790 = arith.addf %get3A_781, %get3A_789 : vector<16xf32>
      %swap3A_791 = arith.index_cast %scan3A_36 : i32 to index
      %swap3A_792 = arith.constant 592 : index
      %swap3A_793 = tpu.vector_load %arg9[%swap3A_791, %swap3A_792] {strides = array<i32>} : memref<32x768xf32, #tpu.memory_space<vmem>>, vector<1x16xf32>,
      %swap3A_794 = vector.shape_cast %swap3A_793 : vector<1x16xf32> to vector<16xf32>
      %swap3A_795 = vector.shape_cast %add3A_790 : vector<16xf32> to vector<1x16xf32>
      tpu.vector_store %arg9[%swap3A_791, %swap3A_792], %swap3A_795 {strides = array<i32>} : memref<32x768xf32, #tpu.memory_space<vmem>>, vector<1x16xf32>,
      %mul3A_796 = arith.constant 2 : i32
      %mul3A_797 = arith.muli %mul3A_796, %scan3A_36 : i32
      %get3A_798 = arith.index_cast %mul3A_797 : i32 to index
      %get3A_799 = arith.constant 608 : index
      %get3A_800 = tpu.vector_load %arg8[%get3A_798, %get3A_799] {strides = array<i32>} : memref<64x768xf32, #tpu.memory_space<vmem>>, vector<1x16xf32>,
      %get3A_801 = vector.shape_cast %get3A_800 : vector<1x16xf32> to vector<16xf32>
      %mul3A_802 = arith.constant 2 : i32
      %mul3A_803 = arith.muli %mul3A_802, %scan3A_36 : i32
      %add3A_804 = arith.constant 1 : i32
      %add3A_805 = arith.addi %mul3A_803, %add3A_804 : i32
      %get3A_806 = arith.index_cast %add3A_805 : i32 to index
      %get3A_807 = arith.constant 608 : index
      %get3A_808 = tpu.vector_load %arg8[%get3A_806, %get3A_807] {strides = array<i32>} : memref<64x768xf32, #tpu.memory_space<vmem>>, vector<1x16xf32>,
      %get3A_809 = vector.shape_cast %get3A_808 : vector<1x16xf32> to vector<16xf32>
      %add3A_810 = arith.addf %get3A_801, %get3A_809 : vector<16xf32>
      %swap3A_811 = arith.index_cast %scan3A_36 : i32 to index
      %swap3A_812 = arith.constant 608 : index
      %swap3A_813 = tpu.vector_load %arg9[%swap3A_811, %swap3A_812] {strides = array<i32>} : memref<32x768xf32, #tpu.memory_space<vmem>>, vector<1x16xf32>,
      %swap3A_814 = vector.shape_cast %swap3A_813 : vector<1x16xf32> to vector<16xf32>
      %swap3A_815 = vector.shape_cast %add3A_810 : vector<16xf32> to vector<1x16xf32>
      tpu.vector_store %arg9[%swap3A_811, %swap3A_812], %swap3A_815 {strides = array<i32>} : memref<32x768xf32, #tpu.memory_space<vmem>>, vector<1x16xf32>,
      %mul3A_816 = arith.constant 2 : i32
      %mul3A_817 = arith.muli %mul3A_816, %scan3A_36 : i32
      %get3A_818 = arith.index_cast %mul3A_817 : i32 to index
      %get3A_819 = arith.constant 624 : index
      %get3A_820 = tpu.vector_load %arg8[%get3A_818, %get3A_819] {strides = array<i32>} : memref<64x768xf32, #tpu.memory_space<vmem>>, vector<1x16xf32>,
      %get3A_821 = vector.shape_cast %get3A_820 : vector<1x16xf32> to vector<16xf32>
      %mul3A_822 = arith.constant 2 : i32
      %mul3A_823 = arith.muli %mul3A_822, %scan3A_36 : i32
      %add3A_824 = arith.constant 1 : i32
      %add3A_825 = arith.addi %mul3A_823, %add3A_824 : i32
      %get3A_826 = arith.index_cast %add3A_825 : i32 to index
      %get3A_827 = arith.constant 624 : index
      %get3A_828 = tpu.vector_load %arg8[%get3A_826, %get3A_827] {strides = array<i32>} : memref<64x768xf32, #tpu.memory_space<vmem>>, vector<1x16xf32>,
      %get3A_829 = vector.shape_cast %get3A_828 : vector<1x16xf32> to vector<16xf32>
      %add3A_830 = arith.addf %get3A_821, %get3A_829 : vector<16xf32>
      %swap3A_831 = arith.index_cast %scan3A_36 : i32 to index
      %swap3A_832 = arith.constant 624 : index
      %swap3A_833 = tpu.vector_load %arg9[%swap3A_831, %swap3A_832] {strides = array<i32>} : memref<32x768xf32, #tpu.memory_space<vmem>>, vector<1x16xf32>,
      %swap3A_834 = vector.shape_cast %swap3A_833 : vector<1x16xf32> to vector<16xf32>
      %swap3A_835 = vector.shape_cast %add3A_830 : vector<16xf32> to vector<1x16xf32>
      tpu.vector_store %arg9[%swap3A_831, %swap3A_832], %swap3A_835 {strides = array<i32>} : memref<32x768xf32, #tpu.memory_space<vmem>>, vector<1x16xf32>,
      %mul3A_836 = arith.constant 2 : i32
      %mul3A_837 = arith.muli %mul3A_836, %scan3A_36 : i32
      %get3A_838 = arith.index_cast %mul3A_837 : i32 to index
      %get3A_839 = arith.constant 640 : index
      %get3A_840 = tpu.vector_load %arg8[%get3A_838, %get3A_839] {strides = array<i32>} : memref<64x768xf32, #tpu.memory_space<vmem>>, vector<1x16xf32>,
      %get3A_841 = vector.shape_cast %get3A_840 : vector<1x16xf32> to vector<16xf32>
      %mul3A_842 = arith.constant 2 : i32
      %mul3A_843 = arith.muli %mul3A_842, %scan3A_36 : i32
      %add3A_844 = arith.constant 1 : i32
      %add3A_845 = arith.addi %mul3A_843, %add3A_844 : i32
      %get3A_846 = arith.index_cast %add3A_845 : i32 to index
      %get3A_847 = arith.constant 640 : index
      %get3A_848 = tpu.vector_load %arg8[%get3A_846, %get3A_847] {strides = array<i32>} : memref<64x768xf32, #tpu.memory_space<vmem>>, vector<1x16xf32>,
      %get3A_849 = vector.shape_cast %get3A_848 : vector<1x16xf32> to vector<16xf32>
      %add3A_850 = arith.addf %get3A_841, %get3A_849 : vector<16xf32>
      %swap3A_851 = arith.index_cast %scan3A_36 : i32 to index
      %swap3A_852 = arith.constant 640 : index
      %swap3A_853 = tpu.vector_load %arg9[%swap3A_851, %swap3A_852] {strides = array<i32>} : memref<32x768xf32, #tpu.memory_space<vmem>>, vector<1x16xf32>,
      %swap3A_854 = vector.shape_cast %swap3A_853 : vector<1x16xf32> to vector<16xf32>
      %swap3A_855 = vector.shape_cast %add3A_850 : vector<16xf32> to vector<1x16xf32>
      tpu.vector_store %arg9[%swap3A_851, %swap3A_852], %swap3A_855 {strides = array<i32>} : memref<32x768xf32, #tpu.memory_space<vmem>>, vector<1x16xf32>,
      %mul3A_856 = arith.constant 2 : i32
      %mul3A_857 = arith.muli %mul3A_856, %scan3A_36 : i32
      %get3A_858 = arith.index_cast %mul3A_857 : i32 to index
      %get3A_859 = arith.constant 656 : index
      %get3A_860 = tpu.vector_load %arg8[%get3A_858, %get3A_859] {strides = array<i32>} : memref<64x768xf32, #tpu.memory_space<vmem>>, vector<1x16xf32>,
      %get3A_861 = vector.shape_cast %get3A_860 : vector<1x16xf32> to vector<16xf32>
      %mul3A_862 = arith.constant 2 : i32
      %mul3A_863 = arith.muli %mul3A_862, %scan3A_36 : i32
      %add3A_864 = arith.constant 1 : i32
      %add3A_865 = arith.addi %mul3A_863, %add3A_864 : i32
      %get3A_866 = arith.index_cast %add3A_865 : i32 to index
      %get3A_867 = arith.constant 656 : index
      %get3A_868 = tpu.vector_load %arg8[%get3A_866, %get3A_867] {strides = array<i32>} : memref<64x768xf32, #tpu.memory_space<vmem>>, vector<1x16xf32>,
      %get3A_869 = vector.shape_cast %get3A_868 : vector<1x16xf32> to vector<16xf32>
      %add3A_870 = arith.addf %get3A_861, %get3A_869 : vector<16xf32>
      %swap3A_871 = arith.index_cast %scan3A_36 : i32 to index
      %swap3A_872 = arith.constant 656 : index
      %swap3A_873 = tpu.vector_load %arg9[%swap3A_871, %swap3A_872] {strides = array<i32>} : memref<32x768xf32, #tpu.memory_space<vmem>>, vector<1x16xf32>,
      %swap3A_874 = vector.shape_cast %swap3A_873 : vector<1x16xf32> to vector<16xf32>
      %swap3A_875 = vector.shape_cast %add3A_870 : vector<16xf32> to vector<1x16xf32>
      tpu.vector_store %arg9[%swap3A_871, %swap3A_872], %swap3A_875 {strides = array<i32>} : memref<32x768xf32, #tpu.memory_space<vmem>>, vector<1x16xf32>,
      %mul3A_876 = arith.constant 2 : i32
      %mul3A_877 = arith.muli %mul3A_876, %scan3A_36 : i32
      %get3A_878 = arith.index_cast %mul3A_877 : i32 to index
      %get3A_879 = arith.constant 672 : index
      %get3A_880 = tpu.vector_load %arg8[%get3A_878, %get3A_879] {strides = array<i32>} : memref<64x768xf32, #tpu.memory_space<vmem>>, vector<1x16xf32>,
      %get3A_881 = vector.shape_cast %get3A_880 : vector<1x16xf32> to vector<16xf32>
      %mul3A_882 = arith.constant 2 : i32
      %mul3A_883 = arith.muli %mul3A_882, %scan3A_36 : i32
      %add3A_884 = arith.constant 1 : i32
      %add3A_885 = arith.addi %mul3A_883, %add3A_884 : i32
      %get3A_886 = arith.index_cast %add3A_885 : i32 to index
      %get3A_887 = arith.constant 672 : index
      %get3A_888 = tpu.vector_load %arg8[%get3A_886, %get3A_887] {strides = array<i32>} : memref<64x768xf32, #tpu.memory_space<vmem>>, vector<1x16xf32>,
      %get3A_889 = vector.shape_cast %get3A_888 : vector<1x16xf32> to vector<16xf32>
      %add3A_890 = arith.addf %get3A_881, %get3A_889 : vector<16xf32>
      %swap3A_891 = arith.index_cast %scan3A_36 : i32 to index
      %swap3A_892 = arith.constant 672 : index
      %swap3A_893 = tpu.vector_load %arg9[%swap3A_891, %swap3A_892] {strides = array<i32>} : memref<32x768xf32, #tpu.memory_space<vmem>>, vector<1x16xf32>,
      %swap3A_894 = vector.shape_cast %swap3A_893 : vector<1x16xf32> to vector<16xf32>
      %swap3A_895 = vector.shape_cast %add3A_890 : vector<16xf32> to vector<1x16xf32>
      tpu.vector_store %arg9[%swap3A_891, %swap3A_892], %swap3A_895 {strides = array<i32>} : memref<32x768xf32, #tpu.memory_space<vmem>>, vector<1x16xf32>,
      %mul3A_896 = arith.constant 2 : i32
      %mul3A_897 = arith.muli %mul3A_896, %scan3A_36 : i32
      %get3A_898 = arith.index_cast %mul3A_897 : i32 to index
      %get3A_899 = arith.constant 688 : index
      %get3A_900 = tpu.vector_load %arg8[%get3A_898, %get3A_899] {strides = array<i32>} : memref<64x768xf32, #tpu.memory_space<vmem>>, vector<1x16xf32>,
      %get3A_901 = vector.shape_cast %get3A_900 : vector<1x16xf32> to vector<16xf32>
      %mul3A_902 = arith.constant 2 : i32
      %mul3A_903 = arith.muli %mul3A_902, %scan3A_36 : i32
      %add3A_904 = arith.constant 1 : i32
      %add3A_905 = arith.addi %mul3A_903, %add3A_904 : i32
      %get3A_906 = arith.index_cast %add3A_905 : i32 to index
      %get3A_907 = arith.constant 688 : index
      %get3A_908 = tpu.vector_load %arg8[%get3A_906, %get3A_907] {strides = array<i32>} : memref<64x768xf32, #tpu.memory_space<vmem>>, vector<1x16xf32>,
      %get3A_909 = vector.shape_cast %get3A_908 : vector<1x16xf32> to vector<16xf32>
      %add3A_910 = arith.addf %get3A_901, %get3A_909 : vector<16xf32>
      %swap3A_911 = arith.index_cast %scan3A_36 : i32 to index
      %swap3A_912 = arith.constant 688 : index
      %swap3A_913 = tpu.vector_load %arg9[%swap3A_911, %swap3A_912] {strides = array<i32>} : memref<32x768xf32, #tpu.memory_space<vmem>>, vector<1x16xf32>,
      %swap3A_914 = vector.shape_cast %swap3A_913 : vector<1x16xf32> to vector<16xf32>
      %swap3A_915 = vector.shape_cast %add3A_910 : vector<16xf32> to vector<1x16xf32>
      tpu.vector_store %arg9[%swap3A_911, %swap3A_912], %swap3A_915 {strides = array<i32>} : memref<32x768xf32, #tpu.memory_space<vmem>>, vector<1x16xf32>,
      %mul3A_916 = arith.constant 2 : i32
      %mul3A_917 = arith.muli %mul3A_916, %scan3A_36 : i32
      %get3A_918 = arith.index_cast %mul3A_917 : i32 to index
      %get3A_919 = arith.constant 704 : index
      %get3A_920 = tpu.vector_load %arg8[%get3A_918, %get3A_919] {strides = array<i32>} : memref<64x768xf32, #tpu.memory_space<vmem>>, vector<1x16xf32>,
      %get3A_921 = vector.shape_cast %get3A_920 : vector<1x16xf32> to vector<16xf32>
      %mul3A_922 = arith.constant 2 : i32
      %mul3A_923 = arith.muli %mul3A_922, %scan3A_36 : i32
      %add3A_924 = arith.constant 1 : i32
      %add3A_925 = arith.addi %mul3A_923, %add3A_924 : i32
      %get3A_926 = arith.index_cast %add3A_925 : i32 to index
      %get3A_927 = arith.constant 704 : index
      %get3A_928 = tpu.vector_load %arg8[%get3A_926, %get3A_927] {strides = array<i32>} : memref<64x768xf32, #tpu.memory_space<vmem>>, vector<1x16xf32>,
      %get3A_929 = vector.shape_cast %get3A_928 : vector<1x16xf32> to vector<16xf32>
      %add3A_930 = arith.addf %get3A_921, %get3A_929 : vector<16xf32>
      %swap3A_931 = arith.index_cast %scan3A_36 : i32 to index
      %swap3A_932 = arith.constant 704 : index
      %swap3A_933 = tpu.vector_load %arg9[%swap3A_931, %swap3A_932] {strides = array<i32>} : memref<32x768xf32, #tpu.memory_space<vmem>>, vector<1x16xf32>,
      %swap3A_934 = vector.shape_cast %swap3A_933 : vector<1x16xf32> to vector<16xf32>
      %swap3A_935 = vector.shape_cast %add3A_930 : vector<16xf32> to vector<1x16xf32>
      tpu.vector_store %arg9[%swap3A_931, %swap3A_932], %swap3A_935 {strides = array<i32>} : memref<32x768xf32, #tpu.memory_space<vmem>>, vector<1x16xf32>,
      %mul3A_936 = arith.constant 2 : i32
      %mul3A_937 = arith.muli %mul3A_936, %scan3A_36 : i32
      %get3A_938 = arith.index_cast %mul3A_937 : i32 to index
      %get3A_939 = arith.constant 720 : index
      %get3A_940 = tpu.vector_load %arg8[%get3A_938, %get3A_939] {strides = array<i32>} : memref<64x768xf32, #tpu.memory_space<vmem>>, vector<1x16xf32>,
      %get3A_941 = vector.shape_cast %get3A_940 : vector<1x16xf32> to vector<16xf32>
      %mul3A_942 = arith.constant 2 : i32
      %mul3A_943 = arith.muli %mul3A_942, %scan3A_36 : i32
      %add3A_944 = arith.constant 1 : i32
      %add3A_945 = arith.addi %mul3A_943, %add3A_944 : i32
      %get3A_946 = arith.index_cast %add3A_945 : i32 to index
      %get3A_947 = arith.constant 720 : index
      %get3A_948 = tpu.vector_load %arg8[%get3A_946, %get3A_947] {strides = array<i32>} : memref<64x768xf32, #tpu.memory_space<vmem>>, vector<1x16xf32>,
      %get3A_949 = vector.shape_cast %get3A_948 : vector<1x16xf32> to vector<16xf32>
      %add3A_950 = arith.addf %get3A_941, %get3A_949 : vector<16xf32>
      %swap3A_951 = arith.index_cast %scan3A_36 : i32 to index
      %swap3A_952 = arith.constant 720 : index
      %swap3A_953 = tpu.vector_load %arg9[%swap3A_951, %swap3A_952] {strides = array<i32>} : memref<32x768xf32, #tpu.memory_space<vmem>>, vector<1x16xf32>,
      %swap3A_954 = vector.shape_cast %swap3A_953 : vector<1x16xf32> to vector<16xf32>
      %swap3A_955 = vector.shape_cast %add3A_950 : vector<16xf32> to vector<1x16xf32>
      tpu.vector_store %arg9[%swap3A_951, %swap3A_952], %swap3A_955 {strides = array<i32>} : memref<32x768xf32, #tpu.memory_space<vmem>>, vector<1x16xf32>,
      %mul3A_956 = arith.constant 2 : i32
      %mul3A_957 = arith.muli %mul3A_956, %scan3A_36 : i32
      %get3A_958 = arith.index_cast %mul3A_957 : i32 to index
      %get3A_959 = arith.constant 736 : index
      %get3A_960 = tpu.vector_load %arg8[%get3A_958, %get3A_959] {strides = array<i32>} : memref<64x768xf32, #tpu.memory_space<vmem>>, vector<1x16xf32>,
      %get3A_961 = vector.shape_cast %get3A_960 : vector<1x16xf32> to vector<16xf32>
      %mul3A_962 = arith.constant 2 : i32
      %mul3A_963 = arith.muli %mul3A_962, %scan3A_36 : i32
      %add3A_964 = arith.constant 1 : i32
      %add3A_965 = arith.addi %mul3A_963, %add3A_964 : i32
      %get3A_966 = arith.index_cast %add3A_965 : i32 to index
      %get3A_967 = arith.constant 736 : index
      %get3A_968 = tpu.vector_load %arg8[%get3A_966, %get3A_967] {strides = array<i32>} : memref<64x768xf32, #tpu.memory_space<vmem>>, vector<1x16xf32>,
      %get3A_969 = vector.shape_cast %get3A_968 : vector<1x16xf32> to vector<16xf32>
      %add3A_970 = arith.addf %get3A_961, %get3A_969 : vector<16xf32>
      %swap3A_971 = arith.index_cast %scan3A_36 : i32 to index
      %swap3A_972 = arith.constant 736 : index
      %swap3A_973 = tpu.vector_load %arg9[%swap3A_971, %swap3A_972] {strides = array<i32>} : memref<32x768xf32, #tpu.memory_space<vmem>>, vector<1x16xf32>,
      %swap3A_974 = vector.shape_cast %swap3A_973 : vector<1x16xf32> to vector<16xf32>
      %swap3A_975 = vector.shape_cast %add3A_970 : vector<16xf32> to vector<1x16xf32>
      tpu.vector_store %arg9[%swap3A_971, %swap3A_972], %swap3A_975 {strides = array<i32>} : memref<32x768xf32, #tpu.memory_space<vmem>>, vector<1x16xf32>,
      %mul3A_976 = arith.constant 2 : i32
      %mul3A_977 = arith.muli %mul3A_976, %scan3A_36 : i32
      %get3A_978 = arith.index_cast %mul3A_977 : i32 to index
      %get3A_979 = arith.constant 752 : index
      %get3A_980 = tpu.vector_load %arg8[%get3A_978, %get3A_979] {strides = array<i32>} : memref<64x768xf32, #tpu.memory_space<vmem>>, vector<1x16xf32>,
      %get3A_981 = vector.shape_cast %get3A_980 : vector<1x16xf32> to vector<16xf32>
      %mul3A_982 = arith.constant 2 : i32
      %mul3A_983 = arith.muli %mul3A_982, %scan3A_36 : i32
      %add3A_984 = arith.constant 1 : i32
      %add3A_985 = arith.addi %mul3A_983, %add3A_984 : i32
      %get3A_986 = arith.index_cast %add3A_985 : i32 to index
      %get3A_987 = arith.constant 752 : index
      %get3A_988 = tpu.vector_load %arg8[%get3A_986, %get3A_987] {strides = array<i32>} : memref<64x768xf32, #tpu.memory_space<vmem>>, vector<1x16xf32>,
      %get3A_989 = vector.shape_cast %get3A_988 : vector<1x16xf32> to vector<16xf32>
      %add3A_990 = arith.addf %get3A_981, %get3A_989 : vector<16xf32>
      %swap3A_991 = arith.index_cast %scan3A_36 : i32 to index
      %swap3A_992 = arith.constant 752 : index
      %swap3A_993 = tpu.vector_load %arg9[%swap3A_991, %swap3A_992] {strides = array<i32>} : memref<32x768xf32, #tpu.memory_space<vmem>>, vector<1x16xf32>,
      %swap3A_994 = vector.shape_cast %swap3A_993 : vector<1x16xf32> to vector<16xf32>
      %swap3A_995 = vector.shape_cast %add3A_990 : vector<16xf32> to vector<1x16xf32>
      tpu.vector_store %arg9[%swap3A_991, %swap3A_992], %swap3A_995 {strides = array<i32>} : memref<32x768xf32, #tpu.memory_space<vmem>>, vector<1x16xf32>,
      %scan3A_996 = arith.constant 0 : i32
      scf.yield %scan3A_996 : i32
    }
    %scan3A_33 = arith.constant 32 : i32
    %add3A_34 = arith.constant 32 : i32
    %add3A_35 = arith.addi %mul3A_2, %add3A_34 : i32
    "tpu.region"() ({
      %run_scoped3A = tpu.sem_alloc : memref<!tpu.dma_semaphore, #tpu.memory_space<semaphore_mem>>
      %dma_start3A_36 = arith.constant 0 : i32
      %dma_start3A_37 = tpu.memref_slice %arg4[%add3A_35, %dma_start3A_36] : memref<2048x768xf32, #tpu.memory_space<hbm>> -> memref<32x768xf32, #tpu.memory_space<hbm>>
      %dma_start3A_38 = arith.constant 0 : i32
      %dma_start3A_39 = tpu.memref_slice %arg4[%add3A_35, %dma_start3A_38] : memref<2048x768xf32, #tpu.memory_space<hbm>> -> memref<32x768xf32, #tpu.memory_space<hbm>>
      tpu.enqueue_dma source(%arg9 : memref<32x768xf32, #tpu.memory_space<vmem>>) target(%dma_start3A_39 : memref<32x768xf32, #tpu.memory_space<hbm>>) target_semaphore(%run_scoped3A : memref<!tpu.dma_semaphore, #tpu.memory_space<semaphore_mem>>)
      %dma_wait3A_40 = arith.constant 0 : i32
      %dma_wait3A_41 = tpu.memref_slice %arg4[%add3A_35, %dma_wait3A_40] : memref<2048x768xf32, #tpu.memory_space<hbm>> -> memref<32x768xf32, #tpu.memory_space<hbm>>
      %dma_wait3A_42 = arith.constant 0 : i32
      %dma_wait3A_43 = tpu.memref_slice %arg4[%add3A_35, %dma_wait3A_42] : memref<2048x768xf32, #tpu.memory_space<hbm>> -> memref<32x768xf32, #tpu.memory_space<hbm>>
      tpu.wait_dma2 semaphore(%run_scoped3A : memref<!tpu.dma_semaphore, #tpu.memory_space<semaphore_mem>>) src(%arg9 : memref<32x768xf32, #tpu.memory_space<vmem>>) dst(%dma_wait3A_43 : memref<32x768xf32, #tpu.memory_space<hbm>>)
      tpu.yield
    }) : () -> ()
    return
  }
}

#map = affine_map<(d0, d1) -> (0)>
#map1 = affine_map<(d0, d1) -> (0, 0)>
module attributes {stable_mosaic.version = 14 : i64} {
  func.func @_dispatch_body(%arg0: i32, %arg1: i32, %arg2: memref<4096xf32, #tpu.memory_space<hbm>>, %arg3: memref<2048x768xf32, #tpu.memory_space<hbm>>, %arg4: memref<4096xi32, #tpu.memory_space<hbm>>, %arg5: memref<6144xf32, #tpu.memory_space<hbm>>, %arg6: memref<6144x768xf32, #tpu.memory_space<hbm>>, %arg7: memref<2x64xi32, #tpu.memory_space<vmem>>, %arg8: memref<128xi32, #tpu.memory_space<vmem>>, %arg9: memref<128xf32, #tpu.memory_space<vmem>>, %arg10: memref<64x768xf32, #tpu.memory_space<vmem>>, %arg11: memref<64x768xf32, #tpu.memory_space<vmem>>, %arg12: memref<!tpu.dma_semaphore, #tpu.memory_space<semaphore_mem>>, %arg13: memref<!tpu.dma_semaphore, #tpu.memory_space<semaphore_mem>>, %arg14: memref<!tpu.dma_semaphore, #tpu.memory_space<semaphore_mem>>) attributes {dimension_semantics = [#tpu.dimension_semantics<core_parallel>, #tpu.dimension_semantics<subcore_parallel>], iteration_bounds = array<i64: 2, 16>, scalar_prefetch = 0 : i64, scratch_operands = 8 : i64, tpu.core_type = #tpu.core_type<sc_vector_subcore>, window_params = [{transform_indices = #map}, {transform_indices = #map1}, {transform_indices = #map}, {transform_indices = #map}, {transform_indices = #map1}]} {
    %mul3A = arith.constant 2 : i32
    %mul3A_0 = arith.muli %arg1, %mul3A : i32
    %add3A = arith.addi %mul3A_0, %arg0 : i32
    %mul3A_1 = arith.constant 128 : i32
    %mul3A_2 = arith.muli %add3A, %mul3A_1 : i32
    %iota3A = tpu.iota {dimensions = array<i32: 0>} : vector<16xi32>
    %run_scoped3A = arith.constant 0 : i32
    "tpu.region"() ({
      %run_scoped3A_170 = tpu.sem_alloc : memref<!tpu.dma_semaphore, #tpu.memory_space<semaphore_mem>>
      %dma_start3A_171 = arith.constant 0 : i32
      %dma_start3A_172 = tpu.memref_slice %arg7[%run_scoped3A, %dma_start3A_171] : memref<2x64xi32, #tpu.memory_space<vmem>> -> memref<1x64xi32, #tpu.memory_space<vmem>>
      %dma_start3A_173 = tpu.memref_squeeze %dma_start3A_172 : memref<1x64xi32, #tpu.memory_space<vmem>> -> memref<64xi32, #tpu.memory_space<vmem>>
      %dma_start3A_174 = tpu.memref_slice %arg4[%mul3A_2] : memref<4096xi32, #tpu.memory_space<hbm>> -> memref<64xi32, #tpu.memory_space<hbm>>
      %dma_start3A_175 = arith.constant 0 : i32
      %dma_start3A_176 = tpu.memref_slice %arg7[%run_scoped3A, %dma_start3A_175] : memref<2x64xi32, #tpu.memory_space<vmem>> -> memref<1x64xi32, #tpu.memory_space<vmem>>
      %dma_start3A_177 = tpu.memref_squeeze %dma_start3A_176 : memref<1x64xi32, #tpu.memory_space<vmem>> -> memref<64xi32, #tpu.memory_space<vmem>>
      %dma_start3A_178 = tpu.memref_slice %arg4[%mul3A_2] : memref<4096xi32, #tpu.memory_space<hbm>> -> memref<64xi32, #tpu.memory_space<hbm>>
      tpu.enqueue_dma source(%dma_start3A_178 : memref<64xi32, #tpu.memory_space<hbm>>) target(%dma_start3A_177 : memref<64xi32, #tpu.memory_space<vmem>>) target_semaphore(%run_scoped3A_170 : memref<!tpu.dma_semaphore, #tpu.memory_space<semaphore_mem>>)
      %dma_wait3A_179 = arith.constant 0 : i32
      %dma_wait3A_180 = tpu.memref_slice %arg7[%run_scoped3A, %dma_wait3A_179] : memref<2x64xi32, #tpu.memory_space<vmem>> -> memref<1x64xi32, #tpu.memory_space<vmem>>
      %dma_wait3A_181 = tpu.memref_squeeze %dma_wait3A_180 : memref<1x64xi32, #tpu.memory_space<vmem>> -> memref<64xi32, #tpu.memory_space<vmem>>
      %dma_wait3A_182 = tpu.memref_slice %arg4[%mul3A_2] : memref<4096xi32, #tpu.memory_space<hbm>> -> memref<64xi32, #tpu.memory_space<hbm>>
      %dma_wait3A_183 = arith.constant 0 : i32
      %dma_wait3A_184 = tpu.memref_slice %arg7[%run_scoped3A, %dma_wait3A_183] : memref<2x64xi32, #tpu.memory_space<vmem>> -> memref<1x64xi32, #tpu.memory_space<vmem>>
      %dma_wait3A_185 = tpu.memref_squeeze %dma_wait3A_184 : memref<1x64xi32, #tpu.memory_space<vmem>> -> memref<64xi32, #tpu.memory_space<vmem>>
      %dma_wait3A_186 = tpu.memref_slice %arg4[%mul3A_2] : memref<4096xi32, #tpu.memory_space<hbm>> -> memref<64xi32, #tpu.memory_space<hbm>>
      tpu.wait_dma2 semaphore(%run_scoped3A_170 : memref<!tpu.dma_semaphore, #tpu.memory_space<semaphore_mem>>) src(%dma_wait3A_186 : memref<64xi32, #tpu.memory_space<hbm>>) dst(%dma_wait3A_185 : memref<64xi32, #tpu.memory_space<vmem>>)
      tpu.yield
    }) : () -> ()
    %add3A_3 = arith.constant 64 : i32
    %add3A_4 = arith.addi %mul3A_2, %add3A_3 : i32
    %run_scoped3A_5 = arith.constant 1 : i32
    "tpu.region"() ({
      %run_scoped3A_170 = tpu.sem_alloc : memref<!tpu.dma_semaphore, #tpu.memory_space<semaphore_mem>>
      %dma_start3A_171 = arith.constant 0 : i32
      %dma_start3A_172 = tpu.memref_slice %arg7[%run_scoped3A_5, %dma_start3A_171] : memref<2x64xi32, #tpu.memory_space<vmem>> -> memref<1x64xi32, #tpu.memory_space<vmem>>
      %dma_start3A_173 = tpu.memref_squeeze %dma_start3A_172 : memref<1x64xi32, #tpu.memory_space<vmem>> -> memref<64xi32, #tpu.memory_space<vmem>>
      %dma_start3A_174 = tpu.memref_slice %arg4[%add3A_4] : memref<4096xi32, #tpu.memory_space<hbm>> -> memref<64xi32, #tpu.memory_space<hbm>>
      %dma_start3A_175 = arith.constant 0 : i32
      %dma_start3A_176 = tpu.memref_slice %arg7[%run_scoped3A_5, %dma_start3A_175] : memref<2x64xi32, #tpu.memory_space<vmem>> -> memref<1x64xi32, #tpu.memory_space<vmem>>
      %dma_start3A_177 = tpu.memref_squeeze %dma_start3A_176 : memref<1x64xi32, #tpu.memory_space<vmem>> -> memref<64xi32, #tpu.memory_space<vmem>>
      %dma_start3A_178 = tpu.memref_slice %arg4[%add3A_4] : memref<4096xi32, #tpu.memory_space<hbm>> -> memref<64xi32, #tpu.memory_space<hbm>>
      tpu.enqueue_dma source(%dma_start3A_178 : memref<64xi32, #tpu.memory_space<hbm>>) target(%dma_start3A_177 : memref<64xi32, #tpu.memory_space<vmem>>) target_semaphore(%run_scoped3A_170 : memref<!tpu.dma_semaphore, #tpu.memory_space<semaphore_mem>>)
      %dma_wait3A_179 = arith.constant 0 : i32
      %dma_wait3A_180 = tpu.memref_slice %arg7[%run_scoped3A_5, %dma_wait3A_179] : memref<2x64xi32, #tpu.memory_space<vmem>> -> memref<1x64xi32, #tpu.memory_space<vmem>>
      %dma_wait3A_181 = tpu.memref_squeeze %dma_wait3A_180 : memref<1x64xi32, #tpu.memory_space<vmem>> -> memref<64xi32, #tpu.memory_space<vmem>>
      %dma_wait3A_182 = tpu.memref_slice %arg4[%add3A_4] : memref<4096xi32, #tpu.memory_space<hbm>> -> memref<64xi32, #tpu.memory_space<hbm>>
      %dma_wait3A_183 = arith.constant 0 : i32
      %dma_wait3A_184 = tpu.memref_slice %arg7[%run_scoped3A_5, %dma_wait3A_183] : memref<2x64xi32, #tpu.memory_space<vmem>> -> memref<1x64xi32, #tpu.memory_space<vmem>>
      %dma_wait3A_185 = tpu.memref_squeeze %dma_wait3A_184 : memref<1x64xi32, #tpu.memory_space<vmem>> -> memref<64xi32, #tpu.memory_space<vmem>>
      %dma_wait3A_186 = tpu.memref_slice %arg4[%add3A_4] : memref<4096xi32, #tpu.memory_space<hbm>> -> memref<64xi32, #tpu.memory_space<hbm>>
      tpu.wait_dma2 semaphore(%run_scoped3A_170 : memref<!tpu.dma_semaphore, #tpu.memory_space<semaphore_mem>>) src(%dma_wait3A_186 : memref<64xi32, #tpu.memory_space<hbm>>) dst(%dma_wait3A_185 : memref<64xi32, #tpu.memory_space<vmem>>)
      tpu.yield
    }) : () -> ()
    "tpu.region"() ({
      %run_scoped3A_170 = tpu.sem_alloc : memref<!tpu.dma_semaphore, #tpu.memory_space<semaphore_mem>>
      %dma_start3A_171 = tpu.memref_slice %arg2[%mul3A_2] : memref<4096xf32, #tpu.memory_space<hbm>> -> memref<128xf32, #tpu.memory_space<hbm>>
      %dma_start3A_172 = tpu.memref_slice %arg2[%mul3A_2] : memref<4096xf32, #tpu.memory_space<hbm>> -> memref<128xf32, #tpu.memory_space<hbm>>
      tpu.enqueue_dma source(%dma_start3A_172 : memref<128xf32, #tpu.memory_space<hbm>>) target(%arg9 : memref<128xf32, #tpu.memory_space<vmem>>) target_semaphore(%run_scoped3A_170 : memref<!tpu.dma_semaphore, #tpu.memory_space<semaphore_mem>>)
      %dma_wait3A_173 = tpu.memref_slice %arg2[%mul3A_2] : memref<4096xf32, #tpu.memory_space<hbm>> -> memref<128xf32, #tpu.memory_space<hbm>>
      %dma_wait3A_174 = tpu.memref_slice %arg2[%mul3A_2] : memref<4096xf32, #tpu.memory_space<hbm>> -> memref<128xf32, #tpu.memory_space<hbm>>
      tpu.wait_dma2 semaphore(%run_scoped3A_170 : memref<!tpu.dma_semaphore, #tpu.memory_space<semaphore_mem>>) src(%dma_wait3A_174 : memref<128xf32, #tpu.memory_space<hbm>>) dst(%arg9 : memref<128xf32, #tpu.memory_space<vmem>>)
      tpu.yield
    }) : () -> ()
    %add3A_6 = arith.constant 0 : i32
    %add3A_7 = arith.addi %mul3A_2, %add3A_6 : i32
    %add3A_8 = vector.broadcast %add3A_7 : i32 to vector<16xi32>
    %add3A_9 = arith.addi %add3A_8, %iota3A : vector<16xi32>
    %shift_right_logical3A = arith.constant 1 : i32
    %shift_right_logical3A_10 = vector.broadcast %shift_right_logical3A : i32 to vector<16xi32>
    %shift_right_logical3A_11 = arith.shrui %add3A_9, %shift_right_logical3A_10 : vector<16xi32>
    %swap3A = arith.constant 0 : index
    %swap3A_12 = tpu.vector_load %arg8[%swap3A] {strides = array<i32>} : memref<128xi32, #tpu.memory_space<vmem>>, vector<16xi32>,
    %swap3A_13 = vector.shape_cast %swap3A_12 : vector<16xi32> to vector<16xi32>
    %swap3A_14 = vector.shape_cast %shift_right_logical3A_11 : vector<16xi32> to vector<16xi32>
    tpu.vector_store %arg8[%swap3A], %swap3A_14 {strides = array<i32>} : memref<128xi32, #tpu.memory_space<vmem>>, vector<16xi32>,
    %add3A_15 = arith.constant 16 : i32
    %add3A_16 = arith.addi %mul3A_2, %add3A_15 : i32
    %add3A_17 = vector.broadcast %add3A_16 : i32 to vector<16xi32>
    %add3A_18 = arith.addi %add3A_17, %iota3A : vector<16xi32>
    %shift_right_logical3A_19 = arith.constant 1 : i32
    %shift_right_logical3A_20 = vector.broadcast %shift_right_logical3A_19 : i32 to vector<16xi32>
    %shift_right_logical3A_21 = arith.shrui %add3A_18, %shift_right_logical3A_20 : vector<16xi32>
    %swap3A_22 = arith.constant 16 : index
    %swap3A_23 = tpu.vector_load %arg8[%swap3A_22] {strides = array<i32>} : memref<128xi32, #tpu.memory_space<vmem>>, vector<16xi32>,
    %swap3A_24 = vector.shape_cast %swap3A_23 : vector<16xi32> to vector<16xi32>
    %swap3A_25 = vector.shape_cast %shift_right_logical3A_21 : vector<16xi32> to vector<16xi32>
    tpu.vector_store %arg8[%swap3A_22], %swap3A_25 {strides = array<i32>} : memref<128xi32, #tpu.memory_space<vmem>>, vector<16xi32>,
    %add3A_26 = arith.constant 32 : i32
    %add3A_27 = arith.addi %mul3A_2, %add3A_26 : i32
    %add3A_28 = vector.broadcast %add3A_27 : i32 to vector<16xi32>
    %add3A_29 = arith.addi %add3A_28, %iota3A : vector<16xi32>
    %shift_right_logical3A_30 = arith.constant 1 : i32
    %shift_right_logical3A_31 = vector.broadcast %shift_right_logical3A_30 : i32 to vector<16xi32>
    %shift_right_logical3A_32 = arith.shrui %add3A_29, %shift_right_logical3A_31 : vector<16xi32>
    %swap3A_33 = arith.constant 32 : index
    %swap3A_34 = tpu.vector_load %arg8[%swap3A_33] {strides = array<i32>} : memref<128xi32, #tpu.memory_space<vmem>>, vector<16xi32>,
    %swap3A_35 = vector.shape_cast %swap3A_34 : vector<16xi32> to vector<16xi32>
    %swap3A_36 = vector.shape_cast %shift_right_logical3A_32 : vector<16xi32> to vector<16xi32>
    tpu.vector_store %arg8[%swap3A_33], %swap3A_36 {strides = array<i32>} : memref<128xi32, #tpu.memory_space<vmem>>, vector<16xi32>,
    %add3A_37 = arith.constant 48 : i32
    %add3A_38 = arith.addi %mul3A_2, %add3A_37 : i32
    %add3A_39 = vector.broadcast %add3A_38 : i32 to vector<16xi32>
    %add3A_40 = arith.addi %add3A_39, %iota3A : vector<16xi32>
    %shift_right_logical3A_41 = arith.constant 1 : i32
    %shift_right_logical3A_42 = vector.broadcast %shift_right_logical3A_41 : i32 to vector<16xi32>
    %shift_right_logical3A_43 = arith.shrui %add3A_40, %shift_right_logical3A_42 : vector<16xi32>
    %swap3A_44 = arith.constant 48 : index
    %swap3A_45 = tpu.vector_load %arg8[%swap3A_44] {strides = array<i32>} : memref<128xi32, #tpu.memory_space<vmem>>, vector<16xi32>,
    %swap3A_46 = vector.shape_cast %swap3A_45 : vector<16xi32> to vector<16xi32>
    %swap3A_47 = vector.shape_cast %shift_right_logical3A_43 : vector<16xi32> to vector<16xi32>
    tpu.vector_store %arg8[%swap3A_44], %swap3A_47 {strides = array<i32>} : memref<128xi32, #tpu.memory_space<vmem>>, vector<16xi32>,
    %add3A_48 = arith.constant 64 : i32
    %add3A_49 = arith.addi %mul3A_2, %add3A_48 : i32
    %add3A_50 = vector.broadcast %add3A_49 : i32 to vector<16xi32>
    %add3A_51 = arith.addi %add3A_50, %iota3A : vector<16xi32>
    %shift_right_logical3A_52 = arith.constant 1 : i32
    %shift_right_logical3A_53 = vector.broadcast %shift_right_logical3A_52 : i32 to vector<16xi32>
    %shift_right_logical3A_54 = arith.shrui %add3A_51, %shift_right_logical3A_53 : vector<16xi32>
    %swap3A_55 = arith.constant 64 : index
    %swap3A_56 = tpu.vector_load %arg8[%swap3A_55] {strides = array<i32>} : memref<128xi32, #tpu.memory_space<vmem>>, vector<16xi32>,
    %swap3A_57 = vector.shape_cast %swap3A_56 : vector<16xi32> to vector<16xi32>
    %swap3A_58 = vector.shape_cast %shift_right_logical3A_54 : vector<16xi32> to vector<16xi32>
    tpu.vector_store %arg8[%swap3A_55], %swap3A_58 {strides = array<i32>} : memref<128xi32, #tpu.memory_space<vmem>>, vector<16xi32>,
    %add3A_59 = arith.constant 80 : i32
    %add3A_60 = arith.addi %mul3A_2, %add3A_59 : i32
    %add3A_61 = vector.broadcast %add3A_60 : i32 to vector<16xi32>
    %add3A_62 = arith.addi %add3A_61, %iota3A : vector<16xi32>
    %shift_right_logical3A_63 = arith.constant 1 : i32
    %shift_right_logical3A_64 = vector.broadcast %shift_right_logical3A_63 : i32 to vector<16xi32>
    %shift_right_logical3A_65 = arith.shrui %add3A_62, %shift_right_logical3A_64 : vector<16xi32>
    %swap3A_66 = arith.constant 80 : index
    %swap3A_67 = tpu.vector_load %arg8[%swap3A_66] {strides = array<i32>} : memref<128xi32, #tpu.memory_space<vmem>>, vector<16xi32>,
    %swap3A_68 = vector.shape_cast %swap3A_67 : vector<16xi32> to vector<16xi32>
    %swap3A_69 = vector.shape_cast %shift_right_logical3A_65 : vector<16xi32> to vector<16xi32>
    tpu.vector_store %arg8[%swap3A_66], %swap3A_69 {strides = array<i32>} : memref<128xi32, #tpu.memory_space<vmem>>, vector<16xi32>,
    %add3A_70 = arith.constant 96 : i32
    %add3A_71 = arith.addi %mul3A_2, %add3A_70 : i32
    %add3A_72 = vector.broadcast %add3A_71 : i32 to vector<16xi32>
    %add3A_73 = arith.addi %add3A_72, %iota3A : vector<16xi32>
    %shift_right_logical3A_74 = arith.constant 1 : i32
    %shift_right_logical3A_75 = vector.broadcast %shift_right_logical3A_74 : i32 to vector<16xi32>
    %shift_right_logical3A_76 = arith.shrui %add3A_73, %shift_right_logical3A_75 : vector<16xi32>
    %swap3A_77 = arith.constant 96 : index
    %swap3A_78 = tpu.vector_load %arg8[%swap3A_77] {strides = array<i32>} : memref<128xi32, #tpu.memory_space<vmem>>, vector<16xi32>,
    %swap3A_79 = vector.shape_cast %swap3A_78 : vector<16xi32> to vector<16xi32>
    %swap3A_80 = vector.shape_cast %shift_right_logical3A_76 : vector<16xi32> to vector<16xi32>
    tpu.vector_store %arg8[%swap3A_77], %swap3A_80 {strides = array<i32>} : memref<128xi32, #tpu.memory_space<vmem>>, vector<16xi32>,
    %add3A_81 = arith.constant 112 : i32
    %add3A_82 = arith.addi %mul3A_2, %add3A_81 : i32
    %add3A_83 = vector.broadcast %add3A_82 : i32 to vector<16xi32>
    %add3A_84 = arith.addi %add3A_83, %iota3A : vector<16xi32>
    %shift_right_logical3A_85 = arith.constant 1 : i32
    %shift_right_logical3A_86 = vector.broadcast %shift_right_logical3A_85 : i32 to vector<16xi32>
    %shift_right_logical3A_87 = arith.shrui %add3A_84, %shift_right_logical3A_86 : vector<16xi32>
    %swap3A_88 = arith.constant 112 : index
    %swap3A_89 = tpu.vector_load %arg8[%swap3A_88] {strides = array<i32>} : memref<128xi32, #tpu.memory_space<vmem>>, vector<16xi32>,
    %swap3A_90 = vector.shape_cast %swap3A_89 : vector<16xi32> to vector<16xi32>
    %swap3A_91 = vector.shape_cast %shift_right_logical3A_87 : vector<16xi32> to vector<16xi32>
    tpu.vector_store %arg8[%swap3A_88], %swap3A_91 {strides = array<i32>} : memref<128xi32, #tpu.memory_space<vmem>>, vector<16xi32>,
    %dma_start3A = arith.constant 0 : i32
    %dma_start3A_92 = arith.constant 0 : i32
    %dma_start3A_93 = tpu.memref_slice %arg9[%dma_start3A_92] : memref<128xf32, #tpu.memory_space<vmem>> -> memref<64xf32, #tpu.memory_space<vmem>>
    %dma_start3A_94 = arith.constant 0 : i32
    %dma_start3A_95 = tpu.memref_slice %arg7[%dma_start3A, %dma_start3A_94] : memref<2x64xi32, #tpu.memory_space<vmem>> -> memref<1x64xi32, #tpu.memory_space<vmem>>
    %dma_start3A_96 = tpu.memref_squeeze %dma_start3A_95 : memref<1x64xi32, #tpu.memory_space<vmem>> -> memref<64xi32, #tpu.memory_space<vmem>>
    %dma_start3A_97 = arith.constant 0 : i32
    %dma_start3A_98 = tpu.memref_slice %arg5[%dma_start3A_97] : memref<6144xf32, #tpu.memory_space<hbm>> -> memref<6144xf32, #tpu.memory_space<hbm>>
    tpu.enqueue_indirect_dma source(%dma_start3A_93 : memref<64xf32, #tpu.memory_space<vmem>>) target(%dma_start3A_98 : memref<6144xf32, #tpu.memory_space<hbm>>) offsets(%dma_start3A_96 : memref<64xi32, #tpu.memory_space<vmem>>) semaphore(%arg14 : memref<!tpu.dma_semaphore, #tpu.memory_space<semaphore_mem>>)
    %dma_start3A_99 = arith.constant 1 : i32
    %dma_start3A_100 = arith.constant 64 : i32
    %dma_start3A_101 = tpu.memref_slice %arg9[%dma_start3A_100] : memref<128xf32, #tpu.memory_space<vmem>> -> memref<64xf32, #tpu.memory_space<vmem>>
    %dma_start3A_102 = arith.constant 0 : i32
    %dma_start3A_103 = tpu.memref_slice %arg7[%dma_start3A_99, %dma_start3A_102] : memref<2x64xi32, #tpu.memory_space<vmem>> -> memref<1x64xi32, #tpu.memory_space<vmem>>
    %dma_start3A_104 = tpu.memref_squeeze %dma_start3A_103 : memref<1x64xi32, #tpu.memory_space<vmem>> -> memref<64xi32, #tpu.memory_space<vmem>>
    %dma_start3A_105 = arith.constant 0 : i32
    %dma_start3A_106 = tpu.memref_slice %arg5[%dma_start3A_105] : memref<6144xf32, #tpu.memory_space<hbm>> -> memref<6144xf32, #tpu.memory_space<hbm>>
    tpu.enqueue_indirect_dma source(%dma_start3A_101 : memref<64xf32, #tpu.memory_space<vmem>>) target(%dma_start3A_106 : memref<6144xf32, #tpu.memory_space<hbm>>) offsets(%dma_start3A_104 : memref<64xi32, #tpu.memory_space<vmem>>) semaphore(%arg14 : memref<!tpu.dma_semaphore, #tpu.memory_space<semaphore_mem>>)
    %dma_start3A_107 = arith.constant 0 : i32
    %dma_start3A_108 = tpu.memref_slice %arg8[%dma_start3A_107] : memref<128xi32, #tpu.memory_space<vmem>> -> memref<64xi32, #tpu.memory_space<vmem>>
    %dma_start3A_109 = arith.constant 0 : i32
    %dma_start3A_110 = arith.constant 0 : i32
    %dma_start3A_111 = tpu.memref_slice %arg3[%dma_start3A_109, %dma_start3A_110] : memref<2048x768xf32, #tpu.memory_space<hbm>> -> memref<2048x768xf32, #tpu.memory_space<hbm>>
    tpu.enqueue_indirect_dma source(%dma_start3A_111 : memref<2048x768xf32, #tpu.memory_space<hbm>>) target(%arg10 : memref<64x768xf32, #tpu.memory_space<vmem>>) offsets(%dma_start3A_108 : memref<64xi32, #tpu.memory_space<vmem>>) semaphore(%arg12 : memref<!tpu.dma_semaphore, #tpu.memory_space<semaphore_mem>>)
    %dma_start3A_112 = arith.constant 64 : i32
    %dma_start3A_113 = tpu.memref_slice %arg8[%dma_start3A_112] : memref<128xi32, #tpu.memory_space<vmem>> -> memref<64xi32, #tpu.memory_space<vmem>>
    %dma_start3A_114 = arith.constant 0 : i32
    %dma_start3A_115 = arith.constant 0 : i32
    %dma_start3A_116 = tpu.memref_slice %arg3[%dma_start3A_114, %dma_start3A_115] : memref<2048x768xf32, #tpu.memory_space<hbm>> -> memref<2048x768xf32, #tpu.memory_space<hbm>>
    tpu.enqueue_indirect_dma source(%dma_start3A_116 : memref<2048x768xf32, #tpu.memory_space<hbm>>) target(%arg11 : memref<64x768xf32, #tpu.memory_space<vmem>>) offsets(%dma_start3A_113 : memref<64xi32, #tpu.memory_space<vmem>>) semaphore(%arg13 : memref<!tpu.dma_semaphore, #tpu.memory_space<semaphore_mem>>)
    %dma_wait3A = arith.constant 0 : i32
    %dma_wait3A_117 = tpu.memref_slice %arg8[%dma_wait3A] : memref<128xi32, #tpu.memory_space<vmem>> -> memref<64xi32, #tpu.memory_space<vmem>>
    %dma_wait3A_118 = arith.constant 0 : i32
    %dma_wait3A_119 = arith.constant 0 : i32
    %dma_wait3A_120 = tpu.memref_slice %arg3[%dma_wait3A_118, %dma_wait3A_119] : memref<2048x768xf32, #tpu.memory_space<hbm>> -> memref<2048x768xf32, #tpu.memory_space<hbm>>
    tpu.wait_indirect_dma semaphore(%arg12 : memref<!tpu.dma_semaphore, #tpu.memory_space<semaphore_mem>>) src(%dma_wait3A_120 : memref<2048x768xf32, #tpu.memory_space<hbm>>) dst(%arg10 : memref<64x768xf32, #tpu.memory_space<vmem>>)
    %dma_start3A_121 = arith.constant 0 : i32
    %dma_start3A_122 = arith.constant 0 : i32
    %dma_start3A_123 = tpu.memref_slice %arg7[%dma_start3A_121, %dma_start3A_122] : memref<2x64xi32, #tpu.memory_space<vmem>> -> memref<1x64xi32, #tpu.memory_space<vmem>>
    %dma_start3A_124 = tpu.memref_squeeze %dma_start3A_123 : memref<1x64xi32, #tpu.memory_space<vmem>> -> memref<64xi32, #tpu.memory_space<vmem>>
    %dma_start3A_125 = arith.constant 0 : i32
    %dma_start3A_126 = arith.constant 0 : i32
    %dma_start3A_127 = tpu.memref_slice %arg6[%dma_start3A_125, %dma_start3A_126] : memref<6144x768xf32, #tpu.memory_space<hbm>> -> memref<6144x768xf32, #tpu.memory_space<hbm>>
    tpu.enqueue_indirect_dma source(%arg10 : memref<64x768xf32, #tpu.memory_space<vmem>>) target(%dma_start3A_127 : memref<6144x768xf32, #tpu.memory_space<hbm>>) offsets(%dma_start3A_124 : memref<64xi32, #tpu.memory_space<vmem>>) semaphore(%arg12 : memref<!tpu.dma_semaphore, #tpu.memory_space<semaphore_mem>>)
    %dma_wait3A_128 = arith.constant 0 : i32
    %dma_wait3A_129 = arith.constant 0 : i32
    %dma_wait3A_130 = tpu.memref_slice %arg7[%dma_wait3A_128, %dma_wait3A_129] : memref<2x64xi32, #tpu.memory_space<vmem>> -> memref<1x64xi32, #tpu.memory_space<vmem>>
    %dma_wait3A_131 = tpu.memref_squeeze %dma_wait3A_130 : memref<1x64xi32, #tpu.memory_space<vmem>> -> memref<64xi32, #tpu.memory_space<vmem>>
    %dma_wait3A_132 = arith.constant 0 : i32
    %dma_wait3A_133 = arith.constant 0 : i32
    %dma_wait3A_134 = tpu.memref_slice %arg6[%dma_wait3A_132, %dma_wait3A_133] : memref<6144x768xf32, #tpu.memory_space<hbm>> -> memref<6144x768xf32, #tpu.memory_space<hbm>>
    tpu.wait_indirect_dma semaphore(%arg12 : memref<!tpu.dma_semaphore, #tpu.memory_space<semaphore_mem>>) src(%arg10 : memref<64x768xf32, #tpu.memory_space<vmem>>) dst(%dma_wait3A_134 : memref<6144x768xf32, #tpu.memory_space<hbm>>)
    %dma_wait3A_135 = arith.constant 64 : i32
    %dma_wait3A_136 = tpu.memref_slice %arg8[%dma_wait3A_135] : memref<128xi32, #tpu.memory_space<vmem>> -> memref<64xi32, #tpu.memory_space<vmem>>
    %dma_wait3A_137 = arith.constant 0 : i32
    %dma_wait3A_138 = arith.constant 0 : i32
    %dma_wait3A_139 = tpu.memref_slice %arg3[%dma_wait3A_137, %dma_wait3A_138] : memref<2048x768xf32, #tpu.memory_space<hbm>> -> memref<2048x768xf32, #tpu.memory_space<hbm>>
    tpu.wait_indirect_dma semaphore(%arg13 : memref<!tpu.dma_semaphore, #tpu.memory_space<semaphore_mem>>) src(%dma_wait3A_139 : memref<2048x768xf32, #tpu.memory_space<hbm>>) dst(%arg11 : memref<64x768xf32, #tpu.memory_space<vmem>>)
    %dma_start3A_140 = arith.constant 1 : i32
    %dma_start3A_141 = arith.constant 0 : i32
    %dma_start3A_142 = tpu.memref_slice %arg7[%dma_start3A_140, %dma_start3A_141] : memref<2x64xi32, #tpu.memory_space<vmem>> -> memref<1x64xi32, #tpu.memory_space<vmem>>
    %dma_start3A_143 = tpu.memref_squeeze %dma_start3A_142 : memref<1x64xi32, #tpu.memory_space<vmem>> -> memref<64xi32, #tpu.memory_space<vmem>>
    %dma_start3A_144 = arith.constant 0 : i32
    %dma_start3A_145 = arith.constant 0 : i32
    %dma_start3A_146 = tpu.memref_slice %arg6[%dma_start3A_144, %dma_start3A_145] : memref<6144x768xf32, #tpu.memory_space<hbm>> -> memref<6144x768xf32, #tpu.memory_space<hbm>>
    tpu.enqueue_indirect_dma source(%arg11 : memref<64x768xf32, #tpu.memory_space<vmem>>) target(%dma_start3A_146 : memref<6144x768xf32, #tpu.memory_space<hbm>>) offsets(%dma_start3A_143 : memref<64xi32, #tpu.memory_space<vmem>>) semaphore(%arg13 : memref<!tpu.dma_semaphore, #tpu.memory_space<semaphore_mem>>)
    %dma_wait3A_147 = arith.constant 1 : i32
    %dma_wait3A_148 = arith.constant 0 : i32
    %dma_wait3A_149 = tpu.memref_slice %arg7[%dma_wait3A_147, %dma_wait3A_148] : memref<2x64xi32, #tpu.memory_space<vmem>> -> memref<1x64xi32, #tpu.memory_space<vmem>>
    %dma_wait3A_150 = tpu.memref_squeeze %dma_wait3A_149 : memref<1x64xi32, #tpu.memory_space<vmem>> -> memref<64xi32, #tpu.memory_space<vmem>>
    %dma_wait3A_151 = arith.constant 0 : i32
    %dma_wait3A_152 = arith.constant 0 : i32
    %dma_wait3A_153 = tpu.memref_slice %arg6[%dma_wait3A_151, %dma_wait3A_152] : memref<6144x768xf32, #tpu.memory_space<hbm>> -> memref<6144x768xf32, #tpu.memory_space<hbm>>
    tpu.wait_indirect_dma semaphore(%arg13 : memref<!tpu.dma_semaphore, #tpu.memory_space<semaphore_mem>>) src(%arg11 : memref<64x768xf32, #tpu.memory_space<vmem>>) dst(%dma_wait3A_153 : memref<6144x768xf32, #tpu.memory_space<hbm>>)
    %dma_wait3A_154 = arith.constant 0 : i32
    %dma_wait3A_155 = arith.constant 0 : i32
    %dma_wait3A_156 = tpu.memref_slice %arg9[%dma_wait3A_155] : memref<128xf32, #tpu.memory_space<vmem>> -> memref<64xf32, #tpu.memory_space<vmem>>
    %dma_wait3A_157 = arith.constant 0 : i32
    %dma_wait3A_158 = tpu.memref_slice %arg7[%dma_wait3A_154, %dma_wait3A_157] : memref<2x64xi32, #tpu.memory_space<vmem>> -> memref<1x64xi32, #tpu.memory_space<vmem>>
    %dma_wait3A_159 = tpu.memref_squeeze %dma_wait3A_158 : memref<1x64xi32, #tpu.memory_space<vmem>> -> memref<64xi32, #tpu.memory_space<vmem>>
    %dma_wait3A_160 = arith.constant 0 : i32
    %dma_wait3A_161 = tpu.memref_slice %arg5[%dma_wait3A_160] : memref<6144xf32, #tpu.memory_space<hbm>> -> memref<6144xf32, #tpu.memory_space<hbm>>
    tpu.wait_indirect_dma semaphore(%arg14 : memref<!tpu.dma_semaphore, #tpu.memory_space<semaphore_mem>>) src(%dma_wait3A_156 : memref<64xf32, #tpu.memory_space<vmem>>) dst(%dma_wait3A_161 : memref<6144xf32, #tpu.memory_space<hbm>>)
    %dma_wait3A_162 = arith.constant 1 : i32
    %dma_wait3A_163 = arith.constant 64 : i32
    %dma_wait3A_164 = tpu.memref_slice %arg9[%dma_wait3A_163] : memref<128xf32, #tpu.memory_space<vmem>> -> memref<64xf32, #tpu.memory_space<vmem>>
    %dma_wait3A_165 = arith.constant 0 : i32
    %dma_wait3A_166 = tpu.memref_slice %arg7[%dma_wait3A_162, %dma_wait3A_165] : memref<2x64xi32, #tpu.memory_space<vmem>> -> memref<1x64xi32, #tpu.memory_space<vmem>>
    %dma_wait3A_167 = tpu.memref_squeeze %dma_wait3A_166 : memref<1x64xi32, #tpu.memory_space<vmem>> -> memref<64xi32, #tpu.memory_space<vmem>>
    %dma_wait3A_168 = arith.constant 0 : i32
    %dma_wait3A_169 = tpu.memref_slice %arg5[%dma_wait3A_168] : memref<6144xf32, #tpu.memory_space<hbm>> -> memref<6144xf32, #tpu.memory_space<hbm>>
    tpu.wait_indirect_dma semaphore(%arg14 : memref<!tpu.dma_semaphore, #tpu.memory_space<semaphore_mem>>) src(%dma_wait3A_164 : memref<64xf32, #tpu.memory_space<vmem>>) dst(%dma_wait3A_169 : memref<6144xf32, #tpu.memory_space<hbm>>)
    return
  }
}

module attributes {stable_mosaic.version = 14 : i64} {
  func.func @_gating_body(%arg0: memref<2048x768xf32, #tpu.memory_space<vmem>>, %arg1: memref<768x128xf32, #tpu.memory_space<vmem>>, %arg2: memref<128xf32, #tpu.memory_space<vmem>>, %arg3: memref<40x2048xf32, #tpu.memory_space<vmem>>, %arg4: memref<2048x40xf32, #tpu.memory_space<vmem>>, %arg5: memref<64x64xf32, #tpu.memory_space<vmem>>, %arg6: memref<16x16xf32, #tpu.memory_space<vmem>>, %arg7: memref<2048x2xf32, #tpu.memory_space<vmem>>, %arg8: memref<2048x2xi32, #tpu.memory_space<vmem>>, %arg9: memref<32x1xi32, #tpu.memory_space<vmem>>) attributes {dimension_semantics = [], scalar_prefetch = 0 : i64, scratch_operands = 0 : i64, tpu.core_type = #tpu.core_type<tc>} {
    %get3A = arith.constant 0 : index
    %get3A_0 = arith.constant 0 : index
    %get3A_1 = vector.load %arg0[%get3A, %get3A_0] : memref<2048x768xf32, #tpu.memory_space<vmem>>, vector<2048x768xf32>
    %get3A_2 = arith.constant 0 : index
    %get3A_3 = arith.constant 0 : index
    %get3A_4 = vector.load %arg1[%get3A_2, %get3A_3] : memref<768x128xf32, #tpu.memory_space<vmem>>, vector<768x128xf32>
    %dot_general3A = arith.constant dense<0.000000e+00> : vector<2048x128xf32>
    %dot_general3A_5 = tpu.matmul %get3A_1, %get3A_4, %dot_general3A {dimension_numbers = #tpu.dot_dimension_numbers<[1], [0], [0], [1], [0, 0, 1, 1], [], []>, transpose_lhs_hint = false} : vector<2048x768xf32>, vector<768x128xf32>, vector<2048x128xf32> -> vector<2048x128xf32>
    %get3A_6 = arith.constant 0 : index
    %get3A_7 = vector.load %arg2[%get3A_6] : memref<128xf32, #tpu.memory_space<vmem>>, vector<128xf32>
    %broadcast_in_dim3A = vector.shape_cast %get3A_7 : vector<128xf32> to vector<1x128xf32>
    %add3A = vector.broadcast %broadcast_in_dim3A : vector<1x128xf32> to vector<2048x128xf32>
    %add3A_8 = arith.addf %dot_general3A_5, %add3A : vector<2048x128xf32>
    %reduce_max3A = arith.constant dense<0xFF800000> : vector<2048xf32>
    %reduce_max3A_9 = vector.multi_reduction <maximumf>, %add3A_8, %reduce_max3A [1] : vector<2048x128xf32> to vector<2048xf32>
    %broadcast_in_dim3A_10 = vector.shape_cast %reduce_max3A_9 : vector<2048xf32> to vector<2048x1xf32>
    %sub3A = vector.broadcast %broadcast_in_dim3A_10 : vector<2048x1xf32> to vector<2048x128xf32>
    %sub3A_11 = arith.subf %add3A_8, %sub3A : vector<2048x128xf32>
    %exp3A = math.exp %sub3A_11 : vector<2048x128xf32>
    %reduce_sum3A = arith.constant dense<0.000000e+00> : vector<2048xf32>
    %reduce_sum3A_12 = vector.multi_reduction <add>, %exp3A, %reduce_sum3A [1] : vector<2048x128xf32> to vector<2048xf32>
    %broadcast_in_dim3A_13 = vector.shape_cast %reduce_sum3A_12 : vector<2048xf32> to vector<2048x1xf32>
    %div3A = vector.broadcast %broadcast_in_dim3A_13 : vector<2048x1xf32> to vector<2048x128xf32>
    %div3A_14 = arith.divf %exp3A, %div3A : vector<2048x128xf32>
    %iota3A = tpu.iota {dimensions = array<i32: 1>} : vector<2048x128xi32>
    %reduce_max3A_15 = arith.constant dense<0xFF800000> : vector<2048xf32>
    %reduce_max3A_16 = vector.multi_reduction <maximumf>, %div3A_14, %reduce_max3A_15 [1] : vector<2048x128xf32> to vector<2048xf32>
    %broadcast_in_dim3A_17 = vector.shape_cast %reduce_max3A_16 : vector<2048xf32> to vector<2048x1xf32>
    %eq3A = vector.broadcast %broadcast_in_dim3A_17 : vector<2048x1xf32> to vector<2048x128xf32>
    %eq3A_18 = arith.cmpf oeq, %div3A_14, %eq3A : vector<2048x128xf32>
    %jit3A = arith.constant 128 : i32
    %broadcast_in_dim3A_19 = vector.broadcast %jit3A : i32 to vector<2048x128xi32>
    %select_n3A = arith.select %eq3A_18, %iota3A, %broadcast_in_dim3A_19 : vector<2048x128xi1>, vector<2048x128xi32>
    %reduce_min3A = arith.constant dense<2147483647> : vector<2048xi32>
    %reduce_min3A_20 = vector.multi_reduction <minsi>, %select_n3A, %reduce_min3A [1] : vector<2048x128xi32> to vector<2048xi32>
    %broadcast_in_dim3A_21 = vector.shape_cast %reduce_min3A_20 : vector<2048xi32> to vector<2048x1xi32>
    %eq3A_22 = vector.broadcast %broadcast_in_dim3A_21 : vector<2048x1xi32> to vector<2048x128xi32>
    %eq3A_23 = arith.cmpi eq, %iota3A, %eq3A_22 : vector<2048x128xi32>
    %jit3A_24 = arith.constant -1.000000e+30 : f32
    %broadcast_in_dim3A_25 = vector.broadcast %jit3A_24 : f32 to vector<2048x128xf32>
    %select_n3A_26 = arith.select %eq3A_23, %broadcast_in_dim3A_25, %div3A_14 : vector<2048x128xi1>, vector<2048x128xf32>
    %reduce_max3A_27 = arith.constant dense<0xFF800000> : vector<2048xf32>
    %reduce_max3A_28 = vector.multi_reduction <maximumf>, %select_n3A_26, %reduce_max3A_27 [1] : vector<2048x128xf32> to vector<2048xf32>
    %broadcast_in_dim3A_29 = vector.shape_cast %reduce_max3A_28 : vector<2048xf32> to vector<2048x1xf32>
    %eq3A_30 = vector.broadcast %broadcast_in_dim3A_29 : vector<2048x1xf32> to vector<2048x128xf32>
    %eq3A_31 = arith.cmpf oeq, %select_n3A_26, %eq3A_30 : vector<2048x128xf32>
    %jit3A_32 = arith.constant 128 : i32
    %broadcast_in_dim3A_33 = vector.broadcast %jit3A_32 : i32 to vector<2048x128xi32>
    %select_n3A_34 = arith.select %eq3A_31, %iota3A, %broadcast_in_dim3A_33 : vector<2048x128xi1>, vector<2048x128xi32>
    %reduce_min3A_35 = arith.constant dense<2147483647> : vector<2048xi32>
    %reduce_min3A_36 = vector.multi_reduction <minsi>, %select_n3A_34, %reduce_min3A_35 [1] : vector<2048x128xi32> to vector<2048xi32>
    %broadcast_in_dim3A_37 = vector.shape_cast %reduce_min3A_36 : vector<2048xi32> to vector<2048x1xi32>
    %add3A_38 = arith.addf %broadcast_in_dim3A_17, %broadcast_in_dim3A_29 : vector<2048x1xf32>
    %div3A_39 = arith.divf %broadcast_in_dim3A_17, %add3A_38 : vector<2048x1xf32>
    %div3A_40 = arith.divf %broadcast_in_dim3A_29, %add3A_38 : vector<2048x1xf32>
    %concatenate3A = tpu.concatenate %div3A_39, %div3A_40 in 1 : vector<2048x1xf32>, vector<2048x1xf32> -> vector<2048x2xf32>
    %swap3A = arith.constant 0 : index
    %swap3A_41 = arith.constant 0 : index
    %swap3A_42 = vector.load %arg7[%swap3A, %swap3A_41] : memref<2048x2xf32, #tpu.memory_space<vmem>>, vector<2048x2xf32>
    tpu.vector_store %arg7[%swap3A, %swap3A_41], %concatenate3A {strides = array<i32>} : memref<2048x2xf32, #tpu.memory_space<vmem>>, vector<2048x2xf32>,
    %iota3A_43 = tpu.iota {dimensions = array<i32: 1>} : vector<2048x16xi32>
    %eq3A_44 = vector.broadcast %broadcast_in_dim3A_21 : vector<2048x1xi32> to vector<2048x16xi32>
    %eq3A_45 = arith.cmpi eq, %iota3A_43, %eq3A_44 : vector<2048x16xi32>
    %jit3A_46 = arith.constant 1.000000e+00 : f32
    %jit3A_47 = arith.constant 0.000000e+00 : f32
    %broadcast_in_dim3A_48 = vector.broadcast %jit3A_46 : f32 to vector<2048x16xf32>
    %broadcast_in_dim3A_49 = vector.broadcast %jit3A_47 : f32 to vector<2048x16xf32>
    %select_n3A_50 = arith.select %eq3A_45, %broadcast_in_dim3A_48, %broadcast_in_dim3A_49 : vector<2048x16xi1>, vector<2048x16xf32>
    %eq3A_51 = vector.broadcast %broadcast_in_dim3A_37 : vector<2048x1xi32> to vector<2048x16xi32>
    %eq3A_52 = arith.cmpi eq, %iota3A_43, %eq3A_51 : vector<2048x16xi32>
    %jit3A_53 = arith.constant 1.000000e+00 : f32
    %jit3A_54 = arith.constant 0.000000e+00 : f32
    %broadcast_in_dim3A_55 = vector.broadcast %jit3A_53 : f32 to vector<2048x16xf32>
    %broadcast_in_dim3A_56 = vector.broadcast %jit3A_54 : f32 to vector<2048x16xf32>
    %select_n3A_57 = arith.select %eq3A_52, %broadcast_in_dim3A_55, %broadcast_in_dim3A_56 : vector<2048x16xi1>, vector<2048x16xf32>
    %add3A_58 = arith.addf %select_n3A_50, %select_n3A_57 : vector<2048x16xf32>
    %get3A_59 = arith.constant 0 : index
    %get3A_60 = arith.constant 0 : index
    %get3A_61 = vector.load %arg3[%get3A_59, %get3A_60] : memref<40x2048xf32, #tpu.memory_space<vmem>>, vector<40x2048xf32>
    %get3A_62 = vector.shape_cast %get3A_61 : vector<40x2048xf32> to vector<40x2048xf32>
    %dot_general3A_63 = arith.constant dense<0.000000e+00> : vector<40x16xf32>
    %dot_general3A_64 = tpu.matmul %get3A_62, %add3A_58, %dot_general3A_63 {dimension_numbers = #tpu.dot_dimension_numbers<[1], [0], [0], [1], [0, 0, 1, 1], [], []>, precision = #tpu.contract_precision<fp32>, transpose_lhs_hint = false} : vector<40x2048xf32>, vector<2048x16xf32>, vector<40x16xf32> -> vector<40x16xf32>
    %slice3A = vector.extract_strided_slice %dot_general3A_64 {offsets = [32, 0], sizes = [1, 16], strides = [1, 1]} : vector<40x16xf32> to vector<1x16xf32>
    %mul3A = arith.constant 3.906250e-03 : f32
    %mul3A_65 = vector.broadcast %mul3A : f32 to vector<1x16xf32>
    %mul3A_66 = arith.mulf %slice3A, %mul3A_65 : vector<1x16xf32>
    %ceil3A = math.ceil %mul3A_66 : vector<1x16xf32>
    %mul3A_67 = arith.constant 2.560000e+02 : f32
    %mul3A_68 = vector.broadcast %mul3A_67 : f32 to vector<1x16xf32>
    %mul3A_69 = arith.mulf %ceil3A, %mul3A_68 : vector<1x16xf32>
    %get3A_70 = arith.constant 0 : index
    %get3A_71 = arith.constant 0 : index
    %get3A_72 = vector.load %arg6[%get3A_70, %get3A_71] : memref<16x16xf32, #tpu.memory_space<vmem>>, vector<16x16xf32>
    %get3A_73 = vector.shape_cast %get3A_72 : vector<16x16xf32> to vector<16x16xf32>
    %dot_general3A_74 = arith.constant dense<0.000000e+00> : vector<1x16xf32>
    %dot_general3A_75 = tpu.matmul %mul3A_69, %get3A_73, %dot_general3A_74 {dimension_numbers = #tpu.dot_dimension_numbers<[1], [0], [0], [1], [0, 0, 1, 1], [], []>, precision = #tpu.contract_precision<fp32>, transpose_lhs_hint = false} : vector<1x16xf32>, vector<16x16xf32>, vector<1x16xf32> -> vector<1x16xf32>
    %get3A_76 = arith.constant 0 : index
    %get3A_77 = arith.constant 0 : index
    %get3A_78 = vector.load %arg4[%get3A_76, %get3A_77] : memref<2048x40xf32, #tpu.memory_space<vmem>>, vector<2048x40xf32>
    %get3A_79 = vector.shape_cast %get3A_78 : vector<2048x40xf32> to vector<2048x40xf32>
    %dot_general3A_80 = arith.constant dense<0.000000e+00> : vector<2048x16xf32>
    %dot_general3A_81 = tpu.matmul %get3A_79, %dot_general3A_64, %dot_general3A_80 {dimension_numbers = #tpu.dot_dimension_numbers<[1], [0], [0], [1], [0, 0, 1, 1], [], []>, precision = #tpu.contract_precision<fp32>, transpose_lhs_hint = false} : vector<2048x40xf32>, vector<40x16xf32>, vector<2048x16xf32> -> vector<2048x16xf32>
    %get3A_82 = arith.constant 0 : index
    %get3A_83 = arith.constant 0 : index
    %get3A_84 = vector.load %arg5[%get3A_82, %get3A_83] : memref<64x64xf32, #tpu.memory_space<vmem>>, vector<64x64xf32>
    %get3A_85 = vector.shape_cast %get3A_84 : vector<64x64xf32> to vector<64x64xf32>
    %slice3A_86 = vector.extract_strided_slice %add3A_58 {offsets = [0, 0], sizes = [64, 16], strides = [1, 1]} : vector<2048x16xf32> to vector<64x16xf32>
    %dot_general3A_87 = arith.constant dense<0.000000e+00> : vector<64x16xf32>
    %dot_general3A_88 = tpu.matmul %get3A_85, %slice3A_86, %dot_general3A_87 {dimension_numbers = #tpu.dot_dimension_numbers<[1], [0], [0], [1], [0, 0, 1, 1], [], []>, precision = #tpu.contract_precision<fp32>, transpose_lhs_hint = false} : vector<64x64xf32>, vector<64x16xf32>, vector<64x16xf32> -> vector<64x16xf32>
    %get3A_89 = arith.constant 0 : index
    %get3A_90 = arith.constant 0 : index
    %get3A_91 = vector.load %arg5[%get3A_89, %get3A_90] : memref<64x64xf32, #tpu.memory_space<vmem>>, vector<64x64xf32>
    %get3A_92 = vector.shape_cast %get3A_91 : vector<64x64xf32> to vector<64x64xf32>
    %slice3A_93 = vector.extract_strided_slice %add3A_58 {offsets = [64, 0], sizes = [64, 16], strides = [1, 1]} : vector<2048x16xf32> to vector<64x16xf32>
    %dot_general3A_94 = arith.constant dense<0.000000e+00> : vector<64x16xf32>
    %dot_general3A_95 = tpu.matmul %get3A_92, %slice3A_93, %dot_general3A_94 {dimension_numbers = #tpu.dot_dimension_numbers<[1], [0], [0], [1], [0, 0, 1, 1], [], []>, precision = #tpu.contract_precision<fp32>, transpose_lhs_hint = false} : vector<64x64xf32>, vector<64x16xf32>, vector<64x16xf32> -> vector<64x16xf32>
    %get3A_96 = arith.constant 0 : index
    %get3A_97 = arith.constant 0 : index
    %get3A_98 = vector.load %arg5[%get3A_96, %get3A_97] : memref<64x64xf32, #tpu.memory_space<vmem>>, vector<64x64xf32>
    %get3A_99 = vector.shape_cast %get3A_98 : vector<64x64xf32> to vector<64x64xf32>
    %slice3A_100 = vector.extract_strided_slice %add3A_58 {offsets = [128, 0], sizes = [64, 16], strides = [1, 1]} : vector<2048x16xf32> to vector<64x16xf32>
    %dot_general3A_101 = arith.constant dense<0.000000e+00> : vector<64x16xf32>
    %dot_general3A_102 = tpu.matmul %get3A_99, %slice3A_100, %dot_general3A_101 {dimension_numbers = #tpu.dot_dimension_numbers<[1], [0], [0], [1], [0, 0, 1, 1], [], []>, precision = #tpu.contract_precision<fp32>, transpose_lhs_hint = false} : vector<64x64xf32>, vector<64x16xf32>, vector<64x16xf32> -> vector<64x16xf32>
    %get3A_103 = arith.constant 0 : index
    %get3A_104 = arith.constant 0 : index
    %get3A_105 = vector.load %arg5[%get3A_103, %get3A_104] : memref<64x64xf32, #tpu.memory_space<vmem>>, vector<64x64xf32>
    %get3A_106 = vector.shape_cast %get3A_105 : vector<64x64xf32> to vector<64x64xf32>
    %slice3A_107 = vector.extract_strided_slice %add3A_58 {offsets = [192, 0], sizes = [64, 16], strides = [1, 1]} : vector<2048x16xf32> to vector<64x16xf32>
    %dot_general3A_108 = arith.constant dense<0.000000e+00> : vector<64x16xf32>
    %dot_general3A_109 = tpu.matmul %get3A_106, %slice3A_107, %dot_general3A_108 {dimension_numbers = #tpu.dot_dimension_numbers<[1], [0], [0], [1], [0, 0, 1, 1], [], []>, precision = #tpu.contract_precision<fp32>, transpose_lhs_hint = false} : vector<64x64xf32>, vector<64x16xf32>, vector<64x16xf32> -> vector<64x16xf32>
    %get3A_110 = arith.constant 0 : index
    %get3A_111 = arith.constant 0 : index
    %get3A_112 = vector.load %arg5[%get3A_110, %get3A_111] : memref<64x64xf32, #tpu.memory_space<vmem>>, vector<64x64xf32>
    %get3A_113 = vector.shape_cast %get3A_112 : vector<64x64xf32> to vector<64x64xf32>
    %slice3A_114 = vector.extract_strided_slice %add3A_58 {offsets = [256, 0], sizes = [64, 16], strides = [1, 1]} : vector<2048x16xf32> to vector<64x16xf32>
    %dot_general3A_115 = arith.constant dense<0.000000e+00> : vector<64x16xf32>
    %dot_general3A_116 = tpu.matmul %get3A_113, %slice3A_114, %dot_general3A_115 {dimension_numbers = #tpu.dot_dimension_numbers<[1], [0], [0], [1], [0, 0, 1, 1], [], []>, precision = #tpu.contract_precision<fp32>, transpose_lhs_hint = false} : vector<64x64xf32>, vector<64x16xf32>, vector<64x16xf32> -> vector<64x16xf32>
    %get3A_117 = arith.constant 0 : index
    %get3A_118 = arith.constant 0 : index
    %get3A_119 = vector.load %arg5[%get3A_117, %get3A_118] : memref<64x64xf32, #tpu.memory_space<vmem>>, vector<64x64xf32>
    %get3A_120 = vector.shape_cast %get3A_119 : vector<64x64xf32> to vector<64x64xf32>
    %slice3A_121 = vector.extract_strided_slice %add3A_58 {offsets = [320, 0], sizes = [64, 16], strides = [1, 1]} : vector<2048x16xf32> to vector<64x16xf32>
    %dot_general3A_122 = arith.constant dense<0.000000e+00> : vector<64x16xf32>
    %dot_general3A_123 = tpu.matmul %get3A_120, %slice3A_121, %dot_general3A_122 {dimension_numbers = #tpu.dot_dimension_numbers<[1], [0], [0], [1], [0, 0, 1, 1], [], []>, precision = #tpu.contract_precision<fp32>, transpose_lhs_hint = false} : vector<64x64xf32>, vector<64x16xf32>, vector<64x16xf32> -> vector<64x16xf32>
    %get3A_124 = arith.constant 0 : index
    %get3A_125 = arith.constant 0 : index
    %get3A_126 = vector.load %arg5[%get3A_124, %get3A_125] : memref<64x64xf32, #tpu.memory_space<vmem>>, vector<64x64xf32>
    %get3A_127 = vector.shape_cast %get3A_126 : vector<64x64xf32> to vector<64x64xf32>
    %slice3A_128 = vector.extract_strided_slice %add3A_58 {offsets = [384, 0], sizes = [64, 16], strides = [1, 1]} : vector<2048x16xf32> to vector<64x16xf32>
    %dot_general3A_129 = arith.constant dense<0.000000e+00> : vector<64x16xf32>
    %dot_general3A_130 = tpu.matmul %get3A_127, %slice3A_128, %dot_general3A_129 {dimension_numbers = #tpu.dot_dimension_numbers<[1], [0], [0], [1], [0, 0, 1, 1], [], []>, precision = #tpu.contract_precision<fp32>, transpose_lhs_hint = false} : vector<64x64xf32>, vector<64x16xf32>, vector<64x16xf32> -> vector<64x16xf32>
    %get3A_131 = arith.constant 0 : index
    %get3A_132 = arith.constant 0 : index
    %get3A_133 = vector.load %arg5[%get3A_131, %get3A_132] : memref<64x64xf32, #tpu.memory_space<vmem>>, vector<64x64xf32>
    %get3A_134 = vector.shape_cast %get3A_133 : vector<64x64xf32> to vector<64x64xf32>
    %slice3A_135 = vector.extract_strided_slice %add3A_58 {offsets = [448, 0], sizes = [64, 16], strides = [1, 1]} : vector<2048x16xf32> to vector<64x16xf32>
    %dot_general3A_136 = arith.constant dense<0.000000e+00> : vector<64x16xf32>
    %dot_general3A_137 = tpu.matmul %get3A_134, %slice3A_135, %dot_general3A_136 {dimension_numbers = #tpu.dot_dimension_numbers<[1], [0], [0], [1], [0, 0, 1, 1], [], []>, precision = #tpu.contract_precision<fp32>, transpose_lhs_hint = false} : vector<64x64xf32>, vector<64x16xf32>, vector<64x16xf32> -> vector<64x16xf32>
    %get3A_138 = arith.constant 0 : index
    %get3A_139 = arith.constant 0 : index
    %get3A_140 = vector.load %arg5[%get3A_138, %get3A_139] : memref<64x64xf32, #tpu.memory_space<vmem>>, vector<64x64xf32>
    %get3A_141 = vector.shape_cast %get3A_140 : vector<64x64xf32> to vector<64x64xf32>
    %slice3A_142 = vector.extract_strided_slice %add3A_58 {offsets = [512, 0], sizes = [64, 16], strides = [1, 1]} : vector<2048x16xf32> to vector<64x16xf32>
    %dot_general3A_143 = arith.constant dense<0.000000e+00> : vector<64x16xf32>
    %dot_general3A_144 = tpu.matmul %get3A_141, %slice3A_142, %dot_general3A_143 {dimension_numbers = #tpu.dot_dimension_numbers<[1], [0], [0], [1], [0, 0, 1, 1], [], []>, precision = #tpu.contract_precision<fp32>, transpose_lhs_hint = false} : vector<64x64xf32>, vector<64x16xf32>, vector<64x16xf32> -> vector<64x16xf32>
    %get3A_145 = arith.constant 0 : index
    %get3A_146 = arith.constant 0 : index
    %get3A_147 = vector.load %arg5[%get3A_145, %get3A_146] : memref<64x64xf32, #tpu.memory_space<vmem>>, vector<64x64xf32>
    %get3A_148 = vector.shape_cast %get3A_147 : vector<64x64xf32> to vector<64x64xf32>
    %slice3A_149 = vector.extract_strided_slice %add3A_58 {offsets = [576, 0], sizes = [64, 16], strides = [1, 1]} : vector<2048x16xf32> to vector<64x16xf32>
    %dot_general3A_150 = arith.constant dense<0.000000e+00> : vector<64x16xf32>
    %dot_general3A_151 = tpu.matmul %get3A_148, %slice3A_149, %dot_general3A_150 {dimension_numbers = #tpu.dot_dimension_numbers<[1], [0], [0], [1], [0, 0, 1, 1], [], []>, precision = #tpu.contract_precision<fp32>, transpose_lhs_hint = false} : vector<64x64xf32>, vector<64x16xf32>, vector<64x16xf32> -> vector<64x16xf32>
    %get3A_152 = arith.constant 0 : index
    %get3A_153 = arith.constant 0 : index
    %get3A_154 = vector.load %arg5[%get3A_152, %get3A_153] : memref<64x64xf32, #tpu.memory_space<vmem>>, vector<64x64xf32>
    %get3A_155 = vector.shape_cast %get3A_154 : vector<64x64xf32> to vector<64x64xf32>
    %slice3A_156 = vector.extract_strided_slice %add3A_58 {offsets = [640, 0], sizes = [64, 16], strides = [1, 1]} : vector<2048x16xf32> to vector<64x16xf32>
    %dot_general3A_157 = arith.constant dense<0.000000e+00> : vector<64x16xf32>
    %dot_general3A_158 = tpu.matmul %get3A_155, %slice3A_156, %dot_general3A_157 {dimension_numbers = #tpu.dot_dimension_numbers<[1], [0], [0], [1], [0, 0, 1, 1], [], []>, precision = #tpu.contract_precision<fp32>, transpose_lhs_hint = false} : vector<64x64xf32>, vector<64x16xf32>, vector<64x16xf32> -> vector<64x16xf32>
    %get3A_159 = arith.constant 0 : index
    %get3A_160 = arith.constant 0 : index
    %get3A_161 = vector.load %arg5[%get3A_159, %get3A_160] : memref<64x64xf32, #tpu.memory_space<vmem>>, vector<64x64xf32>
    %get3A_162 = vector.shape_cast %get3A_161 : vector<64x64xf32> to vector<64x64xf32>
    %slice3A_163 = vector.extract_strided_slice %add3A_58 {offsets = [704, 0], sizes = [64, 16], strides = [1, 1]} : vector<2048x16xf32> to vector<64x16xf32>
    %dot_general3A_164 = arith.constant dense<0.000000e+00> : vector<64x16xf32>
    %dot_general3A_165 = tpu.matmul %get3A_162, %slice3A_163, %dot_general3A_164 {dimension_numbers = #tpu.dot_dimension_numbers<[1], [0], [0], [1], [0, 0, 1, 1], [], []>, precision = #tpu.contract_precision<fp32>, transpose_lhs_hint = false} : vector<64x64xf32>, vector<64x16xf32>, vector<64x16xf32> -> vector<64x16xf32>
    %get3A_166 = arith.constant 0 : index
    %get3A_167 = arith.constant 0 : index
    %get3A_168 = vector.load %arg5[%get3A_166, %get3A_167] : memref<64x64xf32, #tpu.memory_space<vmem>>, vector<64x64xf32>
    %get3A_169 = vector.shape_cast %get3A_168 : vector<64x64xf32> to vector<64x64xf32>
    %slice3A_170 = vector.extract_strided_slice %add3A_58 {offsets = [768, 0], sizes = [64, 16], strides = [1, 1]} : vector<2048x16xf32> to vector<64x16xf32>
    %dot_general3A_171 = arith.constant dense<0.000000e+00> : vector<64x16xf32>
    %dot_general3A_172 = tpu.matmul %get3A_169, %slice3A_170, %dot_general3A_171 {dimension_numbers = #tpu.dot_dimension_numbers<[1], [0], [0], [1], [0, 0, 1, 1], [], []>, precision = #tpu.contract_precision<fp32>, transpose_lhs_hint = false} : vector<64x64xf32>, vector<64x16xf32>, vector<64x16xf32> -> vector<64x16xf32>
    %get3A_173 = arith.constant 0 : index
    %get3A_174 = arith.constant 0 : index
    %get3A_175 = vector.load %arg5[%get3A_173, %get3A_174] : memref<64x64xf32, #tpu.memory_space<vmem>>, vector<64x64xf32>
    %get3A_176 = vector.shape_cast %get3A_175 : vector<64x64xf32> to vector<64x64xf32>
    %slice3A_177 = vector.extract_strided_slice %add3A_58 {offsets = [832, 0], sizes = [64, 16], strides = [1, 1]} : vector<2048x16xf32> to vector<64x16xf32>
    %dot_general3A_178 = arith.constant dense<0.000000e+00> : vector<64x16xf32>
    %dot_general3A_179 = tpu.matmul %get3A_176, %slice3A_177, %dot_general3A_178 {dimension_numbers = #tpu.dot_dimension_numbers<[1], [0], [0], [1], [0, 0, 1, 1], [], []>, precision = #tpu.contract_precision<fp32>, transpose_lhs_hint = false} : vector<64x64xf32>, vector<64x16xf32>, vector<64x16xf32> -> vector<64x16xf32>
    %get3A_180 = arith.constant 0 : index
    %get3A_181 = arith.constant 0 : index
    %get3A_182 = vector.load %arg5[%get3A_180, %get3A_181] : memref<64x64xf32, #tpu.memory_space<vmem>>, vector<64x64xf32>
    %get3A_183 = vector.shape_cast %get3A_182 : vector<64x64xf32> to vector<64x64xf32>
    %slice3A_184 = vector.extract_strided_slice %add3A_58 {offsets = [896, 0], sizes = [64, 16], strides = [1, 1]} : vector<2048x16xf32> to vector<64x16xf32>
    %dot_general3A_185 = arith.constant dense<0.000000e+00> : vector<64x16xf32>
    %dot_general3A_186 = tpu.matmul %get3A_183, %slice3A_184, %dot_general3A_185 {dimension_numbers = #tpu.dot_dimension_numbers<[1], [0], [0], [1], [0, 0, 1, 1], [], []>, precision = #tpu.contract_precision<fp32>, transpose_lhs_hint = false} : vector<64x64xf32>, vector<64x16xf32>, vector<64x16xf32> -> vector<64x16xf32>
    %get3A_187 = arith.constant 0 : index
    %get3A_188 = arith.constant 0 : index
    %get3A_189 = vector.load %arg5[%get3A_187, %get3A_188] : memref<64x64xf32, #tpu.memory_space<vmem>>, vector<64x64xf32>
    %get3A_190 = vector.shape_cast %get3A_189 : vector<64x64xf32> to vector<64x64xf32>
    %slice3A_191 = vector.extract_strided_slice %add3A_58 {offsets = [960, 0], sizes = [64, 16], strides = [1, 1]} : vector<2048x16xf32> to vector<64x16xf32>
    %dot_general3A_192 = arith.constant dense<0.000000e+00> : vector<64x16xf32>
    %dot_general3A_193 = tpu.matmul %get3A_190, %slice3A_191, %dot_general3A_192 {dimension_numbers = #tpu.dot_dimension_numbers<[1], [0], [0], [1], [0, 0, 1, 1], [], []>, precision = #tpu.contract_precision<fp32>, transpose_lhs_hint = false} : vector<64x64xf32>, vector<64x16xf32>, vector<64x16xf32> -> vector<64x16xf32>
    %get3A_194 = arith.constant 0 : index
    %get3A_195 = arith.constant 0 : index
    %get3A_196 = vector.load %arg5[%get3A_194, %get3A_195] : memref<64x64xf32, #tpu.memory_space<vmem>>, vector<64x64xf32>
    %get3A_197 = vector.shape_cast %get3A_196 : vector<64x64xf32> to vector<64x64xf32>
    %slice3A_198 = vector.extract_strided_slice %add3A_58 {offsets = [1024, 0], sizes = [64, 16], strides = [1, 1]} : vector<2048x16xf32> to vector<64x16xf32>
    %dot_general3A_199 = arith.constant dense<0.000000e+00> : vector<64x16xf32>
    %dot_general3A_200 = tpu.matmul %get3A_197, %slice3A_198, %dot_general3A_199 {dimension_numbers = #tpu.dot_dimension_numbers<[1], [0], [0], [1], [0, 0, 1, 1], [], []>, precision = #tpu.contract_precision<fp32>, transpose_lhs_hint = false} : vector<64x64xf32>, vector<64x16xf32>, vector<64x16xf32> -> vector<64x16xf32>
    %get3A_201 = arith.constant 0 : index
    %get3A_202 = arith.constant 0 : index
    %get3A_203 = vector.load %arg5[%get3A_201, %get3A_202] : memref<64x64xf32, #tpu.memory_space<vmem>>, vector<64x64xf32>
    %get3A_204 = vector.shape_cast %get3A_203 : vector<64x64xf32> to vector<64x64xf32>
    %slice3A_205 = vector.extract_strided_slice %add3A_58 {offsets = [1088, 0], sizes = [64, 16], strides = [1, 1]} : vector<2048x16xf32> to vector<64x16xf32>
    %dot_general3A_206 = arith.constant dense<0.000000e+00> : vector<64x16xf32>
    %dot_general3A_207 = tpu.matmul %get3A_204, %slice3A_205, %dot_general3A_206 {dimension_numbers = #tpu.dot_dimension_numbers<[1], [0], [0], [1], [0, 0, 1, 1], [], []>, precision = #tpu.contract_precision<fp32>, transpose_lhs_hint = false} : vector<64x64xf32>, vector<64x16xf32>, vector<64x16xf32> -> vector<64x16xf32>
    %get3A_208 = arith.constant 0 : index
    %get3A_209 = arith.constant 0 : index
    %get3A_210 = vector.load %arg5[%get3A_208, %get3A_209] : memref<64x64xf32, #tpu.memory_space<vmem>>, vector<64x64xf32>
    %get3A_211 = vector.shape_cast %get3A_210 : vector<64x64xf32> to vector<64x64xf32>
    %slice3A_212 = vector.extract_strided_slice %add3A_58 {offsets = [1152, 0], sizes = [64, 16], strides = [1, 1]} : vector<2048x16xf32> to vector<64x16xf32>
    %dot_general3A_213 = arith.constant dense<0.000000e+00> : vector<64x16xf32>
    %dot_general3A_214 = tpu.matmul %get3A_211, %slice3A_212, %dot_general3A_213 {dimension_numbers = #tpu.dot_dimension_numbers<[1], [0], [0], [1], [0, 0, 1, 1], [], []>, precision = #tpu.contract_precision<fp32>, transpose_lhs_hint = false} : vector<64x64xf32>, vector<64x16xf32>, vector<64x16xf32> -> vector<64x16xf32>
    %get3A_215 = arith.constant 0 : index
    %get3A_216 = arith.constant 0 : index
    %get3A_217 = vector.load %arg5[%get3A_215, %get3A_216] : memref<64x64xf32, #tpu.memory_space<vmem>>, vector<64x64xf32>
    %get3A_218 = vector.shape_cast %get3A_217 : vector<64x64xf32> to vector<64x64xf32>
    %slice3A_219 = vector.extract_strided_slice %add3A_58 {offsets = [1216, 0], sizes = [64, 16], strides = [1, 1]} : vector<2048x16xf32> to vector<64x16xf32>
    %dot_general3A_220 = arith.constant dense<0.000000e+00> : vector<64x16xf32>
    %dot_general3A_221 = tpu.matmul %get3A_218, %slice3A_219, %dot_general3A_220 {dimension_numbers = #tpu.dot_dimension_numbers<[1], [0], [0], [1], [0, 0, 1, 1], [], []>, precision = #tpu.contract_precision<fp32>, transpose_lhs_hint = false} : vector<64x64xf32>, vector<64x16xf32>, vector<64x16xf32> -> vector<64x16xf32>
    %get3A_222 = arith.constant 0 : index
    %get3A_223 = arith.constant 0 : index
    %get3A_224 = vector.load %arg5[%get3A_222, %get3A_223] : memref<64x64xf32, #tpu.memory_space<vmem>>, vector<64x64xf32>
    %get3A_225 = vector.shape_cast %get3A_224 : vector<64x64xf32> to vector<64x64xf32>
    %slice3A_226 = vector.extract_strided_slice %add3A_58 {offsets = [1280, 0], sizes = [64, 16], strides = [1, 1]} : vector<2048x16xf32> to vector<64x16xf32>
    %dot_general3A_227 = arith.constant dense<0.000000e+00> : vector<64x16xf32>
    %dot_general3A_228 = tpu.matmul %get3A_225, %slice3A_226, %dot_general3A_227 {dimension_numbers = #tpu.dot_dimension_numbers<[1], [0], [0], [1], [0, 0, 1, 1], [], []>, precision = #tpu.contract_precision<fp32>, transpose_lhs_hint = false} : vector<64x64xf32>, vector<64x16xf32>, vector<64x16xf32> -> vector<64x16xf32>
    %get3A_229 = arith.constant 0 : index
    %get3A_230 = arith.constant 0 : index
    %get3A_231 = vector.load %arg5[%get3A_229, %get3A_230] : memref<64x64xf32, #tpu.memory_space<vmem>>, vector<64x64xf32>
    %get3A_232 = vector.shape_cast %get3A_231 : vector<64x64xf32> to vector<64x64xf32>
    %slice3A_233 = vector.extract_strided_slice %add3A_58 {offsets = [1344, 0], sizes = [64, 16], strides = [1, 1]} : vector<2048x16xf32> to vector<64x16xf32>
    %dot_general3A_234 = arith.constant dense<0.000000e+00> : vector<64x16xf32>
    %dot_general3A_235 = tpu.matmul %get3A_232, %slice3A_233, %dot_general3A_234 {dimension_numbers = #tpu.dot_dimension_numbers<[1], [0], [0], [1], [0, 0, 1, 1], [], []>, precision = #tpu.contract_precision<fp32>, transpose_lhs_hint = false} : vector<64x64xf32>, vector<64x16xf32>, vector<64x16xf32> -> vector<64x16xf32>
    %get3A_236 = arith.constant 0 : index
    %get3A_237 = arith.constant 0 : index
    %get3A_238 = vector.load %arg5[%get3A_236, %get3A_237] : memref<64x64xf32, #tpu.memory_space<vmem>>, vector<64x64xf32>
    %get3A_239 = vector.shape_cast %get3A_238 : vector<64x64xf32> to vector<64x64xf32>
    %slice3A_240 = vector.extract_strided_slice %add3A_58 {offsets = [1408, 0], sizes = [64, 16], strides = [1, 1]} : vector<2048x16xf32> to vector<64x16xf32>
    %dot_general3A_241 = arith.constant dense<0.000000e+00> : vector<64x16xf32>
    %dot_general3A_242 = tpu.matmul %get3A_239, %slice3A_240, %dot_general3A_241 {dimension_numbers = #tpu.dot_dimension_numbers<[1], [0], [0], [1], [0, 0, 1, 1], [], []>, precision = #tpu.contract_precision<fp32>, transpose_lhs_hint = false} : vector<64x64xf32>, vector<64x16xf32>, vector<64x16xf32> -> vector<64x16xf32>
    %get3A_243 = arith.constant 0 : index
    %get3A_244 = arith.constant 0 : index
    %get3A_245 = vector.load %arg5[%get3A_243, %get3A_244] : memref<64x64xf32, #tpu.memory_space<vmem>>, vector<64x64xf32>
    %get3A_246 = vector.shape_cast %get3A_245 : vector<64x64xf32> to vector<64x64xf32>
    %slice3A_247 = vector.extract_strided_slice %add3A_58 {offsets = [1472, 0], sizes = [64, 16], strides = [1, 1]} : vector<2048x16xf32> to vector<64x16xf32>
    %dot_general3A_248 = arith.constant dense<0.000000e+00> : vector<64x16xf32>
    %dot_general3A_249 = tpu.matmul %get3A_246, %slice3A_247, %dot_general3A_248 {dimension_numbers = #tpu.dot_dimension_numbers<[1], [0], [0], [1], [0, 0, 1, 1], [], []>, precision = #tpu.contract_precision<fp32>, transpose_lhs_hint = false} : vector<64x64xf32>, vector<64x16xf32>, vector<64x16xf32> -> vector<64x16xf32>
    %get3A_250 = arith.constant 0 : index
    %get3A_251 = arith.constant 0 : index
    %get3A_252 = vector.load %arg5[%get3A_250, %get3A_251] : memref<64x64xf32, #tpu.memory_space<vmem>>, vector<64x64xf32>
    %get3A_253 = vector.shape_cast %get3A_252 : vector<64x64xf32> to vector<64x64xf32>
    %slice3A_254 = vector.extract_strided_slice %add3A_58 {offsets = [1536, 0], sizes = [64, 16], strides = [1, 1]} : vector<2048x16xf32> to vector<64x16xf32>
    %dot_general3A_255 = arith.constant dense<0.000000e+00> : vector<64x16xf32>
    %dot_general3A_256 = tpu.matmul %get3A_253, %slice3A_254, %dot_general3A_255 {dimension_numbers = #tpu.dot_dimension_numbers<[1], [0], [0], [1], [0, 0, 1, 1], [], []>, precision = #tpu.contract_precision<fp32>, transpose_lhs_hint = false} : vector<64x64xf32>, vector<64x16xf32>, vector<64x16xf32> -> vector<64x16xf32>
    %get3A_257 = arith.constant 0 : index
    %get3A_258 = arith.constant 0 : index
    %get3A_259 = vector.load %arg5[%get3A_257, %get3A_258] : memref<64x64xf32, #tpu.memory_space<vmem>>, vector<64x64xf32>
    %get3A_260 = vector.shape_cast %get3A_259 : vector<64x64xf32> to vector<64x64xf32>
    %slice3A_261 = vector.extract_strided_slice %add3A_58 {offsets = [1600, 0], sizes = [64, 16], strides = [1, 1]} : vector<2048x16xf32> to vector<64x16xf32>
    %dot_general3A_262 = arith.constant dense<0.000000e+00> : vector<64x16xf32>
    %dot_general3A_263 = tpu.matmul %get3A_260, %slice3A_261, %dot_general3A_262 {dimension_numbers = #tpu.dot_dimension_numbers<[1], [0], [0], [1], [0, 0, 1, 1], [], []>, precision = #tpu.contract_precision<fp32>, transpose_lhs_hint = false} : vector<64x64xf32>, vector<64x16xf32>, vector<64x16xf32> -> vector<64x16xf32>
    %get3A_264 = arith.constant 0 : index
    %get3A_265 = arith.constant 0 : index
    %get3A_266 = vector.load %arg5[%get3A_264, %get3A_265] : memref<64x64xf32, #tpu.memory_space<vmem>>, vector<64x64xf32>
    %get3A_267 = vector.shape_cast %get3A_266 : vector<64x64xf32> to vector<64x64xf32>
    %slice3A_268 = vector.extract_strided_slice %add3A_58 {offsets = [1664, 0], sizes = [64, 16], strides = [1, 1]} : vector<2048x16xf32> to vector<64x16xf32>
    %dot_general3A_269 = arith.constant dense<0.000000e+00> : vector<64x16xf32>
    %dot_general3A_270 = tpu.matmul %get3A_267, %slice3A_268, %dot_general3A_269 {dimension_numbers = #tpu.dot_dimension_numbers<[1], [0], [0], [1], [0, 0, 1, 1], [], []>, precision = #tpu.contract_precision<fp32>, transpose_lhs_hint = false} : vector<64x64xf32>, vector<64x16xf32>, vector<64x16xf32> -> vector<64x16xf32>
    %get3A_271 = arith.constant 0 : index
    %get3A_272 = arith.constant 0 : index
    %get3A_273 = vector.load %arg5[%get3A_271, %get3A_272] : memref<64x64xf32, #tpu.memory_space<vmem>>, vector<64x64xf32>
    %get3A_274 = vector.shape_cast %get3A_273 : vector<64x64xf32> to vector<64x64xf32>
    %slice3A_275 = vector.extract_strided_slice %add3A_58 {offsets = [1728, 0], sizes = [64, 16], strides = [1, 1]} : vector<2048x16xf32> to vector<64x16xf32>
    %dot_general3A_276 = arith.constant dense<0.000000e+00> : vector<64x16xf32>
    %dot_general3A_277 = tpu.matmul %get3A_274, %slice3A_275, %dot_general3A_276 {dimension_numbers = #tpu.dot_dimension_numbers<[1], [0], [0], [1], [0, 0, 1, 1], [], []>, precision = #tpu.contract_precision<fp32>, transpose_lhs_hint = false} : vector<64x64xf32>, vector<64x16xf32>, vector<64x16xf32> -> vector<64x16xf32>
    %get3A_278 = arith.constant 0 : index
    %get3A_279 = arith.constant 0 : index
    %get3A_280 = vector.load %arg5[%get3A_278, %get3A_279] : memref<64x64xf32, #tpu.memory_space<vmem>>, vector<64x64xf32>
    %get3A_281 = vector.shape_cast %get3A_280 : vector<64x64xf32> to vector<64x64xf32>
    %slice3A_282 = vector.extract_strided_slice %add3A_58 {offsets = [1792, 0], sizes = [64, 16], strides = [1, 1]} : vector<2048x16xf32> to vector<64x16xf32>
    %dot_general3A_283 = arith.constant dense<0.000000e+00> : vector<64x16xf32>
    %dot_general3A_284 = tpu.matmul %get3A_281, %slice3A_282, %dot_general3A_283 {dimension_numbers = #tpu.dot_dimension_numbers<[1], [0], [0], [1], [0, 0, 1, 1], [], []>, precision = #tpu.contract_precision<fp32>, transpose_lhs_hint = false} : vector<64x64xf32>, vector<64x16xf32>, vector<64x16xf32> -> vector<64x16xf32>
    %get3A_285 = arith.constant 0 : index
    %get3A_286 = arith.constant 0 : index
    %get3A_287 = vector.load %arg5[%get3A_285, %get3A_286] : memref<64x64xf32, #tpu.memory_space<vmem>>, vector<64x64xf32>
    %get3A_288 = vector.shape_cast %get3A_287 : vector<64x64xf32> to vector<64x64xf32>
    %slice3A_289 = vector.extract_strided_slice %add3A_58 {offsets = [1856, 0], sizes = [64, 16], strides = [1, 1]} : vector<2048x16xf32> to vector<64x16xf32>
    %dot_general3A_290 = arith.constant dense<0.000000e+00> : vector<64x16xf32>
    %dot_general3A_291 = tpu.matmul %get3A_288, %slice3A_289, %dot_general3A_290 {dimension_numbers = #tpu.dot_dimension_numbers<[1], [0], [0], [1], [0, 0, 1, 1], [], []>, precision = #tpu.contract_precision<fp32>, transpose_lhs_hint = false} : vector<64x64xf32>, vector<64x16xf32>, vector<64x16xf32> -> vector<64x16xf32>
    %get3A_292 = arith.constant 0 : index
    %get3A_293 = arith.constant 0 : index
    %get3A_294 = vector.load %arg5[%get3A_292, %get3A_293] : memref<64x64xf32, #tpu.memory_space<vmem>>, vector<64x64xf32>
    %get3A_295 = vector.shape_cast %get3A_294 : vector<64x64xf32> to vector<64x64xf32>
    %slice3A_296 = vector.extract_strided_slice %add3A_58 {offsets = [1920, 0], sizes = [64, 16], strides = [1, 1]} : vector<2048x16xf32> to vector<64x16xf32>
    %dot_general3A_297 = arith.constant dense<0.000000e+00> : vector<64x16xf32>
    %dot_general3A_298 = tpu.matmul %get3A_295, %slice3A_296, %dot_general3A_297 {dimension_numbers = #tpu.dot_dimension_numbers<[1], [0], [0], [1], [0, 0, 1, 1], [], []>, precision = #tpu.contract_precision<fp32>, transpose_lhs_hint = false} : vector<64x64xf32>, vector<64x16xf32>, vector<64x16xf32> -> vector<64x16xf32>
    %get3A_299 = arith.constant 0 : index
    %get3A_300 = arith.constant 0 : index
    %get3A_301 = vector.load %arg5[%get3A_299, %get3A_300] : memref<64x64xf32, #tpu.memory_space<vmem>>, vector<64x64xf32>
    %get3A_302 = vector.shape_cast %get3A_301 : vector<64x64xf32> to vector<64x64xf32>
    %slice3A_303 = vector.extract_strided_slice %add3A_58 {offsets = [1984, 0], sizes = [64, 16], strides = [1, 1]} : vector<2048x16xf32> to vector<64x16xf32>
    %dot_general3A_304 = arith.constant dense<0.000000e+00> : vector<64x16xf32>
    %dot_general3A_305 = tpu.matmul %get3A_302, %slice3A_303, %dot_general3A_304 {dimension_numbers = #tpu.dot_dimension_numbers<[1], [0], [0], [1], [0, 0, 1, 1], [], []>, precision = #tpu.contract_precision<fp32>, transpose_lhs_hint = false} : vector<64x64xf32>, vector<64x16xf32>, vector<64x16xf32> -> vector<64x16xf32>
    %concatenate3A_306 = tpu.concatenate %dot_general3A_88, %dot_general3A_95, %dot_general3A_102, %dot_general3A_109, %dot_general3A_116, %dot_general3A_123, %dot_general3A_130, %dot_general3A_137, %dot_general3A_144, %dot_general3A_151, %dot_general3A_158, %dot_general3A_165, %dot_general3A_172, %dot_general3A_179, %dot_general3A_186, %dot_general3A_193, %dot_general3A_200, %dot_general3A_207, %dot_general3A_214, %dot_general3A_221, %dot_general3A_228, %dot_general3A_235, %dot_general3A_242, %dot_general3A_249, %dot_general3A_256, %dot_general3A_263, %dot_general3A_270, %dot_general3A_277, %dot_general3A_284, %dot_general3A_291, %dot_general3A_298, %dot_general3A_305 in 0 : vector<64x16xf32>, vector<64x16xf32>, vector<64x16xf32>, vector<64x16xf32>, vector<64x16xf32>, vector<64x16xf32>, vector<64x16xf32>, vector<64x16xf32>, vector<64x16xf32>, vector<64x16xf32>, vector<64x16xf32>, vector<64x16xf32>, vector<64x16xf32>, vector<64x16xf32>, vector<64x16xf32>, vector<64x16xf32>, vector<64x16xf32>, vector<64x16xf32>, vector<64x16xf32>, vector<64x16xf32>, vector<64x16xf32>, vector<64x16xf32>, vector<64x16xf32>, vector<64x16xf32>, vector<64x16xf32>, vector<64x16xf32>, vector<64x16xf32>, vector<64x16xf32>, vector<64x16xf32>, vector<64x16xf32>, vector<64x16xf32>, vector<64x16xf32> -> vector<2048x16xf32>
    %add3A_307 = vector.broadcast %dot_general3A_75 : vector<1x16xf32> to vector<2048x16xf32>
    %add3A_308 = arith.addf %add3A_307, %dot_general3A_81 : vector<2048x16xf32>
    %add3A_309 = arith.addf %add3A_308, %concatenate3A_306 : vector<2048x16xf32>
    %eq3A_310 = vector.broadcast %broadcast_in_dim3A_21 : vector<2048x1xi32> to vector<2048x16xi32>
    %eq3A_311 = arith.cmpi eq, %iota3A_43, %eq3A_310 : vector<2048x16xi32>
    %jit3A_312 = arith.constant 0.000000e+00 : f32
    %broadcast_in_dim3A_313 = vector.broadcast %jit3A_312 : f32 to vector<2048x16xf32>
    %select_n3A_314 = arith.select %eq3A_311, %add3A_309, %broadcast_in_dim3A_313 : vector<2048x16xi1>, vector<2048x16xf32>
    %reduce_sum3A_315 = arith.constant dense<0.000000e+00> : vector<2048xf32>
    %reduce_sum3A_316 = vector.multi_reduction <add>, %select_n3A_314, %reduce_sum3A_315 [1] : vector<2048x16xf32> to vector<2048xf32>
    %broadcast_in_dim3A_317 = vector.shape_cast %reduce_sum3A_316 : vector<2048xf32> to vector<2048x1xf32>
    %eq3A_318 = vector.broadcast %broadcast_in_dim3A_37 : vector<2048x1xi32> to vector<2048x16xi32>
    %eq3A_319 = arith.cmpi eq, %iota3A_43, %eq3A_318 : vector<2048x16xi32>
    %jit3A_320 = arith.constant 0.000000e+00 : f32
    %broadcast_in_dim3A_321 = vector.broadcast %jit3A_320 : f32 to vector<2048x16xf32>
    %select_n3A_322 = arith.select %eq3A_319, %add3A_309, %broadcast_in_dim3A_321 : vector<2048x16xi1>, vector<2048x16xf32>
    %reduce_sum3A_323 = arith.constant dense<0.000000e+00> : vector<2048xf32>
    %reduce_sum3A_324 = vector.multi_reduction <add>, %select_n3A_322, %reduce_sum3A_323 [1] : vector<2048x16xf32> to vector<2048xf32>
    %broadcast_in_dim3A_325 = vector.shape_cast %reduce_sum3A_324 : vector<2048xf32> to vector<2048x1xf32>
    %concatenate3A_326 = tpu.concatenate %broadcast_in_dim3A_317, %broadcast_in_dim3A_325 in 1 : vector<2048x1xf32>, vector<2048x1xf32> -> vector<2048x2xf32>
    %convert_element_type3A = arith.fptosi %concatenate3A_326 : vector<2048x2xf32> to vector<2048x2xi32>
    %swap3A_327 = arith.constant 0 : index
    %swap3A_328 = arith.constant 0 : index
    %swap3A_329 = vector.load %arg8[%swap3A_327, %swap3A_328] : memref<2048x2xi32, #tpu.memory_space<vmem>>, vector<2048x2xi32>
    tpu.vector_store %arg8[%swap3A_327, %swap3A_328], %convert_element_type3A {strides = array<i32>} : memref<2048x2xi32, #tpu.memory_space<vmem>>, vector<2048x2xi32>,
    %add3A_330 = arith.addf %dot_general3A_75, %mul3A_69 : vector<1x16xf32>
    %iota3A_331 = tpu.iota {dimensions = array<i32: 0>} : vector<32x1xi32>
    %convert_element_type3A_332 = arith.sitofp %iota3A_331 : vector<32x1xi32> to vector<32x1xf32>
    %mul3A_333 = arith.constant 2.560000e+02 : f32
    %mul3A_334 = vector.broadcast %mul3A_333 : f32 to vector<32x1xf32>
    %mul3A_335 = arith.mulf %convert_element_type3A_332, %mul3A_334 : vector<32x1xf32>
    %iota3A_336 = tpu.iota {dimensions = array<i32: 1>} : vector<32x16xi32>
    %lt3A = arith.constant 8 : i32
    %lt3A_337 = vector.broadcast %lt3A : i32 to vector<32x16xi32>
    %lt3A_338 = arith.cmpi slt, %iota3A_336, %lt3A_337 : vector<32x16xi32>
    %jit3A_339 = arith.constant 1.000000e+00 : f32
    %jit3A_340 = arith.constant 0.000000e+00 : f32
    %broadcast_in_dim3A_341 = vector.broadcast %jit3A_339 : f32 to vector<32x16xf32>
    %broadcast_in_dim3A_342 = vector.broadcast %jit3A_340 : f32 to vector<32x16xf32>
    %select_n3A_343 = arith.select %lt3A_338, %broadcast_in_dim3A_341, %broadcast_in_dim3A_342 : vector<32x16xi1>, vector<32x16xf32>
    %ge3A = vector.broadcast %mul3A_335 : vector<32x1xf32> to vector<32x16xf32>
    %ge3A_344 = vector.broadcast %add3A_330 : vector<1x16xf32> to vector<32x16xf32>
    %ge3A_345 = arith.cmpf oge, %ge3A, %ge3A_344 : vector<32x16xf32>
    %jit3A_346 = arith.constant 0.000000e+00 : f32
    %broadcast_in_dim3A_347 = vector.broadcast %jit3A_346 : f32 to vector<32x16xf32>
    %select_n3A_348 = arith.select %ge3A_345, %select_n3A_343, %broadcast_in_dim3A_347 : vector<32x16xi1>, vector<32x16xf32>
    %reduce_sum3A_349 = arith.constant dense<0.000000e+00> : vector<32xf32>
    %reduce_sum3A_350 = vector.multi_reduction <add>, %select_n3A_348, %reduce_sum3A_349 [1] : vector<32x16xf32> to vector<32xf32>
    %broadcast_in_dim3A_351 = vector.shape_cast %reduce_sum3A_350 : vector<32xf32> to vector<32x1xf32>
    %min3A = arith.constant 7.000000e+00 : f32
    %min3A_352 = vector.broadcast %min3A : f32 to vector<32x1xf32>
    %min3A_353 = arith.minimumf %broadcast_in_dim3A_351, %min3A_352 : vector<32x1xf32>
    %convert_element_type3A_354 = arith.fptosi %min3A_353 : vector<32x1xf32> to vector<32x1xi32>
    %swap3A_355 = arith.constant 0 : index
    %swap3A_356 = arith.constant 0 : index
    %swap3A_357 = vector.load %arg9[%swap3A_355, %swap3A_356] : memref<32x1xi32, #tpu.memory_space<vmem>>, vector<32x1xi32>
    tpu.vector_store %arg9[%swap3A_355, %swap3A_356], %convert_element_type3A_354 {strides = array<i32>} : memref<32x1xi32, #tpu.memory_space<vmem>>, vector<32x1xi32>,
    return
  }
}

module attributes {stable_mosaic.version = 14 : i64} {
  func.func @_ffn_body(%arg0: i32, %arg1: memref<32xi32, #tpu.memory_space<smem>>, %arg2: memref<256x768xf32, #tpu.memory_space<vmem>>, %arg3: memref<1x768x768xf32, #tpu.memory_space<vmem>>, %arg4: memref<1x1x768xf32, #tpu.memory_space<vmem>>, %arg5: memref<1x768x768xf32, #tpu.memory_space<vmem>>, %arg6: memref<1x1x768xf32, #tpu.memory_space<vmem>>, %arg7: memref<256x1xf32, #tpu.memory_space<vmem>>, %arg8: memref<256x768xf32, #tpu.memory_space<vmem>>) attributes {dimension_semantics = [#tpu.dimension_semantics<arbitrary>], iteration_bounds = array<i64: 24>, scalar_prefetch = 1 : i64, scratch_operands = 0 : i64, tpu.core_type = #tpu.core_type<tc>, window_params = [{transform_indices = @transform_0, window_bounds = array<i64: 256, 768>}, {transform_indices = @transform_1, window_bounds = array<i64: 1, 768, 768>}, {transform_indices = @transform_2, window_bounds = array<i64: 1, 1, 768>}, {transform_indices = @transform_3, window_bounds = array<i64: 1, 768, 768>}, {transform_indices = @transform_4, window_bounds = array<i64: 1, 1, 768>}, {transform_indices = @transform_5, window_bounds = array<i64: 256, 1>}, {transform_indices = @transform_6, window_bounds = array<i64: 256, 768>}]} {
    %get3A = arith.constant 0 : index
    %get3A_0 = arith.constant 0 : index
    %get3A_1 = vector.load %arg2[%get3A, %get3A_0] : memref<256x768xf32, #tpu.memory_space<vmem>>, vector<256x768xf32>
    %get3A_2 = arith.constant 0 : index
    %get3A_3 = arith.constant 0 : index
    %get3A_4 = arith.constant 0 : index
    %get3A_5 = vector.load %arg3[%get3A_2, %get3A_3, %get3A_4] : memref<1x768x768xf32, #tpu.memory_space<vmem>>, vector<1x768x768xf32>
    %get3A_6 = vector.shape_cast %get3A_5 : vector<1x768x768xf32> to vector<768x768xf32>
    %dot_general3A = arith.constant dense<0.000000e+00> : vector<256x768xf32>
    %dot_general3A_7 = tpu.matmul %get3A_1, %get3A_6, %dot_general3A {dimension_numbers = #tpu.dot_dimension_numbers<[1], [0], [0], [1], [0, 0, 1, 1], [], []>, transpose_lhs_hint = false} : vector<256x768xf32>, vector<768x768xf32>, vector<256x768xf32> -> vector<256x768xf32>
    %get3A_8 = arith.constant 0 : index
    %get3A_9 = arith.constant 0 : index
    %get3A_10 = arith.constant 0 : index
    %get3A_11 = vector.load %arg4[%get3A_8, %get3A_9, %get3A_10] : memref<1x1x768xf32, #tpu.memory_space<vmem>>, vector<1x1x768xf32>
    %get3A_12 = vector.shape_cast %get3A_11 : vector<1x1x768xf32> to vector<1x768xf32>
    %add3A = vector.broadcast %get3A_12 : vector<1x768xf32> to vector<256x768xf32>
    %add3A_13 = arith.addf %dot_general3A_7, %add3A : vector<256x768xf32>
    %max3A = arith.constant 0.000000e+00 : f32
    %max3A_14 = vector.broadcast %max3A : f32 to vector<256x768xf32>
    %max3A_15 = arith.maximumf %add3A_13, %max3A_14 : vector<256x768xf32>
    %get3A_16 = arith.constant 0 : index
    %get3A_17 = arith.constant 0 : index
    %get3A_18 = arith.constant 0 : index
    %get3A_19 = vector.load %arg5[%get3A_16, %get3A_17, %get3A_18] : memref<1x768x768xf32, #tpu.memory_space<vmem>>, vector<1x768x768xf32>
    %get3A_20 = vector.shape_cast %get3A_19 : vector<1x768x768xf32> to vector<768x768xf32>
    %dot_general3A_21 = arith.constant dense<0.000000e+00> : vector<256x768xf32>
    %dot_general3A_22 = tpu.matmul %max3A_15, %get3A_20, %dot_general3A_21 {dimension_numbers = #tpu.dot_dimension_numbers<[1], [0], [0], [1], [0, 0, 1, 1], [], []>, transpose_lhs_hint = false} : vector<256x768xf32>, vector<768x768xf32>, vector<256x768xf32> -> vector<256x768xf32>
    %get3A_23 = arith.constant 0 : index
    %get3A_24 = arith.constant 0 : index
    %get3A_25 = arith.constant 0 : index
    %get3A_26 = vector.load %arg6[%get3A_23, %get3A_24, %get3A_25] : memref<1x1x768xf32, #tpu.memory_space<vmem>>, vector<1x1x768xf32>
    %get3A_27 = vector.shape_cast %get3A_26 : vector<1x1x768xf32> to vector<1x768xf32>
    %add3A_28 = vector.broadcast %get3A_27 : vector<1x768xf32> to vector<256x768xf32>
    %add3A_29 = arith.addf %dot_general3A_22, %add3A_28 : vector<256x768xf32>
    %get3A_30 = arith.constant 0 : index
    %get3A_31 = arith.constant 0 : index
    %get3A_32 = vector.load %arg7[%get3A_30, %get3A_31] : memref<256x1xf32, #tpu.memory_space<vmem>>, vector<256x1xf32>
    %mul3A = vector.broadcast %get3A_32 : vector<256x1xf32> to vector<256x768xf32>
    %mul3A_33 = arith.mulf %add3A_29, %mul3A : vector<256x768xf32>
    %swap3A = arith.constant 0 : index
    %swap3A_34 = arith.constant 0 : index
    %swap3A_35 = vector.load %arg8[%swap3A, %swap3A_34] : memref<256x768xf32, #tpu.memory_space<vmem>>, vector<256x768xf32>
    tpu.vector_store %arg8[%swap3A, %swap3A_34], %mul3A_33 {strides = array<i32>} : memref<256x768xf32, #tpu.memory_space<vmem>>, vector<256x768xf32>,
    return
  }
  func.func @transform_0(%arg0: i32, %arg1: memref<32xi32, #tpu.memory_space<smem>>) -> (i32, i32) {
    %c0_i32 = arith.constant 0 : i32
    %c0_i32_0 = arith.constant 0 : i32
    return %arg0, %c0_i32 : i32, i32
  }
  func.func @transform_1(%arg0: i32, %arg1: memref<32xi32, #tpu.memory_space<smem>>) -> (i32, i32, i32) {
    %get3A = arith.index_cast %arg0 : i32 to index
    %get3A_0 = memref.load %arg1[%get3A] : memref<32xi32, #tpu.memory_space<smem>>
    %c0_i32 = arith.constant 0 : i32
    %c0_i32_1 = arith.constant 0 : i32
    %c0_i32_2 = arith.constant 0 : i32
    return %get3A_0, %c0_i32, %c0_i32_1 : i32, i32, i32
  }
  func.func @transform_2(%arg0: i32, %arg1: memref<32xi32, #tpu.memory_space<smem>>) -> (i32, i32, i32) {
    %get3A = arith.index_cast %arg0 : i32 to index
    %get3A_0 = memref.load %arg1[%get3A] : memref<32xi32, #tpu.memory_space<smem>>
    %c0_i32 = arith.constant 0 : i32
    %c0_i32_1 = arith.constant 0 : i32
    %c0_i32_2 = arith.constant 0 : i32
    return %get3A_0, %c0_i32, %c0_i32_1 : i32, i32, i32
  }
  func.func @transform_3(%arg0: i32, %arg1: memref<32xi32, #tpu.memory_space<smem>>) -> (i32, i32, i32) {
    %get3A = arith.index_cast %arg0 : i32 to index
    %get3A_0 = memref.load %arg1[%get3A] : memref<32xi32, #tpu.memory_space<smem>>
    %c0_i32 = arith.constant 0 : i32
    %c0_i32_1 = arith.constant 0 : i32
    %c0_i32_2 = arith.constant 0 : i32
    return %get3A_0, %c0_i32, %c0_i32_1 : i32, i32, i32
  }
  func.func @transform_4(%arg0: i32, %arg1: memref<32xi32, #tpu.memory_space<smem>>) -> (i32, i32, i32) {
    %get3A = arith.index_cast %arg0 : i32 to index
    %get3A_0 = memref.load %arg1[%get3A] : memref<32xi32, #tpu.memory_space<smem>>
    %c0_i32 = arith.constant 0 : i32
    %c0_i32_1 = arith.constant 0 : i32
    %c0_i32_2 = arith.constant 0 : i32
    return %get3A_0, %c0_i32, %c0_i32_1 : i32, i32, i32
  }
  func.func @transform_5(%arg0: i32, %arg1: memref<32xi32, #tpu.memory_space<smem>>) -> (i32, i32) {
    %c0_i32 = arith.constant 0 : i32
    %c0_i32_0 = arith.constant 0 : i32
    return %arg0, %c0_i32 : i32, i32
  }
  func.func @transform_6(%arg0: i32, %arg1: memref<32xi32, #tpu.memory_space<smem>>) -> (i32, i32) {
    %c0_i32 = arith.constant 0 : i32
    %c0_i32_0 = arith.constant 0 : i32
    return %arg0, %c0_i32 : i32, i32
  }
}

</mosaic_0001>

<sc_bundles>
// kernel: kernel.6.cloned.1.call-start
scs
__scs_entry_jumppad:
0x0: {  	(pc) =	sbr.rel $0x88, $3  }
0x1: {  	(tag) =	ssettag $0x0;
	lr =	simm.s32 $0x1  }
0x2: {  	[smem:$0x3F9A] =	sst lr;
	_ =	strace $0xD0000000  }
0x3: {  	_ = 	snop  }
0x4: {  	_ = 	snop  }
0x5: {  	_ = 	snop  }
0x6: {  	_ = 	snop  }
0x7: {  	_ = 	snop  }
__scs_overlays_trampoline_lowered:
0x8: {  	[smem:$0x3FA9] =	sst s0  }
0x9: {  	[smem:$0x3FAA] =	sst s1  }
0xa: {  	[smem:$0x3FAB] =	sst s2  }
0xb: {  	[smem:$0x3FAC] =	sst s3  }
0xc: {  	[smem:$0x3FAD] =	sst s4  }
0xd: {  	[smem:$0x3FAE] =	sst s5  }
0xe: {  	[smem:$0x3FAF] =	sst s6  }
0xf: {  	[smem:$0x3FB0] =	sst s7  }
0x10: {  	[smem:$0x3FB1] =	sst s8  }
0x11: {  	[smem:$0x3FB2] =	sst s9;
	s0 =	simm.s32 @!p0 $0x0  }
0x12: {  	s1 =	sld [smem:$0x3F98];
	s0 =	simm.s32 @p0 $0x1  }
0x13: {  	[smem:$0x3FB3] =	sst s0;
	s0 =	simm.s32 @!p1 $0x0  }
0x14: {  	s2 =	sld [smem:$0x3F97];
	s0 =	simm.s32 @p1 $0x1  }
0x15: {  	[smem:$0x3FB4] =	sst s0;
	s0 =	simm.s32 @!p2 $0x0  }
0x16: {  	s3 =	sld [smem:$0x3FDB];
	s0 =	simm.s32 @p2 $0x1  }
0x17: {  	s4 =	simm.s32 $0x1BF5;
	[smem:$0x3FB6] =	sst s0  }
0x18: {  	s0 =	sld [smem:$0x3F99];
	_ =	swait.ge [sflag:s4], $0x0  }
0x19: {  	s7 =	sld [smem:$0x3F9A]  }
0x1a: {  	s8 =	sadd.s32 $0xFFFFE003, lr  }
0x1b: {  	s9 =	sadd.s32 $0xFFFFFEF7, lr;
	s5 =	simm.s32 $0xFFFFFFFF;
	p2 =	slt.u32 s8, $0xFFFFF086  }
0x1c: {  	p1 =	slt.u32 s9, $0xF7A;
	s5 =	simm.s32 @!p2 $0x0  }
0x1d: {  	s5 =	simm.s32 @p1 $0x1;
	p0 =	seq.s32 s7, s2  }
0x1e: {  	s7 =	smul.u32 @!p0 $0xF7A, s2;
	p2 =	seq.s32 @!p0 s5, $0x0  }
0x1f: {  	s9 =	smul.u32 $0xF7A, s1;
	s8 =	simm.s32 @!p0 $0x1BF5;
	p2 =	por !p2, p0  }
0x20: {  	[sflag:s8] =	ssyncset.s32 @!p0 $0xFFFFF086;
	s6 =	sadd.s32 @!p0 s3, s7;
	s7 =	simm.s32 @!p0 $0x108  }
0x21: {  	s3 =	sadd.s32 s3, s9;
	s6 =	sadd.s32 @!p0 $0x88, s6;
	s7 =	simm.s32 @p2 $0x1082  }
0x22: {  	[simem:s7], [sflag:s8] =	dma.local @!p0 [hbm:s6], $0xF7A  }
0x23: {  	s9 =	sor.u32 $0xD0000000, s2;
	s6 =	simm.s32 $0x108;
	_ =	swait.ge @!p0 [sflag:s8], $0x0  }
0x24: {  	s3 =	sadd.s32 $0x88, s3;
	s6 =	simm.s32 @!p1 $0x1082;
	[sflag:s4] =	ssyncset.s32 $0xFFFFF086  }
0x25: {  	[simem:s6], [sflag:s4] =	dma.local [hbm:s3], $0xF7A  }
0x26: {  	[smem:$0x3F9A] =	sst s1;
	(tag) =	ssettag s2;
	_ =	strace s9  }
0x27: {  	s1 =	sld [smem:$0x3FAA]  }
0x28: {  	s2 =	sld [smem:$0x3FAB]  }
0x29: {  	s4 =	sld [smem:$0x3FAD]  }
0x2a: {  	p0 =	seq.s32 s5, $0x0;
	s5 =	sld [smem:$0x3FAE]  }
0x2b: {  	s6 =	sld [smem:$0x3FAF]  }
0x2c: {  	s7 =	sld [smem:$0x3FB0]  }
0x2d: {  	s3 =	simm.s32 $0x108;
	s8 =	sld [smem:$0x3FB1]  }
0x2e: {  	s3 =	simm.s32 @!p0 $0x1082;
	s9 =	sld [smem:$0x3FB2]  }
0x2f: {  	lr =	sadd.s32 s0, s3;
	s0 =	sld [smem:$0x3FA9]  }
0x30: {  	s3 =	sld [smem:$0x3FAC]  }
0x31: {  	[smem:$0x3FB5] =	sst s10  }
0x32: {  	s10 =	sld [smem:$0x3FB3];
	_ =	sdelay $0x3  }
0x33: {  	p0 =	seq.s32 s10, $0x1;
	s10 =	sld [smem:$0x3FB5];
	_ =	sdelay $0x3  }
0x34: {  	[smem:$0x3FB5] =	sst s10  }
0x35: {  	s10 =	sld [smem:$0x3FB4];
	_ =	sdelay $0x3  }
0x36: {  	p1 =	seq.s32 s10, $0x1;
	s10 =	sld [smem:$0x3FB5];
	_ =	sdelay $0x3  }
0x37: {  	[smem:$0x3FB5] =	sst s10  }
0x38: {  	s10 =	sld [smem:$0x3FB6]  }
0x39: {  	_ = 	snop;
	(pc) =	sbr.ind lr, $3  }
0x3a: {  	_ = 	snop  }
0x3b: {  	_ = 	snop  }
0x3c: {  	p2 =	seq.s32 s10, $0x1;
	s10 =	sld [smem:$0x3FB5]  }
0x3d: {  	_ =	shalt  }
0x3e: {  	_ =	shalt  }
0x3f: {  	_ =	shalt  }
0x40: {  	_ =	shalt  }
0x41: {  	_ =	shalt  }
0x42: {  	_ =	shalt  }
0x43: {  	_ =	shalt  }
0x44: {  	_ =	shalt  }
0x45: {  	_ =	shalt  }
0x46: {  	_ =	shalt  }
0x47: {  	_ =	shalt  }
0x48: {  	_ =	shalt  }
0x49: {  	_ =	shalt  }
0x4a: {  	_ =	shalt  }
0x4b: {  	_ =	shalt  }
0x4c: {  	_ =	shalt  }
0x4d: {  	_ =	shalt  }
0x4e: {  	_ =	shalt  }
0x4f: {  	_ =	shalt  }
0x50: {  	_ =	shalt  }
0x51: {  	_ =	shalt  }
0x52: {  	_ =	shalt  }
0x53: {  	_ =	shalt  }
0x54: {  	_ =	shalt  }
0x55: {  	_ =	shalt  }
0x56: {  	_ =	shalt  }
0x57: {  	_ =	shalt  }
0x58: {  	_ =	shalt  }
0x59: {  	_ =	shalt  }
0x5a: {  	_ =	shalt  }
0x5b: {  	_ =	shalt  }
0x5c: {  	_ =	shalt  }
0x5d: {  	_ =	shalt  }
0x5e: {  	_ =	shalt  }
0x5f: {  	_ =	shalt  }
0x60: {  	_ =	shalt  }
0x61: {  	_ =	shalt  }
0x62: {  	_ =	shalt  }
0x63: {  	_ =	shalt  }
0x64: {  	_ =	shalt  }
0x65: {  	_ =	shalt  }
0x66: {  	_ =	shalt  }
0x67: {  	_ =	shalt  }
0x68: {  	_ =	shalt  }
0x69: {  	_ =	shalt  }
0x6a: {  	_ =	shalt  }
0x6b: {  	_ =	shalt  }
0x6c: {  	_ =	shalt  }
0x6d: {  	_ =	shalt  }
0x6e: {  	_ =	shalt  }
0x6f: {  	_ =	shalt  }
0x70: {  	_ =	shalt  }
0x71: {  	_ =	shalt  }
0x72: {  	_ =	shalt  }
0x73: {  	_ =	shalt  }
0x74: {  	_ =	shalt  }
0x75: {  	_ =	shalt  }
0x76: {  	_ =	shalt  }
0x77: {  	_ =	shalt  }
0x78: {  	_ =	shalt  }
0x79: {  	_ =	shalt  }
0x7a: {  	_ =	shalt  }
0x7b: {  	_ =	shalt  }
0x7c: {  	_ =	shalt  }
0x7d: {  	_ =	shalt  }
0x7e: {  	_ =	shalt  }
0x7f: {  	_ =	shalt  }
0x80: {  	_ =	shalt  }
0x81: {  	_ =	shalt  }
0x82: {  	_ =	shalt  }
0x83: {  	_ =	shalt  }
0x84: {  	_ =	shalt  }
0x85: {  	_ =	shalt  }
0x86: {  	_ =	shalt  }
0x87: {  	_ =	shalt  }
.Lfunc_end0:
.L_simem_size_0:
called_computation_lowered:
.L_overlay_start_0:
0x88: {  	s2 =	sld [smem:$0x3FD9]  }
0x89: {  	s3 =	sld [smem:$0x3FFE];
	_ =	sdelay $0x1  }
0x8a: {  	s1 =	srdreg.scid  }
0x8b: {  	s0 =	sand.u32 $0x1, s1  }
0x8c: {  	s17 =	sshll.u32 s0, $0xA;
	s2 =	sadd.s32 s3, s2  }
0x8d: {  	s2 =	sadd.s32 s2, s17  }
0x8e: {  	[smem:$0x3FC1] =	sst s2  }
0x8f: {  	_ = 	snop  }
0x90: {  	s2 =	sld [smem:$0x3FC9]  }
0x91: {  	s18 =	sld [smem:$0x3FD0];
	(tm) =	ssettm $0x1  }
0x92: {  	s4 =	sld [smem:$0x3FFB];
	_ =	sdelay $0x3  }
0x93: {  	_ =	strace s4  }
0x94: {  	s4 =	sld [smem:$0x3FFC];
	_ =	sdelay $0x3  }
0x95: {  	_ =	strace s4  }
0x96: {  	s4 =	sld [smem:$0x3FFD];
	_ =	sdelay $0x3  }
0x97: {  	_ =	strace s4  }
0x98: {  	_ =	strace $0x8FFFFFFF  }
0x99: {  	s19 =	sld [smem:$0x3FDB];
	_ =	sdelay $0x1  }
0x9a: {  	s5 =	simm.s32 $_scs_section_size  }
0x9b: {  	s6 =	simm.s32 $_size__tile_overlayer_lowered;
	s7 =	simm.s32 $_tile_overlayer_lowered  }
0x9c: {  	s22 =	simm.s32 $0x1BFF;
	s21 =	sshll.u32 s7, $0x1;
	s4 =	sadd.s32 s5, s19  }
0x9d: {  	s8 =	simm.s32 $0x0;
	s20 =	sshll.u32 s6, $0x1;
	s6 =	sadd.s32 s21, s4  }
0x9e: {  	[timem:s8], [sflag:s22] =	dma.local [hbm:s6], s20  }
0x9f: {  	_ =	swait.ge [sflag:s22], s20  }
0xa0: {  	s5 =	ssub.s32 $0x0, s20;
	[sflag:s22] =	ssyncset.done $0x0  }
0xa1: {  	[sflag:s22] =	ssyncadd.s32 s5;
	_ =	sdelay $0x1  }
0xa2: {  	s23 =	simm.s32 $0x1B8B  }
0xa3: {  	_ =	swait.ge [sflag:s23], $0x1  }
0xa4: {  	[sflag:s23] =	ssyncset.done $0x0  }
0xa5: {  	s25 =	simm.s32 $0x1B8E;
	s24 =	sld [smem:$0x3FFE];
	[sflag:s23] =	ssyncadd.s32 $0xFFFFFFFF  }
0xa6: {  	s26 =	simm.s32 $execute0_lowered;
	[smem:$0x3FD2] =	sst s25  }
0xa7: {  	s6 =	sshll.u32 s26, $0x1;
	_ =	strace $0x80000046;
	[dreg:$0x1] =	wrdreg $0xFFFFFFFF  }
0xa8: {  	s28 =	simm.s32 $_size_execute0_lowered;
	s4 =	sadd.s32 s4, s6;
	[dreg:$0x0] =	wrdreg $0x0  }
0xa9: {  	s6 =	sshll.u32 s28, $0x1;
	[dreg:$0x2] =	wrdreg s4  }
0xaa: {  	[dreg:$0x3] =	wrdreg s6  }
0xab: {  	[dreg:$0x4] =	wrdreg $0xC0  }
0xac: {  	_ =	task [dreg:s8], $0x5FFFF  }
0xad: {  	[dreg:$0x1] =	wrdreg $0xFFFFFFFF  }
0xae: {  	[dreg:$0x0] =	wrdreg $0x60  }
0xaf: {  	[dreg:$0x2] =	wrdreg s24  }
0xb0: {  	[dreg:$0x3] =	wrdreg s2  }
0xb1: {  	[dreg:$0x4] =	wrdreg s18  }
0xb2: {  	[dreg:$0x5] =	wrdreg $0x9  }
0xb3: {  	_ =	task.clear_ibuf [dreg:s8], $0x6FFFF;
	_ =	strace $0x90000046  }
0xb4: {  	s29 =	simm.s32 $0x9;
	_ =	strace $0x80000048  }
0xb5: {  	_ =	swait.ge [sflag:s29], $0x1  }
0xb6: {  	[sflag:s29] =	ssyncadd.s32 $0xFFFFFFFF  }
0xb7: {  	_ =	strace $0x90000048  }
0xb8: {  	_ =	sfence  }
0xb9: {  	s30 =	sld [smem:$0x0];
	_ =	sdelay $0x2  }
0xba: {  	s31 =	sshll.u32 s1, $0xD;
	s1 =	sshrl.u32 s1, $0x2  }
0xbb: {  	s3 =	sand.u32 $0x4000, s31;
	s1 =	sadd.s32 s1, s30  }
0xbc: {  	s0 =	sor.u32 s3, s0;
	s1 =	sshll.u32 s1, $0x11  }
0xbd: {  	s0 =	sor.u32 s1, s0  }
0xbe: {  	s0 =	sadd.s32 $0x8F2B, s0  }
0xbf: {  	[sflag:s0] =	ssyncadd.remote.s32 $0x1  }
0xc0: {  	_ =	sfence.sel $0xFFFF  }
0xc1: {  	[dreg:$0x0] =	wrdreg $0xFFFFFFFF;
	(pc) =	sbr.abs _section_cstart, $3  }
0xc2: {  	[dreg:$0x1] =	wrdreg $0xFFFFFFFF  }
0xc3: {  	_ =	task.clear_ibuf [dreg:s8], $0x2FFFF;
	_ =	strace $0x9FFFFFFF  }
0xc4: {  	(tm) =	ssettm $0x7FFFFFFF  }
0xc5: {  	_ =	shalt  }
tec
execute0_lowered:
.L_overlay_start_1:
0x0: {  	(tag) =	ssettag $0x1  }
0x1: {  	s3 =	rddreg [dreg:$0x0];
	s0 =	srdreg.scid  }
0x2: {  	s2 =	rddreg [dreg:$0x1];
	s1 =	stileid.u32  }
0x3: {  	s4 =	simm.s32 $0x0;
	s26 =	simm.s32 $0x1C0;
	s28 =	simm.s32 $0x2A00  }
0x4: {  	s29 =	simm.s32 $0x3200;
	s30 =	simm.s32 $0x3A00;
	s31 =	simm.s32 $0x4200  }
0x5: {  	s18 =	simm.s32 $0x9200;
	s19 =	simm.s32 $0x9A00;
	s20 =	simm.s32 $0xA200  }
0x6: {  	s6 =	sand.u32 $0x1, s0;
	s21 =	sshll.u32 s1, $0x8;
	[smem:$0x7FF] =	sst s4  }
0x7: {  	s9 =	sadd.s32 $0xC00, s3;
	s5 =	sadd.s32 $0x1000, s3;
	s22 =	sshll.u32 s6, $0x7  }
0x8: {  	_ =	strace $0x80000047;
	s6 =	ssub.s32 $0x2, s6;
	[dreg:$0x7] =	wrdreg s26  }
0x9: {  	s0 =	sor.u32 s22, s21;
	s11 =	sshrl.u32 s6, $0x1;
	s21 =	simm.s32 $0xAA00  }
0xa: {  	s7 =	sshrl.u32 s0, $0x3;
	s1 =	sor.u32 $0x40, s0;
	s24 =	ssub.s32 s6, s11  }
0xb: {  	s12 =	sor.u32 $0x10, s0;
	s13 =	sor.u32 $0x20, s0;
	s14 =	sor.u32 $0x30, s0  }
0xc: {  	v10 =	vlaneseq.u32;
	s15 =	sor.u32 $0x50, s0;
	s16 =	sor.u32 $0x60, s0;
	s17 =	sor.u32 $0x70, s0  }
0xd: {  	vm0 =	vmmov $0xffff;
	v8 =	vand.u32 $0x7, v10;
	v9 =	vshrl.u32 v10, $0x3;
	s6 =	sadd.s32 $0x100, s2;
	s11 =	simm.s32 $0x4;
	s8 =	sadd.s32 s7, s3  }
0xe: {  	v9 =	vmul.u32 $0x8, v9;
	v0 =	vor.u32 s0, v10;
	s7 =	sadd.s32 s9, s7;
	s10 =	sshrl.u32 s1, $0x3;
	v1 =	vor.u32 s12, v10;
	s12 =	simm.s32 $0x6200  }
0xf: {  	v2 =	vor.u32 s13, v10;
	v3 =	vor.u32 s14, v10;
	v5 =	vor.u32 s15, v10;
	s13 =	simm.s32 $0x6A00;
	s14 =	simm.s32 $0x7200;
	s15 =	simm.s32 $0x7A00  }
0x10: {  	v4 =	vor.u32 s1, v10;
	v6 =	vor.u32 s16, v10;
	v7 =	vor.u32 s17, v10;
	s16 =	simm.s32 $0x8200;
	s17 =	simm.s32 $0x8A00;
	[dreg:$0x4] =	wrdreg s7  }
0x11: {  	v0 =	vshrl.u32 v0, $0x1;
	v10 =	vor.u32 $0x8, v10;
	s23 =	sadd.s32 s9, s10;
	s25 =	sadd.s32 $0xE00, s8;
	s7 =	sadd.s32 $0x200, s2;
	v1 =	vshrl.u32 v1, $0x1  }
0x12: {  	s8 =	sadd.s32 $0x1100, s3;
	s9 =	sadd.s32 $0x1200, s3;
	v2 =	vshrl.u32 v2, $0x1;
	v3 =	vshrl.u32 v3, $0x1;
	v4 =	vshrl.u32 v4, $0x1;
	[dreg:$0x5] =	wrdreg s23  }
0x13: {  	s10 =	smax.u32 s24, $0x1;
	v5 =	vshrl.u32 v5, $0x1;
	v6 =	vshrl.u32 v6, $0x1;
	v7 =	vshrl.u32 v7, $0x1;
	s3 =	simm.s32 $0x5A00;
	[dreg:$0x6] =	wrdreg s25  }
.LBB2_1:
0x14: {  	s22 =	rddreg [dreg:$0x4]  }
0x15: {  	[tilespmem:s4], [sflag:$0x4] =	stream.linear.gather [hbm4b:s22+s4], $0x40, $0x38;
	[tilespmem:$0x18200] =	vst v63  }
0x16: {  	_ =	swait.ge [sflag:s11], $0x40  }
0x17: {  	[sflag:s11] =	ssyncset.done $0x0  }
0x18: {  	s24 =	simm.s32 $0x80;
	s26 =	rddreg [dreg:$0x5];
	[sflag:s11] =	ssyncadd.s32 $0xFFFFFFC0  }
0x19: {  	[tilespmem:s24], [sflag:$0x4] =	stream.linear.gather [hbm4b:s26+s4], $0x40, $0x38;
	[tilespmem:$0x18200] =	vst v63  }
0x1a: {  	_ =	swait.ge [sflag:s11], $0x40  }
0x1b: {  	[sflag:s11] =	ssyncset.done $0x0  }
0x1c: {  	s25 =	simm.s32 $0x180;
	s0 =	rddreg [dreg:$0x6];
	[sflag:s11] =	ssyncadd.s32 $0xFFFFFFC0  }
0x1d: {  	[tilespmem:s25], [sflag:$0x4] =	stream.linear.gather [hbm4b:s0+s4], $0x80, $0x38;
	[tilespmem:$0x18200] =	vst v63  }
0x1e: {  	_ =	swait.ge [sflag:s11], $0x80  }
0x1f: {  	[sflag:s11] =	ssyncset.done $0x0  }
0x20: {  	[sflag:s11] =	ssyncadd.s32 $0xFFFFFF80  }
0x21: {  	[tilespmem:$0x100] =	vst v0  }
0x22: {  	[tilespmem:$0x110] =	vst v1  }
0x23: {  	[tilespmem:$0x120] =	vst v2  }
0x24: {  	[tilespmem:$0x130] =	vst v3  }
0x25: {  	[tilespmem:$0x140] =	vst v4  }
0x26: {  	[tilespmem:$0x150] =	vst v5  }
0x27: {  	[tilespmem:$0x160] =	vst v6  }
0x28: {  	s26 =	simm.s32 $0x40;
	[tilespmem:$0x170] =	vst v7;
	s23 =	rddreg [dreg:$0x2]  }
0x29: {  	[hbm4b:s23+s26] =	stream.indirect.scatter [tilespmem:s25], [sflag:$0x3], $0x1, s4, s26, $0xb8;
	[tilespmem:$0x18200] =	vst v63  }
0x2a: {  	s1 =	rddreg [dreg:$0x7]  }
0x2b: {  	[hbm4b:s23+s26] =	stream.indirect.scatter [tilespmem:s1], [sflag:$0x3], $0x1, s24, s26, $0xb8;
	[tilespmem:$0x18200] =	vst v63  }
0x2c: {  	v11 =	vld [tilespmem:$0x100];
	_ =	sdelay $0x4  }
0x2d: {  	v12 =	vshrl.u32 v11, $0x3  }
0x2e: {  	v12 =	vmul.u32 $0x30, v12  }
0x2f: {  	v11 =	vand.u32 $0x7, v11  }
0x30: {  	v11 =	vor.u32 v11, v12  }
0x31: {  	v12 =	vperm.xlane v11, v8;
	_ =	sdelay $0x1  }
0x32: {  	v12 =	vadd.s32 v9, v12;
	_ =	sdelay $0x3  }
0x33: {  	s22 =	simm.s32 $0x200;
	v11 =	vperm.xlane v11, v10  }
0x34: {  	[tilespmem:s22], [sflag:$0x1] =	stream.indirect_vreg.gather [hbm4b:s2+s4], $0x80, v12, vm0, $0xb8;
	[tilespmem:$0x18200] =	vst v63  }
0x35: {  	s23 =	simm.s32 $0xA00;
	v11 =	vadd.s32 v9, v11  }
0x36: {  	[tilespmem:s23], [sflag:$0x1] =	stream.indirect_vreg.gather [hbm4b:s6+s4], $0x80, v12, vm0, $0xb8;
	[tilespmem:$0x18200] =	vst v63  }
0x37: {  	s24 =	simm.s32 $0x1200  }
0x38: {  	[tilespmem:s24], [sflag:$0x1] =	stream.indirect_vreg.gather [hbm4b:s7+s4], $0x80, v12, vm0, $0xb8;
	[tilespmem:$0x18200] =	vst v63  }
0x39: {  	s25 =	simm.s32 $0x1A00  }
0x3a: {  	[tilespmem:s25], [sflag:$0x1] =	stream.indirect_vreg.gather [hbm4b:s2+s4], $0x80, v11, vm0, $0xb8;
	[tilespmem:$0x18200] =	vst v63  }
0x3b: {  	s26 =	simm.s32 $0x2200  }
0x3c: {  	[tilespmem:s26], [sflag:$0x1] =	stream.indirect_vreg.gather [hbm4b:s6+s4], $0x80, v11, vm0, $0xb8;
	[tilespmem:$0x18200] =	vst v63  }
0x3d: {  	_ = 	snop  }
0x3e: {  	[tilespmem:s28], [sflag:$0x1] =	stream.indirect_vreg.gather [hbm4b:s7+s4], $0x80, v11, vm0, $0xb8;
	[tilespmem:$0x18200] =	vst v63  }
0x3f: {  	v11 =	vld [tilespmem:$0x110];
	_ =	sdelay $0x4  }
0x40: {  	v49 =	vshrl.u32 v11, $0x3  }
0x41: {  	v12 =	vmul.u32 $0x30, v49  }
0x42: {  	v11 =	vand.u32 $0x7, v11  }
0x43: {  	v11 =	vor.u32 v11, v12  }
0x44: {  	v12 =	vperm.xlane v11, v8;
	_ =	sdelay $0x1  }
0x45: {  	v12 =	vadd.s32 v9, v12;
	_ =	sdelay $0x3  }
0x46: {  	v11 =	vperm.xlane v11, v10  }
0x47: {  	[tilespmem:s29], [sflag:$0x1] =	stream.indirect_vreg.gather [hbm4b:s2+s4], $0x80, v12, vm0, $0xb8;
	[tilespmem:$0x18200] =	vst v63  }
0x48: {  	v11 =	vadd.s32 v9, v11  }
0x49: {  	[tilespmem:s30], [sflag:$0x1] =	stream.indirect_vreg.gather [hbm4b:s6+s4], $0x80, v12, vm0, $0xb8;
	[tilespmem:$0x18200] =	vst v63  }
0x4a: {  	_ = 	snop  }
0x4b: {  	[tilespmem:s31], [sflag:$0x1] =	stream.indirect_vreg.gather [hbm4b:s7+s4], $0x80, v12, vm0, $0xb8;
	[tilespmem:$0x18200] =	vst v63  }
0x4c: {  	s1 =	simm.s32 $0x4A00  }
0x4d: {  	[tilespmem:s1], [sflag:$0x1] =	stream.indirect_vreg.gather [hbm4b:s2+s4], $0x80, v11, vm0, $0xb8;
	[tilespmem:$0x18200] =	vst v63  }
0x4e: {  	s0 =	simm.s32 $0x5200  }
0x4f: {  	[tilespmem:s0], [sflag:$0x1] =	stream.indirect_vreg.gather [hbm4b:s6+s4], $0x80, v11, vm0, $0xb8;
	[tilespmem:$0x18200] =	vst v63  }
0x50: {  	_ = 	snop  }
0x51: {  	[tilespmem:s3], [sflag:$0x1] =	stream.indirect_vreg.gather [hbm4b:s7+s4], $0x80, v11, vm0, $0xb8;
	[tilespmem:$0x18200] =	vst v63  }
0x52: {  	v11 =	vld [tilespmem:$0x120];
	_ =	sdelay $0x4  }
0x53: {  	v50 =	vshrl.u32 v11, $0x3  }
0x54: {  	v12 =	vmul.u32 $0x30, v50  }
0x55: {  	v11 =	vand.u32 $0x7, v11  }
0x56: {  	v11 =	vor.u32 v11, v12  }
0x57: {  	v12 =	vperm.xlane v11, v8;
	_ =	sdelay $0x1  }
0x58: {  	v12 =	vadd.s32 v9, v12;
	_ =	sdelay $0x3  }
0x59: {  	v11 =	vperm.xlane v11, v10  }
0x5a: {  	[tilespmem:s12], [sflag:$0x1] =	stream.indirect_vreg.gather [hbm4b:s2+s4], $0x80, v12, vm0, $0xb8;
	[tilespmem:$0x18200] =	vst v63  }
0x5b: {  	v11 =	vadd.s32 v9, v11  }
0x5c: {  	[tilespmem:s13], [sflag:$0x1] =	stream.indirect_vreg.gather [hbm4b:s6+s4], $0x80, v12, vm0, $0xb8;
	[tilespmem:$0x18200] =	vst v63  }
0x5d: {  	_ = 	snop  }
0x5e: {  	[tilespmem:s14], [sflag:$0x1] =	stream.indirect_vreg.gather [hbm4b:s7+s4], $0x80, v12, vm0, $0xb8;
	[tilespmem:$0x18200] =	vst v63  }
0x5f: {  	_ = 	snop  }
0x60: {  	[tilespmem:s15], [sflag:$0x1] =	stream.indirect_vreg.gather [hbm4b:s2+s4], $0x80, v11, vm0, $0xb8;
	[tilespmem:$0x18200] =	vst v63  }
0x61: {  	_ = 	snop  }
0x62: {  	[tilespmem:s16], [sflag:$0x1] =	stream.indirect_vreg.gather [hbm4b:s6+s4], $0x80, v11, vm0, $0xb8;
	[tilespmem:$0x18200] =	vst v63  }
0x63: {  	_ = 	snop  }
0x64: {  	[tilespmem:s17], [sflag:$0x1] =	stream.indirect_vreg.gather [hbm4b:s7+s4], $0x80, v11, vm0, $0xb8;
	[tilespmem:$0x18200] =	vst v63  }
0x65: {  	v11 =	vld [tilespmem:$0x130];
	_ =	sdelay $0x4  }
0x66: {  	v51 =	vshrl.u32 v11, $0x3  }
0x67: {  	v12 =	vmul.u32 $0x30, v51  }
0x68: {  	v11 =	vand.u32 $0x7, v11  }
0x69: {  	v11 =	vor.u32 v11, v12  }
0x6a: {  	v12 =	vperm.xlane v11, v8;
	_ =	sdelay $0x1  }
0x6b: {  	v12 =	vadd.s32 v9, v12;
	_ =	sdelay $0x3  }
0x6c: {  	v11 =	vperm.xlane v11, v10  }
0x6d: {  	[tilespmem:s18], [sflag:$0x1] =	stream.indirect_vreg.gather [hbm4b:s2+s4], $0x80, v12, vm0, $0xb8;
	[tilespmem:$0x18200] =	vst v63  }
0x6e: {  	v11 =	vadd.s32 v9, v11  }
0x6f: {  	[tilespmem:s19], [sflag:$0x1] =	stream.indirect_vreg.gather [hbm4b:s6+s4], $0x80, v12, vm0, $0xb8;
	[tilespmem:$0x18200] =	vst v63  }
0x70: {  	_ = 	snop  }
0x71: {  	[tilespmem:s20], [sflag:$0x1] =	stream.indirect_vreg.gather [hbm4b:s7+s4], $0x80, v12, vm0, $0xb8;
	[tilespmem:$0x18200] =	vst v63  }
0x72: {  	_ = 	snop  }
0x73: {  	[tilespmem:s21], [sflag:$0x1] =	stream.indirect_vreg.gather [hbm4b:s2+s4], $0x80, v11, vm0, $0xb8;
	[tilespmem:$0x18200] =	vst v63  }
0x74: {  	s0 =	simm.s32 $0xB200  }
0x75: {  	[tilespmem:s0], [sflag:$0x1] =	stream.indirect_vreg.gather [hbm4b:s6+s4], $0x80, v11, vm0, $0xb8;
	[tilespmem:$0x18200] =	vst v63  }
0x76: {  	s0 =	simm.s32 $0xBA00  }
0x77: {  	[tilespmem:s0], [sflag:$0x1] =	stream.indirect_vreg.gather [hbm4b:s7+s4], $0x80, v11, vm0, $0xb8;
	[tilespmem:$0x18200] =	vst v63  }
0x78: {  	v11 =	vld [tilespmem:$0x140];
	_ =	sdelay $0x4  }
0x79: {  	v52 =	vshrl.u32 v11, $0x3  }
0x7a: {  	v12 =	vmul.u32 $0x30, v52  }
0x7b: {  	v11 =	vand.u32 $0x7, v11  }
0x7c: {  	v11 =	vor.u32 v11, v12  }
0x7d: {  	v12 =	vperm.xlane v11, v8;
	_ =	sdelay $0x1  }
0x7e: {  	v12 =	vadd.s32 v9, v12;
	_ =	sdelay $0x3  }
0x7f: {  	s0 =	simm.s32 $0xC200;
	v11 =	vperm.xlane v11, v10  }
0x80: {  	[tilespmem:s0], [sflag:$0x2] =	stream.indirect_vreg.gather [hbm4b:s2+s4], $0x80, v12, vm0, $0xb8;
	[tilespmem:$0x18200] =	vst v63  }
0x81: {  	v11 =	vadd.s32 v9, v11;
	s0 =	simm.s32 $0xCA00  }
0x82: {  	[tilespmem:s0], [sflag:$0x2] =	stream.indirect_vreg.gather [hbm4b:s6+s4], $0x80, v12, vm0, $0xb8;
	[tilespmem:$0x18200] =	vst v63  }
0x83: {  	s0 =	simm.s32 $0xD200  }
0x84: {  	[tilespmem:s0], [sflag:$0x2] =	stream.indirect_vreg.gather [hbm4b:s7+s4], $0x80, v12, vm0, $0xb8;
	[tilespmem:$0x18200] =	vst v63  }
0x85: {  	s0 =	simm.s32 $0xDA00  }
0x86: {  	[tilespmem:s0], [sflag:$0x2] =	stream.indirect_vreg.gather [hbm4b:s2+s4], $0x80, v11, vm0, $0xb8;
	[tilespmem:$0x18200] =	vst v63  }
0x87: {  	s0 =	simm.s32 $0xE200  }
0x88: {  	[tilespmem:s0], [sflag:$0x2] =	stream.indirect_vreg.gather [hbm4b:s6+s4], $0x80, v11, vm0, $0xb8;
	[tilespmem:$0x18200] =	vst v63  }
0x89: {  	s0 =	simm.s32 $0xEA00  }
0x8a: {  	[tilespmem:s0], [sflag:$0x2] =	stream.indirect_vreg.gather [hbm4b:s7+s4], $0x80, v11, vm0, $0xb8;
	[tilespmem:$0x18200] =	vst v63  }
0x8b: {  	v11 =	vld [tilespmem:$0x150];
	_ =	sdelay $0x4  }
0x8c: {  	v53 =	vshrl.u32 v11, $0x3  }
0x8d: {  	v12 =	vmul.u32 $0x30, v53  }
0x8e: {  	v11 =	vand.u32 $0x7, v11  }
0x8f: {  	v11 =	vor.u32 v11, v12  }
0x90: {  	v12 =	vperm.xlane v11, v8;
	_ =	sdelay $0x1  }
0x91: {  	v12 =	vadd.s32 v9, v12;
	_ =	sdelay $0x3  }
0x92: {  	s0 =	simm.s32 $0xF200;
	v11 =	vperm.xlane v11, v10  }
0x93: {  	[tilespmem:s0], [sflag:$0x2] =	stream.indirect_vreg.gather [hbm4b:s2+s4], $0x80, v12, vm0, $0xb8;
	[tilespmem:$0x18200] =	vst v63  }
0x94: {  	v11 =	vadd.s32 v9, v11;
	s0 =	simm.s32 $0xFA00  }
0x95: {  	[tilespmem:s0], [sflag:$0x2] =	stream.indirect_vreg.gather [hbm4b:s6+s4], $0x80, v12, vm0, $0xb8;
	[tilespmem:$0x18200] =	vst v63  }
0x96: {  	s0 =	simm.s32 $0x10200  }
0x97: {  	[tilespmem:s0], [sflag:$0x2] =	stream.indirect_vreg.gather [hbm4b:s7+s4], $0x80, v12, vm0, $0xb8;
	[tilespmem:$0x18200] =	vst v63  }
0x98: {  	s0 =	simm.s32 $0x10A00  }
0x99: {  	[tilespmem:s0], [sflag:$0x2] =	stream.indirect_vreg.gather [hbm4b:s2+s4], $0x80, v11, vm0, $0xb8;
	[tilespmem:$0x18200] =	vst v63  }
0x9a: {  	s0 =	simm.s32 $0x11200  }
0x9b: {  	[tilespmem:s0], [sflag:$0x2] =	stream.indirect_vreg.gather [hbm4b:s6+s4], $0x80, v11, vm0, $0xb8;
	[tilespmem:$0x18200] =	vst v63  }
0x9c: {  	s0 =	simm.s32 $0x11A00  }
0x9d: {  	[tilespmem:s0], [sflag:$0x2] =	stream.indirect_vreg.gather [hbm4b:s7+s4], $0x80, v11, vm0, $0xb8;
	[tilespmem:$0x18200] =	vst v63  }
0x9e: {  	v11 =	vld [tilespmem:$0x160];
	_ =	sdelay $0x4  }
0x9f: {  	v54 =	vshrl.u32 v11, $0x3  }
0xa0: {  	v12 =	vmul.u32 $0x30, v54  }
0xa1: {  	v11 =	vand.u32 $0x7, v11  }
0xa2: {  	v11 =	vor.u32 v11, v12  }
0xa3: {  	v12 =	vperm.xlane v11, v8;
	_ =	sdelay $0x1  }
0xa4: {  	v12 =	vadd.s32 v9, v12;
	_ =	sdelay $0x3  }
0xa5: {  	s0 =	simm.s32 $0x12200;
	v11 =	vperm.xlane v11, v10  }
0xa6: {  	[tilespmem:s0], [sflag:$0x2] =	stream.indirect_vreg.gather [hbm4b:s2+s4], $0x80, v12, vm0, $0xb8;
	[tilespmem:$0x18200] =	vst v63  }
0xa7: {  	v11 =	vadd.s32 v9, v11;
	s0 =	simm.s32 $0x12A00  }
0xa8: {  	[tilespmem:s0], [sflag:$0x2] =	stream.indirect_vreg.gather [hbm4b:s6+s4], $0x80, v12, vm0, $0xb8;
	[tilespmem:$0x18200] =	vst v63  }
0xa9: {  	s0 =	simm.s32 $0x13200  }
0xaa: {  	[tilespmem:s0], [sflag:$0x2] =	stream.indirect_vreg.gather [hbm4b:s7+s4], $0x80, v12, vm0, $0xb8;
	[tilespmem:$0x18200] =	vst v63  }
0xab: {  	s0 =	simm.s32 $0x13A00  }
0xac: {  	[tilespmem:s0], [sflag:$0x2] =	stream.indirect_vreg.gather [hbm4b:s2+s4], $0x80, v11, vm0, $0xb8;
	[tilespmem:$0x18200] =	vst v63  }
0xad: {  	s0 =	simm.s32 $0x14200  }
0xae: {  	[tilespmem:s0], [sflag:$0x2] =	stream.indirect_vreg.gather [hbm4b:s6+s4], $0x80, v11, vm0, $0xb8;
	[tilespmem:$0x18200] =	vst v63  }
0xaf: {  	s0 =	simm.s32 $0x14A00  }
0xb0: {  	[tilespmem:s0], [sflag:$0x2] =	stream.indirect_vreg.gather [hbm4b:s7+s4], $0x80, v11, vm0, $0xb8;
	[tilespmem:$0x18200] =	vst v63  }
0xb1: {  	v11 =	vld [tilespmem:$0x170];
	_ =	sdelay $0x4  }
0xb2: {  	v55 =	vshrl.u32 v11, $0x3  }
0xb3: {  	v12 =	vmul.u32 $0x30, v55  }
0xb4: {  	v11 =	vand.u32 $0x7, v11  }
0xb5: {  	v11 =	vor.u32 v11, v12  }
0xb6: {  	v12 =	vperm.xlane v11, v8;
	_ =	sdelay $0x1  }
0xb7: {  	v12 =	vadd.s32 v9, v12;
	_ =	sdelay $0x3  }
0xb8: {  	s0 =	simm.s32 $0x15200;
	v11 =	vperm.xlane v11, v10  }
0xb9: {  	[tilespmem:s0], [sflag:$0x2] =	stream.indirect_vreg.gather [hbm4b:s2+s4], $0x80, v12, vm0, $0xb8;
	[tilespmem:$0x18200] =	vst v63  }
0xba: {  	v11 =	vadd.s32 v9, v11;
	s0 =	simm.s32 $0x15A00  }
0xbb: {  	[tilespmem:s0], [sflag:$0x2] =	stream.indirect_vreg.gather [hbm4b:s6+s4], $0x80, v12, vm0, $0xb8;
	[tilespmem:$0x18200] =	vst v63  }
0xbc: {  	s0 =	simm.s32 $0x16200  }
0xbd: {  	[tilespmem:s0], [sflag:$0x2] =	stream.indirect_vreg.gather [hbm4b:s7+s4], $0x80, v12, vm0, $0xb8;
	[tilespmem:$0x18200] =	vst v63  }
0xbe: {  	s0 =	simm.s32 $0x16A00  }
0xbf: {  	[tilespmem:s0], [sflag:$0x2] =	stream.indirect_vreg.gather [hbm4b:s2+s4], $0x80, v11, vm0, $0xb8;
	[tilespmem:$0x18200] =	vst v63  }
0xc0: {  	s0 =	simm.s32 $0x17200  }
0xc1: {  	[tilespmem:s0], [sflag:$0x2] =	stream.indirect_vreg.gather [hbm4b:s6+s4], $0x80, v11, vm0, $0xb8;
	[tilespmem:$0x18200] =	vst v63  }
0xc2: {  	s0 =	simm.s32 $0x17A00  }
0xc3: {  	[tilespmem:s0], [sflag:$0x2] =	stream.indirect_vreg.gather [hbm4b:s7+s4], $0x80, v11, vm0, $0xb8;
	[tilespmem:$0x18200] =	vst v63  }
0xc4: {  	s0 =	simm.s32 $0x1  }
0xc5: {  	_ =	swait.ge [sflag:s0], $0xC000  }
0xc6: {  	[sflag:s0] =	ssyncset.done $0x0  }
0xc7: {  	[sflag:s0] =	ssyncadd.s32 $0xFFFF4000  }
0xc8: {  	v11 =	vld [tilespmem:$0x0];
	_ =	sdelay $0x4  }
0xc9: {  	v56 =	vshrl.u32 v11, $0x3  }
0xca: {  	v12 =	vmul.u32 $0x30, v56  }
0xcb: {  	v11 =	vand.u32 $0x7, v11  }
0xcc: {  	v11 =	vor.u32 v11, v12  }
0xcd: {  	v12 =	vperm.xlane v11, v8;
	_ =	sdelay $0x1  }
0xce: {  	v12 =	vadd.s32 v9, v12;
	_ =	sdelay $0x3  }
0xcf: {  	v11 =	vperm.xlane v11, v10  }
0xd0: {  	[hbm4b:s5+s4] =	stream.indirect_vreg.scatter [tilespmem:s22], [sflag:$0x1], $0x80, v12, vm0, $0xb8;
	[tilespmem:$0x18200] =	vst v63  }
0xd1: {  	v11 =	vadd.s32 v9, v11  }
0xd2: {  	[hbm4b:s8+s4] =	stream.indirect_vreg.scatter [tilespmem:s23], [sflag:$0x1], $0x80, v12, vm0, $0xb8;
	[tilespmem:$0x18200] =	vst v63  }
0xd3: {  	_ = 	snop  }
0xd4: {  	[hbm4b:s9+s4] =	stream.indirect_vreg.scatter [tilespmem:s24], [sflag:$0x1], $0x80, v12, vm0, $0xb8;
	[tilespmem:$0x18200] =	vst v63  }
0xd5: {  	_ = 	snop  }
0xd6: {  	[hbm4b:s5+s4] =	stream.indirect_vreg.scatter [tilespmem:s25], [sflag:$0x1], $0x80, v11, vm0, $0xb8;
	[tilespmem:$0x18200] =	vst v63  }
0xd7: {  	_ = 	snop  }
0xd8: {  	[hbm4b:s8+s4] =	stream.indirect_vreg.scatter [tilespmem:s26], [sflag:$0x1], $0x80, v11, vm0, $0xb8;
	[tilespmem:$0x18200] =	vst v63  }
0xd9: {  	_ = 	snop  }
0xda: {  	[hbm4b:s9+s4] =	stream.indirect_vreg.scatter [tilespmem:s28], [sflag:$0x1], $0x80, v11, vm0, $0xb8;
	[tilespmem:$0x18200] =	vst v63  }
0xdb: {  	v11 =	vld [tilespmem:$0x10];
	_ =	sdelay $0x4  }
0xdc: {  	v57 =	vshrl.u32 v11, $0x3  }
0xdd: {  	v12 =	vmul.u32 $0x30, v57  }
0xde: {  	v11 =	vand.u32 $0x7, v11  }
0xdf: {  	v11 =	vor.u32 v11, v12  }
0xe0: {  	v12 =	vperm.xlane v11, v8;
	_ =	sdelay $0x1  }
0xe1: {  	v12 =	vadd.s32 v9, v12;
	_ =	sdelay $0x3  }
0xe2: {  	v11 =	vperm.xlane v11, v10  }
0xe3: {  	[hbm4b:s5+s4] =	stream.indirect_vreg.scatter [tilespmem:s29], [sflag:$0x1], $0x80, v12, vm0, $0xb8;
	[tilespmem:$0x18200] =	vst v63  }
0xe4: {  	v11 =	vadd.s32 v9, v11  }
0xe5: {  	[hbm4b:s8+s4] =	stream.indirect_vreg.scatter [tilespmem:s30], [sflag:$0x1], $0x80, v12, vm0, $0xb8;
	[tilespmem:$0x18200] =	vst v63  }
0xe6: {  	_ = 	snop  }
0xe7: {  	[hbm4b:s9+s4] =	stream.indirect_vreg.scatter [tilespmem:s31], [sflag:$0x1], $0x80, v12, vm0, $0xb8;
	[tilespmem:$0x18200] =	vst v63  }
0xe8: {  	_ = 	snop  }
0xe9: {  	[hbm4b:s5+s4] =	stream.indirect_vreg.scatter [tilespmem:s1], [sflag:$0x1], $0x80, v11, vm0, $0xb8;
	[tilespmem:$0x18200] =	vst v63  }
0xea: {  	s24 =	simm.s32 $0x5200  }
0xeb: {  	[hbm4b:s8+s4] =	stream.indirect_vreg.scatter [tilespmem:s24], [sflag:$0x1], $0x80, v11, vm0, $0xb8;
	[tilespmem:$0x18200] =	vst v63  }
0xec: {  	_ = 	snop  }
0xed: {  	[hbm4b:s9+s4] =	stream.indirect_vreg.scatter [tilespmem:s3], [sflag:$0x1], $0x80, v11, vm0, $0xb8;
	[tilespmem:$0x18200] =	vst v63  }
0xee: {  	v11 =	vld [tilespmem:$0x20];
	_ =	sdelay $0x4  }
0xef: {  	v58 =	vshrl.u32 v11, $0x3  }
0xf0: {  	v12 =	vmul.u32 $0x30, v58  }
0xf1: {  	v11 =	vand.u32 $0x7, v11  }
0xf2: {  	v11 =	vor.u32 v11, v12  }
0xf3: {  	v12 =	vperm.xlane v11, v8;
	_ =	sdelay $0x1  }
0xf4: {  	v12 =	vadd.s32 v9, v12;
	_ =	sdelay $0x3  }
0xf5: {  	v11 =	vperm.xlane v11, v10  }
0xf6: {  	[hbm4b:s5+s4] =	stream.indirect_vreg.scatter [tilespmem:s12], [sflag:$0x1], $0x80, v12, vm0, $0xb8;
	[tilespmem:$0x18200] =	vst v63  }
0xf7: {  	v11 =	vadd.s32 v9, v11  }
0xf8: {  	[hbm4b:s8+s4] =	stream.indirect_vreg.scatter [tilespmem:s13], [sflag:$0x1], $0x80, v12, vm0, $0xb8;
	[tilespmem:$0x18200] =	vst v63  }
0xf9: {  	_ = 	snop  }
0xfa: {  	[hbm4b:s9+s4] =	stream.indirect_vreg.scatter [tilespmem:s14], [sflag:$0x1], $0x80, v12, vm0, $0xb8;
	[tilespmem:$0x18200] =	vst v63  }
0xfb: {  	_ = 	snop  }
0xfc: {  	[hbm4b:s5+s4] =	stream.indirect_vreg.scatter [tilespmem:s15], [sflag:$0x1], $0x80, v11, vm0, $0xb8;
	[tilespmem:$0x18200] =	vst v63  }
0xfd: {  	_ = 	snop  }
0xfe: {  	[hbm4b:s8+s4] =	stream.indirect_vreg.scatter [tilespmem:s16], [sflag:$0x1], $0x80, v11, vm0, $0xb8;
	[tilespmem:$0x18200] =	vst v63  }
0xff: {  	_ = 	snop  }
0x100: {  	[hbm4b:s9+s4] =	stream.indirect_vreg.scatter [tilespmem:s17], [sflag:$0x1], $0x80, v11, vm0, $0xb8;
	[tilespmem:$0x18200] =	vst v63  }
0x101: {  	v11 =	vld [tilespmem:$0x30];
	_ =	sdelay $0x4  }
0x102: {  	v59 =	vshrl.u32 v11, $0x3  }
0x103: {  	v12 =	vmul.u32 $0x30, v59  }
0x104: {  	v11 =	vand.u32 $0x7, v11  }
0x105: {  	v11 =	vor.u32 v11, v12  }
0x106: {  	v12 =	vperm.xlane v11, v8;
	_ =	sdelay $0x1  }
0x107: {  	v12 =	vadd.s32 v9, v12;
	_ =	sdelay $0x3  }
0x108: {  	v11 =	vperm.xlane v11, v10  }
0x109: {  	[hbm4b:s5+s4] =	stream.indirect_vreg.scatter [tilespmem:s18], [sflag:$0x1], $0x80, v12, vm0, $0xb8;
	[tilespmem:$0x18200] =	vst v63  }
0x10a: {  	v11 =	vadd.s32 v9, v11  }
0x10b: {  	[hbm4b:s8+s4] =	stream.indirect_vreg.scatter [tilespmem:s19], [sflag:$0x1], $0x80, v12, vm0, $0xb8;
	[tilespmem:$0x18200] =	vst v63  }
0x10c: {  	_ = 	snop  }
0x10d: {  	[hbm4b:s9+s4] =	stream.indirect_vreg.scatter [tilespmem:s20], [sflag:$0x1], $0x80, v12, vm0, $0xb8;
	[tilespmem:$0x18200] =	vst v63  }
0x10e: {  	_ = 	snop  }
0x10f: {  	[hbm4b:s5+s4] =	stream.indirect_vreg.scatter [tilespmem:s21], [sflag:$0x1], $0x80, v11, vm0, $0xb8;
	[tilespmem:$0x18200] =	vst v63  }
0x110: {  	s25 =	simm.s32 $0xB200  }
0x111: {  	[hbm4b:s8+s4] =	stream.indirect_vreg.scatter [tilespmem:s25], [sflag:$0x1], $0x80, v11, vm0, $0xb8;
	[tilespmem:$0x18200] =	vst v63  }
0x112: {  	s26 =	simm.s32 $0xBA00  }
0x113: {  	[hbm4b:s9+s4] =	stream.indirect_vreg.scatter [tilespmem:s26], [sflag:$0x1], $0x80, v11, vm0, $0xb8;
	[tilespmem:$0x18200] =	vst v63  }
0x114: {  	_ =	swait.ge [sflag:s0], $0xC000  }
0x115: {  	[sflag:s0] =	ssyncset.done $0x0  }
0x116: {  	[sflag:s0] =	ssyncadd.s32 $0xFFFF4000;
	s0 =	simm.s32 $0x2  }
0x117: {  	_ =	swait.ge [sflag:s0], $0xC000  }
0x118: {  	[sflag:s0] =	ssyncset.done $0x0  }
0x119: {  	[sflag:s0] =	ssyncadd.s32 $0xFFFF4000  }
0x11a: {  	v11 =	vld [tilespmem:$0x80];
	_ =	sdelay $0x4  }
0x11b: {  	v60 =	vshrl.u32 v11, $0x3  }
0x11c: {  	v12 =	vmul.u32 $0x30, v60  }
0x11d: {  	v11 =	vand.u32 $0x7, v11  }
0x11e: {  	v11 =	vor.u32 v11, v12  }
0x11f: {  	v12 =	vperm.xlane v11, v8;
	_ =	sdelay $0x1  }
0x120: {  	v12 =	vadd.s32 v9, v12;
	_ =	sdelay $0x3  }
0x121: {  	s22 =	simm.s32 $0xC200;
	v11 =	vperm.xlane v11, v10  }
0x122: {  	[hbm4b:s5+s4] =	stream.indirect_vreg.scatter [tilespmem:s22], [sflag:$0x2], $0x80, v12, vm0, $0xb8;
	[tilespmem:$0x18200] =	vst v63  }
0x123: {  	s23 =	simm.s32 $0xCA00;
	v11 =	vadd.s32 v9, v11  }
0x124: {  	[hbm4b:s8+s4] =	stream.indirect_vreg.scatter [tilespmem:s23], [sflag:$0x2], $0x80, v12, vm0, $0xb8;
	[tilespmem:$0x18200] =	vst v63  }
0x125: {  	s24 =	simm.s32 $0xD200  }
0x126: {  	[hbm4b:s9+s4] =	stream.indirect_vreg.scatter [tilespmem:s24], [sflag:$0x2], $0x80, v12, vm0, $0xb8;
	[tilespmem:$0x18200] =	vst v63  }
0x127: {  	s25 =	simm.s32 $0xDA00  }
0x128: {  	[hbm4b:s5+s4] =	stream.indirect_vreg.scatter [tilespmem:s25], [sflag:$0x2], $0x80, v11, vm0, $0xb8;
	[tilespmem:$0x18200] =	vst v63  }
0x129: {  	s26 =	simm.s32 $0xE200  }
0x12a: {  	[hbm4b:s8+s4] =	stream.indirect_vreg.scatter [tilespmem:s26], [sflag:$0x2], $0x80, v11, vm0, $0xb8;
	[tilespmem:$0x18200] =	vst v63  }
0x12b: {  	s22 =	simm.s32 $0xEA00  }
0x12c: {  	[hbm4b:s9+s4] =	stream.indirect_vreg.scatter [tilespmem:s22], [sflag:$0x2], $0x80, v11, vm0, $0xb8;
	[tilespmem:$0x18200] =	vst v63  }
0x12d: {  	v11 =	vld [tilespmem:$0x90];
	_ =	sdelay $0x4  }
0x12e: {  	v61 =	vshrl.u32 v11, $0x3  }
0x12f: {  	v12 =	vmul.u32 $0x30, v61  }
0x130: {  	v11 =	vand.u32 $0x7, v11  }
0x131: {  	v11 =	vor.u32 v11, v12  }
0x132: {  	v12 =	vperm.xlane v11, v8;
	_ =	sdelay $0x1  }
0x133: {  	v12 =	vadd.s32 v9, v12;
	_ =	sdelay $0x3  }
0x134: {  	s23 =	simm.s32 $0xF200;
	v11 =	vperm.xlane v11, v10  }
0x135: {  	[hbm4b:s5+s4] =	stream.indirect_vreg.scatter [tilespmem:s23], [sflag:$0x2], $0x80, v12, vm0, $0xb8;
	[tilespmem:$0x18200] =	vst v63  }
0x136: {  	s24 =	simm.s32 $0xFA00;
	v11 =	vadd.s32 v9, v11  }
0x137: {  	[hbm4b:s8+s4] =	stream.indirect_vreg.scatter [tilespmem:s24], [sflag:$0x2], $0x80, v12, vm0, $0xb8;
	[tilespmem:$0x18200] =	vst v63  }
0x138: {  	s25 =	simm.s32 $0x10200  }
0x139: {  	[hbm4b:s9+s4] =	stream.indirect_vreg.scatter [tilespmem:s25], [sflag:$0x2], $0x80, v12, vm0, $0xb8;
	[tilespmem:$0x18200] =	vst v63  }
0x13a: {  	s26 =	simm.s32 $0x10A00  }
0x13b: {  	[hbm4b:s5+s4] =	stream.indirect_vreg.scatter [tilespmem:s26], [sflag:$0x2], $0x80, v11, vm0, $0xb8;
	[tilespmem:$0x18200] =	vst v63  }
0x13c: {  	s22 =	simm.s32 $0x11200  }
0x13d: {  	[hbm4b:s8+s4] =	stream.indirect_vreg.scatter [tilespmem:s22], [sflag:$0x2], $0x80, v11, vm0, $0xb8;
	[tilespmem:$0x18200] =	vst v63  }
0x13e: {  	s23 =	simm.s32 $0x11A00  }
0x13f: {  	[hbm4b:s9+s4] =	stream.indirect_vreg.scatter [tilespmem:s23], [sflag:$0x2], $0x80, v11, vm0, $0xb8;
	[tilespmem:$0x18200] =	vst v63  }
0x140: {  	v11 =	vld [tilespmem:$0xA0];
	_ =	sdelay $0x4  }
0x141: {  	v62 =	vshrl.u32 v11, $0x3  }
0x142: {  	v12 =	vmul.u32 $0x30, v62  }
0x143: {  	v11 =	vand.u32 $0x7, v11  }
0x144: {  	v11 =	vor.u32 v11, v12  }
0x145: {  	v12 =	vperm.xlane v11, v8;
	_ =	sdelay $0x1  }
0x146: {  	v12 =	vadd.s32 v9, v12;
	_ =	sdelay $0x3  }
0x147: {  	s24 =	simm.s32 $0x12200;
	v11 =	vperm.xlane v11, v10  }
0x148: {  	[hbm4b:s5+s4] =	stream.indirect_vreg.scatter [tilespmem:s24], [sflag:$0x2], $0x80, v12, vm0, $0xb8;
	[tilespmem:$0x18200] =	vst v63  }
0x149: {  	s25 =	simm.s32 $0x12A00;
	v11 =	vadd.s32 v9, v11  }
0x14a: {  	[hbm4b:s8+s4] =	stream.indirect_vreg.scatter [tilespmem:s25], [sflag:$0x2], $0x80, v12, vm0, $0xb8;
	[tilespmem:$0x18200] =	vst v63  }
0x14b: {  	s26 =	simm.s32 $0x13200  }
0x14c: {  	[hbm4b:s9+s4] =	stream.indirect_vreg.scatter [tilespmem:s26], [sflag:$0x2], $0x80, v12, vm0, $0xb8;
	[tilespmem:$0x18200] =	vst v63  }
0x14d: {  	s22 =	simm.s32 $0x13A00  }
0x14e: {  	[hbm4b:s5+s4] =	stream.indirect_vreg.scatter [tilespmem:s22], [sflag:$0x2], $0x80, v11, vm0, $0xb8;
	[tilespmem:$0x18200] =	vst v63  }
0x14f: {  	s23 =	simm.s32 $0x14200  }
0x150: {  	[hbm4b:s8+s4] =	stream.indirect_vreg.scatter [tilespmem:s23], [sflag:$0x2], $0x80, v11, vm0, $0xb8;
	[tilespmem:$0x18200] =	vst v63  }
0x151: {  	s24 =	simm.s32 $0x14A00  }
0x152: {  	[hbm4b:s9+s4] =	stream.indirect_vreg.scatter [tilespmem:s24], [sflag:$0x2], $0x80, v11, vm0, $0xb8;
	[tilespmem:$0x18200] =	vst v63  }
0x153: {  	v11 =	vld [tilespmem:$0xB0];
	_ =	sdelay $0x4  }
0x154: {  	v63 =	vshrl.u32 v11, $0x3  }
0x155: {  	v12 =	vmul.u32 $0x30, v63  }
0x156: {  	v11 =	vand.u32 $0x7, v11  }
0x157: {  	v11 =	vor.u32 v11, v12  }
0x158: {  	v12 =	vperm.xlane v11, v8;
	_ =	sdelay $0x1  }
0x159: {  	v12 =	vadd.s32 v9, v12;
	_ =	sdelay $0x3  }
0x15a: {  	s25 =	simm.s32 $0x15200;
	v11 =	vperm.xlane v11, v10  }
0x15b: {  	[hbm4b:s5+s4] =	stream.indirect_vreg.scatter [tilespmem:s25], [sflag:$0x2], $0x80, v12, vm0, $0xb8;
	[tilespmem:$0x18200] =	vst v63  }
0x15c: {  	s26 =	simm.s32 $0x15A00;
	v11 =	vadd.s32 v9, v11  }
0x15d: {  	[hbm4b:s8+s4] =	stream.indirect_vreg.scatter [tilespmem:s26], [sflag:$0x2], $0x80, v12, vm0, $0xb8;
	[tilespmem:$0x18200] =	vst v63  }
0x15e: {  	s22 =	simm.s32 $0x16200  }
0x15f: {  	[hbm4b:s9+s4] =	stream.indirect_vreg.scatter [tilespmem:s22], [sflag:$0x2], $0x80, v12, vm0, $0xb8;
	[tilespmem:$0x18200] =	vst v63  }
0x160: {  	s23 =	simm.s32 $0x16A00  }
0x161: {  	[hbm4b:s5+s4] =	stream.indirect_vreg.scatter [tilespmem:s23], [sflag:$0x2], $0x80, v11, vm0, $0xb8;
	[tilespmem:$0x18200] =	vst v63  }
0x162: {  	s24 =	simm.s32 $0x17200  }
0x163: {  	[hbm4b:s8+s4] =	stream.indirect_vreg.scatter [tilespmem:s24], [sflag:$0x2], $0x80, v11, vm0, $0xb8;
	[tilespmem:$0x18200] =	vst v63  }
0x164: {  	s25 =	simm.s32 $0x17A00  }
0x165: {  	[hbm4b:s9+s4] =	stream.indirect_vreg.scatter [tilespmem:s25], [sflag:$0x2], $0x80, v11, vm0, $0xb8;
	[tilespmem:$0x18200] =	vst v63  }
0x166: {  	_ =	swait.ge [sflag:s0], $0xC000  }
0x167: {  	[sflag:s0] =	ssyncset.done $0x0  }
0x168: {  	s26 =	simm.s32 $0x3;
	[sflag:s0] =	ssyncadd.s32 $0xFFFF4000  }
0x169: {  	p0 =	sne.s32 s10, $0x1;
	_ =	swait.ge [sflag:s26], $0x40  }
.Ltmp0:
0x16a: {  	[sflag:s26] =	ssyncset.done $0x0;
	(pc) =	sbr.rel @p0 .LBB2_1-.Ltmp0, $4  }
0x16b: {  	[sflag:s26] =	ssyncadd.s32 $0xFFFFFFC0  }
0x16c: {  	_ =	swait.ge [sflag:s26], $0x40  }
0x16d: {  	[sflag:s26] =	ssyncset.done $0x0  }
0x16e: {  	s10 =	sadd.s32 $0xFFFFFFFF, s10;
	[sflag:s26] =	ssyncadd.s32 $0xFFFFFFC0  }
0x16f: {  	_ =	sfence.sel $0x180000  }
0x170: {  	[bflag:$0x0] =	sbarrier.arrive $0xFFFF  }
0x171: {  	_ =	strace $0x90000047  }
0x172: {  	s0 =	stileid.u32;
	[bflag:$0x2] =	sbarrier.arrive $0xFFFF  }
0x173: {  	p0 =	sne.s32 s0, $0x0;
	s0 =	rddreg [dreg:$0x3]  }
0x174: {  	s0 =	sadd.s32 @!p0 $0x100000, s0  }
0x175: {  	[sflag:s0] =	ssyncadd.tile.s32 @!p0 $0x1;
	_ =	shalt  }
.Lfunc_end2:
_tile_overlayer_lowered:
.L_overlay_start_2:
0x176: {  	(tag) =	ssettag $0x2  }
0x177: {  	s0 =	rddreg [dreg:$0x0];
	s2 =	stileid.u32  }
0x178: {  	s1 =	rddreg [dreg:$0x1];
	p0 =	sne.s32 s2, $0x0  }
0x179: {  	s3 =	rddreg [dreg:$0x2];
	[bflag:$0x3] =	sbarrier.arrive $0xFFFF;
	s2 =	simm.s32 @!p0 $0x1C04  }
0x17a: {  	[timem:s3], [sflag:s2] =	dma.local @!p0 [hbm:s0], s1  }
0x17b: {  	s0 =	simm.s32 @!p0 $0x4  }
0x17c: {  	_ =	swait.ge @!p0 [sflag:s0], s1  }
0x17d: {  	s1 =	ssub.s32 @!p0 $0x0, s1;
	[sflag:s0] =	ssyncset.done @!p0 $0x0  }
0x17e: {  	[sflag:s0] =	ssyncadd.s32 @!p0 s1  }
0x17f: {  	[bflag:$0x3] =	sbarrier.arrive $0xFFFF  }
0x180: {  	_ =	shalt  }

// kernel: kernel.9.cloned.1.call-start
scs
__scs_entry_jumppad:
0x0: {  	(pc) =	sbr.rel $0x88, $3  }
0x1: {  	(tag) =	ssettag $0x0;
	lr =	simm.s32 $0x1  }
0x2: {  	[smem:$0x3F9A] =	sst lr;
	_ =	strace $0xD0000000  }
0x3: {  	_ = 	snop  }
0x4: {  	_ = 	snop  }
0x5: {  	_ = 	snop  }
0x6: {  	_ = 	snop  }
0x7: {  	_ = 	snop  }
__scs_overlays_trampoline_lowered:
0x8: {  	[smem:$0x3FA9] =	sst s0  }
0x9: {  	[smem:$0x3FAA] =	sst s1  }
0xa: {  	[smem:$0x3FAB] =	sst s2  }
0xb: {  	[smem:$0x3FAC] =	sst s3  }
0xc: {  	[smem:$0x3FAD] =	sst s4  }
0xd: {  	[smem:$0x3FAE] =	sst s5  }
0xe: {  	[smem:$0x3FAF] =	sst s6  }
0xf: {  	[smem:$0x3FB0] =	sst s7  }
0x10: {  	[smem:$0x3FB1] =	sst s8  }
0x11: {  	[smem:$0x3FB2] =	sst s9;
	s0 =	simm.s32 @!p0 $0x0  }
0x12: {  	s1 =	sld [smem:$0x3F98];
	s0 =	simm.s32 @p0 $0x1  }
0x13: {  	[smem:$0x3FB3] =	sst s0;
	s0 =	simm.s32 @!p1 $0x0  }
0x14: {  	s2 =	sld [smem:$0x3F97];
	s0 =	simm.s32 @p1 $0x1  }
0x15: {  	[smem:$0x3FB4] =	sst s0;
	s0 =	simm.s32 @!p2 $0x0  }
0x16: {  	s3 =	sld [smem:$0x3FDB];
	s0 =	simm.s32 @p2 $0x1  }
0x17: {  	s4 =	simm.s32 $0x1BF5;
	[smem:$0x3FB6] =	sst s0  }
0x18: {  	s0 =	sld [smem:$0x3F99];
	_ =	swait.ge [sflag:s4], $0x0  }
0x19: {  	s7 =	sld [smem:$0x3F9A]  }
0x1a: {  	s8 =	sadd.s32 $0xFFFFE003, lr  }
0x1b: {  	s9 =	sadd.s32 $0xFFFFFEF7, lr;
	s5 =	simm.s32 $0xFFFFFFFF;
	p2 =	slt.u32 s8, $0xFFFFF086  }
0x1c: {  	p1 =	slt.u32 s9, $0xF7A;
	s5 =	simm.s32 @!p2 $0x0  }
0x1d: {  	s5 =	simm.s32 @p1 $0x1;
	p0 =	seq.s32 s7, s2  }
0x1e: {  	s7 =	smul.u32 @!p0 $0xF7A, s2;
	p2 =	seq.s32 @!p0 s5, $0x0  }
0x1f: {  	s9 =	smul.u32 $0xF7A, s1;
	s8 =	simm.s32 @!p0 $0x1BF5;
	p2 =	por !p2, p0  }
0x20: {  	[sflag:s8] =	ssyncset.s32 @!p0 $0xFFFFF086;
	s6 =	sadd.s32 @!p0 s3, s7;
	s7 =	simm.s32 @!p0 $0x108  }
0x21: {  	s3 =	sadd.s32 s3, s9;
	s6 =	sadd.s32 @!p0 $0x88, s6;
	s7 =	simm.s32 @p2 $0x1082  }
0x22: {  	[simem:s7], [sflag:s8] =	dma.local @!p0 [hbm:s6], $0xF7A  }
0x23: {  	s9 =	sor.u32 $0xD0000000, s2;
	s6 =	simm.s32 $0x108;
	_ =	swait.ge @!p0 [sflag:s8], $0x0  }
0x24: {  	s3 =	sadd.s32 $0x88, s3;
	s6 =	simm.s32 @!p1 $0x1082;
	[sflag:s4] =	ssyncset.s32 $0xFFFFF086  }
0x25: {  	[simem:s6], [sflag:s4] =	dma.local [hbm:s3], $0xF7A  }
0x26: {  	[smem:$0x3F9A] =	sst s1;
	(tag) =	ssettag s2;
	_ =	strace s9  }
0x27: {  	s1 =	sld [smem:$0x3FAA]  }
0x28: {  	s2 =	sld [smem:$0x3FAB]  }
0x29: {  	s4 =	sld [smem:$0x3FAD]  }
0x2a: {  	p0 =	seq.s32 s5, $0x0;
	s5 =	sld [smem:$0x3FAE]  }
0x2b: {  	s6 =	sld [smem:$0x3FAF]  }
0x2c: {  	s7 =	sld [smem:$0x3FB0]  }
0x2d: {  	s3 =	simm.s32 $0x108;
	s8 =	sld [smem:$0x3FB1]  }
0x2e: {  	s3 =	simm.s32 @!p0 $0x1082;
	s9 =	sld [smem:$0x3FB2]  }
0x2f: {  	lr =	sadd.s32 s0, s3;
	s0 =	sld [smem:$0x3FA9]  }
0x30: {  	s3 =	sld [smem:$0x3FAC]  }
0x31: {  	[smem:$0x3FB5] =	sst s10  }
0x32: {  	s10 =	sld [smem:$0x3FB3];
	_ =	sdelay $0x3  }
0x33: {  	p0 =	seq.s32 s10, $0x1;
	s10 =	sld [smem:$0x3FB5];
	_ =	sdelay $0x3  }
0x34: {  	[smem:$0x3FB5] =	sst s10  }
0x35: {  	s10 =	sld [smem:$0x3FB4];
	_ =	sdelay $0x3  }
0x36: {  	p1 =	seq.s32 s10, $0x1;
	s10 =	sld [smem:$0x3FB5];
	_ =	sdelay $0x3  }
0x37: {  	[smem:$0x3FB5] =	sst s10  }
0x38: {  	s10 =	sld [smem:$0x3FB6]  }
0x39: {  	_ = 	snop;
	(pc) =	sbr.ind lr, $3  }
0x3a: {  	_ = 	snop  }
0x3b: {  	_ = 	snop  }
0x3c: {  	p2 =	seq.s32 s10, $0x1;
	s10 =	sld [smem:$0x3FB5]  }
0x3d: {  	_ =	shalt  }
0x3e: {  	_ =	shalt  }
0x3f: {  	_ =	shalt  }
0x40: {  	_ =	shalt  }
0x41: {  	_ =	shalt  }
0x42: {  	_ =	shalt  }
0x43: {  	_ =	shalt  }
0x44: {  	_ =	shalt  }
0x45: {  	_ =	shalt  }
0x46: {  	_ =	shalt  }
0x47: {  	_ =	shalt  }
0x48: {  	_ =	shalt  }
0x49: {  	_ =	shalt  }
0x4a: {  	_ =	shalt  }
0x4b: {  	_ =	shalt  }
0x4c: {  	_ =	shalt  }
0x4d: {  	_ =	shalt  }
0x4e: {  	_ =	shalt  }
0x4f: {  	_ =	shalt  }
0x50: {  	_ =	shalt  }
0x51: {  	_ =	shalt  }
0x52: {  	_ =	shalt  }
0x53: {  	_ =	shalt  }
0x54: {  	_ =	shalt  }
0x55: {  	_ =	shalt  }
0x56: {  	_ =	shalt  }
0x57: {  	_ =	shalt  }
0x58: {  	_ =	shalt  }
0x59: {  	_ =	shalt  }
0x5a: {  	_ =	shalt  }
0x5b: {  	_ =	shalt  }
0x5c: {  	_ =	shalt  }
0x5d: {  	_ =	shalt  }
0x5e: {  	_ =	shalt  }
0x5f: {  	_ =	shalt  }
0x60: {  	_ =	shalt  }
0x61: {  	_ =	shalt  }
0x62: {  	_ =	shalt  }
0x63: {  	_ =	shalt  }
0x64: {  	_ =	shalt  }
0x65: {  	_ =	shalt  }
0x66: {  	_ =	shalt  }
0x67: {  	_ =	shalt  }
0x68: {  	_ =	shalt  }
0x69: {  	_ =	shalt  }
0x6a: {  	_ =	shalt  }
0x6b: {  	_ =	shalt  }
0x6c: {  	_ =	shalt  }
0x6d: {  	_ =	shalt  }
0x6e: {  	_ =	shalt  }
0x6f: {  	_ =	shalt  }
0x70: {  	_ =	shalt  }
0x71: {  	_ =	shalt  }
0x72: {  	_ =	shalt  }
0x73: {  	_ =	shalt  }
0x74: {  	_ =	shalt  }
0x75: {  	_ =	shalt  }
0x76: {  	_ =	shalt  }
0x77: {  	_ =	shalt  }
0x78: {  	_ =	shalt  }
0x79: {  	_ =	shalt  }
0x7a: {  	_ =	shalt  }
0x7b: {  	_ =	shalt  }
0x7c: {  	_ =	shalt  }
0x7d: {  	_ =	shalt  }
0x7e: {  	_ =	shalt  }
0x7f: {  	_ =	shalt  }
0x80: {  	_ =	shalt  }
0x81: {  	_ =	shalt  }
0x82: {  	_ =	shalt  }
0x83: {  	_ =	shalt  }
0x84: {  	_ =	shalt  }
0x85: {  	_ =	shalt  }
0x86: {  	_ =	shalt  }
0x87: {  	_ =	shalt  }
.Lfunc_end0:
.L_simem_size_0:
called_computation.1_lowered:
.L_overlay_start_0:
0x88: {  	s2 =	sld [smem:$0x3FD9]  }
0x89: {  	s3 =	sld [smem:$0x3FFE];
	_ =	sdelay $0x1  }
0x8a: {  	s1 =	srdreg.scid  }
0x8b: {  	s0 =	sand.u32 $0x1, s1  }
0x8c: {  	s17 =	sshll.u32 s0, $0xA;
	s2 =	sadd.s32 s3, s2  }
0x8d: {  	s2 =	sadd.s32 s2, s17  }
0x8e: {  	[smem:$0x3FC1] =	sst s2  }
0x8f: {  	_ = 	snop  }
0x90: {  	s2 =	sld [smem:$0x3FD0];
	(tm) =	ssettm $0x1  }
0x91: {  	s18 =	sld [smem:$0x3FFB];
	_ =	sdelay $0x3  }
0x92: {  	_ =	strace s18  }
0x93: {  	s3 =	sld [smem:$0x3FFC];
	_ =	sdelay $0x3  }
0x94: {  	_ =	strace s3  }
0x95: {  	s3 =	sld [smem:$0x3FFD];
	_ =	sdelay $0x3  }
0x96: {  	_ =	strace s3  }
0x97: {  	_ =	strace $0x8FFFFFFF  }
0x98: {  	s19 =	sld [smem:$0x3FDB];
	_ =	sdelay $0x1  }
0x99: {  	s4 =	simm.s32 $_scs_section_size  }
0x9a: {  	s5 =	simm.s32 $_size__tile_overlayer_lowered;
	s6 =	simm.s32 $_tile_overlayer_lowered  }
0x9b: {  	s22 =	simm.s32 $0x1BFF;
	s21 =	sshll.u32 s6, $0x1;
	s3 =	sadd.s32 s4, s19  }
0x9c: {  	s7 =	simm.s32 $0x0;
	s20 =	sshll.u32 s5, $0x1;
	s5 =	sadd.s32 s21, s3  }
0x9d: {  	[timem:s7], [sflag:s22] =	dma.local [hbm:s5], s20  }
0x9e: {  	_ =	swait.ge [sflag:s22], s20  }
0x9f: {  	s4 =	ssub.s32 $0x0, s20;
	[sflag:s22] =	ssyncset.done $0x0  }
0xa0: {  	[sflag:s22] =	ssyncadd.s32 s4;
	_ =	sdelay $0x1  }
0xa1: {  	s23 =	simm.s32 $0x1B8B  }
0xa2: {  	_ =	swait.ge [sflag:s23], $0x1  }
0xa3: {  	[sflag:s23] =	ssyncset.done $0x0  }
0xa4: {  	s25 =	simm.s32 $0x1B8E;
	s24 =	sld [smem:$0x3FFE];
	[sflag:s23] =	ssyncadd.s32 $0xFFFFFFFF  }
0xa5: {  	s26 =	simm.s32 $execute0_lowered;
	[smem:$0x3FD2] =	sst s25  }
0xa6: {  	s5 =	sshll.u32 s26, $0x1;
	_ =	strace $0x80000049;
	[dreg:$0x1] =	wrdreg $0xFFFFFFFF  }
0xa7: {  	s28 =	simm.s32 $_size_execute0_lowered;
	s3 =	sadd.s32 s3, s5;
	[dreg:$0x0] =	wrdreg $0x0  }
0xa8: {  	s5 =	sshll.u32 s28, $0x1;
	[dreg:$0x2] =	wrdreg s3  }
0xa9: {  	[dreg:$0x3] =	wrdreg s5  }
0xaa: {  	[dreg:$0x4] =	wrdreg $0xC0  }
0xab: {  	_ =	task [dreg:s7], $0x5FFFF  }
0xac: {  	[dreg:$0x1] =	wrdreg $0xFFFFFFFF  }
0xad: {  	[dreg:$0x0] =	wrdreg $0x60  }
0xae: {  	[dreg:$0x2] =	wrdreg s24  }
0xaf: {  	[dreg:$0x3] =	wrdreg s2  }
0xb0: {  	[dreg:$0x4] =	wrdreg $0x9  }
0xb1: {  	_ =	task.clear_ibuf [dreg:s7], $0x5FFFF;
	_ =	strace $0x90000049  }
0xb2: {  	s29 =	simm.s32 $0x9;
	_ =	strace $0x8000004B  }
0xb3: {  	_ =	swait.ge [sflag:s29], $0x1  }
0xb4: {  	[sflag:s29] =	ssyncadd.s32 $0xFFFFFFFF  }
0xb5: {  	_ =	strace $0x9000004B  }
0xb6: {  	_ =	sfence  }
0xb7: {  	s30 =	sld [smem:$0x0];
	_ =	sdelay $0x2  }
0xb8: {  	s31 =	sshll.u32 s1, $0xD;
	s1 =	sshrl.u32 s1, $0x2  }
0xb9: {  	s3 =	sand.u32 $0x4000, s31;
	s1 =	sadd.s32 s1, s30  }
0xba: {  	s0 =	sor.u32 s3, s0;
	s1 =	sshll.u32 s1, $0x11  }
0xbb: {  	s0 =	sor.u32 s1, s0  }
0xbc: {  	s0 =	sadd.s32 $0x8F2B, s0  }
0xbd: {  	[sflag:s0] =	ssyncadd.remote.s32 $0x1  }
0xbe: {  	_ =	sfence.sel $0xFFFF  }
0xbf: {  	[dreg:$0x0] =	wrdreg $0xFFFFFFFF;
	(pc) =	sbr.abs _section_cstart, $3  }
0xc0: {  	[dreg:$0x1] =	wrdreg $0xFFFFFFFF  }
0xc1: {  	_ =	task.clear_ibuf [dreg:s7], $0x2FFFF;
	_ =	strace $0x9FFFFFFF  }
0xc2: {  	(tm) =	ssettm $0x7FFFFFFF  }
0xc3: {  	_ =	shalt  }
tec
execute0_lowered:
.L_overlay_start_1:
0x0: {  	(tag) =	ssettag $0x1  }
0x1: {  	s0 =	rddreg [dreg:$0x0]  }
0x2: {  	s1 =	rddreg [dreg:$0x1]  }
0x3: {  	s2 =	simm.s32 $0x0;
	s3 =	srdreg.scid;
	s4 =	stileid.u32  }
0x4: {  	s11 =	simm.s32 $0x3;
	s12 =	simm.s32 $0x14900;
	s13 =	simm.s32 $0x15100  }
0x5: {  	s14 =	simm.s32 $0x15900;
	s15 =	simm.s32 $0x16100;
	s16 =	simm.s32 $0x16900  }
0x6: {  	s17 =	simm.s32 $0x17100;
	s18 =	simm.s32 $0x17900;
	s19 =	simm.s32 $0x1  }
0x7: {  	s20 =	simm.s32 $0x18100;
	s21 =	simm.s32 $0x2;
	s22 =	simm.s32 $0x0  }
0x8: {  	[smem:$0x7FF] =	sst s2;
	s3 =	sand.u32 $0x1, s3;
	s4 =	sshll.u32 s4, $0x1  }
0x9: {  	s6 =	sadd.s32 $0xC00, s0;
	_ =	strace $0x8000004A;
	s4 =	sor.u32 s3, s4  }
0xa: {  	s5 =	ssub.s32 $0x2, s3;
	s3 =	sadd.s32 $0xE00, s0;
	s8 =	sshll.u32 s4, $0x6  }
0xb: {  	s7 =	sshrl.u32 s5, $0x1;
	s30 =	sshll.u32 s4, $0x4;
	s29 =	sor.u32 $0x20, s8  }
0xc: {  	s31 =	smul.u32 $0x1800, s4;
	s10 =	ssub.s32 s5, s7;
	s9 =	sshrl.u32 s29, $0x3  }
0xd: {  	v2 =	vlaneseq.u32;
	s4 =	sadd.s32 s6, s30;
	s7 =	sadd.s32 $0x1000, s0;
	s9 =	smul.u32 $0x300, s9  }
0xe: {  	vm0 =	vmmov $0xffff;
	v1 =	vshrl.u32 v2, $0x3;
	s5 =	sshrl.u32 s29, $0x2;
	s8 =	sadd.s32 s1, s31;
	s10 =	smax.u32 s10, $0x1  }
0xf: {  	v0 =	vand.u32 $0x7, v2;
	v2 =	vor.u32 $0x8, v2;
	v1 =	vmul.u32 $0x8, v1;
	s5 =	sadd.s32 s6, s5;
	s6 =	sadd.s32 $0xF00, s0;
	s9 =	sadd.s32 s1, s9  }
.LBB2_1:
0x10: {  	[tilespmem:s2], [sflag:$0x3] =	stream.linear.gather [hbm4b:s4+s2], $0x40, $0x38;
	[tilespmem:$0x1E100] =	vst v63  }
0x11: {  	_ =	swait.ge [sflag:s11], $0x40  }
0x12: {  	[sflag:s11] =	ssyncset.done $0x0  }
0x13: {  	s0 =	simm.s32 $0x80;
	[sflag:s11] =	ssyncadd.s32 $0xFFFFFFC0  }
0x14: {  	[tilespmem:s0], [sflag:$0x3] =	stream.linear.gather [hbm4b:s5+s2], $0x40, $0x38;
	[tilespmem:$0x1E100] =	vst v63  }
0x15: {  	_ =	swait.ge [sflag:s11], $0x40  }
0x16: {  	[sflag:s11] =	ssyncset.done $0x0  }
0x17: {  	[sflag:s11] =	ssyncadd.s32 $0xFFFFFFC0  }
0x18: {  	v3 =	vld [tilespmem:$0x0];
	_ =	sdelay $0x4  }
0x19: {  	v4 =	vshrl.u32 v3, $0x3  }
0x1a: {  	v4 =	vmul.u32 $0x30, v4  }
0x1b: {  	v3 =	vand.u32 $0x7, v3  }
0x1c: {  	v3 =	vor.u32 v3, v4  }
0x1d: {  	v4 =	vperm.xlane v3, v0;
	_ =	sdelay $0x1  }
0x1e: {  	v4 =	vadd.s32 v1, v4;
	_ =	sdelay $0x3  }
0x1f: {  	s26 =	simm.s32 $0x100;
	v3 =	vperm.xlane v3, v2  }
0x20: {  	[tilespmem:s26], [sflag:$0x1] =	stream.indirect_vreg.gather [hbm4b:s3+s2], $0x80, v4, vm0, $0xb8;
	[tilespmem:$0x1E100] =	vst v63  }
0x21: {  	s28 =	simm.s32 $0x900;
	v3 =	vadd.s32 v1, v3  }
0x22: {  	[tilespmem:s28], [sflag:$0x1] =	stream.indirect_vreg.gather [hbm4b:s6+s2], $0x80, v4, vm0, $0xb8;
	[tilespmem:$0x1E100] =	vst v63  }
0x23: {  	s29 =	simm.s32 $0x1100  }
0x24: {  	[tilespmem:s29], [sflag:$0x1] =	stream.indirect_vreg.gather [hbm4b:s7+s2], $0x80, v4, vm0, $0xb8;
	[tilespmem:$0x1E100] =	vst v63  }
0x25: {  	s30 =	simm.s32 $0x1900  }
0x26: {  	[tilespmem:s30], [sflag:$0x1] =	stream.indirect_vreg.gather [hbm4b:s3+s2], $0x80, v3, vm0, $0xb8;
	[tilespmem:$0x1E100] =	vst v63  }
0x27: {  	s31 =	simm.s32 $0x2100  }
0x28: {  	[tilespmem:s31], [sflag:$0x1] =	stream.indirect_vreg.gather [hbm4b:s6+s2], $0x80, v3, vm0, $0xb8;
	[tilespmem:$0x1E100] =	vst v63  }
0x29: {  	s1 =	simm.s32 $0x2900  }
0x2a: {  	[tilespmem:s1], [sflag:$0x1] =	stream.indirect_vreg.gather [hbm4b:s7+s2], $0x80, v3, vm0, $0xb8;
	[tilespmem:$0x1E100] =	vst v63  }
0x2b: {  	v3 =	vld [tilespmem:$0x10];
	_ =	sdelay $0x4  }
0x2c: {  	v57 =	vshrl.u32 v3, $0x3  }
0x2d: {  	v4 =	vmul.u32 $0x30, v57  }
0x2e: {  	v3 =	vand.u32 $0x7, v3  }
0x2f: {  	v3 =	vor.u32 v3, v4  }
0x30: {  	v4 =	vperm.xlane v3, v0;
	_ =	sdelay $0x1  }
0x31: {  	v4 =	vadd.s32 v1, v4;
	_ =	sdelay $0x3  }
0x32: {  	s23 =	simm.s32 $0x3100;
	v3 =	vperm.xlane v3, v2  }
0x33: {  	[tilespmem:s23], [sflag:$0x1] =	stream.indirect_vreg.gather [hbm4b:s3+s2], $0x80, v4, vm0, $0xb8;
	[tilespmem:$0x1E100] =	vst v63  }
0x34: {  	s24 =	simm.s32 $0x3900;
	v3 =	vadd.s32 v1, v3  }
0x35: {  	[tilespmem:s24], [sflag:$0x1] =	stream.indirect_vreg.gather [hbm4b:s6+s2], $0x80, v4, vm0, $0xb8;
	[tilespmem:$0x1E100] =	vst v63  }
0x36: {  	s25 =	simm.s32 $0x4100  }
0x37: {  	[tilespmem:s25], [sflag:$0x1] =	stream.indirect_vreg.gather [hbm4b:s7+s2], $0x80, v4, vm0, $0xb8;
	[tilespmem:$0x1E100] =	vst v63  }
0x38: {  	s26 =	simm.s32 $0x4900  }
0x39: {  	[tilespmem:s26], [sflag:$0x1] =	stream.indirect_vreg.gather [hbm4b:s3+s2], $0x80, v3, vm0, $0xb8;
	[tilespmem:$0x1E100] =	vst v63  }
0x3a: {  	s28 =	simm.s32 $0x5100  }
0x3b: {  	[tilespmem:s28], [sflag:$0x1] =	stream.indirect_vreg.gather [hbm4b:s6+s2], $0x80, v3, vm0, $0xb8;
	[tilespmem:$0x1E100] =	vst v63  }
0x3c: {  	s29 =	simm.s32 $0x5900  }
0x3d: {  	[tilespmem:s29], [sflag:$0x1] =	stream.indirect_vreg.gather [hbm4b:s7+s2], $0x80, v3, vm0, $0xb8;
	[tilespmem:$0x1E100] =	vst v63  }
0x3e: {  	v3 =	vld [tilespmem:$0x20];
	_ =	sdelay $0x4  }
0x3f: {  	v58 =	vshrl.u32 v3, $0x3  }
0x40: {  	v4 =	vmul.u32 $0x30, v58  }
0x41: {  	v3 =	vand.u32 $0x7, v3  }
0x42: {  	v3 =	vor.u32 v3, v4  }
0x43: {  	v4 =	vperm.xlane v3, v0;
	_ =	sdelay $0x1  }
0x44: {  	v4 =	vadd.s32 v1, v4;
	_ =	sdelay $0x3  }
0x45: {  	s30 =	simm.s32 $0x6100;
	v3 =	vperm.xlane v3, v2  }
0x46: {  	[tilespmem:s30], [sflag:$0x1] =	stream.indirect_vreg.gather [hbm4b:s3+s2], $0x80, v4, vm0, $0xb8;
	[tilespmem:$0x1E100] =	vst v63  }
0x47: {  	s31 =	simm.s32 $0x6900;
	v3 =	vadd.s32 v1, v3  }
0x48: {  	[tilespmem:s31], [sflag:$0x1] =	stream.indirect_vreg.gather [hbm4b:s6+s2], $0x80, v4, vm0, $0xb8;
	[tilespmem:$0x1E100] =	vst v63  }
0x49: {  	s1 =	simm.s32 $0x7100  }
0x4a: {  	[tilespmem:s1], [sflag:$0x1] =	stream.indirect_vreg.gather [hbm4b:s7+s2], $0x80, v4, vm0, $0xb8;
	[tilespmem:$0x1E100] =	vst v63  }
0x4b: {  	s23 =	simm.s32 $0x7900  }
0x4c: {  	[tilespmem:s23], [sflag:$0x1] =	stream.indirect_vreg.gather [hbm4b:s3+s2], $0x80, v3, vm0, $0xb8;
	[tilespmem:$0x1E100] =	vst v63  }
0x4d: {  	s24 =	simm.s32 $0x8100  }
0x4e: {  	[tilespmem:s24], [sflag:$0x1] =	stream.indirect_vreg.gather [hbm4b:s6+s2], $0x80, v3, vm0, $0xb8;
	[tilespmem:$0x1E100] =	vst v63  }
0x4f: {  	s25 =	simm.s32 $0x8900  }
0x50: {  	[tilespmem:s25], [sflag:$0x1] =	stream.indirect_vreg.gather [hbm4b:s7+s2], $0x80, v3, vm0, $0xb8;
	[tilespmem:$0x1E100] =	vst v63  }
0x51: {  	v3 =	vld [tilespmem:$0x30];
	_ =	sdelay $0x4  }
0x52: {  	v59 =	vshrl.u32 v3, $0x3  }
0x53: {  	v4 =	vmul.u32 $0x30, v59  }
0x54: {  	v3 =	vand.u32 $0x7, v3  }
0x55: {  	v3 =	vor.u32 v3, v4  }
0x56: {  	v4 =	vperm.xlane v3, v0;
	_ =	sdelay $0x1  }
0x57: {  	v4 =	vadd.s32 v1, v4;
	_ =	sdelay $0x3  }
0x58: {  	s26 =	simm.s32 $0x9100;
	v3 =	vperm.xlane v3, v2  }
0x59: {  	[tilespmem:s26], [sflag:$0x1] =	stream.indirect_vreg.gather [hbm4b:s3+s2], $0x80, v4, vm0, $0xb8;
	[tilespmem:$0x1E100] =	vst v63  }
0x5a: {  	s28 =	simm.s32 $0x9900;
	v3 =	vadd.s32 v1, v3  }
0x5b: {  	[tilespmem:s28], [sflag:$0x1] =	stream.indirect_vreg.gather [hbm4b:s6+s2], $0x80, v4, vm0, $0xb8;
	[tilespmem:$0x1E100] =	vst v63  }
0x5c: {  	s29 =	simm.s32 $0xA100  }
0x5d: {  	[tilespmem:s29], [sflag:$0x1] =	stream.indirect_vreg.gather [hbm4b:s7+s2], $0x80, v4, vm0, $0xb8;
	[tilespmem:$0x1E100] =	vst v63  }
0x5e: {  	s30 =	simm.s32 $0xA900  }
0x5f: {  	[tilespmem:s30], [sflag:$0x1] =	stream.indirect_vreg.gather [hbm4b:s3+s2], $0x80, v3, vm0, $0xb8;
	[tilespmem:$0x1E100] =	vst v63  }
0x60: {  	s31 =	simm.s32 $0xB100  }
0x61: {  	[tilespmem:s31], [sflag:$0x1] =	stream.indirect_vreg.gather [hbm4b:s6+s2], $0x80, v3, vm0, $0xb8;
	[tilespmem:$0x1E100] =	vst v63  }
0x62: {  	s1 =	simm.s32 $0xB900  }
0x63: {  	[tilespmem:s1], [sflag:$0x1] =	stream.indirect_vreg.gather [hbm4b:s7+s2], $0x80, v3, vm0, $0xb8;
	[tilespmem:$0x1E100] =	vst v63  }
0x64: {  	v3 =	vld [tilespmem:$0x80];
	_ =	sdelay $0x4  }
0x65: {  	v60 =	vshrl.u32 v3, $0x3  }
0x66: {  	v4 =	vmul.u32 $0x30, v60  }
0x67: {  	v3 =	vand.u32 $0x7, v3  }
0x68: {  	v3 =	vor.u32 v3, v4  }
0x69: {  	v4 =	vperm.xlane v3, v0;
	_ =	sdelay $0x1  }
0x6a: {  	v4 =	vadd.s32 v1, v4;
	_ =	sdelay $0x3  }
0x6b: {  	s23 =	simm.s32 $0xC100;
	v3 =	vperm.xlane v3, v2  }
0x6c: {  	[tilespmem:s23], [sflag:$0x2] =	stream.indirect_vreg.gather [hbm4b:s3+s2], $0x80, v4, vm0, $0xb8;
	[tilespmem:$0x1E100] =	vst v63  }
0x6d: {  	s24 =	simm.s32 $0xC900;
	v3 =	vadd.s32 v1, v3  }
0x6e: {  	[tilespmem:s24], [sflag:$0x2] =	stream.indirect_vreg.gather [hbm4b:s6+s2], $0x80, v4, vm0, $0xb8;
	[tilespmem:$0x1E100] =	vst v63  }
0x6f: {  	s25 =	simm.s32 $0xD100  }
0x70: {  	[tilespmem:s25], [sflag:$0x2] =	stream.indirect_vreg.gather [hbm4b:s7+s2], $0x80, v4, vm0, $0xb8;
	[tilespmem:$0x1E100] =	vst v63  }
0x71: {  	s26 =	simm.s32 $0xD900  }
0x72: {  	[tilespmem:s26], [sflag:$0x2] =	stream.indirect_vreg.gather [hbm4b:s3+s2], $0x80, v3, vm0, $0xb8;
	[tilespmem:$0x1E100] =	vst v63  }
0x73: {  	s28 =	simm.s32 $0xE100  }
0x74: {  	[tilespmem:s28], [sflag:$0x2] =	stream.indirect_vreg.gather [hbm4b:s6+s2], $0x80, v3, vm0, $0xb8;
	[tilespmem:$0x1E100] =	vst v63  }
0x75: {  	s29 =	simm.s32 $0xE900  }
0x76: {  	[tilespmem:s29], [sflag:$0x2] =	stream.indirect_vreg.gather [hbm4b:s7+s2], $0x80, v3, vm0, $0xb8;
	[tilespmem:$0x1E100] =	vst v63  }
0x77: {  	v3 =	vld [tilespmem:$0x90];
	_ =	sdelay $0x4  }
0x78: {  	v61 =	vshrl.u32 v3, $0x3  }
0x79: {  	v4 =	vmul.u32 $0x30, v61  }
0x7a: {  	v3 =	vand.u32 $0x7, v3  }
0x7b: {  	v3 =	vor.u32 v3, v4  }
0x7c: {  	v4 =	vperm.xlane v3, v0;
	_ =	sdelay $0x1  }
0x7d: {  	v4 =	vadd.s32 v1, v4;
	_ =	sdelay $0x3  }
0x7e: {  	s30 =	simm.s32 $0xF100;
	v3 =	vperm.xlane v3, v2  }
0x7f: {  	[tilespmem:s30], [sflag:$0x2] =	stream.indirect_vreg.gather [hbm4b:s3+s2], $0x80, v4, vm0, $0xb8;
	[tilespmem:$0x1E100] =	vst v63  }
0x80: {  	s31 =	simm.s32 $0xF900;
	v3 =	vadd.s32 v1, v3  }
0x81: {  	[tilespmem:s31], [sflag:$0x2] =	stream.indirect_vreg.gather [hbm4b:s6+s2], $0x80, v4, vm0, $0xb8;
	[tilespmem:$0x1E100] =	vst v63  }
0x82: {  	s1 =	simm.s32 $0x10100  }
0x83: {  	[tilespmem:s1], [sflag:$0x2] =	stream.indirect_vreg.gather [hbm4b:s7+s2], $0x80, v4, vm0, $0xb8;
	[tilespmem:$0x1E100] =	vst v63  }
0x84: {  	s23 =	simm.s32 $0x10900  }
0x85: {  	[tilespmem:s23], [sflag:$0x2] =	stream.indirect_vreg.gather [hbm4b:s3+s2], $0x80, v3, vm0, $0xb8;
	[tilespmem:$0x1E100] =	vst v63  }
0x86: {  	s24 =	simm.s32 $0x11100  }
0x87: {  	[tilespmem:s24], [sflag:$0x2] =	stream.indirect_vreg.gather [hbm4b:s6+s2], $0x80, v3, vm0, $0xb8;
	[tilespmem:$0x1E100] =	vst v63  }
0x88: {  	s25 =	simm.s32 $0x11900  }
0x89: {  	[tilespmem:s25], [sflag:$0x2] =	stream.indirect_vreg.gather [hbm4b:s7+s2], $0x80, v3, vm0, $0xb8;
	[tilespmem:$0x1E100] =	vst v63  }
0x8a: {  	v3 =	vld [tilespmem:$0xA0];
	_ =	sdelay $0x4  }
0x8b: {  	v62 =	vshrl.u32 v3, $0x3  }
0x8c: {  	v4 =	vmul.u32 $0x30, v62  }
0x8d: {  	v3 =	vand.u32 $0x7, v3  }
0x8e: {  	v3 =	vor.u32 v3, v4  }
0x8f: {  	v4 =	vperm.xlane v3, v0;
	_ =	sdelay $0x1  }
0x90: {  	v4 =	vadd.s32 v1, v4;
	_ =	sdelay $0x3  }
0x91: {  	s26 =	simm.s32 $0x12100;
	v3 =	vperm.xlane v3, v2  }
0x92: {  	[tilespmem:s26], [sflag:$0x2] =	stream.indirect_vreg.gather [hbm4b:s3+s2], $0x80, v4, vm0, $0xb8;
	[tilespmem:$0x1E100] =	vst v63  }
0x93: {  	s28 =	simm.s32 $0x12900;
	v3 =	vadd.s32 v1, v3  }
0x94: {  	[tilespmem:s28], [sflag:$0x2] =	stream.indirect_vreg.gather [hbm4b:s6+s2], $0x80, v4, vm0, $0xb8;
	[tilespmem:$0x1E100] =	vst v63  }
0x95: {  	s29 =	simm.s32 $0x13100  }
0x96: {  	[tilespmem:s29], [sflag:$0x2] =	stream.indirect_vreg.gather [hbm4b:s7+s2], $0x80, v4, vm0, $0xb8;
	[tilespmem:$0x1E100] =	vst v63  }
0x97: {  	s30 =	simm.s32 $0x13900  }
0x98: {  	[tilespmem:s30], [sflag:$0x2] =	stream.indirect_vreg.gather [hbm4b:s3+s2], $0x80, v3, vm0, $0xb8;
	[tilespmem:$0x1E100] =	vst v63  }
0x99: {  	s31 =	simm.s32 $0x14100  }
0x9a: {  	[tilespmem:s31], [sflag:$0x2] =	stream.indirect_vreg.gather [hbm4b:s6+s2], $0x80, v3, vm0, $0xb8;
	[tilespmem:$0x1E100] =	vst v63  }
0x9b: {  	_ = 	snop  }
0x9c: {  	[tilespmem:s12], [sflag:$0x2] =	stream.indirect_vreg.gather [hbm4b:s7+s2], $0x80, v3, vm0, $0xb8;
	[tilespmem:$0x1E100] =	vst v63  }
0x9d: {  	v3 =	vld [tilespmem:$0xB0];
	_ =	sdelay $0x4  }
0x9e: {  	v63 =	vshrl.u32 v3, $0x3  }
0x9f: {  	v4 =	vmul.u32 $0x30, v63  }
0xa0: {  	v3 =	vand.u32 $0x7, v3  }
0xa1: {  	v3 =	vor.u32 v3, v4  }
0xa2: {  	v4 =	vperm.xlane v3, v0;
	_ =	sdelay $0x1  }
0xa3: {  	v4 =	vadd.s32 v1, v4;
	_ =	sdelay $0x3  }
0xa4: {  	v3 =	vperm.xlane v3, v2  }
0xa5: {  	[tilespmem:s13], [sflag:$0x2] =	stream.indirect_vreg.gather [hbm4b:s3+s2], $0x80, v4, vm0, $0xb8;
	[tilespmem:$0x1E100] =	vst v63  }
0xa6: {  	v3 =	vadd.s32 v1, v3  }
0xa7: {  	[tilespmem:s14], [sflag:$0x2] =	stream.indirect_vreg.gather [hbm4b:s6+s2], $0x80, v4, vm0, $0xb8;
	[tilespmem:$0x1E100] =	vst v63  }
0xa8: {  	_ = 	snop  }
0xa9: {  	[tilespmem:s15], [sflag:$0x2] =	stream.indirect_vreg.gather [hbm4b:s7+s2], $0x80, v4, vm0, $0xb8;
	[tilespmem:$0x1E100] =	vst v63  }
0xaa: {  	_ = 	snop  }
0xab: {  	[tilespmem:s16], [sflag:$0x2] =	stream.indirect_vreg.gather [hbm4b:s3+s2], $0x80, v3, vm0, $0xb8;
	[tilespmem:$0x1E100] =	vst v63  }
0xac: {  	_ = 	snop  }
0xad: {  	[tilespmem:s17], [sflag:$0x2] =	stream.indirect_vreg.gather [hbm4b:s6+s2], $0x80, v3, vm0, $0xb8;
	[tilespmem:$0x1E100] =	vst v63  }
0xae: {  	_ = 	snop  }
0xaf: {  	[tilespmem:s18], [sflag:$0x2] =	stream.indirect_vreg.gather [hbm4b:s7+s2], $0x80, v3, vm0, $0xb8;
	[tilespmem:$0x1E100] =	vst v63  }
0xb0: {  	_ =	swait.ge [sflag:s19], $0xC000  }
0xb1: {  	s23 =	simm.s32 $0x0;
	[sflag:s19] =	ssyncset.done $0x0  }
0xb2: {  	s24 =	simm.s32 $0x0;
	s25 =	simm.s32 $0x0;
	[sflag:s19] =	ssyncadd.s32 $0xFFFF4000  }
.LBB2_2:
0xb3: {  	s0 =	sshrl.u32 s25, $0x2  }
0xb4: {  	s0 =	smul.u32 $0x6000, s0;
	_ =	sdelay $0x1  }
0xb5: {  	s28 =	sshra.s32 s0, $0x2  }
0xb6: {  	s26 =	sand.u32 $0x300, s23;
	s0 =	sor.u32 $0x100, s28  }
0xb7: {  	s29 =	sor.u32 $0x80, s26;
	s31 =	sadd.s32 s26, s0  }
0xb8: {  	s0 =	sadd.s32 s29, s0;
	v3 =	vld [tilespmem:s31+$0x0]  }
0xb9: {  	v4 =	vld [tilespmem:s0+$0x0];
	_ =	sdelay $0x1  }
0xba: {  	s30 =	sshrl.u32 s25, $0x3  }
0xbb: {  	s30 =	smul.u32 $0x6000, s30;
	_ =	sdelay $0x1  }
0xbc: {  	s1 =	sand.u32 $0x380, s24;
	s30 =	sshra.s32 s30, $0x2;
	v3 =	vadd.f32 v4, v3  }
0xbd: {  	s30 =	sor.u32 s1, s30  }
0xbe: {  	[tilespmem:s30+$0x18100] =	vst v3  }
0xbf: {  	v3 =	vld [tilespmem:s31+$0x10]  }
0xc0: {  	v17 =	vld [tilespmem:s0+$0x10];
	_ =	sdelay $0x4  }
0xc1: {  	v3 =	vadd.f32 v17, v3  }
0xc2: {  	s1 =	sadd.s32 $0x18100, s30  }
0xc3: {  	[tilespmem:s1+$0x10] =	vst v3  }
0xc4: {  	v3 =	vld [tilespmem:s31+$0x20]  }
0xc5: {  	v18 =	vld [tilespmem:s0+$0x20];
	_ =	sdelay $0x4  }
0xc6: {  	v3 =	vadd.f32 v18, v3;
	_ =	sdelay $0x1  }
0xc7: {  	[tilespmem:s1+$0x20] =	vst v3  }
0xc8: {  	v3 =	vld [tilespmem:s31+$0x30]  }
0xc9: {  	v19 =	vld [tilespmem:s0+$0x30];
	_ =	sdelay $0x4  }
0xca: {  	v3 =	vadd.f32 v19, v3;
	_ =	sdelay $0x1  }
0xcb: {  	[tilespmem:s1+$0x30] =	vst v3  }
0xcc: {  	v3 =	vld [tilespmem:s31+$0x40]  }
0xcd: {  	v20 =	vld [tilespmem:s0+$0x40];
	_ =	sdelay $0x4  }
0xce: {  	v3 =	vadd.f32 v20, v3;
	_ =	sdelay $0x1  }
0xcf: {  	[tilespmem:s1+$0x40] =	vst v3  }
0xd0: {  	v3 =	vld [tilespmem:s31+$0x50]  }
0xd1: {  	v21 =	vld [tilespmem:s0+$0x50];
	_ =	sdelay $0x4  }
0xd2: {  	v3 =	vadd.f32 v21, v3;
	_ =	sdelay $0x1  }
0xd3: {  	[tilespmem:s1+$0x50] =	vst v3  }
0xd4: {  	v3 =	vld [tilespmem:s31+$0x60]  }
0xd5: {  	v22 =	vld [tilespmem:s0+$0x60];
	_ =	sdelay $0x4  }
0xd6: {  	v3 =	vadd.f32 v22, v3;
	_ =	sdelay $0x1  }
0xd7: {  	[tilespmem:s1+$0x60] =	vst v3  }
0xd8: {  	v3 =	vld [tilespmem:s31+$0x70]  }
0xd9: {  	v23 =	vld [tilespmem:s0+$0x70];
	_ =	sdelay $0x4  }
0xda: {  	v3 =	vadd.f32 v23, v3;
	_ =	sdelay $0x1  }
0xdb: {  	[tilespmem:s1+$0x70] =	vst v3  }
0xdc: {  	v3 =	vld [tilespmem:s31+$0x400]  }
0xdd: {  	v24 =	vld [tilespmem:s0+$0x400];
	_ =	sdelay $0x4  }
0xde: {  	v3 =	vadd.f32 v24, v3;
	_ =	sdelay $0x1  }
0xdf: {  	[tilespmem:s1+$0x400] =	vst v3  }
0xe0: {  	v3 =	vld [tilespmem:s31+$0x410]  }
0xe1: {  	v25 =	vld [tilespmem:s0+$0x410];
	_ =	sdelay $0x4  }
0xe2: {  	v3 =	vadd.f32 v25, v3;
	_ =	sdelay $0x1  }
0xe3: {  	[tilespmem:s1+$0x410] =	vst v3  }
0xe4: {  	v3 =	vld [tilespmem:s31+$0x420]  }
0xe5: {  	v26 =	vld [tilespmem:s0+$0x420];
	_ =	sdelay $0x4  }
0xe6: {  	v3 =	vadd.f32 v26, v3;
	_ =	sdelay $0x1  }
0xe7: {  	[tilespmem:s1+$0x420] =	vst v3  }
0xe8: {  	v3 =	vld [tilespmem:s31+$0x430]  }
0xe9: {  	v27 =	vld [tilespmem:s0+$0x430];
	_ =	sdelay $0x4  }
0xea: {  	v3 =	vadd.f32 v27, v3;
	_ =	sdelay $0x1  }
0xeb: {  	[tilespmem:s1+$0x430] =	vst v3  }
0xec: {  	v3 =	vld [tilespmem:s31+$0x440]  }
0xed: {  	v28 =	vld [tilespmem:s0+$0x440];
	_ =	sdelay $0x4  }
0xee: {  	v3 =	vadd.f32 v28, v3;
	_ =	sdelay $0x1  }
0xef: {  	[tilespmem:s1+$0x440] =	vst v3  }
0xf0: {  	v3 =	vld [tilespmem:s31+$0x450]  }
0xf1: {  	v29 =	vld [tilespmem:s0+$0x450];
	_ =	sdelay $0x4  }
0xf2: {  	v3 =	vadd.f32 v29, v3;
	_ =	sdelay $0x1  }
0xf3: {  	[tilespmem:s1+$0x450] =	vst v3  }
0xf4: {  	v3 =	vld [tilespmem:s31+$0x460]  }
0xf5: {  	v30 =	vld [tilespmem:s0+$0x460];
	_ =	sdelay $0x4  }
0xf6: {  	v3 =	vadd.f32 v30, v3;
	_ =	sdelay $0x1  }
0xf7: {  	[tilespmem:s1+$0x460] =	vst v3  }
0xf8: {  	v3 =	vld [tilespmem:s31+$0x470]  }
0xf9: {  	v31 =	vld [tilespmem:s0+$0x470];
	_ =	sdelay $0x4  }
0xfa: {  	v3 =	vadd.f32 v31, v3  }
0xfb: {  	s31 =	sadd.s32 $0x900, s28  }
0xfc: {  	[tilespmem:s1+$0x470] =	vst v3;
	s1 =	sadd.s32 s26, s31  }
0xfd: {  	s0 =	sadd.s32 s29, s31;
	v3 =	vld [tilespmem:s1+$0x0]  }
0xfe: {  	v32 =	vld [tilespmem:s0+$0x0];
	_ =	sdelay $0x4  }
0xff: {  	v3 =	vadd.f32 v32, v3;
	_ =	sdelay $0x1  }
0x100: {  	[tilespmem:s30+$0x18900] =	vst v3  }
0x101: {  	v3 =	vld [tilespmem:s1+$0x10]  }
0x102: {  	v33 =	vld [tilespmem:s0+$0x10];
	_ =	sdelay $0x4  }
0x103: {  	v3 =	vadd.f32 v33, v3  }
0x104: {  	s31 =	sadd.s32 $0x18900, s30  }
0x105: {  	[tilespmem:s31+$0x10] =	vst v3  }
0x106: {  	v3 =	vld [tilespmem:s1+$0x20]  }
0x107: {  	v34 =	vld [tilespmem:s0+$0x20];
	_ =	sdelay $0x4  }
0x108: {  	v3 =	vadd.f32 v34, v3;
	_ =	sdelay $0x1  }
0x109: {  	[tilespmem:s31+$0x20] =	vst v3  }
0x10a: {  	v3 =	vld [tilespmem:s1+$0x30]  }
0x10b: {  	v35 =	vld [tilespmem:s0+$0x30];
	_ =	sdelay $0x4  }
0x10c: {  	v3 =	vadd.f32 v35, v3;
	_ =	sdelay $0x1  }
0x10d: {  	[tilespmem:s31+$0x30] =	vst v3  }
0x10e: {  	v3 =	vld [tilespmem:s1+$0x40]  }
0x10f: {  	v36 =	vld [tilespmem:s0+$0x40];
	_ =	sdelay $0x4  }
0x110: {  	v3 =	vadd.f32 v36, v3;
	_ =	sdelay $0x1  }
0x111: {  	[tilespmem:s31+$0x40] =	vst v3  }
0x112: {  	v3 =	vld [tilespmem:s1+$0x50]  }
0x113: {  	v37 =	vld [tilespmem:s0+$0x50];
	_ =	sdelay $0x4  }
0x114: {  	v3 =	vadd.f32 v37, v3;
	_ =	sdelay $0x1  }
0x115: {  	[tilespmem:s31+$0x50] =	vst v3  }
0x116: {  	v3 =	vld [tilespmem:s1+$0x60]  }
0x117: {  	v38 =	vld [tilespmem:s0+$0x60];
	_ =	sdelay $0x4  }
0x118: {  	v3 =	vadd.f32 v38, v3;
	_ =	sdelay $0x1  }
0x119: {  	[tilespmem:s31+$0x60] =	vst v3  }
0x11a: {  	v3 =	vld [tilespmem:s1+$0x70]  }
0x11b: {  	v39 =	vld [tilespmem:s0+$0x70];
	_ =	sdelay $0x4  }
0x11c: {  	v3 =	vadd.f32 v39, v3  }
0x11d: {  	s0 =	sadd.s32 $0xD00, s28  }
0x11e: {  	s1 =	sadd.s32 s26, s0;
	[tilespmem:s31+$0x70] =	vst v3  }
0x11f: {  	s0 =	sadd.s32 s29, s0;
	v3 =	vld [tilespmem:s1+$0x0]  }
0x120: {  	v40 =	vld [tilespmem:s0+$0x0];
	_ =	sdelay $0x4  }
0x121: {  	v3 =	vadd.f32 v40, v3;
	_ =	sdelay $0x1  }
0x122: {  	[tilespmem:s30+$0x18D00] =	vst v3  }
0x123: {  	v3 =	vld [tilespmem:s1+$0x10]  }
0x124: {  	v41 =	vld [tilespmem:s0+$0x10];
	_ =	sdelay $0x4  }
0x125: {  	v3 =	vadd.f32 v41, v3  }
0x126: {  	s31 =	sadd.s32 $0x18D00, s30  }
0x127: {  	[tilespmem:s31+$0x10] =	vst v3  }
0x128: {  	v3 =	vld [tilespmem:s1+$0x20]  }
0x129: {  	v42 =	vld [tilespmem:s0+$0x20];
	_ =	sdelay $0x4  }
0x12a: {  	v3 =	vadd.f32 v42, v3;
	_ =	sdelay $0x1  }
0x12b: {  	[tilespmem:s31+$0x20] =	vst v3  }
0x12c: {  	v3 =	vld [tilespmem:s1+$0x30]  }
0x12d: {  	v43 =	vld [tilespmem:s0+$0x30];
	_ =	sdelay $0x4  }
0x12e: {  	v3 =	vadd.f32 v43, v3;
	_ =	sdelay $0x1  }
0x12f: {  	[tilespmem:s31+$0x30] =	vst v3  }
0x130: {  	v3 =	vld [tilespmem:s1+$0x40]  }
0x131: {  	v44 =	vld [tilespmem:s0+$0x40];
	_ =	sdelay $0x4  }
0x132: {  	v3 =	vadd.f32 v44, v3;
	_ =	sdelay $0x1  }
0x133: {  	[tilespmem:s31+$0x40] =	vst v3  }
0x134: {  	v3 =	vld [tilespmem:s1+$0x50]  }
0x135: {  	v45 =	vld [tilespmem:s0+$0x50];
	_ =	sdelay $0x4  }
0x136: {  	v3 =	vadd.f32 v45, v3;
	_ =	sdelay $0x1  }
0x137: {  	[tilespmem:s31+$0x50] =	vst v3  }
0x138: {  	v3 =	vld [tilespmem:s1+$0x60]  }
0x139: {  	v46 =	vld [tilespmem:s0+$0x60];
	_ =	sdelay $0x4  }
0x13a: {  	v3 =	vadd.f32 v46, v3;
	_ =	sdelay $0x1  }
0x13b: {  	[tilespmem:s31+$0x60] =	vst v3  }
0x13c: {  	v3 =	vld [tilespmem:s1+$0x70]  }
0x13d: {  	v47 =	vld [tilespmem:s0+$0x70];
	_ =	sdelay $0x4  }
0x13e: {  	v3 =	vadd.f32 v47, v3  }
0x13f: {  	s0 =	sadd.s32 $0x1100, s28  }
0x140: {  	s1 =	sadd.s32 s26, s0;
	[tilespmem:s31+$0x70] =	vst v3  }
0x141: {  	s0 =	sadd.s32 s29, s0;
	v3 =	vld [tilespmem:s1+$0x0]  }
0x142: {  	v48 =	vld [tilespmem:s0+$0x0];
	_ =	sdelay $0x4  }
0x143: {  	v3 =	vadd.f32 v48, v3;
	_ =	sdelay $0x1  }
0x144: {  	[tilespmem:s30+$0x19100] =	vst v3  }
0x145: {  	v3 =	vld [tilespmem:s1+$0x10]  }
0x146: {  	v49 =	vld [tilespmem:s0+$0x10];
	_ =	sdelay $0x4  }
0x147: {  	v3 =	vadd.f32 v49, v3  }
0x148: {  	s31 =	sadd.s32 $0x19100, s30  }
0x149: {  	[tilespmem:s31+$0x10] =	vst v3  }
0x14a: {  	v3 =	vld [tilespmem:s1+$0x20]  }
0x14b: {  	v50 =	vld [tilespmem:s0+$0x20];
	_ =	sdelay $0x4  }
0x14c: {  	v3 =	vadd.f32 v50, v3;
	_ =	sdelay $0x1  }
0x14d: {  	[tilespmem:s31+$0x20] =	vst v3  }
0x14e: {  	v3 =	vld [tilespmem:s1+$0x30]  }
0x14f: {  	v51 =	vld [tilespmem:s0+$0x30];
	_ =	sdelay $0x4  }
0x150: {  	v3 =	vadd.f32 v51, v3;
	_ =	sdelay $0x1  }
0x151: {  	[tilespmem:s31+$0x30] =	vst v3  }
0x152: {  	v3 =	vld [tilespmem:s1+$0x40]  }
0x153: {  	v52 =	vld [tilespmem:s0+$0x40];
	_ =	sdelay $0x4  }
0x154: {  	v3 =	vadd.f32 v52, v3;
	_ =	sdelay $0x1  }
0x155: {  	[tilespmem:s31+$0x40] =	vst v3  }
0x156: {  	v3 =	vld [tilespmem:s1+$0x50]  }
0x157: {  	v53 =	vld [tilespmem:s0+$0x50];
	_ =	sdelay $0x4  }
0x158: {  	v3 =	vadd.f32 v53, v3;
	_ =	sdelay $0x1  }
0x159: {  	[tilespmem:s31+$0x50] =	vst v3  }
0x15a: {  	v3 =	vld [tilespmem:s1+$0x60]  }
0x15b: {  	v54 =	vld [tilespmem:s0+$0x60];
	_ =	sdelay $0x4  }
0x15c: {  	v3 =	vadd.f32 v54, v3;
	_ =	sdelay $0x1  }
0x15d: {  	[tilespmem:s31+$0x60] =	vst v3  }
0x15e: {  	v3 =	vld [tilespmem:s1+$0x70]  }
0x15f: {  	v55 =	vld [tilespmem:s0+$0x70];
	_ =	sdelay $0x4  }
0x160: {  	v3 =	vadd.f32 v55, v3  }
0x161: {  	s1 =	sadd.s32 $0x1500, s28  }
0x162: {  	s28 =	sadd.s32 s26, s1;
	[tilespmem:s31+$0x70] =	vst v3  }
0x163: {  	s0 =	sadd.s32 s29, s1;
	v3 =	vld [tilespmem:s28+$0x0]  }
0x164: {  	v56 =	vld [tilespmem:s0+$0x0];
	_ =	sdelay $0x4  }
0x165: {  	v3 =	vadd.f32 v56, v3;
	_ =	sdelay $0x1  }
0x166: {  	[tilespmem:s30+$0x19500] =	vst v3  }
0x167: {  	v3 =	vld [tilespmem:s28+$0x10]  }
0x168: {  	v57 =	vld [tilespmem:s0+$0x10];
	_ =	sdelay $0x4  }
0x169: {  	v3 =	vadd.f32 v57, v3  }
0x16a: {  	s31 =	sadd.s32 $0x19500, s30  }
0x16b: {  	[tilespmem:s31+$0x10] =	vst v3  }
0x16c: {  	v3 =	vld [tilespmem:s28+$0x20]  }
0x16d: {  	v58 =	vld [tilespmem:s0+$0x20];
	_ =	sdelay $0x4  }
0x16e: {  	v3 =	vadd.f32 v58, v3;
	_ =	sdelay $0x1  }
0x16f: {  	[tilespmem:s31+$0x20] =	vst v3  }
0x170: {  	v3 =	vld [tilespmem:s28+$0x30]  }
0x171: {  	v59 =	vld [tilespmem:s0+$0x30];
	_ =	sdelay $0x4  }
0x172: {  	v3 =	vadd.f32 v59, v3;
	_ =	sdelay $0x1  }
0x173: {  	[tilespmem:s31+$0x30] =	vst v3  }
0x174: {  	v3 =	vld [tilespmem:s28+$0x40]  }
0x175: {  	v60 =	vld [tilespmem:s0+$0x40];
	_ =	sdelay $0x4  }
0x176: {  	v3 =	vadd.f32 v60, v3;
	_ =	sdelay $0x1  }
0x177: {  	[tilespmem:s31+$0x40] =	vst v3  }
0x178: {  	v3 =	vld [tilespmem:s28+$0x50]  }
0x179: {  	v61 =	vld [tilespmem:s0+$0x50];
	_ =	sdelay $0x4  }
0x17a: {  	v3 =	vadd.f32 v61, v3;
	_ =	sdelay $0x1  }
0x17b: {  	[tilespmem:s31+$0x50] =	vst v3  }
0x17c: {  	v3 =	vld [tilespmem:s28+$0x60]  }
0x17d: {  	v62 =	vld [tilespmem:s0+$0x60];
	_ =	sdelay $0x4  }
0x17e: {  	v3 =	vadd.f32 v62, v3;
	_ =	sdelay $0x1  }
0x17f: {  	[tilespmem:s31+$0x60] =	vst v3  }
0x180: {  	v3 =	vld [tilespmem:s28+$0x70]  }
0x181: {  	v63 =	vld [tilespmem:s0+$0x70];
	_ =	sdelay $0x1  }
0x182: {  	p0 =	sne.s32 s25, $0x1F  }
.Ltmp0:
0x183: {  	_ = 	snop;
	(pc) =	sbr.rel @p0 .LBB2_2-.Ltmp0, $3  }
0x184: {  	_ = 	snop  }
0x185: {  	v3 =	vadd.f32 v63, v3;
	_ =	sdelay $0x1  }
0x186: {  	s24 =	sadd.s32 $0x80, s24;
	s23 =	sadd.s32 $0x100, s23;
	s25 =	sadd.s32 $0x1, s25;
	[tilespmem:s31+$0x70] =	vst v3  }
0x187: {  	s23 =	simm.s32 $0x0  }
0x188: {  	[hbm4b:s8+s23] =	stream.linear.scatter [tilespmem:s20], [sflag:$0x3], $0x6000, $0x38;
	[tilespmem:$0x1E100] =	vst v63  }
0x189: {  	_ =	swait.ge [sflag:s11], $0x6000  }
0x18a: {  	[sflag:s11] =	ssyncset.done $0x0  }
0x18b: {  	[sflag:s11] =	ssyncadd.s32 $0xFFFFA000  }
0x18c: {  	_ =	swait.ge [sflag:s21], $0xC000  }
0x18d: {  	[sflag:s21] =	ssyncset.done $0x0  }
0x18e: {  	s24 =	simm.s32 $0x0;
	s25 =	simm.s32 $0x0;
	[sflag:s21] =	ssyncadd.s32 $0xFFFF4000  }
.LBB2_4:
0x18f: {  	s0 =	sshrl.u32 s25, $0x2  }
0x190: {  	s0 =	smul.u32 $0x6000, s0;
	_ =	sdelay $0x1  }
0x191: {  	s28 =	sshra.s32 s0, $0x2  }
0x192: {  	s26 =	sand.u32 $0x300, s23;
	s0 =	sadd.s32 $0xC100, s28  }
0x193: {  	s29 =	sor.u32 $0x80, s26;
	s31 =	sadd.s32 s26, s0  }
0x194: {  	s0 =	sadd.s32 s29, s0;
	v3 =	vld [tilespmem:s31+$0x0]  }
0x195: {  	v4 =	vld [tilespmem:s0+$0x0];
	_ =	sdelay $0x1  }
0x196: {  	s1 =	sshrl.u32 s25, $0x3  }
0x197: {  	s1 =	smul.u32 $0x6000, s1;
	_ =	sdelay $0x1  }
0x198: {  	s30 =	sand.u32 $0x380, s24;
	s1 =	sshra.s32 s1, $0x2;
	v3 =	vadd.f32 v4, v3  }
0x199: {  	s30 =	sor.u32 s30, s1  }
0x19a: {  	[tilespmem:s30+$0x18100] =	vst v3  }
0x19b: {  	v3 =	vld [tilespmem:s31+$0x10]  }
0x19c: {  	v17 =	vld [tilespmem:s0+$0x10];
	_ =	sdelay $0x4  }
0x19d: {  	v3 =	vadd.f32 v17, v3  }
0x19e: {  	s1 =	sadd.s32 $0x18100, s30  }
0x19f: {  	[tilespmem:s1+$0x10] =	vst v3  }
0x1a0: {  	v3 =	vld [tilespmem:s31+$0x20]  }
0x1a1: {  	v18 =	vld [tilespmem:s0+$0x20];
	_ =	sdelay $0x4  }
0x1a2: {  	v3 =	vadd.f32 v18, v3;
	_ =	sdelay $0x1  }
0x1a3: {  	[tilespmem:s1+$0x20] =	vst v3  }
0x1a4: {  	v3 =	vld [tilespmem:s31+$0x30]  }
0x1a5: {  	v19 =	vld [tilespmem:s0+$0x30];
	_ =	sdelay $0x4  }
0x1a6: {  	v3 =	vadd.f32 v19, v3;
	_ =	sdelay $0x1  }
0x1a7: {  	[tilespmem:s1+$0x30] =	vst v3  }
0x1a8: {  	v3 =	vld [tilespmem:s31+$0x40]  }
0x1a9: {  	v20 =	vld [tilespmem:s0+$0x40];
	_ =	sdelay $0x4  }
0x1aa: {  	v3 =	vadd.f32 v20, v3;
	_ =	sdelay $0x1  }
0x1ab: {  	[tilespmem:s1+$0x40] =	vst v3  }
0x1ac: {  	v3 =	vld [tilespmem:s31+$0x50]  }
0x1ad: {  	v21 =	vld [tilespmem:s0+$0x50];
	_ =	sdelay $0x4  }
0x1ae: {  	v3 =	vadd.f32 v21, v3;
	_ =	sdelay $0x1  }
0x1af: {  	[tilespmem:s1+$0x50] =	vst v3  }
0x1b0: {  	v3 =	vld [tilespmem:s31+$0x60]  }
0x1b1: {  	v22 =	vld [tilespmem:s0+$0x60];
	_ =	sdelay $0x4  }
0x1b2: {  	v3 =	vadd.f32 v22, v3;
	_ =	sdelay $0x1  }
0x1b3: {  	[tilespmem:s1+$0x60] =	vst v3  }
0x1b4: {  	v3 =	vld [tilespmem:s31+$0x70]  }
0x1b5: {  	v23 =	vld [tilespmem:s0+$0x70];
	_ =	sdelay $0x4  }
0x1b6: {  	v3 =	vadd.f32 v23, v3;
	_ =	sdelay $0x1  }
0x1b7: {  	[tilespmem:s1+$0x70] =	vst v3  }
0x1b8: {  	v3 =	vld [tilespmem:s31+$0x400]  }
0x1b9: {  	v24 =	vld [tilespmem:s0+$0x400];
	_ =	sdelay $0x4  }
0x1ba: {  	v3 =	vadd.f32 v24, v3;
	_ =	sdelay $0x1  }
0x1bb: {  	[tilespmem:s1+$0x400] =	vst v3  }
0x1bc: {  	v3 =	vld [tilespmem:s31+$0x410]  }
0x1bd: {  	v25 =	vld [tilespmem:s0+$0x410];
	_ =	sdelay $0x4  }
0x1be: {  	v3 =	vadd.f32 v25, v3;
	_ =	sdelay $0x1  }
0x1bf: {  	[tilespmem:s1+$0x410] =	vst v3  }
0x1c0: {  	v3 =	vld [tilespmem:s31+$0x420]  }
0x1c1: {  	v26 =	vld [tilespmem:s0+$0x420];
	_ =	sdelay $0x4  }
0x1c2: {  	v3 =	vadd.f32 v26, v3;
	_ =	sdelay $0x1  }
0x1c3: {  	[tilespmem:s1+$0x420] =	vst v3  }
0x1c4: {  	v3 =	vld [tilespmem:s31+$0x430]  }
0x1c5: {  	v27 =	vld [tilespmem:s0+$0x430];
	_ =	sdelay $0x4  }
0x1c6: {  	v3 =	vadd.f32 v27, v3;
	_ =	sdelay $0x1  }
0x1c7: {  	[tilespmem:s1+$0x430] =	vst v3  }
0x1c8: {  	v3 =	vld [tilespmem:s31+$0x440]  }
0x1c9: {  	v28 =	vld [tilespmem:s0+$0x440];
	_ =	sdelay $0x4  }
0x1ca: {  	v3 =	vadd.f32 v28, v3;
	_ =	sdelay $0x1  }
0x1cb: {  	[tilespmem:s1+$0x440] =	vst v3  }
0x1cc: {  	v3 =	vld [tilespmem:s31+$0x450]  }
0x1cd: {  	v29 =	vld [tilespmem:s0+$0x450];
	_ =	sdelay $0x4  }
0x1ce: {  	v3 =	vadd.f32 v29, v3;
	_ =	sdelay $0x1  }
0x1cf: {  	[tilespmem:s1+$0x450] =	vst v3  }
0x1d0: {  	v3 =	vld [tilespmem:s31+$0x460]  }
0x1d1: {  	v30 =	vld [tilespmem:s0+$0x460];
	_ =	sdelay $0x4  }
0x1d2: {  	v3 =	vadd.f32 v30, v3;
	_ =	sdelay $0x1  }
0x1d3: {  	[tilespmem:s1+$0x460] =	vst v3  }
0x1d4: {  	v3 =	vld [tilespmem:s31+$0x470]  }
0x1d5: {  	v31 =	vld [tilespmem:s0+$0x470];
	_ =	sdelay $0x4  }
0x1d6: {  	v3 =	vadd.f32 v31, v3  }
0x1d7: {  	s31 =	sadd.s32 $0xC900, s28  }
0x1d8: {  	[tilespmem:s1+$0x470] =	vst v3;
	s1 =	sadd.s32 s26, s31  }
0x1d9: {  	s0 =	sadd.s32 s29, s31;
	v3 =	vld [tilespmem:s1+$0x0]  }
0x1da: {  	v32 =	vld [tilespmem:s0+$0x0];
	_ =	sdelay $0x4  }
0x1db: {  	v3 =	vadd.f32 v32, v3;
	_ =	sdelay $0x1  }
0x1dc: {  	[tilespmem:s30+$0x18900] =	vst v3  }
0x1dd: {  	v3 =	vld [tilespmem:s1+$0x10]  }
0x1de: {  	v33 =	vld [tilespmem:s0+$0x10];
	_ =	sdelay $0x4  }
0x1df: {  	v3 =	vadd.f32 v33, v3  }
0x1e0: {  	s31 =	sadd.s32 $0x18900, s30  }
0x1e1: {  	[tilespmem:s31+$0x10] =	vst v3  }
0x1e2: {  	v3 =	vld [tilespmem:s1+$0x20]  }
0x1e3: {  	v34 =	vld [tilespmem:s0+$0x20];
	_ =	sdelay $0x4  }
0x1e4: {  	v3 =	vadd.f32 v34, v3;
	_ =	sdelay $0x1  }
0x1e5: {  	[tilespmem:s31+$0x20] =	vst v3  }
0x1e6: {  	v3 =	vld [tilespmem:s1+$0x30]  }
0x1e7: {  	v35 =	vld [tilespmem:s0+$0x30];
	_ =	sdelay $0x4  }
0x1e8: {  	v3 =	vadd.f32 v35, v3;
	_ =	sdelay $0x1  }
0x1e9: {  	[tilespmem:s31+$0x30] =	vst v3  }
0x1ea: {  	v3 =	vld [tilespmem:s1+$0x40]  }
0x1eb: {  	v36 =	vld [tilespmem:s0+$0x40];
	_ =	sdelay $0x4  }
0x1ec: {  	v3 =	vadd.f32 v36, v3;
	_ =	sdelay $0x1  }
0x1ed: {  	[tilespmem:s31+$0x40] =	vst v3  }
0x1ee: {  	v3 =	vld [tilespmem:s1+$0x50]  }
0x1ef: {  	v37 =	vld [tilespmem:s0+$0x50];
	_ =	sdelay $0x4  }
0x1f0: {  	v3 =	vadd.f32 v37, v3;
	_ =	sdelay $0x1  }
0x1f1: {  	[tilespmem:s31+$0x50] =	vst v3  }
0x1f2: {  	v3 =	vld [tilespmem:s1+$0x60]  }
0x1f3: {  	v38 =	vld [tilespmem:s0+$0x60];
	_ =	sdelay $0x4  }
0x1f4: {  	v3 =	vadd.f32 v38, v3;
	_ =	sdelay $0x1  }
0x1f5: {  	[tilespmem:s31+$0x60] =	vst v3  }
0x1f6: {  	v3 =	vld [tilespmem:s1+$0x70]  }
0x1f7: {  	v39 =	vld [tilespmem:s0+$0x70];
	_ =	sdelay $0x4  }
0x1f8: {  	v3 =	vadd.f32 v39, v3  }
0x1f9: {  	s0 =	sadd.s32 $0xCD00, s28  }
0x1fa: {  	s1 =	sadd.s32 s26, s0;
	[tilespmem:s31+$0x70] =	vst v3  }
0x1fb: {  	s0 =	sadd.s32 s29, s0;
	v3 =	vld [tilespmem:s1+$0x0]  }
0x1fc: {  	v40 =	vld [tilespmem:s0+$0x0];
	_ =	sdelay $0x4  }
0x1fd: {  	v3 =	vadd.f32 v40, v3;
	_ =	sdelay $0x1  }
0x1fe: {  	[tilespmem:s30+$0x18D00] =	vst v3  }
0x1ff: {  	v3 =	vld [tilespmem:s1+$0x10]  }
0x200: {  	v41 =	vld [tilespmem:s0+$0x10];
	_ =	sdelay $0x4  }
0x201: {  	v3 =	vadd.f32 v41, v3  }
0x202: {  	s31 =	sadd.s32 $0x18D00, s30  }
0x203: {  	[tilespmem:s31+$0x10] =	vst v3  }
0x204: {  	v3 =	vld [tilespmem:s1+$0x20]  }
0x205: {  	v42 =	vld [tilespmem:s0+$0x20];
	_ =	sdelay $0x4  }
0x206: {  	v3 =	vadd.f32 v42, v3;
	_ =	sdelay $0x1  }
0x207: {  	[tilespmem:s31+$0x20] =	vst v3  }
0x208: {  	v3 =	vld [tilespmem:s1+$0x30]  }
0x209: {  	v43 =	vld [tilespmem:s0+$0x30];
	_ =	sdelay $0x4  }
0x20a: {  	v3 =	vadd.f32 v43, v3;
	_ =	sdelay $0x1  }
0x20b: {  	[tilespmem:s31+$0x30] =	vst v3  }
0x20c: {  	v3 =	vld [tilespmem:s1+$0x40]  }
0x20d: {  	v44 =	vld [tilespmem:s0+$0x40];
	_ =	sdelay $0x4  }
0x20e: {  	v3 =	vadd.f32 v44, v3;
	_ =	sdelay $0x1  }
0x20f: {  	[tilespmem:s31+$0x40] =	vst v3  }
0x210: {  	v3 =	vld [tilespmem:s1+$0x50]  }
0x211: {  	v45 =	vld [tilespmem:s0+$0x50];
	_ =	sdelay $0x4  }
0x212: {  	v3 =	vadd.f32 v45, v3;
	_ =	sdelay $0x1  }
0x213: {  	[tilespmem:s31+$0x50] =	vst v3  }
0x214: {  	v3 =	vld [tilespmem:s1+$0x60]  }
0x215: {  	v46 =	vld [tilespmem:s0+$0x60];
	_ =	sdelay $0x4  }
0x216: {  	v3 =	vadd.f32 v46, v3;
	_ =	sdelay $0x1  }
0x217: {  	[tilespmem:s31+$0x60] =	vst v3  }
0x218: {  	v3 =	vld [tilespmem:s1+$0x70]  }
0x219: {  	v47 =	vld [tilespmem:s0+$0x70];
	_ =	sdelay $0x4  }
0x21a: {  	v3 =	vadd.f32 v47, v3  }
0x21b: {  	s0 =	sadd.s32 $0xD100, s28  }
0x21c: {  	s1 =	sadd.s32 s26, s0;
	[tilespmem:s31+$0x70] =	vst v3  }
0x21d: {  	s0 =	sadd.s32 s29, s0;
	v3 =	vld [tilespmem:s1+$0x0]  }
0x21e: {  	v48 =	vld [tilespmem:s0+$0x0];
	_ =	sdelay $0x4  }
0x21f: {  	v3 =	vadd.f32 v48, v3;
	_ =	sdelay $0x1  }
0x220: {  	[tilespmem:s30+$0x19100] =	vst v3  }
0x221: {  	v3 =	vld [tilespmem:s1+$0x10]  }
0x222: {  	v49 =	vld [tilespmem:s0+$0x10];
	_ =	sdelay $0x4  }
0x223: {  	v3 =	vadd.f32 v49, v3  }
0x224: {  	s31 =	sadd.s32 $0x19100, s30  }
0x225: {  	[tilespmem:s31+$0x10] =	vst v3  }
0x226: {  	v3 =	vld [tilespmem:s1+$0x20]  }
0x227: {  	v50 =	vld [tilespmem:s0+$0x20];
	_ =	sdelay $0x4  }
0x228: {  	v3 =	vadd.f32 v50, v3;
	_ =	sdelay $0x1  }
0x229: {  	[tilespmem:s31+$0x20] =	vst v3  }
0x22a: {  	v3 =	vld [tilespmem:s1+$0x30]  }
0x22b: {  	v51 =	vld [tilespmem:s0+$0x30];
	_ =	sdelay $0x4  }
0x22c: {  	v3 =	vadd.f32 v51, v3;
	_ =	sdelay $0x1  }
0x22d: {  	[tilespmem:s31+$0x30] =	vst v3  }
0x22e: {  	v3 =	vld [tilespmem:s1+$0x40]  }
0x22f: {  	v52 =	vld [tilespmem:s0+$0x40];
	_ =	sdelay $0x4  }
0x230: {  	v3 =	vadd.f32 v52, v3;
	_ =	sdelay $0x1  }
0x231: {  	[tilespmem:s31+$0x40] =	vst v3  }
0x232: {  	v3 =	vld [tilespmem:s1+$0x50]  }
0x233: {  	v53 =	vld [tilespmem:s0+$0x50];
	_ =	sdelay $0x4  }
0x234: {  	v3 =	vadd.f32 v53, v3;
	_ =	sdelay $0x1  }
0x235: {  	[tilespmem:s31+$0x50] =	vst v3  }
0x236: {  	v3 =	vld [tilespmem:s1+$0x60]  }
0x237: {  	v54 =	vld [tilespmem:s0+$0x60];
	_ =	sdelay $0x4  }
0x238: {  	v3 =	vadd.f32 v54, v3;
	_ =	sdelay $0x1  }
0x239: {  	[tilespmem:s31+$0x60] =	vst v3  }
0x23a: {  	v3 =	vld [tilespmem:s1+$0x70]  }
0x23b: {  	v55 =	vld [tilespmem:s0+$0x70];
	_ =	sdelay $0x4  }
0x23c: {  	v3 =	vadd.f32 v55, v3  }
0x23d: {  	s1 =	sadd.s32 $0xD500, s28  }
0x23e: {  	s28 =	sadd.s32 s26, s1;
	[tilespmem:s31+$0x70] =	vst v3  }
0x23f: {  	s0 =	sadd.s32 s29, s1;
	v3 =	vld [tilespmem:s28+$0x0]  }
0x240: {  	v56 =	vld [tilespmem:s0+$0x0];
	_ =	sdelay $0x4  }
0x241: {  	v3 =	vadd.f32 v56, v3;
	_ =	sdelay $0x1  }
0x242: {  	[tilespmem:s30+$0x19500] =	vst v3  }
0x243: {  	v3 =	vld [tilespmem:s28+$0x10]  }
0x244: {  	v57 =	vld [tilespmem:s0+$0x10];
	_ =	sdelay $0x4  }
0x245: {  	v3 =	vadd.f32 v57, v3  }
0x246: {  	s31 =	sadd.s32 $0x19500, s30  }
0x247: {  	[tilespmem:s31+$0x10] =	vst v3  }
0x248: {  	v3 =	vld [tilespmem:s28+$0x20]  }
0x249: {  	v58 =	vld [tilespmem:s0+$0x20];
	_ =	sdelay $0x4  }
0x24a: {  	v3 =	vadd.f32 v58, v3;
	_ =	sdelay $0x1  }
0x24b: {  	[tilespmem:s31+$0x20] =	vst v3  }
0x24c: {  	v3 =	vld [tilespmem:s28+$0x30]  }
0x24d: {  	v59 =	vld [tilespmem:s0+$0x30];
	_ =	sdelay $0x4  }
0x24e: {  	v3 =	vadd.f32 v59, v3;
	_ =	sdelay $0x1  }
0x24f: {  	[tilespmem:s31+$0x30] =	vst v3  }
0x250: {  	v3 =	vld [tilespmem:s28+$0x40]  }
0x251: {  	v60 =	vld [tilespmem:s0+$0x40];
	_ =	sdelay $0x4  }
0x252: {  	v3 =	vadd.f32 v60, v3;
	_ =	sdelay $0x1  }
0x253: {  	[tilespmem:s31+$0x40] =	vst v3  }
0x254: {  	v3 =	vld [tilespmem:s28+$0x50]  }
0x255: {  	v61 =	vld [tilespmem:s0+$0x50];
	_ =	sdelay $0x4  }
0x256: {  	v3 =	vadd.f32 v61, v3;
	_ =	sdelay $0x1  }
0x257: {  	[tilespmem:s31+$0x50] =	vst v3  }
0x258: {  	v3 =	vld [tilespmem:s28+$0x60]  }
0x259: {  	v62 =	vld [tilespmem:s0+$0x60];
	_ =	sdelay $0x4  }
0x25a: {  	v3 =	vadd.f32 v62, v3;
	_ =	sdelay $0x1  }
0x25b: {  	[tilespmem:s31+$0x60] =	vst v3  }
0x25c: {  	v3 =	vld [tilespmem:s28+$0x70]  }
0x25d: {  	v63 =	vld [tilespmem:s0+$0x70];
	_ =	sdelay $0x1  }
0x25e: {  	p0 =	sne.s32 s25, $0x1F  }
.Ltmp1:
0x25f: {  	_ = 	snop;
	(pc) =	sbr.rel @p0 .LBB2_4-.Ltmp1, $3  }
0x260: {  	_ = 	snop  }
0x261: {  	v3 =	vadd.f32 v63, v3;
	_ =	sdelay $0x1  }
0x262: {  	s24 =	sadd.s32 $0x80, s24;
	s23 =	sadd.s32 $0x100, s23;
	s25 =	sadd.s32 $0x1, s25;
	[tilespmem:s31+$0x70] =	vst v3  }
0x263: {  	s22 =	sadd.s32 $0x1, s22  }
0x264: {  	p0 =	sne.s32 s22, s10  }
.Ltmp2:
0x265: {  	_ = 	snop;
	(pc) =	sbr.rel @p0 .LBB2_1-.Ltmp2, $4  }
0x266: {  	[hbm4b:s9+s2] =	stream.linear.scatter [tilespmem:s20], [sflag:$0x3], $0x6000, $0x38;
	[tilespmem:$0x1E100] =	vst v63  }
0x267: {  	_ =	swait.ge [sflag:s11], $0x6000  }
0x268: {  	[sflag:s11] =	ssyncset.done $0x0  }
0x269: {  	[sflag:s11] =	ssyncadd.s32 $0xFFFFA000  }
0x26a: {  	_ =	sfence.sel $0x180000  }
0x26b: {  	[bflag:$0x0] =	sbarrier.arrive $0xFFFF  }
0x26c: {  	_ =	strace $0x9000004A  }
0x26d: {  	s0 =	stileid.u32;
	[bflag:$0x2] =	sbarrier.arrive $0xFFFF  }
0x26e: {  	p0 =	sne.s32 s0, $0x0;
	s0 =	rddreg [dreg:$0x2]  }
0x26f: {  	s0 =	sadd.s32 @!p0 $0x100000, s0  }
0x270: {  	[sflag:s0] =	ssyncadd.tile.s32 @!p0 $0x1;
	_ =	shalt  }
.Lfunc_end2:
_tile_overlayer_lowered:
.L_overlay_start_2:
0x271: {  	(tag) =	ssettag $0x2  }
0x272: {  	s0 =	rddreg [dreg:$0x0];
	s2 =	stileid.u32  }
0x273: {  	s1 =	rddreg [dreg:$0x1];
	p0 =	sne.s32 s2, $0x0  }
0x274: {  	s3 =	rddreg [dreg:$0x2];
	[bflag:$0x3] =	sbarrier.arrive $0xFFFF;
	s2 =	simm.s32 @!p0 $0x1C03  }
0x275: {  	[timem:s3], [sflag:s2] =	dma.local @!p0 [hbm:s0], s1  }
0x276: {  	s0 =	simm.s32 @!p0 $0x3  }
0x277: {  	_ =	swait.ge @!p0 [sflag:s0], s1  }
0x278: {  	s1 =	ssub.s32 @!p0 $0x0, s1;
	[sflag:s0] =	ssyncset.done @!p0 $0x0  }
0x279: {  	[sflag:s0] =	ssyncadd.s32 @!p0 s1  }
0x27a: {  	[bflag:$0x3] =	sbarrier.arrive $0xFFFF  }
0x27b: {  	_ =	shalt  }

</sc_bundles>
